<compile_context>
chip_gen: v7x
topology: tpu7x:2x2x1
jax: 0.10.2.dev20260603
libtpu: 0.0.44.dev20260713+nightly
codegen_flags: <defaults>
</compile_context>

<pallas_src>
import jax
import jax.numpy as jnp
from jax import lax
from jax.experimental import pallas as pl
from jax.experimental.pallas import tpu as pltpu
from jax.experimental.pallas import tpu_sc as plsc

N_NODES = 10000
N_EDGES = 320000
NC = 2
NS = 16
EB = 128
NBT = 80
CH = 40
E_PAD = NC * NS * NBT * EB
NP = 10016
RT = 624
TAIL = N_NODES - NS * RT
ZTAIL = NP - NS * RT

_mesh = plsc.VectorSubcoreMesh(core_axis_name="c", subcore_axis_name="s")


def _zero_stripe(z_hbm, sh, s):
    pltpu.sync_copy(z_hbm.at[pl.ds(0, RT)], sh.at[pl.ds(s * RT, RT)])

    @pl.when(s == NS - 1)
    def _():
        pltpu.sync_copy(z_hbm.at[pl.ds(0, ZTAIL)],
                        sh.at[pl.ds(NS * RT, ZTAIL)])


def _write_stripe(sh, out_hbm, c, s):
    pltpu.sync_copy(sh.at[pl.ds(s * RT, RT)],
                    out_hbm.at[c, pl.ds(s * RT, RT), :])

    @pl.when(s == NS - 1)
    def _():
        pltpu.sync_copy(sh.at[pl.ds(NS * RT, TAIL)],
                        out_hbm.at[c, pl.ds(NS * RT, TAIL), :])


def _edge_pipeline(tab_hbm, src_hbm, dst2_hbm, agg_sh, sidx, didx,
                   rows0, rows1, g0, g1, s0, s1, tile_b0):

    def _gather(j, rows, sem):
        return tab_hbm.at[sidx.at[pl.ds(j * EB, EB)]], rows, sem

    for h in range(NBT // CH):
        cb = tile_b0 + h * CH
        pltpu.sync_copy(src_hbm.at[pl.ds(cb * EB, CH * EB)], sidx)
        pltpu.sync_copy(dst2_hbm.at[pl.ds(cb, CH)], didx)

        pltpu.async_copy(*_gather(0, rows0, g0))
        pltpu.async_copy(*_gather(1, rows1, g1))

        def pair(p, _):
            j0 = 2 * p
            j1 = 2 * p + 1
            pltpu.make_async_copy(*_gather(j0, rows0, g0)).wait()
            sd0 = pltpu.async_copy(rows0, agg_sh.at[didx.at[j0]], s0,
                                   add=True)
            pltpu.make_async_copy(*_gather(j1, rows1, g1)).wait()
            sd1 = pltpu.async_copy(rows1, agg_sh.at[didx.at[j1]], s1,
                                   add=True)
            sd0.wait()
            pltpu.async_copy(*_gather(j0 + 2, rows0, g0))
            sd1.wait()
            pltpu.async_copy(*_gather(j1 + 2, rows1, g1))
            return 0

        lax.fori_loop(0, CH // 2 - 1, pair, 0)

        jl = CH - 2
        pltpu.make_async_copy(*_gather(jl, rows0, g0)).wait()
        sd0 = pltpu.async_copy(rows0, agg_sh.at[didx.at[jl]], s0, add=True)
        pltpu.make_async_copy(*_gather(jl + 1, rows1, g1)).wait()
        sd1 = pltpu.async_copy(rows1, agg_sh.at[didx.at[jl + 1]], s1,
                               add=True)
        sd0.wait()
        sd1.wait()


def _make_segsum_edge_split():

    scratch = [
        pltpu.VMEM((CH * EB,), jnp.int32),
        pltpu.VMEM((CH, EB), jnp.int32),
        pltpu.VMEM((EB, 128), jnp.float32),
        pltpu.VMEM((EB, 128), jnp.float32),
        pltpu.VMEM_SHARED((NP, 128), jnp.float32),
    ] + [pltpu.SemaphoreType.DMA] * 4

    def body(tab_hbm, src_hbm, dst2_hbm, z128_hbm, out_hbm,
             sidx, didx, rows0, rows1, agg_sh, g0, g1, s0, s1):
        c = lax.axis_index("c")
        s = lax.axis_index("s")
        _zero_stripe(z128_hbm, agg_sh, s)
        plsc.subcore_barrier()
        tile_b0 = (c * NS + s) * NBT
        _edge_pipeline(tab_hbm, src_hbm, dst2_hbm, agg_sh, sidx, didx,
                       rows0, rows1, g0, g1, s0, s1, tile_b0)
        plsc.subcore_barrier()
        _write_stripe(agg_sh, out_hbm, c, s)

    return pl.kernel(
        body, out_type=jax.ShapeDtypeStruct((NC, N_NODES, 128), jnp.float32),
        mesh=_mesh, scratch_types=scratch)


def _make_segsum_channel_split():
    nbt_all = NBT * NC

    scratch = [
        pltpu.VMEM((CH * EB,), jnp.int32),
        pltpu.VMEM((CH, EB), jnp.int32),
        pltpu.VMEM((EB, 128), jnp.float32),
        pltpu.VMEM((EB, 128), jnp.float32),
        pltpu.VMEM_SHARED((NP, 128), jnp.float32),
    ] + [pltpu.SemaphoreType.DMA] * 4

    def body(t0_hbm, t1_hbm, src_hbm, dst2_hbm, z128_hbm, out_hbm,
             sidx, didx, rows0, rows1, agg_sh, g0, g1, s0, s1):
        c = lax.axis_index("c")
        s = lax.axis_index("s")
        _zero_stripe(z128_hbm, agg_sh, s)
        plsc.subcore_barrier()
        tile_b0 = s * nbt_all

        @pl.when(c == 0)
        def _():
            for h2 in range(NC):
                _edge_pipeline(t0_hbm, src_hbm, dst2_hbm, agg_sh, sidx,
                               didx, rows0, rows1, g0, g1, s0, s1,
                               tile_b0 + h2 * NBT)

        @pl.when(c == 1)
        def _():
            for h2 in range(NC):
                _edge_pipeline(t1_hbm, src_hbm, dst2_hbm, agg_sh, sidx,
                               didx, rows0, rows1, g0, g1, s0, s1,
                               tile_b0 + h2 * NBT)

        plsc.subcore_barrier()
        _write_stripe(agg_sh, out_hbm, c, s)

    return pl.kernel(
        body, out_type=jax.ShapeDtypeStruct((NC, N_NODES, 128), jnp.float32),
        mesh=_mesh, scratch_types=scratch)


def _make_deg():

    scratch = [
        pltpu.VMEM((CH, EB), jnp.int32),
        pltpu.VMEM((EB, 128), jnp.float32),
        pltpu.VMEM_SHARED((NP, 128), jnp.float32),
    ] + [pltpu.SemaphoreType.DMA] * 2

    def body(dst2_hbm, z128_hbm, ones_hbm, out_hbm, didx, ones_v, deg_sh,
             s0, s1):
        c = lax.axis_index("c")
        s = lax.axis_index("s")
        _zero_stripe(z128_hbm, deg_sh, s)
        pltpu.sync_copy(ones_hbm, ones_v)
        plsc.subcore_barrier()
        tile_b0 = (c * NS + s) * NBT
        for h in range(NBT // CH):
            cb = tile_b0 + h * CH
            pltpu.sync_copy(dst2_hbm.at[pl.ds(cb, CH)], didx)

            def pair(p, _):
                sd0 = pltpu.async_copy(
                    ones_v, deg_sh.at[didx.at[2 * p]], s0, add=True)
                sd1 = pltpu.async_copy(
                    ones_v, deg_sh.at[didx.at[2 * p + 1]], s1, add=True)
                sd0.wait()
                sd1.wait()
                return 0

            lax.fori_loop(0, CH // 2, pair, 0)
        plsc.subcore_barrier()
        _write_stripe(deg_sh, out_hbm, c, s)

    return pl.kernel(
        body, out_type=jax.ShapeDtypeStruct((NC, N_NODES, 128), jnp.float32),
        mesh=_mesh, scratch_types=scratch)


_segsum_edges = _make_segsum_edge_split()
_segsum_chans = _make_segsum_channel_split()
_deg_counts = _make_deg()



BN = 2000


def _recip_deg(degp_ref):
    deg = degp_ref[0, :, 0:1] + degp_ref[1, :, 0:1]
    return 1.0 / jnp.maximum(deg, 1.0)


def _dot(a, b):
    return jnp.dot(a, b, preferred_element_type=jnp.float32)


def _layer0_body(pa_ref, degp_ref, x_ref, wl_ref, bl_ref, wr_ref,
                 outa_ref, outb_ref):
    mean = (pa_ref[0] + pa_ref[1]) * _recip_deg(degp_ref)
    h = _dot(mean, wl_ref[...]) + bl_ref[...] + _dot(x_ref[...], wr_ref[...])
    h = jnp.maximum(h, 0.0)
    outa_ref[...] = h[:, :128]
    outb_ref[...] = h[:, 128:]


def _layer1_body(agg_ref, degp_ref, h1a_ref, h1b_ref, wla_ref, wlb_ref,
                 bl_ref, wra_ref, wrb_ref, wl2_ref,
                 outa_ref, outb_ref, outm_ref):
    recip = _recip_deg(degp_ref)
    h = (_dot(agg_ref[0] * recip, wla_ref[...])
         + _dot(agg_ref[1] * recip, wlb_ref[...])
         + bl_ref[...]
         + _dot(h1a_ref[...], wra_ref[...])
         + _dot(h1b_ref[...], wrb_ref[...]))
    h = jnp.maximum(h, 0.0)
    outa_ref[...] = h[:, :128]
    outb_ref[...] = h[:, 128:]
    outm_ref[...] = _dot(h, wl2_ref[...])


def _layer2_body(pm_ref, degp_ref, h2a_ref, h2b_ref, wra_ref, wrb_ref,
                 bl_ref, out_ref):
    mean_wl = (pm_ref[0] + pm_ref[1]) * _recip_deg(degp_ref)
    out_ref[...] = (mean_wl + bl_ref[...]
                    + _dot(h2a_ref[...], wra_ref[...])
                    + _dot(h2b_ref[...], wrb_ref[...]))


def _node_spec(ch):
    return pl.BlockSpec((NC, BN, ch), lambda i: (0, i, 0))


def _row_spec(ch):
    return pl.BlockSpec((BN, ch), lambda i: (i, 0))


def _full_spec(shape):
    n = len(shape)
    return pl.BlockSpec(shape, lambda i: (0,) * n)


_GRID = (N_NODES // BN,)


def _layer0(pa, degp, x, wl, bl, wr):
    return pl.pallas_call(
        _layer0_body,
        grid=_GRID,
        in_specs=[_node_spec(128), _node_spec(128), _row_spec(128),
                  _full_spec(wl.shape), _full_spec(bl.shape),
                  _full_spec(wr.shape)],
        out_specs=[_row_spec(128), _row_spec(128)],
        out_shape=[jax.ShapeDtypeStruct((N_NODES, 128), jnp.float32)] * 2,
    )(pa, degp, x, wl, bl, wr)


def _layer1(agg, degp, h1a, h1b, wla, wlb, bl, wra, wrb, wl2):
    return pl.pallas_call(
        _layer1_body,
        grid=_GRID,
        in_specs=[_node_spec(128), _node_spec(128), _row_spec(128),
                  _row_spec(128), _full_spec(wla.shape),
                  _full_spec(wlb.shape), _full_spec(bl.shape),
                  _full_spec(wra.shape), _full_spec(wrb.shape),
                  _full_spec(wl2.shape)],
        out_specs=[_row_spec(128), _row_spec(128), _row_spec(128)],
        out_shape=[jax.ShapeDtypeStruct((N_NODES, 128), jnp.float32)] * 3,
    )(agg, degp, h1a, h1b, wla, wlb, bl, wra, wrb, wl2)


def _layer2(pm, degp, h2a, h2b, wra, wrb, bl):
    return pl.pallas_call(
        _layer2_body,
        grid=_GRID,
        in_specs=[_node_spec(128), _node_spec(128), _row_spec(128),
                  _row_spec(128), _full_spec(wra.shape),
                  _full_spec(wrb.shape), _full_spec(bl.shape)],
        out_specs=pl.BlockSpec((BN, 128), lambda i: (i, 0)),
        out_shape=jax.ShapeDtypeStruct((N_NODES, 128), jnp.float32),
    )(pm, degp, h2a, h2b, wra, wrb, bl)


@jax.jit
def kernel(x, adj_t, Wl0, bl0, Wr0, Wl1, bl1, Wr1, Wl2, bl2, Wr2):
    src = adj_t[0].astype(jnp.int32)
    dst = adj_t[1].astype(jnp.int32)
    npad = E_PAD - N_EDGES
    pad_ar = jnp.arange(npad, dtype=jnp.int32)
    src_p = jnp.concatenate([src, pad_ar % N_NODES])
    dst2 = jnp.concatenate(
        [dst, N_NODES + (pad_ar % (NP - N_NODES))]).reshape(-1, EB)
    z128 = jnp.zeros((RT, 128), jnp.float32)
    ones128 = jnp.ones((EB, 128), jnp.float32)

    degp = _deg_counts(dst2, z128, ones128)
    pa = _segsum_edges(x, src_p, dst2, z128)
    h1a, h1b = _layer0(pa, degp, x, Wl0, bl0.reshape(1, -1), Wr0)

    agg1 = _segsum_chans(h1a, h1b, src_p, dst2, z128)
    h2a, h2b, m = _layer1(agg1, degp, h1a, h1b, Wl1[:128], Wl1[128:],
                          bl1.reshape(1, -1), Wr1[:128], Wr1[128:], Wl2)

    pm = _segsum_edges(m, src_p, dst2, z128)
    out = _layer2(pm, degp, h2a, h2b, Wr2[:128], Wr2[128:],
                  bl2.reshape(1, -1))
    return out

# --- scband reference (transcript-rebuilt; emitter-appended) ---
"""Pipeline reference for scband-graph-sage-21947282883019 (READ-ONLY COPY).

The authoritative reference and input builder live on the scoring server;
editing this copy changes nothing except your own understanding.
"""

import jax, jax.numpy as jnp
import numpy as np

N_NODES = 10000
N_EDGES = 320000
IN_CH = 128
HID_CH = 256
OUT_CH = 128


def setup_inputs(seed: int = 0) -> dict:
    key = jax.random.key(seed)
    ks = jax.random.split(key, 12)
    x = jax.random.normal(ks[0], (N_NODES, IN_CH), dtype=jnp.float32)
    adj_t = jax.random.randint(ks[1], (2, N_EDGES), 0, N_NODES, dtype=jnp.int64)
    # SAGEConv params: out = lin_l(mean_agg(x_j)) + lin_r(x_i); lin_l has bias
    def glorot(k, fan_in, fan_out):
        lim = (6.0 / (fan_in + fan_out)) ** 0.5
        return jax.random.uniform(k, (fan_in, fan_out), minval=-lim, maxval=lim, dtype=jnp.float32)
    Wl0 = glorot(ks[2], IN_CH, HID_CH); bl0 = jnp.zeros((HID_CH,), dtype=jnp.float32)
    Wr0 = glorot(ks[3], IN_CH, HID_CH)
    Wl1 = glorot(ks[4], HID_CH, HID_CH); bl1 = jnp.zeros((HID_CH,), dtype=jnp.float32)
    Wr1 = glorot(ks[5], HID_CH, HID_CH)
    Wl2 = glorot(ks[6], HID_CH, OUT_CH); bl2 = jnp.zeros((OUT_CH,), dtype=jnp.float32)
    Wr2 = glorot(ks[7], HID_CH, OUT_CH)
    return {"x": x, "adj_t": adj_t,
            "Wl0": Wl0, "bl0": bl0, "Wr0": Wr0,
            "Wl1": Wl1, "bl1": bl1, "Wr1": Wr1,
            "Wl2": Wl2, "bl2": bl2, "Wr2": Wr2}


def _sage_conv(x, src, dst, Wl, bl, Wr):
    # mean aggregation over incoming neighbors (messages from src gathered at dst)
    msg = x[src]
    agg = jax.ops.segment_sum(msg, dst, num_segments=N_NODES)
    deg = jax.ops.segment_sum(jnp.ones((src.shape[0],), dtype=x.dtype), dst, num_segments=N_NODES)
    mean = agg / jnp.clip(deg, 1.0)[:, None]
    return mean @ Wl + bl + x @ Wr


def reference(x, adj_t, Wl0, bl0, Wr0, Wl1, bl1, Wr1, Wl2, bl2, Wr2):
    src = adj_t[0]
    dst = adj_t[1]
    h = _sage_conv(x, src, dst, Wl0, bl0, Wr0)
    h = jax.nn.relu(h)  # dropout p=0.0 -> identity
    h = _sage_conv(h, src, dst, Wl1, bl1, Wr1)
    h = jax.nn.relu(h)
    h = _sage_conv(h, src, dst, Wl2, bl2, Wr2)
    return h

if __name__ == "__main__":
    import jax
    _d = setup_inputs()
    print(jax.jit(kernel)(*tuple(_d.values())))

</pallas_src>

<mosaic_0001>
#map = affine_map<(d0, d1) -> (0, 0)>
#map1 = affine_map<(d0, d1) -> (0)>
#map2 = affine_map<(d0, d1) -> (0, 0, 0)>
module attributes {stable_mosaic.version = 14 : i64} {
  func.func @body(%arg0: i32, %arg1: i32, %arg2: memref<10000x128xf32, #tpu.memory_space<hbm>>, %arg3: memref<327680xi32, #tpu.memory_space<hbm>>, %arg4: memref<2560x128xi32, #tpu.memory_space<hbm>>, %arg5: memref<624x128xf32, #tpu.memory_space<hbm>>, %arg6: memref<2x10000x128xf32, #tpu.memory_space<hbm>>, %arg7: memref<5120xi32, #tpu.memory_space<vmem>>, %arg8: memref<40x128xi32, #tpu.memory_space<vmem>>, %arg9: memref<128x128xf32, #tpu.memory_space<vmem>>, %arg10: memref<128x128xf32, #tpu.memory_space<vmem>>, %arg11: memref<10016x128xf32, #tpu.memory_space<vmem_shared>>, %arg12: memref<!tpu.dma_semaphore, #tpu.memory_space<semaphore_mem>>, %arg13: memref<!tpu.dma_semaphore, #tpu.memory_space<semaphore_mem>>, %arg14: memref<!tpu.dma_semaphore, #tpu.memory_space<semaphore_mem>>, %arg15: memref<!tpu.dma_semaphore, #tpu.memory_space<semaphore_mem>>) attributes {dimension_semantics = [#tpu.dimension_semantics<core_parallel>, #tpu.dimension_semantics<subcore_parallel>], iteration_bounds = array<i64: 2, 16>, scalar_prefetch = 0 : i64, scratch_operands = 9 : i64, tpu.core_type = #tpu.core_type<sc_vector_subcore>, window_params = [{transform_indices = #map}, {transform_indices = #map1}, {transform_indices = #map}, {transform_indices = #map}, {transform_indices = #map2}]} {
    %mul3A = arith.constant 624 : i32
    %mul3A_0 = arith.muli %arg1, %mul3A : i32
    "tpu.region"() ({
      %run_scoped3A = tpu.sem_alloc : memref<!tpu.dma_semaphore, #tpu.memory_space<semaphore_mem>>
      %dma_start3A_132 = arith.constant 0 : i32
      %dma_start3A_133 = tpu.memref_slice %arg11[%mul3A_0, %dma_start3A_132] : memref<10016x128xf32, #tpu.memory_space<vmem_shared>> -> memref<624x128xf32, #tpu.memory_space<vmem_shared>>
      %dma_start3A_134 = arith.constant 0 : i32
      %dma_start3A_135 = arith.constant 0 : i32
      %dma_start3A_136 = tpu.memref_slice %arg5[%dma_start3A_134, %dma_start3A_135] : memref<624x128xf32, #tpu.memory_space<hbm>> -> memref<624x128xf32, #tpu.memory_space<hbm>>
      tpu.enqueue_dma source(%dma_start3A_136 : memref<624x128xf32, #tpu.memory_space<hbm>>) target(%dma_start3A_133 : memref<624x128xf32, #tpu.memory_space<vmem_shared>>) target_semaphore(%run_scoped3A : memref<!tpu.dma_semaphore, #tpu.memory_space<semaphore_mem>>)
      %dma_wait3A_137 = arith.constant 0 : i32
      %dma_wait3A_138 = tpu.memref_slice %arg11[%mul3A_0, %dma_wait3A_137] : memref<10016x128xf32, #tpu.memory_space<vmem_shared>> -> memref<624x128xf32, #tpu.memory_space<vmem_shared>>
      %dma_wait3A_139 = arith.constant 0 : i32
      %dma_wait3A_140 = arith.constant 0 : i32
      %dma_wait3A_141 = tpu.memref_slice %arg5[%dma_wait3A_139, %dma_wait3A_140] : memref<624x128xf32, #tpu.memory_space<hbm>> -> memref<624x128xf32, #tpu.memory_space<hbm>>
      tpu.wait_dma2 semaphore(%run_scoped3A : memref<!tpu.dma_semaphore, #tpu.memory_space<semaphore_mem>>) src(%dma_wait3A_141 : memref<624x128xf32, #tpu.memory_space<hbm>>) dst(%dma_wait3A_138 : memref<624x128xf32, #tpu.memory_space<vmem_shared>>)
      tpu.yield
    }) : () -> ()
    %eq3A = arith.constant 15 : i32
    %eq3A_1 = arith.cmpi eq, %arg1, %eq3A : i32
    %convert_element_type3A = arith.extui %eq3A_1 : i1 to i32
    %cond3A = arith.constant 0 : i32
    %cond3A_2 = arith.cmpi ne, %convert_element_type3A, %cond3A : i32
    scf.if %cond3A_2 {
      "tpu.region"() ({
        %run_scoped3A = tpu.sem_alloc : memref<!tpu.dma_semaphore, #tpu.memory_space<semaphore_mem>>
        %dma_start3A_132 = arith.constant 9984 : i32
        %dma_start3A_133 = arith.constant 0 : i32
        %dma_start3A_134 = tpu.memref_slice %arg11[%dma_start3A_132, %dma_start3A_133] : memref<10016x128xf32, #tpu.memory_space<vmem_shared>> -> memref<32x128xf32, #tpu.memory_space<vmem_shared>>
        %dma_start3A_135 = arith.constant 0 : i32
        %dma_start3A_136 = arith.constant 0 : i32
        %dma_start3A_137 = tpu.memref_slice %arg5[%dma_start3A_135, %dma_start3A_136] : memref<624x128xf32, #tpu.memory_space<hbm>> -> memref<32x128xf32, #tpu.memory_space<hbm>>
        tpu.enqueue_dma source(%dma_start3A_137 : memref<32x128xf32, #tpu.memory_space<hbm>>) target(%dma_start3A_134 : memref<32x128xf32, #tpu.memory_space<vmem_shared>>) target_semaphore(%run_scoped3A : memref<!tpu.dma_semaphore, #tpu.memory_space<semaphore_mem>>)
        %dma_wait3A_138 = arith.constant 9984 : i32
        %dma_wait3A_139 = arith.constant 0 : i32
        %dma_wait3A_140 = tpu.memref_slice %arg11[%dma_wait3A_138, %dma_wait3A_139] : memref<10016x128xf32, #tpu.memory_space<vmem_shared>> -> memref<32x128xf32, #tpu.memory_space<vmem_shared>>
        %dma_wait3A_141 = arith.constant 0 : i32
        %dma_wait3A_142 = arith.constant 0 : i32
        %dma_wait3A_143 = tpu.memref_slice %arg5[%dma_wait3A_141, %dma_wait3A_142] : memref<624x128xf32, #tpu.memory_space<hbm>> -> memref<32x128xf32, #tpu.memory_space<hbm>>
        tpu.wait_dma2 semaphore(%run_scoped3A : memref<!tpu.dma_semaphore, #tpu.memory_space<semaphore_mem>>) src(%dma_wait3A_143 : memref<32x128xf32, #tpu.memory_space<hbm>>) dst(%dma_wait3A_140 : memref<32x128xf32, #tpu.memory_space<vmem_shared>>)
        tpu.yield
      }) : () -> ()
    } else {
    }
    %barrier3A = arith.constant 0 : index
    tpu.barrier barrier_id(%barrier3A)
    %mul3A_3 = arith.constant 16 : i32
    %mul3A_4 = arith.muli %arg0, %mul3A_3 : i32
    %add3A = arith.addi %mul3A_4, %arg1 : i32
    %mul3A_5 = arith.constant 80 : i32
    %mul3A_6 = arith.muli %add3A, %mul3A_5 : i32
    %add3A_7 = arith.constant 0 : i32
    %add3A_8 = arith.addi %mul3A_6, %add3A_7 : i32
    %mul3A_9 = arith.constant 128 : i32
    %mul3A_10 = arith.muli %add3A_8, %mul3A_9 : i32
    "tpu.region"() ({
      %run_scoped3A = tpu.sem_alloc : memref<!tpu.dma_semaphore, #tpu.memory_space<semaphore_mem>>
      %dma_start3A_132 = tpu.memref_slice %arg3[%mul3A_10] : memref<327680xi32, #tpu.memory_space<hbm>> -> memref<5120xi32, #tpu.memory_space<hbm>>
      %dma_start3A_133 = tpu.memref_slice %arg3[%mul3A_10] : memref<327680xi32, #tpu.memory_space<hbm>> -> memref<5120xi32, #tpu.memory_space<hbm>>
      tpu.enqueue_dma source(%dma_start3A_133 : memref<5120xi32, #tpu.memory_space<hbm>>) target(%arg7 : memref<5120xi32, #tpu.memory_space<vmem>>) target_semaphore(%run_scoped3A : memref<!tpu.dma_semaphore, #tpu.memory_space<semaphore_mem>>)
      %dma_wait3A_134 = tpu.memref_slice %arg3[%mul3A_10] : memref<327680xi32, #tpu.memory_space<hbm>> -> memref<5120xi32, #tpu.memory_space<hbm>>
      %dma_wait3A_135 = tpu.memref_slice %arg3[%mul3A_10] : memref<327680xi32, #tpu.memory_space<hbm>> -> memref<5120xi32, #tpu.memory_space<hbm>>
      tpu.wait_dma2 semaphore(%run_scoped3A : memref<!tpu.dma_semaphore, #tpu.memory_space<semaphore_mem>>) src(%dma_wait3A_135 : memref<5120xi32, #tpu.memory_space<hbm>>) dst(%arg7 : memref<5120xi32, #tpu.memory_space<vmem>>)
      tpu.yield
    }) : () -> ()
    "tpu.region"() ({
      %run_scoped3A = tpu.sem_alloc : memref<!tpu.dma_semaphore, #tpu.memory_space<semaphore_mem>>
      %dma_start3A_132 = arith.constant 0 : i32
      %dma_start3A_133 = tpu.memref_slice %arg4[%add3A_8, %dma_start3A_132] : memref<2560x128xi32, #tpu.memory_space<hbm>> -> memref<40x128xi32, #tpu.memory_space<hbm>>
      %dma_start3A_134 = arith.constant 0 : i32
      %dma_start3A_135 = tpu.memref_slice %arg4[%add3A_8, %dma_start3A_134] : memref<2560x128xi32, #tpu.memory_space<hbm>> -> memref<40x128xi32, #tpu.memory_space<hbm>>
      tpu.enqueue_dma source(%dma_start3A_135 : memref<40x128xi32, #tpu.memory_space<hbm>>) target(%arg8 : memref<40x128xi32, #tpu.memory_space<vmem>>) target_semaphore(%run_scoped3A : memref<!tpu.dma_semaphore, #tpu.memory_space<semaphore_mem>>)
      %dma_wait3A_136 = arith.constant 0 : i32
      %dma_wait3A_137 = tpu.memref_slice %arg4[%add3A_8, %dma_wait3A_136] : memref<2560x128xi32, #tpu.memory_space<hbm>> -> memref<40x128xi32, #tpu.memory_space<hbm>>
      %dma_wait3A_138 = arith.constant 0 : i32
      %dma_wait3A_139 = tpu.memref_slice %arg4[%add3A_8, %dma_wait3A_138] : memref<2560x128xi32, #tpu.memory_space<hbm>> -> memref<40x128xi32, #tpu.memory_space<hbm>>
      tpu.wait_dma2 semaphore(%run_scoped3A : memref<!tpu.dma_semaphore, #tpu.memory_space<semaphore_mem>>) src(%dma_wait3A_139 : memref<40x128xi32, #tpu.memory_space<hbm>>) dst(%arg8 : memref<40x128xi32, #tpu.memory_space<vmem>>)
      tpu.yield
    }) : () -> ()
    %dma_start3A = arith.constant 0 : i32
    %dma_start3A_11 = tpu.memref_slice %arg7[%dma_start3A] : memref<5120xi32, #tpu.memory_space<vmem>> -> memref<128xi32, #tpu.memory_space<vmem>>
    %dma_start3A_12 = arith.constant 0 : i32
    %dma_start3A_13 = arith.constant 0 : i32
    %dma_start3A_14 = tpu.memref_slice %arg2[%dma_start3A_12, %dma_start3A_13] : memref<10000x128xf32, #tpu.memory_space<hbm>> -> memref<10000x128xf32, #tpu.memory_space<hbm>>
    tpu.enqueue_indirect_dma source(%dma_start3A_14 : memref<10000x128xf32, #tpu.memory_space<hbm>>) target(%arg9 : memref<128x128xf32, #tpu.memory_space<vmem>>) offsets(%dma_start3A_11 : memref<128xi32, #tpu.memory_space<vmem>>) semaphore(%arg12 : memref<!tpu.dma_semaphore, #tpu.memory_space<semaphore_mem>>)
    %dma_start3A_15 = arith.constant 128 : i32
    %dma_start3A_16 = tpu.memref_slice %arg7[%dma_start3A_15] : memref<5120xi32, #tpu.memory_space<vmem>> -> memref<128xi32, #tpu.memory_space<vmem>>
    %dma_start3A_17 = arith.constant 0 : i32
    %dma_start3A_18 = arith.constant 0 : i32
    %dma_start3A_19 = tpu.memref_slice %arg2[%dma_start3A_17, %dma_start3A_18] : memref<10000x128xf32, #tpu.memory_space<hbm>> -> memref<10000x128xf32, #tpu.memory_space<hbm>>
    tpu.enqueue_indirect_dma source(%dma_start3A_19 : memref<10000x128xf32, #tpu.memory_space<hbm>>) target(%arg10 : memref<128x128xf32, #tpu.memory_space<vmem>>) offsets(%dma_start3A_16 : memref<128xi32, #tpu.memory_space<vmem>>) semaphore(%arg13 : memref<!tpu.dma_semaphore, #tpu.memory_space<semaphore_mem>>)
    %scan3A = arith.constant 0 : i32
    %scan3A_20 = arith.constant 0 : i32
    %scan3A_21 = arith.constant 19 : i32
    %scan3A_22 = arith.addi %scan3A_20, %scan3A_21 : i32
    %scan3A_23 = arith.constant 1 : i32
    %scan3A_24 = scf.for %scan3A_132 = %scan3A_20 to %scan3A_22 step %scan3A_23 iter_args(%scan3A_133 = %scan3A) -> (i32)  : i32 {
      %mul3A_134 = arith.constant 2 : i32
      %mul3A_135 = arith.muli %mul3A_134, %scan3A_132 : i32
      %mul3A_136 = arith.constant 2 : i32
      %mul3A_137 = arith.muli %mul3A_136, %scan3A_132 : i32
      %add3A_138 = arith.constant 1 : i32
      %add3A_139 = arith.addi %mul3A_137, %add3A_138 : i32
      %mul3A_140 = arith.constant 128 : i32
      %mul3A_141 = arith.muli %mul3A_135, %mul3A_140 : i32
      %dma_wait3A_142 = tpu.memref_slice %arg7[%mul3A_141] : memref<5120xi32, #tpu.memory_space<vmem>> -> memref<128xi32, #tpu.memory_space<vmem>>
      %dma_wait3A_143 = arith.constant 0 : i32
      %dma_wait3A_144 = arith.constant 0 : i32
      %dma_wait3A_145 = tpu.memref_slice %arg2[%dma_wait3A_143, %dma_wait3A_144] : memref<10000x128xf32, #tpu.memory_space<hbm>> -> memref<10000x128xf32, #tpu.memory_space<hbm>>
      tpu.wait_indirect_dma semaphore(%arg12 : memref<!tpu.dma_semaphore, #tpu.memory_space<semaphore_mem>>) src(%dma_wait3A_145 : memref<10000x128xf32, #tpu.memory_space<hbm>>) dst(%arg9 : memref<128x128xf32, #tpu.memory_space<vmem>>)
      %dma_start3A_146 = arith.constant 0 : i32
      %dma_start3A_147 = tpu.memref_slice %arg8[%mul3A_135, %dma_start3A_146] : memref<40x128xi32, #tpu.memory_space<vmem>> -> memref<1x128xi32, #tpu.memory_space<vmem>>
      %dma_start3A_148 = tpu.memref_squeeze %dma_start3A_147 : memref<1x128xi32, #tpu.memory_space<vmem>> -> memref<128xi32, #tpu.memory_space<vmem>>
      %dma_start3A_149 = arith.constant 0 : i32
      %dma_start3A_150 = arith.constant 0 : i32
      %dma_start3A_151 = tpu.memref_slice %arg11[%dma_start3A_149, %dma_start3A_150] : memref<10016x128xf32, #tpu.memory_space<vmem_shared>> -> memref<10016x128xf32, #tpu.memory_space<vmem_shared>>
      tpu.enqueue_indirect_dma source(%arg9 : memref<128x128xf32, #tpu.memory_space<vmem>>) target(%dma_start3A_151 : memref<10016x128xf32, #tpu.memory_space<vmem_shared>>) offsets(%dma_start3A_148 : memref<128xi32, #tpu.memory_space<vmem>>) semaphore(%arg14 : memref<!tpu.dma_semaphore, #tpu.memory_space<semaphore_mem>>) {add = true}
      %mul3A_152 = arith.constant 128 : i32
      %mul3A_153 = arith.muli %add3A_139, %mul3A_152 : i32
      %dma_wait3A_154 = tpu.memref_slice %arg7[%mul3A_153] : memref<5120xi32, #tpu.memory_space<vmem>> -> memref<128xi32, #tpu.memory_space<vmem>>
      %dma_wait3A_155 = arith.constant 0 : i32
      %dma_wait3A_156 = arith.constant 0 : i32
      %dma_wait3A_157 = tpu.memref_slice %arg2[%dma_wait3A_155, %dma_wait3A_156] : memref<10000x128xf32, #tpu.memory_space<hbm>> -> memref<10000x128xf32, #tpu.memory_space<hbm>>
      tpu.wait_indirect_dma semaphore(%arg13 : memref<!tpu.dma_semaphore, #tpu.memory_space<semaphore_mem>>) src(%dma_wait3A_157 : memref<10000x128xf32, #tpu.memory_space<hbm>>) dst(%arg10 : memref<128x128xf32, #tpu.memory_space<vmem>>)
      %dma_start3A_158 = arith.constant 0 : i32
      %dma_start3A_159 = tpu.memref_slice %arg8[%add3A_139, %dma_start3A_158] : memref<40x128xi32, #tpu.memory_space<vmem>> -> memref<1x128xi32, #tpu.memory_space<vmem>>
      %dma_start3A_160 = tpu.memref_squeeze %dma_start3A_159 : memref<1x128xi32, #tpu.memory_space<vmem>> -> memref<128xi32, #tpu.memory_space<vmem>>
      %dma_start3A_161 = arith.constant 0 : i32
      %dma_start3A_162 = arith.constant 0 : i32
      %dma_start3A_163 = tpu.memref_slice %arg11[%dma_start3A_161, %dma_start3A_162] : memref<10016x128xf32, #tpu.memory_space<vmem_shared>> -> memref<10016x128xf32, #tpu.memory_space<vmem_shared>>
      tpu.enqueue_indirect_dma source(%arg10 : memref<128x128xf32, #tpu.memory_space<vmem>>) target(%dma_start3A_163 : memref<10016x128xf32, #tpu.memory_space<vmem_shared>>) offsets(%dma_start3A_160 : memref<128xi32, #tpu.memory_space<vmem>>) semaphore(%arg15 : memref<!tpu.dma_semaphore, #tpu.memory_space<semaphore_mem>>) {add = true}
      %dma_wait3A_164 = arith.constant 0 : i32
      %dma_wait3A_165 = tpu.memref_slice %arg8[%mul3A_135, %dma_wait3A_164] : memref<40x128xi32, #tpu.memory_space<vmem>> -> memref<1x128xi32, #tpu.memory_space<vmem>>
      %dma_wait3A_166 = tpu.memref_squeeze %dma_wait3A_165 : memref<1x128xi32, #tpu.memory_space<vmem>> -> memref<128xi32, #tpu.memory_space<vmem>>
      %dma_wait3A_167 = arith.constant 0 : i32
      %dma_wait3A_168 = arith.constant 0 : i32
      %dma_wait3A_169 = tpu.memref_slice %arg11[%dma_wait3A_167, %dma_wait3A_168] : memref<10016x128xf32, #tpu.memory_space<vmem_shared>> -> memref<10016x128xf32, #tpu.memory_space<vmem_shared>>
      tpu.wait_indirect_dma semaphore(%arg14 : memref<!tpu.dma_semaphore, #tpu.memory_space<semaphore_mem>>) src(%arg9 : memref<128x128xf32, #tpu.memory_space<vmem>>) dst(%dma_wait3A_169 : memref<10016x128xf32, #tpu.memory_space<vmem_shared>>)
      %add3A_170 = arith.constant 2 : i32
      %add3A_171 = arith.addi %mul3A_135, %add3A_170 : i32
      %mul3A_172 = arith.constant 128 : i32
      %mul3A_173 = arith.muli %add3A_171, %mul3A_172 : i32
      %dma_start3A_174 = tpu.memref_slice %arg7[%mul3A_173] : memref<5120xi32, #tpu.memory_space<vmem>> -> memref<128xi32, #tpu.memory_space<vmem>>
      %dma_start3A_175 = arith.constant 0 : i32
      %dma_start3A_176 = arith.constant 0 : i32
      %dma_start3A_177 = tpu.memref_slice %arg2[%dma_start3A_175, %dma_start3A_176] : memref<10000x128xf32, #tpu.memory_space<hbm>> -> memref<10000x128xf32, #tpu.memory_space<hbm>>
      tpu.enqueue_indirect_dma source(%dma_start3A_177 : memref<10000x128xf32, #tpu.memory_space<hbm>>) target(%arg9 : memref<128x128xf32, #tpu.memory_space<vmem>>) offsets(%dma_start3A_174 : memref<128xi32, #tpu.memory_space<vmem>>) semaphore(%arg12 : memref<!tpu.dma_semaphore, #tpu.memory_space<semaphore_mem>>)
      %dma_wait3A_178 = arith.constant 0 : i32
      %dma_wait3A_179 = tpu.memref_slice %arg8[%add3A_139, %dma_wait3A_178] : memref<40x128xi32, #tpu.memory_space<vmem>> -> memref<1x128xi32, #tpu.memory_space<vmem>>
      %dma_wait3A_180 = tpu.memref_squeeze %dma_wait3A_179 : memref<1x128xi32, #tpu.memory_space<vmem>> -> memref<128xi32, #tpu.memory_space<vmem>>
      %dma_wait3A_181 = arith.constant 0 : i32
      %dma_wait3A_182 = arith.constant 0 : i32
      %dma_wait3A_183 = tpu.memref_slice %arg11[%dma_wait3A_181, %dma_wait3A_182] : memref<10016x128xf32, #tpu.memory_space<vmem_shared>> -> memref<10016x128xf32, #tpu.memory_space<vmem_shared>>
      tpu.wait_indirect_dma semaphore(%arg15 : memref<!tpu.dma_semaphore, #tpu.memory_space<semaphore_mem>>) src(%arg10 : memref<128x128xf32, #tpu.memory_space<vmem>>) dst(%dma_wait3A_183 : memref<10016x128xf32, #tpu.memory_space<vmem_shared>>)
      %add3A_184 = arith.constant 2 : i32
      %add3A_185 = arith.addi %add3A_139, %add3A_184 : i32
      %mul3A_186 = arith.constant 128 : i32
      %mul3A_187 = arith.muli %add3A_185, %mul3A_186 : i32
      %dma_start3A_188 = tpu.memref_slice %arg7[%mul3A_187] : memref<5120xi32, #tpu.memory_space<vmem>> -> memref<128xi32, #tpu.memory_space<vmem>>
      %dma_start3A_189 = arith.constant 0 : i32
      %dma_start3A_190 = arith.constant 0 : i32
      %dma_start3A_191 = tpu.memref_slice %arg2[%dma_start3A_189, %dma_start3A_190] : memref<10000x128xf32, #tpu.memory_space<hbm>> -> memref<10000x128xf32, #tpu.memory_space<hbm>>
      tpu.enqueue_indirect_dma source(%dma_start3A_191 : memref<10000x128xf32, #tpu.memory_space<hbm>>) target(%arg10 : memref<128x128xf32, #tpu.memory_space<vmem>>) offsets(%dma_start3A_188 : memref<128xi32, #tpu.memory_space<vmem>>) semaphore(%arg13 : memref<!tpu.dma_semaphore, #tpu.memory_space<semaphore_mem>>)
      %scan3A_192 = arith.constant 0 : i32
      scf.yield %scan3A_192 : i32
    }
    %scan3A_25 = arith.constant 19 : i32
    %dma_wait3A = arith.constant 4864 : i32
    %dma_wait3A_26 = tpu.memref_slice %arg7[%dma_wait3A] : memref<5120xi32, #tpu.memory_space<vmem>> -> memref<128xi32, #tpu.memory_space<vmem>>
    %dma_wait3A_27 = arith.constant 0 : i32
    %dma_wait3A_28 = arith.constant 0 : i32
    %dma_wait3A_29 = tpu.memref_slice %arg2[%dma_wait3A_27, %dma_wait3A_28] : memref<10000x128xf32, #tpu.memory_space<hbm>> -> memref<10000x128xf32, #tpu.memory_space<hbm>>
    tpu.wait_indirect_dma semaphore(%arg12 : memref<!tpu.dma_semaphore, #tpu.memory_space<semaphore_mem>>) src(%dma_wait3A_29 : memref<10000x128xf32, #tpu.memory_space<hbm>>) dst(%arg9 : memref<128x128xf32, #tpu.memory_space<vmem>>)
    %dma_start3A_30 = arith.constant 38 : i32
    %dma_start3A_31 = arith.constant 0 : i32
    %dma_start3A_32 = tpu.memref_slice %arg8[%dma_start3A_30, %dma_start3A_31] : memref<40x128xi32, #tpu.memory_space<vmem>> -> memref<1x128xi32, #tpu.memory_space<vmem>>
    %dma_start3A_33 = tpu.memref_squeeze %dma_start3A_32 : memref<1x128xi32, #tpu.memory_space<vmem>> -> memref<128xi32, #tpu.memory_space<vmem>>
    %dma_start3A_34 = arith.constant 0 : i32
    %dma_start3A_35 = arith.constant 0 : i32
    %dma_start3A_36 = tpu.memref_slice %arg11[%dma_start3A_34, %dma_start3A_35] : memref<10016x128xf32, #tpu.memory_space<vmem_shared>> -> memref<10016x128xf32, #tpu.memory_space<vmem_shared>>
    tpu.enqueue_indirect_dma source(%arg9 : memref<128x128xf32, #tpu.memory_space<vmem>>) target(%dma_start3A_36 : memref<10016x128xf32, #tpu.memory_space<vmem_shared>>) offsets(%dma_start3A_33 : memref<128xi32, #tpu.memory_space<vmem>>) semaphore(%arg14 : memref<!tpu.dma_semaphore, #tpu.memory_space<semaphore_mem>>) {add = true}
    %dma_wait3A_37 = arith.constant 4992 : i32
    %dma_wait3A_38 = tpu.memref_slice %arg7[%dma_wait3A_37] : memref<5120xi32, #tpu.memory_space<vmem>> -> memref<128xi32, #tpu.memory_space<vmem>>
    %dma_wait3A_39 = arith.constant 0 : i32
    %dma_wait3A_40 = arith.constant 0 : i32
    %dma_wait3A_41 = tpu.memref_slice %arg2[%dma_wait3A_39, %dma_wait3A_40] : memref<10000x128xf32, #tpu.memory_space<hbm>> -> memref<10000x128xf32, #tpu.memory_space<hbm>>
    tpu.wait_indirect_dma semaphore(%arg13 : memref<!tpu.dma_semaphore, #tpu.memory_space<semaphore_mem>>) src(%dma_wait3A_41 : memref<10000x128xf32, #tpu.memory_space<hbm>>) dst(%arg10 : memref<128x128xf32, #tpu.memory_space<vmem>>)
    %dma_start3A_42 = arith.constant 39 : i32
    %dma_start3A_43 = arith.constant 0 : i32
    %dma_start3A_44 = tpu.memref_slice %arg8[%dma_start3A_42, %dma_start3A_43] : memref<40x128xi32, #tpu.memory_space<vmem>> -> memref<1x128xi32, #tpu.memory_space<vmem>>
    %dma_start3A_45 = tpu.memref_squeeze %dma_start3A_44 : memref<1x128xi32, #tpu.memory_space<vmem>> -> memref<128xi32, #tpu.memory_space<vmem>>
    %dma_start3A_46 = arith.constant 0 : i32
    %dma_start3A_47 = arith.constant 0 : i32
    %dma_start3A_48 = tpu.memref_slice %arg11[%dma_start3A_46, %dma_start3A_47] : memref<10016x128xf32, #tpu.memory_space<vmem_shared>> -> memref<10016x128xf32, #tpu.memory_space<vmem_shared>>
    tpu.enqueue_indirect_dma source(%arg10 : memref<128x128xf32, #tpu.memory_space<vmem>>) target(%dma_start3A_48 : memref<10016x128xf32, #tpu.memory_space<vmem_shared>>) offsets(%dma_start3A_45 : memref<128xi32, #tpu.memory_space<vmem>>) semaphore(%arg15 : memref<!tpu.dma_semaphore, #tpu.memory_space<semaphore_mem>>) {add = true}
    %dma_wait3A_49 = arith.constant 38 : i32
    %dma_wait3A_50 = arith.constant 0 : i32
    %dma_wait3A_51 = tpu.memref_slice %arg8[%dma_wait3A_49, %dma_wait3A_50] : memref<40x128xi32, #tpu.memory_space<vmem>> -> memref<1x128xi32, #tpu.memory_space<vmem>>
    %dma_wait3A_52 = tpu.memref_squeeze %dma_wait3A_51 : memref<1x128xi32, #tpu.memory_space<vmem>> -> memref<128xi32, #tpu.memory_space<vmem>>
    %dma_wait3A_53 = arith.constant 0 : i32
    %dma_wait3A_54 = arith.constant 0 : i32
    %dma_wait3A_55 = tpu.memref_slice %arg11[%dma_wait3A_53, %dma_wait3A_54] : memref<10016x128xf32, #tpu.memory_space<vmem_shared>> -> memref<10016x128xf32, #tpu.memory_space<vmem_shared>>
    tpu.wait_indirect_dma semaphore(%arg14 : memref<!tpu.dma_semaphore, #tpu.memory_space<semaphore_mem>>) src(%arg9 : memref<128x128xf32, #tpu.memory_space<vmem>>) dst(%dma_wait3A_55 : memref<10016x128xf32, #tpu.memory_space<vmem_shared>>)
    %dma_wait3A_56 = arith.constant 39 : i32
    %dma_wait3A_57 = arith.constant 0 : i32
    %dma_wait3A_58 = tpu.memref_slice %arg8[%dma_wait3A_56, %dma_wait3A_57] : memref<40x128xi32, #tpu.memory_space<vmem>> -> memref<1x128xi32, #tpu.memory_space<vmem>>
    %dma_wait3A_59 = tpu.memref_squeeze %dma_wait3A_58 : memref<1x128xi32, #tpu.memory_space<vmem>> -> memref<128xi32, #tpu.memory_space<vmem>>
    %dma_wait3A_60 = arith.constant 0 : i32
    %dma_wait3A_61 = arith.constant 0 : i32
    %dma_wait3A_62 = tpu.memref_slice %arg11[%dma_wait3A_60, %dma_wait3A_61] : memref<10016x128xf32, #tpu.memory_space<vmem_shared>> -> memref<10016x128xf32, #tpu.memory_space<vmem_shared>>
    tpu.wait_indirect_dma semaphore(%arg15 : memref<!tpu.dma_semaphore, #tpu.memory_space<semaphore_mem>>) src(%arg10 : memref<128x128xf32, #tpu.memory_space<vmem>>) dst(%dma_wait3A_62 : memref<10016x128xf32, #tpu.memory_space<vmem_shared>>)
    %add3A_63 = arith.constant 40 : i32
    %add3A_64 = arith.addi %mul3A_6, %add3A_63 : i32
    %mul3A_65 = arith.constant 128 : i32
    %mul3A_66 = arith.muli %add3A_64, %mul3A_65 : i32
    "tpu.region"() ({
      %run_scoped3A = tpu.sem_alloc : memref<!tpu.dma_semaphore, #tpu.memory_space<semaphore_mem>>
      %dma_start3A_132 = tpu.memref_slice %arg3[%mul3A_66] : memref<327680xi32, #tpu.memory_space<hbm>> -> memref<5120xi32, #tpu.memory_space<hbm>>
      %dma_start3A_133 = tpu.memref_slice %arg3[%mul3A_66] : memref<327680xi32, #tpu.memory_space<hbm>> -> memref<5120xi32, #tpu.memory_space<hbm>>
      tpu.enqueue_dma source(%dma_start3A_133 : memref<5120xi32, #tpu.memory_space<hbm>>) target(%arg7 : memref<5120xi32, #tpu.memory_space<vmem>>) target_semaphore(%run_scoped3A : memref<!tpu.dma_semaphore, #tpu.memory_space<semaphore_mem>>)
      %dma_wait3A_134 = tpu.memref_slice %arg3[%mul3A_66] : memref<327680xi32, #tpu.memory_space<hbm>> -> memref<5120xi32, #tpu.memory_space<hbm>>
      %dma_wait3A_135 = tpu.memref_slice %arg3[%mul3A_66] : memref<327680xi32, #tpu.memory_space<hbm>> -> memref<5120xi32, #tpu.memory_space<hbm>>
      tpu.wait_dma2 semaphore(%run_scoped3A : memref<!tpu.dma_semaphore, #tpu.memory_space<semaphore_mem>>) src(%dma_wait3A_135 : memref<5120xi32, #tpu.memory_space<hbm>>) dst(%arg7 : memref<5120xi32, #tpu.memory_space<vmem>>)
      tpu.yield
    }) : () -> ()
    "tpu.region"() ({
      %run_scoped3A = tpu.sem_alloc : memref<!tpu.dma_semaphore, #tpu.memory_space<semaphore_mem>>
      %dma_start3A_132 = arith.constant 0 : i32
      %dma_start3A_133 = tpu.memref_slice %arg4[%add3A_64, %dma_start3A_132] : memref<2560x128xi32, #tpu.memory_space<hbm>> -> memref<40x128xi32, #tpu.memory_space<hbm>>
      %dma_start3A_134 = arith.constant 0 : i32
      %dma_start3A_135 = tpu.memref_slice %arg4[%add3A_64, %dma_start3A_134] : memref<2560x128xi32, #tpu.memory_space<hbm>> -> memref<40x128xi32, #tpu.memory_space<hbm>>
      tpu.enqueue_dma source(%dma_start3A_135 : memref<40x128xi32, #tpu.memory_space<hbm>>) target(%arg8 : memref<40x128xi32, #tpu.memory_space<vmem>>) target_semaphore(%run_scoped3A : memref<!tpu.dma_semaphore, #tpu.memory_space<semaphore_mem>>)
      %dma_wait3A_136 = arith.constant 0 : i32
      %dma_wait3A_137 = tpu.memref_slice %arg4[%add3A_64, %dma_wait3A_136] : memref<2560x128xi32, #tpu.memory_space<hbm>> -> memref<40x128xi32, #tpu.memory_space<hbm>>
      %dma_wait3A_138 = arith.constant 0 : i32
      %dma_wait3A_139 = tpu.memref_slice %arg4[%add3A_64, %dma_wait3A_138] : memref<2560x128xi32, #tpu.memory_space<hbm>> -> memref<40x128xi32, #tpu.memory_space<hbm>>
      tpu.wait_dma2 semaphore(%run_scoped3A : memref<!tpu.dma_semaphore, #tpu.memory_space<semaphore_mem>>) src(%dma_wait3A_139 : memref<40x128xi32, #tpu.memory_space<hbm>>) dst(%arg8 : memref<40x128xi32, #tpu.memory_space<vmem>>)
      tpu.yield
    }) : () -> ()
    %dma_start3A_67 = arith.constant 0 : i32
    %dma_start3A_68 = tpu.memref_slice %arg7[%dma_start3A_67] : memref<5120xi32, #tpu.memory_space<vmem>> -> memref<128xi32, #tpu.memory_space<vmem>>
    %dma_start3A_69 = arith.constant 0 : i32
    %dma_start3A_70 = arith.constant 0 : i32
    %dma_start3A_71 = tpu.memref_slice %arg2[%dma_start3A_69, %dma_start3A_70] : memref<10000x128xf32, #tpu.memory_space<hbm>> -> memref<10000x128xf32, #tpu.memory_space<hbm>>
    tpu.enqueue_indirect_dma source(%dma_start3A_71 : memref<10000x128xf32, #tpu.memory_space<hbm>>) target(%arg9 : memref<128x128xf32, #tpu.memory_space<vmem>>) offsets(%dma_start3A_68 : memref<128xi32, #tpu.memory_space<vmem>>) semaphore(%arg12 : memref<!tpu.dma_semaphore, #tpu.memory_space<semaphore_mem>>)
    %dma_start3A_72 = arith.constant 128 : i32
    %dma_start3A_73 = tpu.memref_slice %arg7[%dma_start3A_72] : memref<5120xi32, #tpu.memory_space<vmem>> -> memref<128xi32, #tpu.memory_space<vmem>>
    %dma_start3A_74 = arith.constant 0 : i32
    %dma_start3A_75 = arith.constant 0 : i32
    %dma_start3A_76 = tpu.memref_slice %arg2[%dma_start3A_74, %dma_start3A_75] : memref<10000x128xf32, #tpu.memory_space<hbm>> -> memref<10000x128xf32, #tpu.memory_space<hbm>>
    tpu.enqueue_indirect_dma source(%dma_start3A_76 : memref<10000x128xf32, #tpu.memory_space<hbm>>) target(%arg10 : memref<128x128xf32, #tpu.memory_space<vmem>>) offsets(%dma_start3A_73 : memref<128xi32, #tpu.memory_space<vmem>>) semaphore(%arg13 : memref<!tpu.dma_semaphore, #tpu.memory_space<semaphore_mem>>)
    %scan3A_77 = arith.constant 0 : i32
    %scan3A_78 = arith.constant 0 : i32
    %scan3A_79 = arith.constant 19 : i32
    %scan3A_80 = arith.addi %scan3A_78, %scan3A_79 : i32
    %scan3A_81 = arith.constant 1 : i32
    %scan3A_82 = scf.for %scan3A_132 = %scan3A_78 to %scan3A_80 step %scan3A_81 iter_args(%scan3A_133 = %scan3A_77) -> (i32)  : i32 {
      %mul3A_134 = arith.constant 2 : i32
      %mul3A_135 = arith.muli %mul3A_134, %scan3A_132 : i32
      %mul3A_136 = arith.constant 2 : i32
      %mul3A_137 = arith.muli %mul3A_136, %scan3A_132 : i32
      %add3A_138 = arith.constant 1 : i32
      %add3A_139 = arith.addi %mul3A_137, %add3A_138 : i32
      %mul3A_140 = arith.constant 128 : i32
      %mul3A_141 = arith.muli %mul3A_135, %mul3A_140 : i32
      %dma_wait3A_142 = tpu.memref_slice %arg7[%mul3A_141] : memref<5120xi32, #tpu.memory_space<vmem>> -> memref<128xi32, #tpu.memory_space<vmem>>
      %dma_wait3A_143 = arith.constant 0 : i32
      %dma_wait3A_144 = arith.constant 0 : i32
      %dma_wait3A_145 = tpu.memref_slice %arg2[%dma_wait3A_143, %dma_wait3A_144] : memref<10000x128xf32, #tpu.memory_space<hbm>> -> memref<10000x128xf32, #tpu.memory_space<hbm>>
      tpu.wait_indirect_dma semaphore(%arg12 : memref<!tpu.dma_semaphore, #tpu.memory_space<semaphore_mem>>) src(%dma_wait3A_145 : memref<10000x128xf32, #tpu.memory_space<hbm>>) dst(%arg9 : memref<128x128xf32, #tpu.memory_space<vmem>>)
      %dma_start3A_146 = arith.constant 0 : i32
      %dma_start3A_147 = tpu.memref_slice %arg8[%mul3A_135, %dma_start3A_146] : memref<40x128xi32, #tpu.memory_space<vmem>> -> memref<1x128xi32, #tpu.memory_space<vmem>>
      %dma_start3A_148 = tpu.memref_squeeze %dma_start3A_147 : memref<1x128xi32, #tpu.memory_space<vmem>> -> memref<128xi32, #tpu.memory_space<vmem>>
      %dma_start3A_149 = arith.constant 0 : i32
      %dma_start3A_150 = arith.constant 0 : i32
      %dma_start3A_151 = tpu.memref_slice %arg11[%dma_start3A_149, %dma_start3A_150] : memref<10016x128xf32, #tpu.memory_space<vmem_shared>> -> memref<10016x128xf32, #tpu.memory_space<vmem_shared>>
      tpu.enqueue_indirect_dma source(%arg9 : memref<128x128xf32, #tpu.memory_space<vmem>>) target(%dma_start3A_151 : memref<10016x128xf32, #tpu.memory_space<vmem_shared>>) offsets(%dma_start3A_148 : memref<128xi32, #tpu.memory_space<vmem>>) semaphore(%arg14 : memref<!tpu.dma_semaphore, #tpu.memory_space<semaphore_mem>>) {add = true}
      %mul3A_152 = arith.constant 128 : i32
      %mul3A_153 = arith.muli %add3A_139, %mul3A_152 : i32
      %dma_wait3A_154 = tpu.memref_slice %arg7[%mul3A_153] : memref<5120xi32, #tpu.memory_space<vmem>> -> memref<128xi32, #tpu.memory_space<vmem>>
      %dma_wait3A_155 = arith.constant 0 : i32
      %dma_wait3A_156 = arith.constant 0 : i32
      %dma_wait3A_157 = tpu.memref_slice %arg2[%dma_wait3A_155, %dma_wait3A_156] : memref<10000x128xf32, #tpu.memory_space<hbm>> -> memref<10000x128xf32, #tpu.memory_space<hbm>>
      tpu.wait_indirect_dma semaphore(%arg13 : memref<!tpu.dma_semaphore, #tpu.memory_space<semaphore_mem>>) src(%dma_wait3A_157 : memref<10000x128xf32, #tpu.memory_space<hbm>>) dst(%arg10 : memref<128x128xf32, #tpu.memory_space<vmem>>)
      %dma_start3A_158 = arith.constant 0 : i32
      %dma_start3A_159 = tpu.memref_slice %arg8[%add3A_139, %dma_start3A_158] : memref<40x128xi32, #tpu.memory_space<vmem>> -> memref<1x128xi32, #tpu.memory_space<vmem>>
      %dma_start3A_160 = tpu.memref_squeeze %dma_start3A_159 : memref<1x128xi32, #tpu.memory_space<vmem>> -> memref<128xi32, #tpu.memory_space<vmem>>
      %dma_start3A_161 = arith.constant 0 : i32
      %dma_start3A_162 = arith.constant 0 : i32
      %dma_start3A_163 = tpu.memref_slice %arg11[%dma_start3A_161, %dma_start3A_162] : memref<10016x128xf32, #tpu.memory_space<vmem_shared>> -> memref<10016x128xf32, #tpu.memory_space<vmem_shared>>
      tpu.enqueue_indirect_dma source(%arg10 : memref<128x128xf32, #tpu.memory_space<vmem>>) target(%dma_start3A_163 : memref<10016x128xf32, #tpu.memory_space<vmem_shared>>) offsets(%dma_start3A_160 : memref<128xi32, #tpu.memory_space<vmem>>) semaphore(%arg15 : memref<!tpu.dma_semaphore, #tpu.memory_space<semaphore_mem>>) {add = true}
      %dma_wait3A_164 = arith.constant 0 : i32
      %dma_wait3A_165 = tpu.memref_slice %arg8[%mul3A_135, %dma_wait3A_164] : memref<40x128xi32, #tpu.memory_space<vmem>> -> memref<1x128xi32, #tpu.memory_space<vmem>>
      %dma_wait3A_166 = tpu.memref_squeeze %dma_wait3A_165 : memref<1x128xi32, #tpu.memory_space<vmem>> -> memref<128xi32, #tpu.memory_space<vmem>>
      %dma_wait3A_167 = arith.constant 0 : i32
      %dma_wait3A_168 = arith.constant 0 : i32
      %dma_wait3A_169 = tpu.memref_slice %arg11[%dma_wait3A_167, %dma_wait3A_168] : memref<10016x128xf32, #tpu.memory_space<vmem_shared>> -> memref<10016x128xf32, #tpu.memory_space<vmem_shared>>
      tpu.wait_indirect_dma semaphore(%arg14 : memref<!tpu.dma_semaphore, #tpu.memory_space<semaphore_mem>>) src(%arg9 : memref<128x128xf32, #tpu.memory_space<vmem>>) dst(%dma_wait3A_169 : memref<10016x128xf32, #tpu.memory_space<vmem_shared>>)
      %add3A_170 = arith.constant 2 : i32
      %add3A_171 = arith.addi %mul3A_135, %add3A_170 : i32
      %mul3A_172 = arith.constant 128 : i32
      %mul3A_173 = arith.muli %add3A_171, %mul3A_172 : i32
      %dma_start3A_174 = tpu.memref_slice %arg7[%mul3A_173] : memref<5120xi32, #tpu.memory_space<vmem>> -> memref<128xi32, #tpu.memory_space<vmem>>
      %dma_start3A_175 = arith.constant 0 : i32
      %dma_start3A_176 = arith.constant 0 : i32
      %dma_start3A_177 = tpu.memref_slice %arg2[%dma_start3A_175, %dma_start3A_176] : memref<10000x128xf32, #tpu.memory_space<hbm>> -> memref<10000x128xf32, #tpu.memory_space<hbm>>
      tpu.enqueue_indirect_dma source(%dma_start3A_177 : memref<10000x128xf32, #tpu.memory_space<hbm>>) target(%arg9 : memref<128x128xf32, #tpu.memory_space<vmem>>) offsets(%dma_start3A_174 : memref<128xi32, #tpu.memory_space<vmem>>) semaphore(%arg12 : memref<!tpu.dma_semaphore, #tpu.memory_space<semaphore_mem>>)
      %dma_wait3A_178 = arith.constant 0 : i32
      %dma_wait3A_179 = tpu.memref_slice %arg8[%add3A_139, %dma_wait3A_178] : memref<40x128xi32, #tpu.memory_space<vmem>> -> memref<1x128xi32, #tpu.memory_space<vmem>>
      %dma_wait3A_180 = tpu.memref_squeeze %dma_wait3A_179 : memref<1x128xi32, #tpu.memory_space<vmem>> -> memref<128xi32, #tpu.memory_space<vmem>>
      %dma_wait3A_181 = arith.constant 0 : i32
      %dma_wait3A_182 = arith.constant 0 : i32
      %dma_wait3A_183 = tpu.memref_slice %arg11[%dma_wait3A_181, %dma_wait3A_182] : memref<10016x128xf32, #tpu.memory_space<vmem_shared>> -> memref<10016x128xf32, #tpu.memory_space<vmem_shared>>
      tpu.wait_indirect_dma semaphore(%arg15 : memref<!tpu.dma_semaphore, #tpu.memory_space<semaphore_mem>>) src(%arg10 : memref<128x128xf32, #tpu.memory_space<vmem>>) dst(%dma_wait3A_183 : memref<10016x128xf32, #tpu.memory_space<vmem_shared>>)
      %add3A_184 = arith.constant 2 : i32
      %add3A_185 = arith.addi %add3A_139, %add3A_184 : i32
      %mul3A_186 = arith.constant 128 : i32
      %mul3A_187 = arith.muli %add3A_185, %mul3A_186 : i32
      %dma_start3A_188 = tpu.memref_slice %arg7[%mul3A_187] : memref<5120xi32, #tpu.memory_space<vmem>> -> memref<128xi32, #tpu.memory_space<vmem>>
      %dma_start3A_189 = arith.constant 0 : i32
      %dma_start3A_190 = arith.constant 0 : i32
      %dma_start3A_191 = tpu.memref_slice %arg2[%dma_start3A_189, %dma_start3A_190] : memref<10000x128xf32, #tpu.memory_space<hbm>> -> memref<10000x128xf32, #tpu.memory_space<hbm>>
      tpu.enqueue_indirect_dma source(%dma_start3A_191 : memref<10000x128xf32, #tpu.memory_space<hbm>>) target(%arg10 : memref<128x128xf32, #tpu.memory_space<vmem>>) offsets(%dma_start3A_188 : memref<128xi32, #tpu.memory_space<vmem>>) semaphore(%arg13 : memref<!tpu.dma_semaphore, #tpu.memory_space<semaphore_mem>>)
      %scan3A_192 = arith.constant 0 : i32
      scf.yield %scan3A_192 : i32
    }
    %scan3A_83 = arith.constant 19 : i32
    %dma_wait3A_84 = arith.constant 4864 : i32
    %dma_wait3A_85 = tpu.memref_slice %arg7[%dma_wait3A_84] : memref<5120xi32, #tpu.memory_space<vmem>> -> memref<128xi32, #tpu.memory_space<vmem>>
    %dma_wait3A_86 = arith.constant 0 : i32
    %dma_wait3A_87 = arith.constant 0 : i32
    %dma_wait3A_88 = tpu.memref_slice %arg2[%dma_wait3A_86, %dma_wait3A_87] : memref<10000x128xf32, #tpu.memory_space<hbm>> -> memref<10000x128xf32, #tpu.memory_space<hbm>>
    tpu.wait_indirect_dma semaphore(%arg12 : memref<!tpu.dma_semaphore, #tpu.memory_space<semaphore_mem>>) src(%dma_wait3A_88 : memref<10000x128xf32, #tpu.memory_space<hbm>>) dst(%arg9 : memref<128x128xf32, #tpu.memory_space<vmem>>)
    %dma_start3A_89 = arith.constant 38 : i32
    %dma_start3A_90 = arith.constant 0 : i32
    %dma_start3A_91 = tpu.memref_slice %arg8[%dma_start3A_89, %dma_start3A_90] : memref<40x128xi32, #tpu.memory_space<vmem>> -> memref<1x128xi32, #tpu.memory_space<vmem>>
    %dma_start3A_92 = tpu.memref_squeeze %dma_start3A_91 : memref<1x128xi32, #tpu.memory_space<vmem>> -> memref<128xi32, #tpu.memory_space<vmem>>
    %dma_start3A_93 = arith.constant 0 : i32
    %dma_start3A_94 = arith.constant 0 : i32
    %dma_start3A_95 = tpu.memref_slice %arg11[%dma_start3A_93, %dma_start3A_94] : memref<10016x128xf32, #tpu.memory_space<vmem_shared>> -> memref<10016x128xf32, #tpu.memory_space<vmem_shared>>
    tpu.enqueue_indirect_dma source(%arg9 : memref<128x128xf32, #tpu.memory_space<vmem>>) target(%dma_start3A_95 : memref<10016x128xf32, #tpu.memory_space<vmem_shared>>) offsets(%dma_start3A_92 : memref<128xi32, #tpu.memory_space<vmem>>) semaphore(%arg14 : memref<!tpu.dma_semaphore, #tpu.memory_space<semaphore_mem>>) {add = true}
    %dma_wait3A_96 = arith.constant 4992 : i32
    %dma_wait3A_97 = tpu.memref_slice %arg7[%dma_wait3A_96] : memref<5120xi32, #tpu.memory_space<vmem>> -> memref<128xi32, #tpu.memory_space<vmem>>
    %dma_wait3A_98 = arith.constant 0 : i32
    %dma_wait3A_99 = arith.constant 0 : i32
    %dma_wait3A_100 = tpu.memref_slice %arg2[%dma_wait3A_98, %dma_wait3A_99] : memref<10000x128xf32, #tpu.memory_space<hbm>> -> memref<10000x128xf32, #tpu.memory_space<hbm>>
    tpu.wait_indirect_dma semaphore(%arg13 : memref<!tpu.dma_semaphore, #tpu.memory_space<semaphore_mem>>) src(%dma_wait3A_100 : memref<10000x128xf32, #tpu.memory_space<hbm>>) dst(%arg10 : memref<128x128xf32, #tpu.memory_space<vmem>>)
    %dma_start3A_101 = arith.constant 39 : i32
    %dma_start3A_102 = arith.constant 0 : i32
    %dma_start3A_103 = tpu.memref_slice %arg8[%dma_start3A_101, %dma_start3A_102] : memref<40x128xi32, #tpu.memory_space<vmem>> -> memref<1x128xi32, #tpu.memory_space<vmem>>
    %dma_start3A_104 = tpu.memref_squeeze %dma_start3A_103 : memref<1x128xi32, #tpu.memory_space<vmem>> -> memref<128xi32, #tpu.memory_space<vmem>>
    %dma_start3A_105 = arith.constant 0 : i32
    %dma_start3A_106 = arith.constant 0 : i32
    %dma_start3A_107 = tpu.memref_slice %arg11[%dma_start3A_105, %dma_start3A_106] : memref<10016x128xf32, #tpu.memory_space<vmem_shared>> -> memref<10016x128xf32, #tpu.memory_space<vmem_shared>>
    tpu.enqueue_indirect_dma source(%arg10 : memref<128x128xf32, #tpu.memory_space<vmem>>) target(%dma_start3A_107 : memref<10016x128xf32, #tpu.memory_space<vmem_shared>>) offsets(%dma_start3A_104 : memref<128xi32, #tpu.memory_space<vmem>>) semaphore(%arg15 : memref<!tpu.dma_semaphore, #tpu.memory_space<semaphore_mem>>) {add = true}
    %dma_wait3A_108 = arith.constant 38 : i32
    %dma_wait3A_109 = arith.constant 0 : i32
    %dma_wait3A_110 = tpu.memref_slice %arg8[%dma_wait3A_108, %dma_wait3A_109] : memref<40x128xi32, #tpu.memory_space<vmem>> -> memref<1x128xi32, #tpu.memory_space<vmem>>
    %dma_wait3A_111 = tpu.memref_squeeze %dma_wait3A_110 : memref<1x128xi32, #tpu.memory_space<vmem>> -> memref<128xi32, #tpu.memory_space<vmem>>
    %dma_wait3A_112 = arith.constant 0 : i32
    %dma_wait3A_113 = arith.constant 0 : i32
    %dma_wait3A_114 = tpu.memref_slice %arg11[%dma_wait3A_112, %dma_wait3A_113] : memref<10016x128xf32, #tpu.memory_space<vmem_shared>> -> memref<10016x128xf32, #tpu.memory_space<vmem_shared>>
    tpu.wait_indirect_dma semaphore(%arg14 : memref<!tpu.dma_semaphore, #tpu.memory_space<semaphore_mem>>) src(%arg9 : memref<128x128xf32, #tpu.memory_space<vmem>>) dst(%dma_wait3A_114 : memref<10016x128xf32, #tpu.memory_space<vmem_shared>>)
    %dma_wait3A_115 = arith.constant 39 : i32
    %dma_wait3A_116 = arith.constant 0 : i32
    %dma_wait3A_117 = tpu.memref_slice %arg8[%dma_wait3A_115, %dma_wait3A_116] : memref<40x128xi32, #tpu.memory_space<vmem>> -> memref<1x128xi32, #tpu.memory_space<vmem>>
    %dma_wait3A_118 = tpu.memref_squeeze %dma_wait3A_117 : memref<1x128xi32, #tpu.memory_space<vmem>> -> memref<128xi32, #tpu.memory_space<vmem>>
    %dma_wait3A_119 = arith.constant 0 : i32
    %dma_wait3A_120 = arith.constant 0 : i32
    %dma_wait3A_121 = tpu.memref_slice %arg11[%dma_wait3A_119, %dma_wait3A_120] : memref<10016x128xf32, #tpu.memory_space<vmem_shared>> -> memref<10016x128xf32, #tpu.memory_space<vmem_shared>>
    tpu.wait_indirect_dma semaphore(%arg15 : memref<!tpu.dma_semaphore, #tpu.memory_space<semaphore_mem>>) src(%arg10 : memref<128x128xf32, #tpu.memory_space<vmem>>) dst(%dma_wait3A_121 : memref<10016x128xf32, #tpu.memory_space<vmem_shared>>)
    %barrier3A_122 = arith.constant 0 : index
    tpu.barrier barrier_id(%barrier3A_122)
    %mul3A_123 = arith.constant 624 : i32
    %mul3A_124 = arith.muli %arg1, %mul3A_123 : i32
    %mul3A_125 = arith.constant 624 : i32
    %mul3A_126 = arith.muli %arg1, %mul3A_125 : i32
    "tpu.region"() ({
      %run_scoped3A = tpu.sem_alloc : memref<!tpu.dma_semaphore, #tpu.memory_space<semaphore_mem>>
      %dma_start3A_132 = arith.constant 0 : i32
      %dma_start3A_133 = tpu.memref_slice %arg6[%arg0, %mul3A_126, %dma_start3A_132] : memref<2x10000x128xf32, #tpu.memory_space<hbm>> -> memref<1x624x128xf32, #tpu.memory_space<hbm>>
      %dma_start3A_134 = tpu.memref_squeeze %dma_start3A_133 : memref<1x624x128xf32, #tpu.memory_space<hbm>> -> memref<624x128xf32, #tpu.memory_space<hbm>>
      %dma_start3A_135 = arith.constant 0 : i32
      %dma_start3A_136 = tpu.memref_slice %arg11[%mul3A_124, %dma_start3A_135] : memref<10016x128xf32, #tpu.memory_space<vmem_shared>> -> memref<624x128xf32, #tpu.memory_space<vmem_shared>>
      tpu.enqueue_dma source(%dma_start3A_136 : memref<624x128xf32, #tpu.memory_space<vmem_shared>>) target(%dma_start3A_134 : memref<624x128xf32, #tpu.memory_space<hbm>>) target_semaphore(%run_scoped3A : memref<!tpu.dma_semaphore, #tpu.memory_space<semaphore_mem>>)
      %dma_wait3A_137 = arith.constant 0 : i32
      %dma_wait3A_138 = tpu.memref_slice %arg6[%arg0, %mul3A_126, %dma_wait3A_137] : memref<2x10000x128xf32, #tpu.memory_space<hbm>> -> memref<1x624x128xf32, #tpu.memory_space<hbm>>
      %dma_wait3A_139 = tpu.memref_squeeze %dma_wait3A_138 : memref<1x624x128xf32, #tpu.memory_space<hbm>> -> memref<624x128xf32, #tpu.memory_space<hbm>>
      %dma_wait3A_140 = arith.constant 0 : i32
      %dma_wait3A_141 = tpu.memref_slice %arg11[%mul3A_124, %dma_wait3A_140] : memref<10016x128xf32, #tpu.memory_space<vmem_shared>> -> memref<624x128xf32, #tpu.memory_space<vmem_shared>>
      tpu.wait_dma2 semaphore(%run_scoped3A : memref<!tpu.dma_semaphore, #tpu.memory_space<semaphore_mem>>) src(%dma_wait3A_141 : memref<624x128xf32, #tpu.memory_space<vmem_shared>>) dst(%dma_wait3A_139 : memref<624x128xf32, #tpu.memory_space<hbm>>)
      tpu.yield
    }) : () -> ()
    %eq3A_127 = arith.constant 15 : i32
    %eq3A_128 = arith.cmpi eq, %arg1, %eq3A_127 : i32
    %convert_element_type3A_129 = arith.extui %eq3A_128 : i1 to i32
    %cond3A_130 = arith.constant 0 : i32
    %cond3A_131 = arith.cmpi ne, %convert_element_type3A_129, %cond3A_130 : i32
    scf.if %cond3A_131 {
      "tpu.region"() ({
        %run_scoped3A = tpu.sem_alloc : memref<!tpu.dma_semaphore, #tpu.memory_space<semaphore_mem>>
        %dma_start3A_132 = arith.constant 9984 : i32
        %dma_start3A_133 = arith.constant 0 : i32
        %dma_start3A_134 = tpu.memref_slice %arg6[%arg0, %dma_start3A_132, %dma_start3A_133] : memref<2x10000x128xf32, #tpu.memory_space<hbm>> -> memref<1x16x128xf32, #tpu.memory_space<hbm>>
        %dma_start3A_135 = tpu.memref_squeeze %dma_start3A_134 : memref<1x16x128xf32, #tpu.memory_space<hbm>> -> memref<16x128xf32, #tpu.memory_space<hbm>>
        %dma_start3A_136 = arith.constant 9984 : i32
        %dma_start3A_137 = arith.constant 0 : i32
        %dma_start3A_138 = tpu.memref_slice %arg11[%dma_start3A_136, %dma_start3A_137] : memref<10016x128xf32, #tpu.memory_space<vmem_shared>> -> memref<16x128xf32, #tpu.memory_space<vmem_shared>>
        tpu.enqueue_dma source(%dma_start3A_138 : memref<16x128xf32, #tpu.memory_space<vmem_shared>>) target(%dma_start3A_135 : memref<16x128xf32, #tpu.memory_space<hbm>>) target_semaphore(%run_scoped3A : memref<!tpu.dma_semaphore, #tpu.memory_space<semaphore_mem>>)
        %dma_wait3A_139 = arith.constant 9984 : i32
        %dma_wait3A_140 = arith.constant 0 : i32
        %dma_wait3A_141 = tpu.memref_slice %arg6[%arg0, %dma_wait3A_139, %dma_wait3A_140] : memref<2x10000x128xf32, #tpu.memory_space<hbm>> -> memref<1x16x128xf32, #tpu.memory_space<hbm>>
        %dma_wait3A_142 = tpu.memref_squeeze %dma_wait3A_141 : memref<1x16x128xf32, #tpu.memory_space<hbm>> -> memref<16x128xf32, #tpu.memory_space<hbm>>
        %dma_wait3A_143 = arith.constant 9984 : i32
        %dma_wait3A_144 = arith.constant 0 : i32
        %dma_wait3A_145 = tpu.memref_slice %arg11[%dma_wait3A_143, %dma_wait3A_144] : memref<10016x128xf32, #tpu.memory_space<vmem_shared>> -> memref<16x128xf32, #tpu.memory_space<vmem_shared>>
        tpu.wait_dma2 semaphore(%run_scoped3A : memref<!tpu.dma_semaphore, #tpu.memory_space<semaphore_mem>>) src(%dma_wait3A_145 : memref<16x128xf32, #tpu.memory_space<vmem_shared>>) dst(%dma_wait3A_142 : memref<16x128xf32, #tpu.memory_space<hbm>>)
        tpu.yield
      }) : () -> ()
    } else {
    }
    return
  }
}

#map = affine_map<(d0, d1) -> (0, 0)>
#map1 = affine_map<(d0, d1) -> (0, 0, 0)>
module attributes {stable_mosaic.version = 14 : i64} {
  func.func @body(%arg0: i32, %arg1: i32, %arg2: memref<2560x128xi32, #tpu.memory_space<hbm>>, %arg3: memref<624x128xf32, #tpu.memory_space<hbm>>, %arg4: memref<128x128xf32, #tpu.memory_space<hbm>>, %arg5: memref<2x10000x128xf32, #tpu.memory_space<hbm>>, %arg6: memref<40x128xi32, #tpu.memory_space<vmem>>, %arg7: memref<128x128xf32, #tpu.memory_space<vmem>>, %arg8: memref<10016x128xf32, #tpu.memory_space<vmem_shared>>, %arg9: memref<!tpu.dma_semaphore, #tpu.memory_space<semaphore_mem>>, %arg10: memref<!tpu.dma_semaphore, #tpu.memory_space<semaphore_mem>>) attributes {dimension_semantics = [#tpu.dimension_semantics<core_parallel>, #tpu.dimension_semantics<subcore_parallel>], iteration_bounds = array<i64: 2, 16>, scalar_prefetch = 0 : i64, scratch_operands = 5 : i64, tpu.core_type = #tpu.core_type<sc_vector_subcore>, window_params = [{transform_indices = #map}, {transform_indices = #map}, {transform_indices = #map}, {transform_indices = #map1}]} {
    %mul3A = arith.constant 624 : i32
    %mul3A_0 = arith.muli %arg1, %mul3A : i32
    "tpu.region"() ({
      %run_scoped3A = tpu.sem_alloc : memref<!tpu.dma_semaphore, #tpu.memory_space<semaphore_mem>>
      %dma_start3A = arith.constant 0 : i32
      %dma_start3A_34 = tpu.memref_slice %arg8[%mul3A_0, %dma_start3A] : memref<10016x128xf32, #tpu.memory_space<vmem_shared>> -> memref<624x128xf32, #tpu.memory_space<vmem_shared>>
      %dma_start3A_35 = arith.constant 0 : i32
      %dma_start3A_36 = arith.constant 0 : i32
      %dma_start3A_37 = tpu.memref_slice %arg3[%dma_start3A_35, %dma_start3A_36] : memref<624x128xf32, #tpu.memory_space<hbm>> -> memref<624x128xf32, #tpu.memory_space<hbm>>
      tpu.enqueue_dma source(%dma_start3A_37 : memref<624x128xf32, #tpu.memory_space<hbm>>) target(%dma_start3A_34 : memref<624x128xf32, #tpu.memory_space<vmem_shared>>) target_semaphore(%run_scoped3A : memref<!tpu.dma_semaphore, #tpu.memory_space<semaphore_mem>>)
      %dma_wait3A = arith.constant 0 : i32
      %dma_wait3A_38 = tpu.memref_slice %arg8[%mul3A_0, %dma_wait3A] : memref<10016x128xf32, #tpu.memory_space<vmem_shared>> -> memref<624x128xf32, #tpu.memory_space<vmem_shared>>
      %dma_wait3A_39 = arith.constant 0 : i32
      %dma_wait3A_40 = arith.constant 0 : i32
      %dma_wait3A_41 = tpu.memref_slice %arg3[%dma_wait3A_39, %dma_wait3A_40] : memref<624x128xf32, #tpu.memory_space<hbm>> -> memref<624x128xf32, #tpu.memory_space<hbm>>
      tpu.wait_dma2 semaphore(%run_scoped3A : memref<!tpu.dma_semaphore, #tpu.memory_space<semaphore_mem>>) src(%dma_wait3A_41 : memref<624x128xf32, #tpu.memory_space<hbm>>) dst(%dma_wait3A_38 : memref<624x128xf32, #tpu.memory_space<vmem_shared>>)
      tpu.yield
    }) : () -> ()
    %eq3A = arith.constant 15 : i32
    %eq3A_1 = arith.cmpi eq, %arg1, %eq3A : i32
    %convert_element_type3A = arith.extui %eq3A_1 : i1 to i32
    %cond3A = arith.constant 0 : i32
    %cond3A_2 = arith.cmpi ne, %convert_element_type3A, %cond3A : i32
    scf.if %cond3A_2 {
      "tpu.region"() ({
        %run_scoped3A = tpu.sem_alloc : memref<!tpu.dma_semaphore, #tpu.memory_space<semaphore_mem>>
        %dma_start3A = arith.constant 9984 : i32
        %dma_start3A_34 = arith.constant 0 : i32
        %dma_start3A_35 = tpu.memref_slice %arg8[%dma_start3A, %dma_start3A_34] : memref<10016x128xf32, #tpu.memory_space<vmem_shared>> -> memref<32x128xf32, #tpu.memory_space<vmem_shared>>
        %dma_start3A_36 = arith.constant 0 : i32
        %dma_start3A_37 = arith.constant 0 : i32
        %dma_start3A_38 = tpu.memref_slice %arg3[%dma_start3A_36, %dma_start3A_37] : memref<624x128xf32, #tpu.memory_space<hbm>> -> memref<32x128xf32, #tpu.memory_space<hbm>>
        tpu.enqueue_dma source(%dma_start3A_38 : memref<32x128xf32, #tpu.memory_space<hbm>>) target(%dma_start3A_35 : memref<32x128xf32, #tpu.memory_space<vmem_shared>>) target_semaphore(%run_scoped3A : memref<!tpu.dma_semaphore, #tpu.memory_space<semaphore_mem>>)
        %dma_wait3A = arith.constant 9984 : i32
        %dma_wait3A_39 = arith.constant 0 : i32
        %dma_wait3A_40 = tpu.memref_slice %arg8[%dma_wait3A, %dma_wait3A_39] : memref<10016x128xf32, #tpu.memory_space<vmem_shared>> -> memref<32x128xf32, #tpu.memory_space<vmem_shared>>
        %dma_wait3A_41 = arith.constant 0 : i32
        %dma_wait3A_42 = arith.constant 0 : i32
        %dma_wait3A_43 = tpu.memref_slice %arg3[%dma_wait3A_41, %dma_wait3A_42] : memref<624x128xf32, #tpu.memory_space<hbm>> -> memref<32x128xf32, #tpu.memory_space<hbm>>
        tpu.wait_dma2 semaphore(%run_scoped3A : memref<!tpu.dma_semaphore, #tpu.memory_space<semaphore_mem>>) src(%dma_wait3A_43 : memref<32x128xf32, #tpu.memory_space<hbm>>) dst(%dma_wait3A_40 : memref<32x128xf32, #tpu.memory_space<vmem_shared>>)
        tpu.yield
      }) : () -> ()
    } else {
    }
    "tpu.region"() ({
      %run_scoped3A = tpu.sem_alloc : memref<!tpu.dma_semaphore, #tpu.memory_space<semaphore_mem>>
      tpu.enqueue_dma source(%arg4 : memref<128x128xf32, #tpu.memory_space<hbm>>) target(%arg7 : memref<128x128xf32, #tpu.memory_space<vmem>>) target_semaphore(%run_scoped3A : memref<!tpu.dma_semaphore, #tpu.memory_space<semaphore_mem>>)
      tpu.wait_dma2 semaphore(%run_scoped3A : memref<!tpu.dma_semaphore, #tpu.memory_space<semaphore_mem>>) src(%arg4 : memref<128x128xf32, #tpu.memory_space<hbm>>) dst(%arg7 : memref<128x128xf32, #tpu.memory_space<vmem>>)
      tpu.yield
    }) : () -> ()
    %barrier3A = arith.constant 0 : index
    tpu.barrier barrier_id(%barrier3A)
    %mul3A_3 = arith.constant 16 : i32
    %mul3A_4 = arith.muli %arg0, %mul3A_3 : i32
    %add3A = arith.addi %mul3A_4, %arg1 : i32
    %mul3A_5 = arith.constant 80 : i32
    %mul3A_6 = arith.muli %add3A, %mul3A_5 : i32
    %add3A_7 = arith.constant 0 : i32
    %add3A_8 = arith.addi %mul3A_6, %add3A_7 : i32
    "tpu.region"() ({
      %run_scoped3A = tpu.sem_alloc : memref<!tpu.dma_semaphore, #tpu.memory_space<semaphore_mem>>
      %dma_start3A = arith.constant 0 : i32
      %dma_start3A_34 = tpu.memref_slice %arg2[%add3A_8, %dma_start3A] : memref<2560x128xi32, #tpu.memory_space<hbm>> -> memref<40x128xi32, #tpu.memory_space<hbm>>
      %dma_start3A_35 = arith.constant 0 : i32
      %dma_start3A_36 = tpu.memref_slice %arg2[%add3A_8, %dma_start3A_35] : memref<2560x128xi32, #tpu.memory_space<hbm>> -> memref<40x128xi32, #tpu.memory_space<hbm>>
      tpu.enqueue_dma source(%dma_start3A_36 : memref<40x128xi32, #tpu.memory_space<hbm>>) target(%arg6 : memref<40x128xi32, #tpu.memory_space<vmem>>) target_semaphore(%run_scoped3A : memref<!tpu.dma_semaphore, #tpu.memory_space<semaphore_mem>>)
      %dma_wait3A = arith.constant 0 : i32
      %dma_wait3A_37 = tpu.memref_slice %arg2[%add3A_8, %dma_wait3A] : memref<2560x128xi32, #tpu.memory_space<hbm>> -> memref<40x128xi32, #tpu.memory_space<hbm>>
      %dma_wait3A_38 = arith.constant 0 : i32
      %dma_wait3A_39 = tpu.memref_slice %arg2[%add3A_8, %dma_wait3A_38] : memref<2560x128xi32, #tpu.memory_space<hbm>> -> memref<40x128xi32, #tpu.memory_space<hbm>>
      tpu.wait_dma2 semaphore(%run_scoped3A : memref<!tpu.dma_semaphore, #tpu.memory_space<semaphore_mem>>) src(%dma_wait3A_39 : memref<40x128xi32, #tpu.memory_space<hbm>>) dst(%arg6 : memref<40x128xi32, #tpu.memory_space<vmem>>)
      tpu.yield
    }) : () -> ()
    %scan3A = arith.constant 0 : i32
    %scan3A_9 = arith.constant 0 : i32
    %scan3A_10 = arith.constant 20 : i32
    %scan3A_11 = arith.addi %scan3A_9, %scan3A_10 : i32
    %scan3A_12 = arith.constant 1 : i32
    %scan3A_13 = scf.for %scan3A_34 = %scan3A_9 to %scan3A_11 step %scan3A_12 iter_args(%scan3A_35 = %scan3A) -> (i32)  : i32 {
      %mul3A_36 = arith.constant 2 : i32
      %mul3A_37 = arith.muli %mul3A_36, %scan3A_34 : i32
      %dma_start3A = arith.constant 0 : i32
      %dma_start3A_38 = tpu.memref_slice %arg6[%mul3A_37, %dma_start3A] : memref<40x128xi32, #tpu.memory_space<vmem>> -> memref<1x128xi32, #tpu.memory_space<vmem>>
      %dma_start3A_39 = tpu.memref_squeeze %dma_start3A_38 : memref<1x128xi32, #tpu.memory_space<vmem>> -> memref<128xi32, #tpu.memory_space<vmem>>
      %dma_start3A_40 = arith.constant 0 : i32
      %dma_start3A_41 = arith.constant 0 : i32
      %dma_start3A_42 = tpu.memref_slice %arg8[%dma_start3A_40, %dma_start3A_41] : memref<10016x128xf32, #tpu.memory_space<vmem_shared>> -> memref<10016x128xf32, #tpu.memory_space<vmem_shared>>
      tpu.enqueue_indirect_dma source(%arg7 : memref<128x128xf32, #tpu.memory_space<vmem>>) target(%dma_start3A_42 : memref<10016x128xf32, #tpu.memory_space<vmem_shared>>) offsets(%dma_start3A_39 : memref<128xi32, #tpu.memory_space<vmem>>) semaphore(%arg9 : memref<!tpu.dma_semaphore, #tpu.memory_space<semaphore_mem>>) {add = true}
      %mul3A_43 = arith.constant 2 : i32
      %mul3A_44 = arith.muli %mul3A_43, %scan3A_34 : i32
      %add3A_45 = arith.constant 1 : i32
      %add3A_46 = arith.addi %mul3A_44, %add3A_45 : i32
      %dma_start3A_47 = arith.constant 0 : i32
      %dma_start3A_48 = tpu.memref_slice %arg6[%add3A_46, %dma_start3A_47] : memref<40x128xi32, #tpu.memory_space<vmem>> -> memref<1x128xi32, #tpu.memory_space<vmem>>
      %dma_start3A_49 = tpu.memref_squeeze %dma_start3A_48 : memref<1x128xi32, #tpu.memory_space<vmem>> -> memref<128xi32, #tpu.memory_space<vmem>>
      %dma_start3A_50 = arith.constant 0 : i32
      %dma_start3A_51 = arith.constant 0 : i32
      %dma_start3A_52 = tpu.memref_slice %arg8[%dma_start3A_50, %dma_start3A_51] : memref<10016x128xf32, #tpu.memory_space<vmem_shared>> -> memref<10016x128xf32, #tpu.memory_space<vmem_shared>>
      tpu.enqueue_indirect_dma source(%arg7 : memref<128x128xf32, #tpu.memory_space<vmem>>) target(%dma_start3A_52 : memref<10016x128xf32, #tpu.memory_space<vmem_shared>>) offsets(%dma_start3A_49 : memref<128xi32, #tpu.memory_space<vmem>>) semaphore(%arg10 : memref<!tpu.dma_semaphore, #tpu.memory_space<semaphore_mem>>) {add = true}
      %dma_wait3A = arith.constant 0 : i32
      %dma_wait3A_53 = tpu.memref_slice %arg6[%mul3A_37, %dma_wait3A] : memref<40x128xi32, #tpu.memory_space<vmem>> -> memref<1x128xi32, #tpu.memory_space<vmem>>
      %dma_wait3A_54 = tpu.memref_squeeze %dma_wait3A_53 : memref<1x128xi32, #tpu.memory_space<vmem>> -> memref<128xi32, #tpu.memory_space<vmem>>
      %dma_wait3A_55 = arith.constant 0 : i32
      %dma_wait3A_56 = arith.constant 0 : i32
      %dma_wait3A_57 = tpu.memref_slice %arg8[%dma_wait3A_55, %dma_wait3A_56] : memref<10016x128xf32, #tpu.memory_space<vmem_shared>> -> memref<10016x128xf32, #tpu.memory_space<vmem_shared>>
      tpu.wait_indirect_dma semaphore(%arg9 : memref<!tpu.dma_semaphore, #tpu.memory_space<semaphore_mem>>) src(%arg7 : memref<128x128xf32, #tpu.memory_space<vmem>>) dst(%dma_wait3A_57 : memref<10016x128xf32, #tpu.memory_space<vmem_shared>>)
      %dma_wait3A_58 = arith.constant 0 : i32
      %dma_wait3A_59 = tpu.memref_slice %arg6[%add3A_46, %dma_wait3A_58] : memref<40x128xi32, #tpu.memory_space<vmem>> -> memref<1x128xi32, #tpu.memory_space<vmem>>
      %dma_wait3A_60 = tpu.memref_squeeze %dma_wait3A_59 : memref<1x128xi32, #tpu.memory_space<vmem>> -> memref<128xi32, #tpu.memory_space<vmem>>
      %dma_wait3A_61 = arith.constant 0 : i32
      %dma_wait3A_62 = arith.constant 0 : i32
      %dma_wait3A_63 = tpu.memref_slice %arg8[%dma_wait3A_61, %dma_wait3A_62] : memref<10016x128xf32, #tpu.memory_space<vmem_shared>> -> memref<10016x128xf32, #tpu.memory_space<vmem_shared>>
      tpu.wait_indirect_dma semaphore(%arg10 : memref<!tpu.dma_semaphore, #tpu.memory_space<semaphore_mem>>) src(%arg7 : memref<128x128xf32, #tpu.memory_space<vmem>>) dst(%dma_wait3A_63 : memref<10016x128xf32, #tpu.memory_space<vmem_shared>>)
      %scan3A_64 = arith.constant 0 : i32
      scf.yield %scan3A_64 : i32
    }
    %scan3A_14 = arith.constant 20 : i32
    %add3A_15 = arith.constant 40 : i32
    %add3A_16 = arith.addi %mul3A_6, %add3A_15 : i32
    "tpu.region"() ({
      %run_scoped3A = tpu.sem_alloc : memref<!tpu.dma_semaphore, #tpu.memory_space<semaphore_mem>>
      %dma_start3A = arith.constant 0 : i32
      %dma_start3A_34 = tpu.memref_slice %arg2[%add3A_16, %dma_start3A] : memref<2560x128xi32, #tpu.memory_space<hbm>> -> memref<40x128xi32, #tpu.memory_space<hbm>>
      %dma_start3A_35 = arith.constant 0 : i32
      %dma_start3A_36 = tpu.memref_slice %arg2[%add3A_16, %dma_start3A_35] : memref<2560x128xi32, #tpu.memory_space<hbm>> -> memref<40x128xi32, #tpu.memory_space<hbm>>
      tpu.enqueue_dma source(%dma_start3A_36 : memref<40x128xi32, #tpu.memory_space<hbm>>) target(%arg6 : memref<40x128xi32, #tpu.memory_space<vmem>>) target_semaphore(%run_scoped3A : memref<!tpu.dma_semaphore, #tpu.memory_space<semaphore_mem>>)
      %dma_wait3A = arith.constant 0 : i32
      %dma_wait3A_37 = tpu.memref_slice %arg2[%add3A_16, %dma_wait3A] : memref<2560x128xi32, #tpu.memory_space<hbm>> -> memref<40x128xi32, #tpu.memory_space<hbm>>
      %dma_wait3A_38 = arith.constant 0 : i32
      %dma_wait3A_39 = tpu.memref_slice %arg2[%add3A_16, %dma_wait3A_38] : memref<2560x128xi32, #tpu.memory_space<hbm>> -> memref<40x128xi32, #tpu.memory_space<hbm>>
      tpu.wait_dma2 semaphore(%run_scoped3A : memref<!tpu.dma_semaphore, #tpu.memory_space<semaphore_mem>>) src(%dma_wait3A_39 : memref<40x128xi32, #tpu.memory_space<hbm>>) dst(%arg6 : memref<40x128xi32, #tpu.memory_space<vmem>>)
      tpu.yield
    }) : () -> ()
    %scan3A_17 = arith.constant 0 : i32
    %scan3A_18 = arith.constant 0 : i32
    %scan3A_19 = arith.constant 20 : i32
    %scan3A_20 = arith.addi %scan3A_18, %scan3A_19 : i32
    %scan3A_21 = arith.constant 1 : i32
    %scan3A_22 = scf.for %scan3A_34 = %scan3A_18 to %scan3A_20 step %scan3A_21 iter_args(%scan3A_35 = %scan3A_17) -> (i32)  : i32 {
      %mul3A_36 = arith.constant 2 : i32
      %mul3A_37 = arith.muli %mul3A_36, %scan3A_34 : i32
      %dma_start3A = arith.constant 0 : i32
      %dma_start3A_38 = tpu.memref_slice %arg6[%mul3A_37, %dma_start3A] : memref<40x128xi32, #tpu.memory_space<vmem>> -> memref<1x128xi32, #tpu.memory_space<vmem>>
      %dma_start3A_39 = tpu.memref_squeeze %dma_start3A_38 : memref<1x128xi32, #tpu.memory_space<vmem>> -> memref<128xi32, #tpu.memory_space<vmem>>
      %dma_start3A_40 = arith.constant 0 : i32
      %dma_start3A_41 = arith.constant 0 : i32
      %dma_start3A_42 = tpu.memref_slice %arg8[%dma_start3A_40, %dma_start3A_41] : memref<10016x128xf32, #tpu.memory_space<vmem_shared>> -> memref<10016x128xf32, #tpu.memory_space<vmem_shared>>
      tpu.enqueue_indirect_dma source(%arg7 : memref<128x128xf32, #tpu.memory_space<vmem>>) target(%dma_start3A_42 : memref<10016x128xf32, #tpu.memory_space<vmem_shared>>) offsets(%dma_start3A_39 : memref<128xi32, #tpu.memory_space<vmem>>) semaphore(%arg9 : memref<!tpu.dma_semaphore, #tpu.memory_space<semaphore_mem>>) {add = true}
      %mul3A_43 = arith.constant 2 : i32
      %mul3A_44 = arith.muli %mul3A_43, %scan3A_34 : i32
      %add3A_45 = arith.constant 1 : i32
      %add3A_46 = arith.addi %mul3A_44, %add3A_45 : i32
      %dma_start3A_47 = arith.constant 0 : i32
      %dma_start3A_48 = tpu.memref_slice %arg6[%add3A_46, %dma_start3A_47] : memref<40x128xi32, #tpu.memory_space<vmem>> -> memref<1x128xi32, #tpu.memory_space<vmem>>
      %dma_start3A_49 = tpu.memref_squeeze %dma_start3A_48 : memref<1x128xi32, #tpu.memory_space<vmem>> -> memref<128xi32, #tpu.memory_space<vmem>>
      %dma_start3A_50 = arith.constant 0 : i32
      %dma_start3A_51 = arith.constant 0 : i32
      %dma_start3A_52 = tpu.memref_slice %arg8[%dma_start3A_50, %dma_start3A_51] : memref<10016x128xf32, #tpu.memory_space<vmem_shared>> -> memref<10016x128xf32, #tpu.memory_space<vmem_shared>>
      tpu.enqueue_indirect_dma source(%arg7 : memref<128x128xf32, #tpu.memory_space<vmem>>) target(%dma_start3A_52 : memref<10016x128xf32, #tpu.memory_space<vmem_shared>>) offsets(%dma_start3A_49 : memref<128xi32, #tpu.memory_space<vmem>>) semaphore(%arg10 : memref<!tpu.dma_semaphore, #tpu.memory_space<semaphore_mem>>) {add = true}
      %dma_wait3A = arith.constant 0 : i32
      %dma_wait3A_53 = tpu.memref_slice %arg6[%mul3A_37, %dma_wait3A] : memref<40x128xi32, #tpu.memory_space<vmem>> -> memref<1x128xi32, #tpu.memory_space<vmem>>
      %dma_wait3A_54 = tpu.memref_squeeze %dma_wait3A_53 : memref<1x128xi32, #tpu.memory_space<vmem>> -> memref<128xi32, #tpu.memory_space<vmem>>
      %dma_wait3A_55 = arith.constant 0 : i32
      %dma_wait3A_56 = arith.constant 0 : i32
      %dma_wait3A_57 = tpu.memref_slice %arg8[%dma_wait3A_55, %dma_wait3A_56] : memref<10016x128xf32, #tpu.memory_space<vmem_shared>> -> memref<10016x128xf32, #tpu.memory_space<vmem_shared>>
      tpu.wait_indirect_dma semaphore(%arg9 : memref<!tpu.dma_semaphore, #tpu.memory_space<semaphore_mem>>) src(%arg7 : memref<128x128xf32, #tpu.memory_space<vmem>>) dst(%dma_wait3A_57 : memref<10016x128xf32, #tpu.memory_space<vmem_shared>>)
      %dma_wait3A_58 = arith.constant 0 : i32
      %dma_wait3A_59 = tpu.memref_slice %arg6[%add3A_46, %dma_wait3A_58] : memref<40x128xi32, #tpu.memory_space<vmem>> -> memref<1x128xi32, #tpu.memory_space<vmem>>
      %dma_wait3A_60 = tpu.memref_squeeze %dma_wait3A_59 : memref<1x128xi32, #tpu.memory_space<vmem>> -> memref<128xi32, #tpu.memory_space<vmem>>
      %dma_wait3A_61 = arith.constant 0 : i32
      %dma_wait3A_62 = arith.constant 0 : i32
      %dma_wait3A_63 = tpu.memref_slice %arg8[%dma_wait3A_61, %dma_wait3A_62] : memref<10016x128xf32, #tpu.memory_space<vmem_shared>> -> memref<10016x128xf32, #tpu.memory_space<vmem_shared>>
      tpu.wait_indirect_dma semaphore(%arg10 : memref<!tpu.dma_semaphore, #tpu.memory_space<semaphore_mem>>) src(%arg7 : memref<128x128xf32, #tpu.memory_space<vmem>>) dst(%dma_wait3A_63 : memref<10016x128xf32, #tpu.memory_space<vmem_shared>>)
      %scan3A_64 = arith.constant 0 : i32
      scf.yield %scan3A_64 : i32
    }
    %scan3A_23 = arith.constant 20 : i32
    %barrier3A_24 = arith.constant 0 : index
    tpu.barrier barrier_id(%barrier3A_24)
    %mul3A_25 = arith.constant 624 : i32
    %mul3A_26 = arith.muli %arg1, %mul3A_25 : i32
    %mul3A_27 = arith.constant 624 : i32
    %mul3A_28 = arith.muli %arg1, %mul3A_27 : i32
    "tpu.region"() ({
      %run_scoped3A = tpu.sem_alloc : memref<!tpu.dma_semaphore, #tpu.memory_space<semaphore_mem>>
      %dma_start3A = arith.constant 0 : i32
      %dma_start3A_34 = tpu.memref_slice %arg5[%arg0, %mul3A_28, %dma_start3A] : memref<2x10000x128xf32, #tpu.memory_space<hbm>> -> memref<1x624x128xf32, #tpu.memory_space<hbm>>
      %dma_start3A_35 = tpu.memref_squeeze %dma_start3A_34 : memref<1x624x128xf32, #tpu.memory_space<hbm>> -> memref<624x128xf32, #tpu.memory_space<hbm>>
      %dma_start3A_36 = arith.constant 0 : i32
      %dma_start3A_37 = tpu.memref_slice %arg8[%mul3A_26, %dma_start3A_36] : memref<10016x128xf32, #tpu.memory_space<vmem_shared>> -> memref<624x128xf32, #tpu.memory_space<vmem_shared>>
      tpu.enqueue_dma source(%dma_start3A_37 : memref<624x128xf32, #tpu.memory_space<vmem_shared>>) target(%dma_start3A_35 : memref<624x128xf32, #tpu.memory_space<hbm>>) target_semaphore(%run_scoped3A : memref<!tpu.dma_semaphore, #tpu.memory_space<semaphore_mem>>)
      %dma_wait3A = arith.constant 0 : i32
      %dma_wait3A_38 = tpu.memref_slice %arg5[%arg0, %mul3A_28, %dma_wait3A] : memref<2x10000x128xf32, #tpu.memory_space<hbm>> -> memref<1x624x128xf32, #tpu.memory_space<hbm>>
      %dma_wait3A_39 = tpu.memref_squeeze %dma_wait3A_38 : memref<1x624x128xf32, #tpu.memory_space<hbm>> -> memref<624x128xf32, #tpu.memory_space<hbm>>
      %dma_wait3A_40 = arith.constant 0 : i32
      %dma_wait3A_41 = tpu.memref_slice %arg8[%mul3A_26, %dma_wait3A_40] : memref<10016x128xf32, #tpu.memory_space<vmem_shared>> -> memref<624x128xf32, #tpu.memory_space<vmem_shared>>
      tpu.wait_dma2 semaphore(%run_scoped3A : memref<!tpu.dma_semaphore, #tpu.memory_space<semaphore_mem>>) src(%dma_wait3A_41 : memref<624x128xf32, #tpu.memory_space<vmem_shared>>) dst(%dma_wait3A_39 : memref<624x128xf32, #tpu.memory_space<hbm>>)
      tpu.yield
    }) : () -> ()
    %eq3A_29 = arith.constant 15 : i32
    %eq3A_30 = arith.cmpi eq, %arg1, %eq3A_29 : i32
    %convert_element_type3A_31 = arith.extui %eq3A_30 : i1 to i32
    %cond3A_32 = arith.constant 0 : i32
    %cond3A_33 = arith.cmpi ne, %convert_element_type3A_31, %cond3A_32 : i32
    scf.if %cond3A_33 {
      "tpu.region"() ({
        %run_scoped3A = tpu.sem_alloc : memref<!tpu.dma_semaphore, #tpu.memory_space<semaphore_mem>>
        %dma_start3A = arith.constant 9984 : i32
        %dma_start3A_34 = arith.constant 0 : i32
        %dma_start3A_35 = tpu.memref_slice %arg5[%arg0, %dma_start3A, %dma_start3A_34] : memref<2x10000x128xf32, #tpu.memory_space<hbm>> -> memref<1x16x128xf32, #tpu.memory_space<hbm>>
        %dma_start3A_36 = tpu.memref_squeeze %dma_start3A_35 : memref<1x16x128xf32, #tpu.memory_space<hbm>> -> memref<16x128xf32, #tpu.memory_space<hbm>>
        %dma_start3A_37 = arith.constant 9984 : i32
        %dma_start3A_38 = arith.constant 0 : i32
        %dma_start3A_39 = tpu.memref_slice %arg8[%dma_start3A_37, %dma_start3A_38] : memref<10016x128xf32, #tpu.memory_space<vmem_shared>> -> memref<16x128xf32, #tpu.memory_space<vmem_shared>>
        tpu.enqueue_dma source(%dma_start3A_39 : memref<16x128xf32, #tpu.memory_space<vmem_shared>>) target(%dma_start3A_36 : memref<16x128xf32, #tpu.memory_space<hbm>>) target_semaphore(%run_scoped3A : memref<!tpu.dma_semaphore, #tpu.memory_space<semaphore_mem>>)
        %dma_wait3A = arith.constant 9984 : i32
        %dma_wait3A_40 = arith.constant 0 : i32
        %dma_wait3A_41 = tpu.memref_slice %arg5[%arg0, %dma_wait3A, %dma_wait3A_40] : memref<2x10000x128xf32, #tpu.memory_space<hbm>> -> memref<1x16x128xf32, #tpu.memory_space<hbm>>
        %dma_wait3A_42 = tpu.memref_squeeze %dma_wait3A_41 : memref<1x16x128xf32, #tpu.memory_space<hbm>> -> memref<16x128xf32, #tpu.memory_space<hbm>>
        %dma_wait3A_43 = arith.constant 9984 : i32
        %dma_wait3A_44 = arith.constant 0 : i32
        %dma_wait3A_45 = tpu.memref_slice %arg8[%dma_wait3A_43, %dma_wait3A_44] : memref<10016x128xf32, #tpu.memory_space<vmem_shared>> -> memref<16x128xf32, #tpu.memory_space<vmem_shared>>
        tpu.wait_dma2 semaphore(%run_scoped3A : memref<!tpu.dma_semaphore, #tpu.memory_space<semaphore_mem>>) src(%dma_wait3A_45 : memref<16x128xf32, #tpu.memory_space<vmem_shared>>) dst(%dma_wait3A_42 : memref<16x128xf32, #tpu.memory_space<hbm>>)
        tpu.yield
      }) : () -> ()
    } else {
    }
    return
  }
}

#map = affine_map<(d0, d1) -> (0, 0)>
#map1 = affine_map<(d0, d1) -> (0)>
#map2 = affine_map<(d0, d1) -> (0, 0, 0)>
module attributes {stable_mosaic.version = 14 : i64} {
  func.func @body(%arg0: i32, %arg1: i32, %arg2: memref<10000x128xf32, #tpu.memory_space<hbm>>, %arg3: memref<10000x128xf32, #tpu.memory_space<hbm>>, %arg4: memref<327680xi32, #tpu.memory_space<hbm>>, %arg5: memref<2560x128xi32, #tpu.memory_space<hbm>>, %arg6: memref<624x128xf32, #tpu.memory_space<hbm>>, %arg7: memref<2x10000x128xf32, #tpu.memory_space<hbm>>, %arg8: memref<5120xi32, #tpu.memory_space<vmem>>, %arg9: memref<40x128xi32, #tpu.memory_space<vmem>>, %arg10: memref<128x128xf32, #tpu.memory_space<vmem>>, %arg11: memref<128x128xf32, #tpu.memory_space<vmem>>, %arg12: memref<10016x128xf32, #tpu.memory_space<vmem_shared>>, %arg13: memref<!tpu.dma_semaphore, #tpu.memory_space<semaphore_mem>>, %arg14: memref<!tpu.dma_semaphore, #tpu.memory_space<semaphore_mem>>, %arg15: memref<!tpu.dma_semaphore, #tpu.memory_space<semaphore_mem>>, %arg16: memref<!tpu.dma_semaphore, #tpu.memory_space<semaphore_mem>>) attributes {dimension_semantics = [#tpu.dimension_semantics<core_parallel>, #tpu.dimension_semantics<subcore_parallel>], iteration_bounds = array<i64: 2, 16>, scalar_prefetch = 0 : i64, scratch_operands = 9 : i64, tpu.core_type = #tpu.core_type<sc_vector_subcore>, window_params = [{transform_indices = #map}, {transform_indices = #map}, {transform_indices = #map1}, {transform_indices = #map}, {transform_indices = #map}, {transform_indices = #map2}]} {
    %mul3A = arith.constant 624 : i32
    %mul3A_0 = arith.muli %arg1, %mul3A : i32
    "tpu.region"() ({
      %run_scoped3A = tpu.sem_alloc : memref<!tpu.dma_semaphore, #tpu.memory_space<semaphore_mem>>
      %dma_start3A = arith.constant 0 : i32
      %dma_start3A_25 = tpu.memref_slice %arg12[%mul3A_0, %dma_start3A] : memref<10016x128xf32, #tpu.memory_space<vmem_shared>> -> memref<624x128xf32, #tpu.memory_space<vmem_shared>>
      %dma_start3A_26 = arith.constant 0 : i32
      %dma_start3A_27 = arith.constant 0 : i32
      %dma_start3A_28 = tpu.memref_slice %arg6[%dma_start3A_26, %dma_start3A_27] : memref<624x128xf32, #tpu.memory_space<hbm>> -> memref<624x128xf32, #tpu.memory_space<hbm>>
      tpu.enqueue_dma source(%dma_start3A_28 : memref<624x128xf32, #tpu.memory_space<hbm>>) target(%dma_start3A_25 : memref<624x128xf32, #tpu.memory_space<vmem_shared>>) target_semaphore(%run_scoped3A : memref<!tpu.dma_semaphore, #tpu.memory_space<semaphore_mem>>)
      %dma_wait3A = arith.constant 0 : i32
      %dma_wait3A_29 = tpu.memref_slice %arg12[%mul3A_0, %dma_wait3A] : memref<10016x128xf32, #tpu.memory_space<vmem_shared>> -> memref<624x128xf32, #tpu.memory_space<vmem_shared>>
      %dma_wait3A_30 = arith.constant 0 : i32
      %dma_wait3A_31 = arith.constant 0 : i32
      %dma_wait3A_32 = tpu.memref_slice %arg6[%dma_wait3A_30, %dma_wait3A_31] : memref<624x128xf32, #tpu.memory_space<hbm>> -> memref<624x128xf32, #tpu.memory_space<hbm>>
      tpu.wait_dma2 semaphore(%run_scoped3A : memref<!tpu.dma_semaphore, #tpu.memory_space<semaphore_mem>>) src(%dma_wait3A_32 : memref<624x128xf32, #tpu.memory_space<hbm>>) dst(%dma_wait3A_29 : memref<624x128xf32, #tpu.memory_space<vmem_shared>>)
      tpu.yield
    }) : () -> ()
    %eq3A = arith.constant 15 : i32
    %eq3A_1 = arith.cmpi eq, %arg1, %eq3A : i32
    %convert_element_type3A = arith.extui %eq3A_1 : i1 to i32
    %cond3A = arith.constant 0 : i32
    %cond3A_2 = arith.cmpi ne, %convert_element_type3A, %cond3A : i32
    scf.if %cond3A_2 {
      "tpu.region"() ({
        %run_scoped3A = tpu.sem_alloc : memref<!tpu.dma_semaphore, #tpu.memory_space<semaphore_mem>>
        %dma_start3A = arith.constant 9984 : i32
        %dma_start3A_25 = arith.constant 0 : i32
        %dma_start3A_26 = tpu.memref_slice %arg12[%dma_start3A, %dma_start3A_25] : memref<10016x128xf32, #tpu.memory_space<vmem_shared>> -> memref<32x128xf32, #tpu.memory_space<vmem_shared>>
        %dma_start3A_27 = arith.constant 0 : i32
        %dma_start3A_28 = arith.constant 0 : i32
        %dma_start3A_29 = tpu.memref_slice %arg6[%dma_start3A_27, %dma_start3A_28] : memref<624x128xf32, #tpu.memory_space<hbm>> -> memref<32x128xf32, #tpu.memory_space<hbm>>
        tpu.enqueue_dma source(%dma_start3A_29 : memref<32x128xf32, #tpu.memory_space<hbm>>) target(%dma_start3A_26 : memref<32x128xf32, #tpu.memory_space<vmem_shared>>) target_semaphore(%run_scoped3A : memref<!tpu.dma_semaphore, #tpu.memory_space<semaphore_mem>>)
        %dma_wait3A = arith.constant 9984 : i32
        %dma_wait3A_30 = arith.constant 0 : i32
        %dma_wait3A_31 = tpu.memref_slice %arg12[%dma_wait3A, %dma_wait3A_30] : memref<10016x128xf32, #tpu.memory_space<vmem_shared>> -> memref<32x128xf32, #tpu.memory_space<vmem_shared>>
        %dma_wait3A_32 = arith.constant 0 : i32
        %dma_wait3A_33 = arith.constant 0 : i32
        %dma_wait3A_34 = tpu.memref_slice %arg6[%dma_wait3A_32, %dma_wait3A_33] : memref<624x128xf32, #tpu.memory_space<hbm>> -> memref<32x128xf32, #tpu.memory_space<hbm>>
        tpu.wait_dma2 semaphore(%run_scoped3A : memref<!tpu.dma_semaphore, #tpu.memory_space<semaphore_mem>>) src(%dma_wait3A_34 : memref<32x128xf32, #tpu.memory_space<hbm>>) dst(%dma_wait3A_31 : memref<32x128xf32, #tpu.memory_space<vmem_shared>>)
        tpu.yield
      }) : () -> ()
    } else {
    }
    %barrier3A = arith.constant 0 : index
    tpu.barrier barrier_id(%barrier3A)
    %mul3A_3 = arith.constant 160 : i32
    %mul3A_4 = arith.muli %arg1, %mul3A_3 : i32
    %eq3A_5 = arith.constant 0 : i32
    %eq3A_6 = arith.cmpi eq, %arg0, %eq3A_5 : i32
    %convert_element_type3A_7 = arith.extui %eq3A_6 : i1 to i32
    %cond3A_8 = arith.constant 0 : i32
    %cond3A_9 = arith.cmpi ne, %convert_element_type3A_7, %cond3A_8 : i32
    scf.if %cond3A_9 {
      %add3A = arith.constant 0 : i32
      %add3A_25 = arith.addi %mul3A_4, %add3A : i32
      %add3A_26 = arith.constant 0 : i32
      %add3A_27 = arith.addi %add3A_25, %add3A_26 : i32
      %mul3A_28 = arith.constant 128 : i32
      %mul3A_29 = arith.muli %add3A_27, %mul3A_28 : i32
      "tpu.region"() ({
        %run_scoped3A = tpu.sem_alloc : memref<!tpu.dma_semaphore, #tpu.memory_space<semaphore_mem>>
        %dma_start3A_261 = tpu.memref_slice %arg4[%mul3A_29] : memref<327680xi32, #tpu.memory_space<hbm>> -> memref<5120xi32, #tpu.memory_space<hbm>>
        %dma_start3A_262 = tpu.memref_slice %arg4[%mul3A_29] : memref<327680xi32, #tpu.memory_space<hbm>> -> memref<5120xi32, #tpu.memory_space<hbm>>
        tpu.enqueue_dma source(%dma_start3A_262 : memref<5120xi32, #tpu.memory_space<hbm>>) target(%arg8 : memref<5120xi32, #tpu.memory_space<vmem>>) target_semaphore(%run_scoped3A : memref<!tpu.dma_semaphore, #tpu.memory_space<semaphore_mem>>)
        %dma_wait3A_263 = tpu.memref_slice %arg4[%mul3A_29] : memref<327680xi32, #tpu.memory_space<hbm>> -> memref<5120xi32, #tpu.memory_space<hbm>>
        %dma_wait3A_264 = tpu.memref_slice %arg4[%mul3A_29] : memref<327680xi32, #tpu.memory_space<hbm>> -> memref<5120xi32, #tpu.memory_space<hbm>>
        tpu.wait_dma2 semaphore(%run_scoped3A : memref<!tpu.dma_semaphore, #tpu.memory_space<semaphore_mem>>) src(%dma_wait3A_264 : memref<5120xi32, #tpu.memory_space<hbm>>) dst(%arg8 : memref<5120xi32, #tpu.memory_space<vmem>>)
        tpu.yield
      }) : () -> ()
      "tpu.region"() ({
        %run_scoped3A = tpu.sem_alloc : memref<!tpu.dma_semaphore, #tpu.memory_space<semaphore_mem>>
        %dma_start3A_261 = arith.constant 0 : i32
        %dma_start3A_262 = tpu.memref_slice %arg5[%add3A_27, %dma_start3A_261] : memref<2560x128xi32, #tpu.memory_space<hbm>> -> memref<40x128xi32, #tpu.memory_space<hbm>>
        %dma_start3A_263 = arith.constant 0 : i32
        %dma_start3A_264 = tpu.memref_slice %arg5[%add3A_27, %dma_start3A_263] : memref<2560x128xi32, #tpu.memory_space<hbm>> -> memref<40x128xi32, #tpu.memory_space<hbm>>
        tpu.enqueue_dma source(%dma_start3A_264 : memref<40x128xi32, #tpu.memory_space<hbm>>) target(%arg9 : memref<40x128xi32, #tpu.memory_space<vmem>>) target_semaphore(%run_scoped3A : memref<!tpu.dma_semaphore, #tpu.memory_space<semaphore_mem>>)
        %dma_wait3A_265 = arith.constant 0 : i32
        %dma_wait3A_266 = tpu.memref_slice %arg5[%add3A_27, %dma_wait3A_265] : memref<2560x128xi32, #tpu.memory_space<hbm>> -> memref<40x128xi32, #tpu.memory_space<hbm>>
        %dma_wait3A_267 = arith.constant 0 : i32
        %dma_wait3A_268 = tpu.memref_slice %arg5[%add3A_27, %dma_wait3A_267] : memref<2560x128xi32, #tpu.memory_space<hbm>> -> memref<40x128xi32, #tpu.memory_space<hbm>>
        tpu.wait_dma2 semaphore(%run_scoped3A : memref<!tpu.dma_semaphore, #tpu.memory_space<semaphore_mem>>) src(%dma_wait3A_268 : memref<40x128xi32, #tpu.memory_space<hbm>>) dst(%arg9 : memref<40x128xi32, #tpu.memory_space<vmem>>)
        tpu.yield
      }) : () -> ()
      %dma_start3A = arith.constant 0 : i32
      %dma_start3A_30 = tpu.memref_slice %arg8[%dma_start3A] : memref<5120xi32, #tpu.memory_space<vmem>> -> memref<128xi32, #tpu.memory_space<vmem>>
      %dma_start3A_31 = arith.constant 0 : i32
      %dma_start3A_32 = arith.constant 0 : i32
      %dma_start3A_33 = tpu.memref_slice %arg2[%dma_start3A_31, %dma_start3A_32] : memref<10000x128xf32, #tpu.memory_space<hbm>> -> memref<10000x128xf32, #tpu.memory_space<hbm>>
      tpu.enqueue_indirect_dma source(%dma_start3A_33 : memref<10000x128xf32, #tpu.memory_space<hbm>>) target(%arg10 : memref<128x128xf32, #tpu.memory_space<vmem>>) offsets(%dma_start3A_30 : memref<128xi32, #tpu.memory_space<vmem>>) semaphore(%arg13 : memref<!tpu.dma_semaphore, #tpu.memory_space<semaphore_mem>>)
      %dma_start3A_34 = arith.constant 128 : i32
      %dma_start3A_35 = tpu.memref_slice %arg8[%dma_start3A_34] : memref<5120xi32, #tpu.memory_space<vmem>> -> memref<128xi32, #tpu.memory_space<vmem>>
      %dma_start3A_36 = arith.constant 0 : i32
      %dma_start3A_37 = arith.constant 0 : i32
      %dma_start3A_38 = tpu.memref_slice %arg2[%dma_start3A_36, %dma_start3A_37] : memref<10000x128xf32, #tpu.memory_space<hbm>> -> memref<10000x128xf32, #tpu.memory_space<hbm>>
      tpu.enqueue_indirect_dma source(%dma_start3A_38 : memref<10000x128xf32, #tpu.memory_space<hbm>>) target(%arg11 : memref<128x128xf32, #tpu.memory_space<vmem>>) offsets(%dma_start3A_35 : memref<128xi32, #tpu.memory_space<vmem>>) semaphore(%arg14 : memref<!tpu.dma_semaphore, #tpu.memory_space<semaphore_mem>>)
      %scan3A = arith.constant 0 : i32
      %scan3A_39 = arith.constant 0 : i32
      %scan3A_40 = arith.constant 19 : i32
      %scan3A_41 = arith.addi %scan3A_39, %scan3A_40 : i32
      %scan3A_42 = arith.constant 1 : i32
      %scan3A_43 = scf.for %scan3A_261 = %scan3A_39 to %scan3A_41 step %scan3A_42 iter_args(%scan3A_262 = %scan3A) -> (i32)  : i32 {
        %mul3A_263 = arith.constant 2 : i32
        %mul3A_264 = arith.muli %mul3A_263, %scan3A_261 : i32
        %mul3A_265 = arith.constant 2 : i32
        %mul3A_266 = arith.muli %mul3A_265, %scan3A_261 : i32
        %add3A_267 = arith.constant 1 : i32
        %add3A_268 = arith.addi %mul3A_266, %add3A_267 : i32
        %mul3A_269 = arith.constant 128 : i32
        %mul3A_270 = arith.muli %mul3A_264, %mul3A_269 : i32
        %dma_wait3A_271 = tpu.memref_slice %arg8[%mul3A_270] : memref<5120xi32, #tpu.memory_space<vmem>> -> memref<128xi32, #tpu.memory_space<vmem>>
        %dma_wait3A_272 = arith.constant 0 : i32
        %dma_wait3A_273 = arith.constant 0 : i32
        %dma_wait3A_274 = tpu.memref_slice %arg2[%dma_wait3A_272, %dma_wait3A_273] : memref<10000x128xf32, #tpu.memory_space<hbm>> -> memref<10000x128xf32, #tpu.memory_space<hbm>>
        tpu.wait_indirect_dma semaphore(%arg13 : memref<!tpu.dma_semaphore, #tpu.memory_space<semaphore_mem>>) src(%dma_wait3A_274 : memref<10000x128xf32, #tpu.memory_space<hbm>>) dst(%arg10 : memref<128x128xf32, #tpu.memory_space<vmem>>)
        %dma_start3A_275 = arith.constant 0 : i32
        %dma_start3A_276 = tpu.memref_slice %arg9[%mul3A_264, %dma_start3A_275] : memref<40x128xi32, #tpu.memory_space<vmem>> -> memref<1x128xi32, #tpu.memory_space<vmem>>
        %dma_start3A_277 = tpu.memref_squeeze %dma_start3A_276 : memref<1x128xi32, #tpu.memory_space<vmem>> -> memref<128xi32, #tpu.memory_space<vmem>>
        %dma_start3A_278 = arith.constant 0 : i32
        %dma_start3A_279 = arith.constant 0 : i32
        %dma_start3A_280 = tpu.memref_slice %arg12[%dma_start3A_278, %dma_start3A_279] : memref<10016x128xf32, #tpu.memory_space<vmem_shared>> -> memref<10016x128xf32, #tpu.memory_space<vmem_shared>>
        tpu.enqueue_indirect_dma source(%arg10 : memref<128x128xf32, #tpu.memory_space<vmem>>) target(%dma_start3A_280 : memref<10016x128xf32, #tpu.memory_space<vmem_shared>>) offsets(%dma_start3A_277 : memref<128xi32, #tpu.memory_space<vmem>>) semaphore(%arg15 : memref<!tpu.dma_semaphore, #tpu.memory_space<semaphore_mem>>) {add = true}
        %mul3A_281 = arith.constant 128 : i32
        %mul3A_282 = arith.muli %add3A_268, %mul3A_281 : i32
        %dma_wait3A_283 = tpu.memref_slice %arg8[%mul3A_282] : memref<5120xi32, #tpu.memory_space<vmem>> -> memref<128xi32, #tpu.memory_space<vmem>>
        %dma_wait3A_284 = arith.constant 0 : i32
        %dma_wait3A_285 = arith.constant 0 : i32
        %dma_wait3A_286 = tpu.memref_slice %arg2[%dma_wait3A_284, %dma_wait3A_285] : memref<10000x128xf32, #tpu.memory_space<hbm>> -> memref<10000x128xf32, #tpu.memory_space<hbm>>
        tpu.wait_indirect_dma semaphore(%arg14 : memref<!tpu.dma_semaphore, #tpu.memory_space<semaphore_mem>>) src(%dma_wait3A_286 : memref<10000x128xf32, #tpu.memory_space<hbm>>) dst(%arg11 : memref<128x128xf32, #tpu.memory_space<vmem>>)
        %dma_start3A_287 = arith.constant 0 : i32
        %dma_start3A_288 = tpu.memref_slice %arg9[%add3A_268, %dma_start3A_287] : memref<40x128xi32, #tpu.memory_space<vmem>> -> memref<1x128xi32, #tpu.memory_space<vmem>>
        %dma_start3A_289 = tpu.memref_squeeze %dma_start3A_288 : memref<1x128xi32, #tpu.memory_space<vmem>> -> memref<128xi32, #tpu.memory_space<vmem>>
        %dma_start3A_290 = arith.constant 0 : i32
        %dma_start3A_291 = arith.constant 0 : i32
        %dma_start3A_292 = tpu.memref_slice %arg12[%dma_start3A_290, %dma_start3A_291] : memref<10016x128xf32, #tpu.memory_space<vmem_shared>> -> memref<10016x128xf32, #tpu.memory_space<vmem_shared>>
        tpu.enqueue_indirect_dma source(%arg11 : memref<128x128xf32, #tpu.memory_space<vmem>>) target(%dma_start3A_292 : memref<10016x128xf32, #tpu.memory_space<vmem_shared>>) offsets(%dma_start3A_289 : memref<128xi32, #tpu.memory_space<vmem>>) semaphore(%arg16 : memref<!tpu.dma_semaphore, #tpu.memory_space<semaphore_mem>>) {add = true}
        %dma_wait3A_293 = arith.constant 0 : i32
        %dma_wait3A_294 = tpu.memref_slice %arg9[%mul3A_264, %dma_wait3A_293] : memref<40x128xi32, #tpu.memory_space<vmem>> -> memref<1x128xi32, #tpu.memory_space<vmem>>
        %dma_wait3A_295 = tpu.memref_squeeze %dma_wait3A_294 : memref<1x128xi32, #tpu.memory_space<vmem>> -> memref<128xi32, #tpu.memory_space<vmem>>
        %dma_wait3A_296 = arith.constant 0 : i32
        %dma_wait3A_297 = arith.constant 0 : i32
        %dma_wait3A_298 = tpu.memref_slice %arg12[%dma_wait3A_296, %dma_wait3A_297] : memref<10016x128xf32, #tpu.memory_space<vmem_shared>> -> memref<10016x128xf32, #tpu.memory_space<vmem_shared>>
        tpu.wait_indirect_dma semaphore(%arg15 : memref<!tpu.dma_semaphore, #tpu.memory_space<semaphore_mem>>) src(%arg10 : memref<128x128xf32, #tpu.memory_space<vmem>>) dst(%dma_wait3A_298 : memref<10016x128xf32, #tpu.memory_space<vmem_shared>>)
        %add3A_299 = arith.constant 2 : i32
        %add3A_300 = arith.addi %mul3A_264, %add3A_299 : i32
        %mul3A_301 = arith.constant 128 : i32
        %mul3A_302 = arith.muli %add3A_300, %mul3A_301 : i32
        %dma_start3A_303 = tpu.memref_slice %arg8[%mul3A_302] : memref<5120xi32, #tpu.memory_space<vmem>> -> memref<128xi32, #tpu.memory_space<vmem>>
        %dma_start3A_304 = arith.constant 0 : i32
        %dma_start3A_305 = arith.constant 0 : i32
        %dma_start3A_306 = tpu.memref_slice %arg2[%dma_start3A_304, %dma_start3A_305] : memref<10000x128xf32, #tpu.memory_space<hbm>> -> memref<10000x128xf32, #tpu.memory_space<hbm>>
        tpu.enqueue_indirect_dma source(%dma_start3A_306 : memref<10000x128xf32, #tpu.memory_space<hbm>>) target(%arg10 : memref<128x128xf32, #tpu.memory_space<vmem>>) offsets(%dma_start3A_303 : memref<128xi32, #tpu.memory_space<vmem>>) semaphore(%arg13 : memref<!tpu.dma_semaphore, #tpu.memory_space<semaphore_mem>>)
        %dma_wait3A_307 = arith.constant 0 : i32
        %dma_wait3A_308 = tpu.memref_slice %arg9[%add3A_268, %dma_wait3A_307] : memref<40x128xi32, #tpu.memory_space<vmem>> -> memref<1x128xi32, #tpu.memory_space<vmem>>
        %dma_wait3A_309 = tpu.memref_squeeze %dma_wait3A_308 : memref<1x128xi32, #tpu.memory_space<vmem>> -> memref<128xi32, #tpu.memory_space<vmem>>
        %dma_wait3A_310 = arith.constant 0 : i32
        %dma_wait3A_311 = arith.constant 0 : i32
        %dma_wait3A_312 = tpu.memref_slice %arg12[%dma_wait3A_310, %dma_wait3A_311] : memref<10016x128xf32, #tpu.memory_space<vmem_shared>> -> memref<10016x128xf32, #tpu.memory_space<vmem_shared>>
        tpu.wait_indirect_dma semaphore(%arg16 : memref<!tpu.dma_semaphore, #tpu.memory_space<semaphore_mem>>) src(%arg11 : memref<128x128xf32, #tpu.memory_space<vmem>>) dst(%dma_wait3A_312 : memref<10016x128xf32, #tpu.memory_space<vmem_shared>>)
        %add3A_313 = arith.constant 2 : i32
        %add3A_314 = arith.addi %add3A_268, %add3A_313 : i32
        %mul3A_315 = arith.constant 128 : i32
        %mul3A_316 = arith.muli %add3A_314, %mul3A_315 : i32
        %dma_start3A_317 = tpu.memref_slice %arg8[%mul3A_316] : memref<5120xi32, #tpu.memory_space<vmem>> -> memref<128xi32, #tpu.memory_space<vmem>>
        %dma_start3A_318 = arith.constant 0 : i32
        %dma_start3A_319 = arith.constant 0 : i32
        %dma_start3A_320 = tpu.memref_slice %arg2[%dma_start3A_318, %dma_start3A_319] : memref<10000x128xf32, #tpu.memory_space<hbm>> -> memref<10000x128xf32, #tpu.memory_space<hbm>>
        tpu.enqueue_indirect_dma source(%dma_start3A_320 : memref<10000x128xf32, #tpu.memory_space<hbm>>) target(%arg11 : memref<128x128xf32, #tpu.memory_space<vmem>>) offsets(%dma_start3A_317 : memref<128xi32, #tpu.memory_space<vmem>>) semaphore(%arg14 : memref<!tpu.dma_semaphore, #tpu.memory_space<semaphore_mem>>)
        %scan3A_321 = arith.constant 0 : i32
        scf.yield %scan3A_321 : i32
      }
      %scan3A_44 = arith.constant 19 : i32
      %dma_wait3A = arith.constant 4864 : i32
      %dma_wait3A_45 = tpu.memref_slice %arg8[%dma_wait3A] : memref<5120xi32, #tpu.memory_space<vmem>> -> memref<128xi32, #tpu.memory_space<vmem>>
      %dma_wait3A_46 = arith.constant 0 : i32
      %dma_wait3A_47 = arith.constant 0 : i32
      %dma_wait3A_48 = tpu.memref_slice %arg2[%dma_wait3A_46, %dma_wait3A_47] : memref<10000x128xf32, #tpu.memory_space<hbm>> -> memref<10000x128xf32, #tpu.memory_space<hbm>>
      tpu.wait_indirect_dma semaphore(%arg13 : memref<!tpu.dma_semaphore, #tpu.memory_space<semaphore_mem>>) src(%dma_wait3A_48 : memref<10000x128xf32, #tpu.memory_space<hbm>>) dst(%arg10 : memref<128x128xf32, #tpu.memory_space<vmem>>)
      %dma_start3A_49 = arith.constant 38 : i32
      %dma_start3A_50 = arith.constant 0 : i32
      %dma_start3A_51 = tpu.memref_slice %arg9[%dma_start3A_49, %dma_start3A_50] : memref<40x128xi32, #tpu.memory_space<vmem>> -> memref<1x128xi32, #tpu.memory_space<vmem>>
      %dma_start3A_52 = tpu.memref_squeeze %dma_start3A_51 : memref<1x128xi32, #tpu.memory_space<vmem>> -> memref<128xi32, #tpu.memory_space<vmem>>
      %dma_start3A_53 = arith.constant 0 : i32
      %dma_start3A_54 = arith.constant 0 : i32
      %dma_start3A_55 = tpu.memref_slice %arg12[%dma_start3A_53, %dma_start3A_54] : memref<10016x128xf32, #tpu.memory_space<vmem_shared>> -> memref<10016x128xf32, #tpu.memory_space<vmem_shared>>
      tpu.enqueue_indirect_dma source(%arg10 : memref<128x128xf32, #tpu.memory_space<vmem>>) target(%dma_start3A_55 : memref<10016x128xf32, #tpu.memory_space<vmem_shared>>) offsets(%dma_start3A_52 : memref<128xi32, #tpu.memory_space<vmem>>) semaphore(%arg15 : memref<!tpu.dma_semaphore, #tpu.memory_space<semaphore_mem>>) {add = true}
      %dma_wait3A_56 = arith.constant 4992 : i32
      %dma_wait3A_57 = tpu.memref_slice %arg8[%dma_wait3A_56] : memref<5120xi32, #tpu.memory_space<vmem>> -> memref<128xi32, #tpu.memory_space<vmem>>
      %dma_wait3A_58 = arith.constant 0 : i32
      %dma_wait3A_59 = arith.constant 0 : i32
      %dma_wait3A_60 = tpu.memref_slice %arg2[%dma_wait3A_58, %dma_wait3A_59] : memref<10000x128xf32, #tpu.memory_space<hbm>> -> memref<10000x128xf32, #tpu.memory_space<hbm>>
      tpu.wait_indirect_dma semaphore(%arg14 : memref<!tpu.dma_semaphore, #tpu.memory_space<semaphore_mem>>) src(%dma_wait3A_60 : memref<10000x128xf32, #tpu.memory_space<hbm>>) dst(%arg11 : memref<128x128xf32, #tpu.memory_space<vmem>>)
      %dma_start3A_61 = arith.constant 39 : i32
      %dma_start3A_62 = arith.constant 0 : i32
      %dma_start3A_63 = tpu.memref_slice %arg9[%dma_start3A_61, %dma_start3A_62] : memref<40x128xi32, #tpu.memory_space<vmem>> -> memref<1x128xi32, #tpu.memory_space<vmem>>
      %dma_start3A_64 = tpu.memref_squeeze %dma_start3A_63 : memref<1x128xi32, #tpu.memory_space<vmem>> -> memref<128xi32, #tpu.memory_space<vmem>>
      %dma_start3A_65 = arith.constant 0 : i32
      %dma_start3A_66 = arith.constant 0 : i32
      %dma_start3A_67 = tpu.memref_slice %arg12[%dma_start3A_65, %dma_start3A_66] : memref<10016x128xf32, #tpu.memory_space<vmem_shared>> -> memref<10016x128xf32, #tpu.memory_space<vmem_shared>>
      tpu.enqueue_indirect_dma source(%arg11 : memref<128x128xf32, #tpu.memory_space<vmem>>) target(%dma_start3A_67 : memref<10016x128xf32, #tpu.memory_space<vmem_shared>>) offsets(%dma_start3A_64 : memref<128xi32, #tpu.memory_space<vmem>>) semaphore(%arg16 : memref<!tpu.dma_semaphore, #tpu.memory_space<semaphore_mem>>) {add = true}
      %dma_wait3A_68 = arith.constant 38 : i32
      %dma_wait3A_69 = arith.constant 0 : i32
      %dma_wait3A_70 = tpu.memref_slice %arg9[%dma_wait3A_68, %dma_wait3A_69] : memref<40x128xi32, #tpu.memory_space<vmem>> -> memref<1x128xi32, #tpu.memory_space<vmem>>
      %dma_wait3A_71 = tpu.memref_squeeze %dma_wait3A_70 : memref<1x128xi32, #tpu.memory_space<vmem>> -> memref<128xi32, #tpu.memory_space<vmem>>
      %dma_wait3A_72 = arith.constant 0 : i32
      %dma_wait3A_73 = arith.constant 0 : i32
      %dma_wait3A_74 = tpu.memref_slice %arg12[%dma_wait3A_72, %dma_wait3A_73] : memref<10016x128xf32, #tpu.memory_space<vmem_shared>> -> memref<10016x128xf32, #tpu.memory_space<vmem_shared>>
      tpu.wait_indirect_dma semaphore(%arg15 : memref<!tpu.dma_semaphore, #tpu.memory_space<semaphore_mem>>) src(%arg10 : memref<128x128xf32, #tpu.memory_space<vmem>>) dst(%dma_wait3A_74 : memref<10016x128xf32, #tpu.memory_space<vmem_shared>>)
      %dma_wait3A_75 = arith.constant 39 : i32
      %dma_wait3A_76 = arith.constant 0 : i32
      %dma_wait3A_77 = tpu.memref_slice %arg9[%dma_wait3A_75, %dma_wait3A_76] : memref<40x128xi32, #tpu.memory_space<vmem>> -> memref<1x128xi32, #tpu.memory_space<vmem>>
      %dma_wait3A_78 = tpu.memref_squeeze %dma_wait3A_77 : memref<1x128xi32, #tpu.memory_space<vmem>> -> memref<128xi32, #tpu.memory_space<vmem>>
      %dma_wait3A_79 = arith.constant 0 : i32
      %dma_wait3A_80 = arith.constant 0 : i32
      %dma_wait3A_81 = tpu.memref_slice %arg12[%dma_wait3A_79, %dma_wait3A_80] : memref<10016x128xf32, #tpu.memory_space<vmem_shared>> -> memref<10016x128xf32, #tpu.memory_space<vmem_shared>>
      tpu.wait_indirect_dma semaphore(%arg16 : memref<!tpu.dma_semaphore, #tpu.memory_space<semaphore_mem>>) src(%arg11 : memref<128x128xf32, #tpu.memory_space<vmem>>) dst(%dma_wait3A_81 : memref<10016x128xf32, #tpu.memory_space<vmem_shared>>)
      %add3A_82 = arith.constant 40 : i32
      %add3A_83 = arith.addi %add3A_25, %add3A_82 : i32
      %mul3A_84 = arith.constant 128 : i32
      %mul3A_85 = arith.muli %add3A_83, %mul3A_84 : i32
      "tpu.region"() ({
        %run_scoped3A = tpu.sem_alloc : memref<!tpu.dma_semaphore, #tpu.memory_space<semaphore_mem>>
        %dma_start3A_261 = tpu.memref_slice %arg4[%mul3A_85] : memref<327680xi32, #tpu.memory_space<hbm>> -> memref<5120xi32, #tpu.memory_space<hbm>>
        %dma_start3A_262 = tpu.memref_slice %arg4[%mul3A_85] : memref<327680xi32, #tpu.memory_space<hbm>> -> memref<5120xi32, #tpu.memory_space<hbm>>
        tpu.enqueue_dma source(%dma_start3A_262 : memref<5120xi32, #tpu.memory_space<hbm>>) target(%arg8 : memref<5120xi32, #tpu.memory_space<vmem>>) target_semaphore(%run_scoped3A : memref<!tpu.dma_semaphore, #tpu.memory_space<semaphore_mem>>)
        %dma_wait3A_263 = tpu.memref_slice %arg4[%mul3A_85] : memref<327680xi32, #tpu.memory_space<hbm>> -> memref<5120xi32, #tpu.memory_space<hbm>>
        %dma_wait3A_264 = tpu.memref_slice %arg4[%mul3A_85] : memref<327680xi32, #tpu.memory_space<hbm>> -> memref<5120xi32, #tpu.memory_space<hbm>>
        tpu.wait_dma2 semaphore(%run_scoped3A : memref<!tpu.dma_semaphore, #tpu.memory_space<semaphore_mem>>) src(%dma_wait3A_264 : memref<5120xi32, #tpu.memory_space<hbm>>) dst(%arg8 : memref<5120xi32, #tpu.memory_space<vmem>>)
        tpu.yield
      }) : () -> ()
      "tpu.region"() ({
        %run_scoped3A = tpu.sem_alloc : memref<!tpu.dma_semaphore, #tpu.memory_space<semaphore_mem>>
        %dma_start3A_261 = arith.constant 0 : i32
        %dma_start3A_262 = tpu.memref_slice %arg5[%add3A_83, %dma_start3A_261] : memref<2560x128xi32, #tpu.memory_space<hbm>> -> memref<40x128xi32, #tpu.memory_space<hbm>>
        %dma_start3A_263 = arith.constant 0 : i32
        %dma_start3A_264 = tpu.memref_slice %arg5[%add3A_83, %dma_start3A_263] : memref<2560x128xi32, #tpu.memory_space<hbm>> -> memref<40x128xi32, #tpu.memory_space<hbm>>
        tpu.enqueue_dma source(%dma_start3A_264 : memref<40x128xi32, #tpu.memory_space<hbm>>) target(%arg9 : memref<40x128xi32, #tpu.memory_space<vmem>>) target_semaphore(%run_scoped3A : memref<!tpu.dma_semaphore, #tpu.memory_space<semaphore_mem>>)
        %dma_wait3A_265 = arith.constant 0 : i32
        %dma_wait3A_266 = tpu.memref_slice %arg5[%add3A_83, %dma_wait3A_265] : memref<2560x128xi32, #tpu.memory_space<hbm>> -> memref<40x128xi32, #tpu.memory_space<hbm>>
        %dma_wait3A_267 = arith.constant 0 : i32
        %dma_wait3A_268 = tpu.memref_slice %arg5[%add3A_83, %dma_wait3A_267] : memref<2560x128xi32, #tpu.memory_space<hbm>> -> memref<40x128xi32, #tpu.memory_space<hbm>>
        tpu.wait_dma2 semaphore(%run_scoped3A : memref<!tpu.dma_semaphore, #tpu.memory_space<semaphore_mem>>) src(%dma_wait3A_268 : memref<40x128xi32, #tpu.memory_space<hbm>>) dst(%arg9 : memref<40x128xi32, #tpu.memory_space<vmem>>)
        tpu.yield
      }) : () -> ()
      %dma_start3A_86 = arith.constant 0 : i32
      %dma_start3A_87 = tpu.memref_slice %arg8[%dma_start3A_86] : memref<5120xi32, #tpu.memory_space<vmem>> -> memref<128xi32, #tpu.memory_space<vmem>>
      %dma_start3A_88 = arith.constant 0 : i32
      %dma_start3A_89 = arith.constant 0 : i32
      %dma_start3A_90 = tpu.memref_slice %arg2[%dma_start3A_88, %dma_start3A_89] : memref<10000x128xf32, #tpu.memory_space<hbm>> -> memref<10000x128xf32, #tpu.memory_space<hbm>>
      tpu.enqueue_indirect_dma source(%dma_start3A_90 : memref<10000x128xf32, #tpu.memory_space<hbm>>) target(%arg10 : memref<128x128xf32, #tpu.memory_space<vmem>>) offsets(%dma_start3A_87 : memref<128xi32, #tpu.memory_space<vmem>>) semaphore(%arg13 : memref<!tpu.dma_semaphore, #tpu.memory_space<semaphore_mem>>)
      %dma_start3A_91 = arith.constant 128 : i32
      %dma_start3A_92 = tpu.memref_slice %arg8[%dma_start3A_91] : memref<5120xi32, #tpu.memory_space<vmem>> -> memref<128xi32, #tpu.memory_space<vmem>>
      %dma_start3A_93 = arith.constant 0 : i32
      %dma_start3A_94 = arith.constant 0 : i32
      %dma_start3A_95 = tpu.memref_slice %arg2[%dma_start3A_93, %dma_start3A_94] : memref<10000x128xf32, #tpu.memory_space<hbm>> -> memref<10000x128xf32, #tpu.memory_space<hbm>>
      tpu.enqueue_indirect_dma source(%dma_start3A_95 : memref<10000x128xf32, #tpu.memory_space<hbm>>) target(%arg11 : memref<128x128xf32, #tpu.memory_space<vmem>>) offsets(%dma_start3A_92 : memref<128xi32, #tpu.memory_space<vmem>>) semaphore(%arg14 : memref<!tpu.dma_semaphore, #tpu.memory_space<semaphore_mem>>)
      %scan3A_96 = arith.constant 0 : i32
      %scan3A_97 = arith.constant 0 : i32
      %scan3A_98 = arith.constant 19 : i32
      %scan3A_99 = arith.addi %scan3A_97, %scan3A_98 : i32
      %scan3A_100 = arith.constant 1 : i32
      %scan3A_101 = scf.for %scan3A_261 = %scan3A_97 to %scan3A_99 step %scan3A_100 iter_args(%scan3A_262 = %scan3A_96) -> (i32)  : i32 {
        %mul3A_263 = arith.constant 2 : i32
        %mul3A_264 = arith.muli %mul3A_263, %scan3A_261 : i32
        %mul3A_265 = arith.constant 2 : i32
        %mul3A_266 = arith.muli %mul3A_265, %scan3A_261 : i32
        %add3A_267 = arith.constant 1 : i32
        %add3A_268 = arith.addi %mul3A_266, %add3A_267 : i32
        %mul3A_269 = arith.constant 128 : i32
        %mul3A_270 = arith.muli %mul3A_264, %mul3A_269 : i32
        %dma_wait3A_271 = tpu.memref_slice %arg8[%mul3A_270] : memref<5120xi32, #tpu.memory_space<vmem>> -> memref<128xi32, #tpu.memory_space<vmem>>
        %dma_wait3A_272 = arith.constant 0 : i32
        %dma_wait3A_273 = arith.constant 0 : i32
        %dma_wait3A_274 = tpu.memref_slice %arg2[%dma_wait3A_272, %dma_wait3A_273] : memref<10000x128xf32, #tpu.memory_space<hbm>> -> memref<10000x128xf32, #tpu.memory_space<hbm>>
        tpu.wait_indirect_dma semaphore(%arg13 : memref<!tpu.dma_semaphore, #tpu.memory_space<semaphore_mem>>) src(%dma_wait3A_274 : memref<10000x128xf32, #tpu.memory_space<hbm>>) dst(%arg10 : memref<128x128xf32, #tpu.memory_space<vmem>>)
        %dma_start3A_275 = arith.constant 0 : i32
        %dma_start3A_276 = tpu.memref_slice %arg9[%mul3A_264, %dma_start3A_275] : memref<40x128xi32, #tpu.memory_space<vmem>> -> memref<1x128xi32, #tpu.memory_space<vmem>>
        %dma_start3A_277 = tpu.memref_squeeze %dma_start3A_276 : memref<1x128xi32, #tpu.memory_space<vmem>> -> memref<128xi32, #tpu.memory_space<vmem>>
        %dma_start3A_278 = arith.constant 0 : i32
        %dma_start3A_279 = arith.constant 0 : i32
        %dma_start3A_280 = tpu.memref_slice %arg12[%dma_start3A_278, %dma_start3A_279] : memref<10016x128xf32, #tpu.memory_space<vmem_shared>> -> memref<10016x128xf32, #tpu.memory_space<vmem_shared>>
        tpu.enqueue_indirect_dma source(%arg10 : memref<128x128xf32, #tpu.memory_space<vmem>>) target(%dma_start3A_280 : memref<10016x128xf32, #tpu.memory_space<vmem_shared>>) offsets(%dma_start3A_277 : memref<128xi32, #tpu.memory_space<vmem>>) semaphore(%arg15 : memref<!tpu.dma_semaphore, #tpu.memory_space<semaphore_mem>>) {add = true}
        %mul3A_281 = arith.constant 128 : i32
        %mul3A_282 = arith.muli %add3A_268, %mul3A_281 : i32
        %dma_wait3A_283 = tpu.memref_slice %arg8[%mul3A_282] : memref<5120xi32, #tpu.memory_space<vmem>> -> memref<128xi32, #tpu.memory_space<vmem>>
        %dma_wait3A_284 = arith.constant 0 : i32
        %dma_wait3A_285 = arith.constant 0 : i32
        %dma_wait3A_286 = tpu.memref_slice %arg2[%dma_wait3A_284, %dma_wait3A_285] : memref<10000x128xf32, #tpu.memory_space<hbm>> -> memref<10000x128xf32, #tpu.memory_space<hbm>>
        tpu.wait_indirect_dma semaphore(%arg14 : memref<!tpu.dma_semaphore, #tpu.memory_space<semaphore_mem>>) src(%dma_wait3A_286 : memref<10000x128xf32, #tpu.memory_space<hbm>>) dst(%arg11 : memref<128x128xf32, #tpu.memory_space<vmem>>)
        %dma_start3A_287 = arith.constant 0 : i32
        %dma_start3A_288 = tpu.memref_slice %arg9[%add3A_268, %dma_start3A_287] : memref<40x128xi32, #tpu.memory_space<vmem>> -> memref<1x128xi32, #tpu.memory_space<vmem>>
        %dma_start3A_289 = tpu.memref_squeeze %dma_start3A_288 : memref<1x128xi32, #tpu.memory_space<vmem>> -> memref<128xi32, #tpu.memory_space<vmem>>
        %dma_start3A_290 = arith.constant 0 : i32
        %dma_start3A_291 = arith.constant 0 : i32
        %dma_start3A_292 = tpu.memref_slice %arg12[%dma_start3A_290, %dma_start3A_291] : memref<10016x128xf32, #tpu.memory_space<vmem_shared>> -> memref<10016x128xf32, #tpu.memory_space<vmem_shared>>
        tpu.enqueue_indirect_dma source(%arg11 : memref<128x128xf32, #tpu.memory_space<vmem>>) target(%dma_start3A_292 : memref<10016x128xf32, #tpu.memory_space<vmem_shared>>) offsets(%dma_start3A_289 : memref<128xi32, #tpu.memory_space<vmem>>) semaphore(%arg16 : memref<!tpu.dma_semaphore, #tpu.memory_space<semaphore_mem>>) {add = true}
        %dma_wait3A_293 = arith.constant 0 : i32
        %dma_wait3A_294 = tpu.memref_slice %arg9[%mul3A_264, %dma_wait3A_293] : memref<40x128xi32, #tpu.memory_space<vmem>> -> memref<1x128xi32, #tpu.memory_space<vmem>>
        %dma_wait3A_295 = tpu.memref_squeeze %dma_wait3A_294 : memref<1x128xi32, #tpu.memory_space<vmem>> -> memref<128xi32, #tpu.memory_space<vmem>>
        %dma_wait3A_296 = arith.constant 0 : i32
        %dma_wait3A_297 = arith.constant 0 : i32
        %dma_wait3A_298 = tpu.memref_slice %arg12[%dma_wait3A_296, %dma_wait3A_297] : memref<10016x128xf32, #tpu.memory_space<vmem_shared>> -> memref<10016x128xf32, #tpu.memory_space<vmem_shared>>
        tpu.wait_indirect_dma semaphore(%arg15 : memref<!tpu.dma_semaphore, #tpu.memory_space<semaphore_mem>>) src(%arg10 : memref<128x128xf32, #tpu.memory_space<vmem>>) dst(%dma_wait3A_298 : memref<10016x128xf32, #tpu.memory_space<vmem_shared>>)
        %add3A_299 = arith.constant 2 : i32
        %add3A_300 = arith.addi %mul3A_264, %add3A_299 : i32
        %mul3A_301 = arith.constant 128 : i32
        %mul3A_302 = arith.muli %add3A_300, %mul3A_301 : i32
        %dma_start3A_303 = tpu.memref_slice %arg8[%mul3A_302] : memref<5120xi32, #tpu.memory_space<vmem>> -> memref<128xi32, #tpu.memory_space<vmem>>
        %dma_start3A_304 = arith.constant 0 : i32
        %dma_start3A_305 = arith.constant 0 : i32
        %dma_start3A_306 = tpu.memref_slice %arg2[%dma_start3A_304, %dma_start3A_305] : memref<10000x128xf32, #tpu.memory_space<hbm>> -> memref<10000x128xf32, #tpu.memory_space<hbm>>
        tpu.enqueue_indirect_dma source(%dma_start3A_306 : memref<10000x128xf32, #tpu.memory_space<hbm>>) target(%arg10 : memref<128x128xf32, #tpu.memory_space<vmem>>) offsets(%dma_start3A_303 : memref<128xi32, #tpu.memory_space<vmem>>) semaphore(%arg13 : memref<!tpu.dma_semaphore, #tpu.memory_space<semaphore_mem>>)
        %dma_wait3A_307 = arith.constant 0 : i32
        %dma_wait3A_308 = tpu.memref_slice %arg9[%add3A_268, %dma_wait3A_307] : memref<40x128xi32, #tpu.memory_space<vmem>> -> memref<1x128xi32, #tpu.memory_space<vmem>>
        %dma_wait3A_309 = tpu.memref_squeeze %dma_wait3A_308 : memref<1x128xi32, #tpu.memory_space<vmem>> -> memref<128xi32, #tpu.memory_space<vmem>>
        %dma_wait3A_310 = arith.constant 0 : i32
        %dma_wait3A_311 = arith.constant 0 : i32
        %dma_wait3A_312 = tpu.memref_slice %arg12[%dma_wait3A_310, %dma_wait3A_311] : memref<10016x128xf32, #tpu.memory_space<vmem_shared>> -> memref<10016x128xf32, #tpu.memory_space<vmem_shared>>
        tpu.wait_indirect_dma semaphore(%arg16 : memref<!tpu.dma_semaphore, #tpu.memory_space<semaphore_mem>>) src(%arg11 : memref<128x128xf32, #tpu.memory_space<vmem>>) dst(%dma_wait3A_312 : memref<10016x128xf32, #tpu.memory_space<vmem_shared>>)
        %add3A_313 = arith.constant 2 : i32
        %add3A_314 = arith.addi %add3A_268, %add3A_313 : i32
        %mul3A_315 = arith.constant 128 : i32
        %mul3A_316 = arith.muli %add3A_314, %mul3A_315 : i32
        %dma_start3A_317 = tpu.memref_slice %arg8[%mul3A_316] : memref<5120xi32, #tpu.memory_space<vmem>> -> memref<128xi32, #tpu.memory_space<vmem>>
        %dma_start3A_318 = arith.constant 0 : i32
        %dma_start3A_319 = arith.constant 0 : i32
        %dma_start3A_320 = tpu.memref_slice %arg2[%dma_start3A_318, %dma_start3A_319] : memref<10000x128xf32, #tpu.memory_space<hbm>> -> memref<10000x128xf32, #tpu.memory_space<hbm>>
        tpu.enqueue_indirect_dma source(%dma_start3A_320 : memref<10000x128xf32, #tpu.memory_space<hbm>>) target(%arg11 : memref<128x128xf32, #tpu.memory_space<vmem>>) offsets(%dma_start3A_317 : memref<128xi32, #tpu.memory_space<vmem>>) semaphore(%arg14 : memref<!tpu.dma_semaphore, #tpu.memory_space<semaphore_mem>>)
        %scan3A_321 = arith.constant 0 : i32
        scf.yield %scan3A_321 : i32
      }
      %scan3A_102 = arith.constant 19 : i32
      %dma_wait3A_103 = arith.constant 4864 : i32
      %dma_wait3A_104 = tpu.memref_slice %arg8[%dma_wait3A_103] : memref<5120xi32, #tpu.memory_space<vmem>> -> memref<128xi32, #tpu.memory_space<vmem>>
      %dma_wait3A_105 = arith.constant 0 : i32
      %dma_wait3A_106 = arith.constant 0 : i32
      %dma_wait3A_107 = tpu.memref_slice %arg2[%dma_wait3A_105, %dma_wait3A_106] : memref<10000x128xf32, #tpu.memory_space<hbm>> -> memref<10000x128xf32, #tpu.memory_space<hbm>>
      tpu.wait_indirect_dma semaphore(%arg13 : memref<!tpu.dma_semaphore, #tpu.memory_space<semaphore_mem>>) src(%dma_wait3A_107 : memref<10000x128xf32, #tpu.memory_space<hbm>>) dst(%arg10 : memref<128x128xf32, #tpu.memory_space<vmem>>)
      %dma_start3A_108 = arith.constant 38 : i32
      %dma_start3A_109 = arith.constant 0 : i32
      %dma_start3A_110 = tpu.memref_slice %arg9[%dma_start3A_108, %dma_start3A_109] : memref<40x128xi32, #tpu.memory_space<vmem>> -> memref<1x128xi32, #tpu.memory_space<vmem>>
      %dma_start3A_111 = tpu.memref_squeeze %dma_start3A_110 : memref<1x128xi32, #tpu.memory_space<vmem>> -> memref<128xi32, #tpu.memory_space<vmem>>
      %dma_start3A_112 = arith.constant 0 : i32
      %dma_start3A_113 = arith.constant 0 : i32
      %dma_start3A_114 = tpu.memref_slice %arg12[%dma_start3A_112, %dma_start3A_113] : memref<10016x128xf32, #tpu.memory_space<vmem_shared>> -> memref<10016x128xf32, #tpu.memory_space<vmem_shared>>
      tpu.enqueue_indirect_dma source(%arg10 : memref<128x128xf32, #tpu.memory_space<vmem>>) target(%dma_start3A_114 : memref<10016x128xf32, #tpu.memory_space<vmem_shared>>) offsets(%dma_start3A_111 : memref<128xi32, #tpu.memory_space<vmem>>) semaphore(%arg15 : memref<!tpu.dma_semaphore, #tpu.memory_space<semaphore_mem>>) {add = true}
      %dma_wait3A_115 = arith.constant 4992 : i32
      %dma_wait3A_116 = tpu.memref_slice %arg8[%dma_wait3A_115] : memref<5120xi32, #tpu.memory_space<vmem>> -> memref<128xi32, #tpu.memory_space<vmem>>
      %dma_wait3A_117 = arith.constant 0 : i32
      %dma_wait3A_118 = arith.constant 0 : i32
      %dma_wait3A_119 = tpu.memref_slice %arg2[%dma_wait3A_117, %dma_wait3A_118] : memref<10000x128xf32, #tpu.memory_space<hbm>> -> memref<10000x128xf32, #tpu.memory_space<hbm>>
      tpu.wait_indirect_dma semaphore(%arg14 : memref<!tpu.dma_semaphore, #tpu.memory_space<semaphore_mem>>) src(%dma_wait3A_119 : memref<10000x128xf32, #tpu.memory_space<hbm>>) dst(%arg11 : memref<128x128xf32, #tpu.memory_space<vmem>>)
      %dma_start3A_120 = arith.constant 39 : i32
      %dma_start3A_121 = arith.constant 0 : i32
      %dma_start3A_122 = tpu.memref_slice %arg9[%dma_start3A_120, %dma_start3A_121] : memref<40x128xi32, #tpu.memory_space<vmem>> -> memref<1x128xi32, #tpu.memory_space<vmem>>
      %dma_start3A_123 = tpu.memref_squeeze %dma_start3A_122 : memref<1x128xi32, #tpu.memory_space<vmem>> -> memref<128xi32, #tpu.memory_space<vmem>>
      %dma_start3A_124 = arith.constant 0 : i32
      %dma_start3A_125 = arith.constant 0 : i32
      %dma_start3A_126 = tpu.memref_slice %arg12[%dma_start3A_124, %dma_start3A_125] : memref<10016x128xf32, #tpu.memory_space<vmem_shared>> -> memref<10016x128xf32, #tpu.memory_space<vmem_shared>>
      tpu.enqueue_indirect_dma source(%arg11 : memref<128x128xf32, #tpu.memory_space<vmem>>) target(%dma_start3A_126 : memref<10016x128xf32, #tpu.memory_space<vmem_shared>>) offsets(%dma_start3A_123 : memref<128xi32, #tpu.memory_space<vmem>>) semaphore(%arg16 : memref<!tpu.dma_semaphore, #tpu.memory_space<semaphore_mem>>) {add = true}
      %dma_wait3A_127 = arith.constant 38 : i32
      %dma_wait3A_128 = arith.constant 0 : i32
      %dma_wait3A_129 = tpu.memref_slice %arg9[%dma_wait3A_127, %dma_wait3A_128] : memref<40x128xi32, #tpu.memory_space<vmem>> -> memref<1x128xi32, #tpu.memory_space<vmem>>
      %dma_wait3A_130 = tpu.memref_squeeze %dma_wait3A_129 : memref<1x128xi32, #tpu.memory_space<vmem>> -> memref<128xi32, #tpu.memory_space<vmem>>
      %dma_wait3A_131 = arith.constant 0 : i32
      %dma_wait3A_132 = arith.constant 0 : i32
      %dma_wait3A_133 = tpu.memref_slice %arg12[%dma_wait3A_131, %dma_wait3A_132] : memref<10016x128xf32, #tpu.memory_space<vmem_shared>> -> memref<10016x128xf32, #tpu.memory_space<vmem_shared>>
      tpu.wait_indirect_dma semaphore(%arg15 : memref<!tpu.dma_semaphore, #tpu.memory_space<semaphore_mem>>) src(%arg10 : memref<128x128xf32, #tpu.memory_space<vmem>>) dst(%dma_wait3A_133 : memref<10016x128xf32, #tpu.memory_space<vmem_shared>>)
      %dma_wait3A_134 = arith.constant 39 : i32
      %dma_wait3A_135 = arith.constant 0 : i32
      %dma_wait3A_136 = tpu.memref_slice %arg9[%dma_wait3A_134, %dma_wait3A_135] : memref<40x128xi32, #tpu.memory_space<vmem>> -> memref<1x128xi32, #tpu.memory_space<vmem>>
      %dma_wait3A_137 = tpu.memref_squeeze %dma_wait3A_136 : memref<1x128xi32, #tpu.memory_space<vmem>> -> memref<128xi32, #tpu.memory_space<vmem>>
      %dma_wait3A_138 = arith.constant 0 : i32
      %dma_wait3A_139 = arith.constant 0 : i32
      %dma_wait3A_140 = tpu.memref_slice %arg12[%dma_wait3A_138, %dma_wait3A_139] : memref<10016x128xf32, #tpu.memory_space<vmem_shared>> -> memref<10016x128xf32, #tpu.memory_space<vmem_shared>>
      tpu.wait_indirect_dma semaphore(%arg16 : memref<!tpu.dma_semaphore, #tpu.memory_space<semaphore_mem>>) src(%arg11 : memref<128x128xf32, #tpu.memory_space<vmem>>) dst(%dma_wait3A_140 : memref<10016x128xf32, #tpu.memory_space<vmem_shared>>)
      %add3A_141 = arith.constant 80 : i32
      %add3A_142 = arith.addi %mul3A_4, %add3A_141 : i32
      %add3A_143 = arith.constant 0 : i32
      %add3A_144 = arith.addi %add3A_142, %add3A_143 : i32
      %mul3A_145 = arith.constant 128 : i32
      %mul3A_146 = arith.muli %add3A_144, %mul3A_145 : i32
      "tpu.region"() ({
        %run_scoped3A = tpu.sem_alloc : memref<!tpu.dma_semaphore, #tpu.memory_space<semaphore_mem>>
        %dma_start3A_261 = tpu.memref_slice %arg4[%mul3A_146] : memref<327680xi32, #tpu.memory_space<hbm>> -> memref<5120xi32, #tpu.memory_space<hbm>>
        %dma_start3A_262 = tpu.memref_slice %arg4[%mul3A_146] : memref<327680xi32, #tpu.memory_space<hbm>> -> memref<5120xi32, #tpu.memory_space<hbm>>
        tpu.enqueue_dma source(%dma_start3A_262 : memref<5120xi32, #tpu.memory_space<hbm>>) target(%arg8 : memref<5120xi32, #tpu.memory_space<vmem>>) target_semaphore(%run_scoped3A : memref<!tpu.dma_semaphore, #tpu.memory_space<semaphore_mem>>)
        %dma_wait3A_263 = tpu.memref_slice %arg4[%mul3A_146] : memref<327680xi32, #tpu.memory_space<hbm>> -> memref<5120xi32, #tpu.memory_space<hbm>>
        %dma_wait3A_264 = tpu.memref_slice %arg4[%mul3A_146] : memref<327680xi32, #tpu.memory_space<hbm>> -> memref<5120xi32, #tpu.memory_space<hbm>>
        tpu.wait_dma2 semaphore(%run_scoped3A : memref<!tpu.dma_semaphore, #tpu.memory_space<semaphore_mem>>) src(%dma_wait3A_264 : memref<5120xi32, #tpu.memory_space<hbm>>) dst(%arg8 : memref<5120xi32, #tpu.memory_space<vmem>>)
        tpu.yield
      }) : () -> ()
      "tpu.region"() ({
        %run_scoped3A = tpu.sem_alloc : memref<!tpu.dma_semaphore, #tpu.memory_space<semaphore_mem>>
        %dma_start3A_261 = arith.constant 0 : i32
        %dma_start3A_262 = tpu.memref_slice %arg5[%add3A_144, %dma_start3A_261] : memref<2560x128xi32, #tpu.memory_space<hbm>> -> memref<40x128xi32, #tpu.memory_space<hbm>>
        %dma_start3A_263 = arith.constant 0 : i32
        %dma_start3A_264 = tpu.memref_slice %arg5[%add3A_144, %dma_start3A_263] : memref<2560x128xi32, #tpu.memory_space<hbm>> -> memref<40x128xi32, #tpu.memory_space<hbm>>
        tpu.enqueue_dma source(%dma_start3A_264 : memref<40x128xi32, #tpu.memory_space<hbm>>) target(%arg9 : memref<40x128xi32, #tpu.memory_space<vmem>>) target_semaphore(%run_scoped3A : memref<!tpu.dma_semaphore, #tpu.memory_space<semaphore_mem>>)
        %dma_wait3A_265 = arith.constant 0 : i32
        %dma_wait3A_266 = tpu.memref_slice %arg5[%add3A_144, %dma_wait3A_265] : memref<2560x128xi32, #tpu.memory_space<hbm>> -> memref<40x128xi32, #tpu.memory_space<hbm>>
        %dma_wait3A_267 = arith.constant 0 : i32
        %dma_wait3A_268 = tpu.memref_slice %arg5[%add3A_144, %dma_wait3A_267] : memref<2560x128xi32, #tpu.memory_space<hbm>> -> memref<40x128xi32, #tpu.memory_space<hbm>>
        tpu.wait_dma2 semaphore(%run_scoped3A : memref<!tpu.dma_semaphore, #tpu.memory_space<semaphore_mem>>) src(%dma_wait3A_268 : memref<40x128xi32, #tpu.memory_space<hbm>>) dst(%arg9 : memref<40x128xi32, #tpu.memory_space<vmem>>)
        tpu.yield
      }) : () -> ()
      %dma_start3A_147 = arith.constant 0 : i32
      %dma_start3A_148 = tpu.memref_slice %arg8[%dma_start3A_147] : memref<5120xi32, #tpu.memory_space<vmem>> -> memref<128xi32, #tpu.memory_space<vmem>>
      %dma_start3A_149 = arith.constant 0 : i32
      %dma_start3A_150 = arith.constant 0 : i32
      %dma_start3A_151 = tpu.memref_slice %arg2[%dma_start3A_149, %dma_start3A_150] : memref<10000x128xf32, #tpu.memory_space<hbm>> -> memref<10000x128xf32, #tpu.memory_space<hbm>>
      tpu.enqueue_indirect_dma source(%dma_start3A_151 : memref<10000x128xf32, #tpu.memory_space<hbm>>) target(%arg10 : memref<128x128xf32, #tpu.memory_space<vmem>>) offsets(%dma_start3A_148 : memref<128xi32, #tpu.memory_space<vmem>>) semaphore(%arg13 : memref<!tpu.dma_semaphore, #tpu.memory_space<semaphore_mem>>)
      %dma_start3A_152 = arith.constant 128 : i32
      %dma_start3A_153 = tpu.memref_slice %arg8[%dma_start3A_152] : memref<5120xi32, #tpu.memory_space<vmem>> -> memref<128xi32, #tpu.memory_space<vmem>>
      %dma_start3A_154 = arith.constant 0 : i32
      %dma_start3A_155 = arith.constant 0 : i32
      %dma_start3A_156 = tpu.memref_slice %arg2[%dma_start3A_154, %dma_start3A_155] : memref<10000x128xf32, #tpu.memory_space<hbm>> -> memref<10000x128xf32, #tpu.memory_space<hbm>>
      tpu.enqueue_indirect_dma source(%dma_start3A_156 : memref<10000x128xf32, #tpu.memory_space<hbm>>) target(%arg11 : memref<128x128xf32, #tpu.memory_space<vmem>>) offsets(%dma_start3A_153 : memref<128xi32, #tpu.memory_space<vmem>>) semaphore(%arg14 : memref<!tpu.dma_semaphore, #tpu.memory_space<semaphore_mem>>)
      %scan3A_157 = arith.constant 0 : i32
      %scan3A_158 = arith.constant 0 : i32
      %scan3A_159 = arith.constant 19 : i32
      %scan3A_160 = arith.addi %scan3A_158, %scan3A_159 : i32
      %scan3A_161 = arith.constant 1 : i32
      %scan3A_162 = scf.for %scan3A_261 = %scan3A_158 to %scan3A_160 step %scan3A_161 iter_args(%scan3A_262 = %scan3A_157) -> (i32)  : i32 {
        %mul3A_263 = arith.constant 2 : i32
        %mul3A_264 = arith.muli %mul3A_263, %scan3A_261 : i32
        %mul3A_265 = arith.constant 2 : i32
        %mul3A_266 = arith.muli %mul3A_265, %scan3A_261 : i32
        %add3A_267 = arith.constant 1 : i32
        %add3A_268 = arith.addi %mul3A_266, %add3A_267 : i32
        %mul3A_269 = arith.constant 128 : i32
        %mul3A_270 = arith.muli %mul3A_264, %mul3A_269 : i32
        %dma_wait3A_271 = tpu.memref_slice %arg8[%mul3A_270] : memref<5120xi32, #tpu.memory_space<vmem>> -> memref<128xi32, #tpu.memory_space<vmem>>
        %dma_wait3A_272 = arith.constant 0 : i32
        %dma_wait3A_273 = arith.constant 0 : i32
        %dma_wait3A_274 = tpu.memref_slice %arg2[%dma_wait3A_272, %dma_wait3A_273] : memref<10000x128xf32, #tpu.memory_space<hbm>> -> memref<10000x128xf32, #tpu.memory_space<hbm>>
        tpu.wait_indirect_dma semaphore(%arg13 : memref<!tpu.dma_semaphore, #tpu.memory_space<semaphore_mem>>) src(%dma_wait3A_274 : memref<10000x128xf32, #tpu.memory_space<hbm>>) dst(%arg10 : memref<128x128xf32, #tpu.memory_space<vmem>>)
        %dma_start3A_275 = arith.constant 0 : i32
        %dma_start3A_276 = tpu.memref_slice %arg9[%mul3A_264, %dma_start3A_275] : memref<40x128xi32, #tpu.memory_space<vmem>> -> memref<1x128xi32, #tpu.memory_space<vmem>>
        %dma_start3A_277 = tpu.memref_squeeze %dma_start3A_276 : memref<1x128xi32, #tpu.memory_space<vmem>> -> memref<128xi32, #tpu.memory_space<vmem>>
        %dma_start3A_278 = arith.constant 0 : i32
        %dma_start3A_279 = arith.constant 0 : i32
        %dma_start3A_280 = tpu.memref_slice %arg12[%dma_start3A_278, %dma_start3A_279] : memref<10016x128xf32, #tpu.memory_space<vmem_shared>> -> memref<10016x128xf32, #tpu.memory_space<vmem_shared>>
        tpu.enqueue_indirect_dma source(%arg10 : memref<128x128xf32, #tpu.memory_space<vmem>>) target(%dma_start3A_280 : memref<10016x128xf32, #tpu.memory_space<vmem_shared>>) offsets(%dma_start3A_277 : memref<128xi32, #tpu.memory_space<vmem>>) semaphore(%arg15 : memref<!tpu.dma_semaphore, #tpu.memory_space<semaphore_mem>>) {add = true}
        %mul3A_281 = arith.constant 128 : i32
        %mul3A_282 = arith.muli %add3A_268, %mul3A_281 : i32
        %dma_wait3A_283 = tpu.memref_slice %arg8[%mul3A_282] : memref<5120xi32, #tpu.memory_space<vmem>> -> memref<128xi32, #tpu.memory_space<vmem>>
        %dma_wait3A_284 = arith.constant 0 : i32
        %dma_wait3A_285 = arith.constant 0 : i32
        %dma_wait3A_286 = tpu.memref_slice %arg2[%dma_wait3A_284, %dma_wait3A_285] : memref<10000x128xf32, #tpu.memory_space<hbm>> -> memref<10000x128xf32, #tpu.memory_space<hbm>>
        tpu.wait_indirect_dma semaphore(%arg14 : memref<!tpu.dma_semaphore, #tpu.memory_space<semaphore_mem>>) src(%dma_wait3A_286 : memref<10000x128xf32, #tpu.memory_space<hbm>>) dst(%arg11 : memref<128x128xf32, #tpu.memory_space<vmem>>)
        %dma_start3A_287 = arith.constant 0 : i32
        %dma_start3A_288 = tpu.memref_slice %arg9[%add3A_268, %dma_start3A_287] : memref<40x128xi32, #tpu.memory_space<vmem>> -> memref<1x128xi32, #tpu.memory_space<vmem>>
        %dma_start3A_289 = tpu.memref_squeeze %dma_start3A_288 : memref<1x128xi32, #tpu.memory_space<vmem>> -> memref<128xi32, #tpu.memory_space<vmem>>
        %dma_start3A_290 = arith.constant 0 : i32
        %dma_start3A_291 = arith.constant 0 : i32
        %dma_start3A_292 = tpu.memref_slice %arg12[%dma_start3A_290, %dma_start3A_291] : memref<10016x128xf32, #tpu.memory_space<vmem_shared>> -> memref<10016x128xf32, #tpu.memory_space<vmem_shared>>
        tpu.enqueue_indirect_dma source(%arg11 : memref<128x128xf32, #tpu.memory_space<vmem>>) target(%dma_start3A_292 : memref<10016x128xf32, #tpu.memory_space<vmem_shared>>) offsets(%dma_start3A_289 : memref<128xi32, #tpu.memory_space<vmem>>) semaphore(%arg16 : memref<!tpu.dma_semaphore, #tpu.memory_space<semaphore_mem>>) {add = true}
        %dma_wait3A_293 = arith.constant 0 : i32
        %dma_wait3A_294 = tpu.memref_slice %arg9[%mul3A_264, %dma_wait3A_293] : memref<40x128xi32, #tpu.memory_space<vmem>> -> memref<1x128xi32, #tpu.memory_space<vmem>>
        %dma_wait3A_295 = tpu.memref_squeeze %dma_wait3A_294 : memref<1x128xi32, #tpu.memory_space<vmem>> -> memref<128xi32, #tpu.memory_space<vmem>>
        %dma_wait3A_296 = arith.constant 0 : i32
        %dma_wait3A_297 = arith.constant 0 : i32
        %dma_wait3A_298 = tpu.memref_slice %arg12[%dma_wait3A_296, %dma_wait3A_297] : memref<10016x128xf32, #tpu.memory_space<vmem_shared>> -> memref<10016x128xf32, #tpu.memory_space<vmem_shared>>
        tpu.wait_indirect_dma semaphore(%arg15 : memref<!tpu.dma_semaphore, #tpu.memory_space<semaphore_mem>>) src(%arg10 : memref<128x128xf32, #tpu.memory_space<vmem>>) dst(%dma_wait3A_298 : memref<10016x128xf32, #tpu.memory_space<vmem_shared>>)
        %add3A_299 = arith.constant 2 : i32
        %add3A_300 = arith.addi %mul3A_264, %add3A_299 : i32
        %mul3A_301 = arith.constant 128 : i32
        %mul3A_302 = arith.muli %add3A_300, %mul3A_301 : i32
        %dma_start3A_303 = tpu.memref_slice %arg8[%mul3A_302] : memref<5120xi32, #tpu.memory_space<vmem>> -> memref<128xi32, #tpu.memory_space<vmem>>
        %dma_start3A_304 = arith.constant 0 : i32
        %dma_start3A_305 = arith.constant 0 : i32
        %dma_start3A_306 = tpu.memref_slice %arg2[%dma_start3A_304, %dma_start3A_305] : memref<10000x128xf32, #tpu.memory_space<hbm>> -> memref<10000x128xf32, #tpu.memory_space<hbm>>
        tpu.enqueue_indirect_dma source(%dma_start3A_306 : memref<10000x128xf32, #tpu.memory_space<hbm>>) target(%arg10 : memref<128x128xf32, #tpu.memory_space<vmem>>) offsets(%dma_start3A_303 : memref<128xi32, #tpu.memory_space<vmem>>) semaphore(%arg13 : memref<!tpu.dma_semaphore, #tpu.memory_space<semaphore_mem>>)
        %dma_wait3A_307 = arith.constant 0 : i32
        %dma_wait3A_308 = tpu.memref_slice %arg9[%add3A_268, %dma_wait3A_307] : memref<40x128xi32, #tpu.memory_space<vmem>> -> memref<1x128xi32, #tpu.memory_space<vmem>>
        %dma_wait3A_309 = tpu.memref_squeeze %dma_wait3A_308 : memref<1x128xi32, #tpu.memory_space<vmem>> -> memref<128xi32, #tpu.memory_space<vmem>>
        %dma_wait3A_310 = arith.constant 0 : i32
        %dma_wait3A_311 = arith.constant 0 : i32
        %dma_wait3A_312 = tpu.memref_slice %arg12[%dma_wait3A_310, %dma_wait3A_311] : memref<10016x128xf32, #tpu.memory_space<vmem_shared>> -> memref<10016x128xf32, #tpu.memory_space<vmem_shared>>
        tpu.wait_indirect_dma semaphore(%arg16 : memref<!tpu.dma_semaphore, #tpu.memory_space<semaphore_mem>>) src(%arg11 : memref<128x128xf32, #tpu.memory_space<vmem>>) dst(%dma_wait3A_312 : memref<10016x128xf32, #tpu.memory_space<vmem_shared>>)
        %add3A_313 = arith.constant 2 : i32
        %add3A_314 = arith.addi %add3A_268, %add3A_313 : i32
        %mul3A_315 = arith.constant 128 : i32
        %mul3A_316 = arith.muli %add3A_314, %mul3A_315 : i32
        %dma_start3A_317 = tpu.memref_slice %arg8[%mul3A_316] : memref<5120xi32, #tpu.memory_space<vmem>> -> memref<128xi32, #tpu.memory_space<vmem>>
        %dma_start3A_318 = arith.constant 0 : i32
        %dma_start3A_319 = arith.constant 0 : i32
        %dma_start3A_320 = tpu.memref_slice %arg2[%dma_start3A_318, %dma_start3A_319] : memref<10000x128xf32, #tpu.memory_space<hbm>> -> memref<10000x128xf32, #tpu.memory_space<hbm>>
        tpu.enqueue_indirect_dma source(%dma_start3A_320 : memref<10000x128xf32, #tpu.memory_space<hbm>>) target(%arg11 : memref<128x128xf32, #tpu.memory_space<vmem>>) offsets(%dma_start3A_317 : memref<128xi32, #tpu.memory_space<vmem>>) semaphore(%arg14 : memref<!tpu.dma_semaphore, #tpu.memory_space<semaphore_mem>>)
        %scan3A_321 = arith.constant 0 : i32
        scf.yield %scan3A_321 : i32
      }
      %scan3A_163 = arith.constant 19 : i32
      %dma_wait3A_164 = arith.constant 4864 : i32
      %dma_wait3A_165 = tpu.memref_slice %arg8[%dma_wait3A_164] : memref<5120xi32, #tpu.memory_space<vmem>> -> memref<128xi32, #tpu.memory_space<vmem>>
      %dma_wait3A_166 = arith.constant 0 : i32
      %dma_wait3A_167 = arith.constant 0 : i32
      %dma_wait3A_168 = tpu.memref_slice %arg2[%dma_wait3A_166, %dma_wait3A_167] : memref<10000x128xf32, #tpu.memory_space<hbm>> -> memref<10000x128xf32, #tpu.memory_space<hbm>>
      tpu.wait_indirect_dma semaphore(%arg13 : memref<!tpu.dma_semaphore, #tpu.memory_space<semaphore_mem>>) src(%dma_wait3A_168 : memref<10000x128xf32, #tpu.memory_space<hbm>>) dst(%arg10 : memref<128x128xf32, #tpu.memory_space<vmem>>)
      %dma_start3A_169 = arith.constant 38 : i32
      %dma_start3A_170 = arith.constant 0 : i32
      %dma_start3A_171 = tpu.memref_slice %arg9[%dma_start3A_169, %dma_start3A_170] : memref<40x128xi32, #tpu.memory_space<vmem>> -> memref<1x128xi32, #tpu.memory_space<vmem>>
      %dma_start3A_172 = tpu.memref_squeeze %dma_start3A_171 : memref<1x128xi32, #tpu.memory_space<vmem>> -> memref<128xi32, #tpu.memory_space<vmem>>
      %dma_start3A_173 = arith.constant 0 : i32
      %dma_start3A_174 = arith.constant 0 : i32
      %dma_start3A_175 = tpu.memref_slice %arg12[%dma_start3A_173, %dma_start3A_174] : memref<10016x128xf32, #tpu.memory_space<vmem_shared>> -> memref<10016x128xf32, #tpu.memory_space<vmem_shared>>
      tpu.enqueue_indirect_dma source(%arg10 : memref<128x128xf32, #tpu.memory_space<vmem>>) target(%dma_start3A_175 : memref<10016x128xf32, #tpu.memory_space<vmem_shared>>) offsets(%dma_start3A_172 : memref<128xi32, #tpu.memory_space<vmem>>) semaphore(%arg15 : memref<!tpu.dma_semaphore, #tpu.memory_space<semaphore_mem>>) {add = true}
      %dma_wait3A_176 = arith.constant 4992 : i32
      %dma_wait3A_177 = tpu.memref_slice %arg8[%dma_wait3A_176] : memref<5120xi32, #tpu.memory_space<vmem>> -> memref<128xi32, #tpu.memory_space<vmem>>
      %dma_wait3A_178 = arith.constant 0 : i32
      %dma_wait3A_179 = arith.constant 0 : i32
      %dma_wait3A_180 = tpu.memref_slice %arg2[%dma_wait3A_178, %dma_wait3A_179] : memref<10000x128xf32, #tpu.memory_space<hbm>> -> memref<10000x128xf32, #tpu.memory_space<hbm>>
      tpu.wait_indirect_dma semaphore(%arg14 : memref<!tpu.dma_semaphore, #tpu.memory_space<semaphore_mem>>) src(%dma_wait3A_180 : memref<10000x128xf32, #tpu.memory_space<hbm>>) dst(%arg11 : memref<128x128xf32, #tpu.memory_space<vmem>>)
      %dma_start3A_181 = arith.constant 39 : i32
      %dma_start3A_182 = arith.constant 0 : i32
      %dma_start3A_183 = tpu.memref_slice %arg9[%dma_start3A_181, %dma_start3A_182] : memref<40x128xi32, #tpu.memory_space<vmem>> -> memref<1x128xi32, #tpu.memory_space<vmem>>
      %dma_start3A_184 = tpu.memref_squeeze %dma_start3A_183 : memref<1x128xi32, #tpu.memory_space<vmem>> -> memref<128xi32, #tpu.memory_space<vmem>>
      %dma_start3A_185 = arith.constant 0 : i32
      %dma_start3A_186 = arith.constant 0 : i32
      %dma_start3A_187 = tpu.memref_slice %arg12[%dma_start3A_185, %dma_start3A_186] : memref<10016x128xf32, #tpu.memory_space<vmem_shared>> -> memref<10016x128xf32, #tpu.memory_space<vmem_shared>>
      tpu.enqueue_indirect_dma source(%arg11 : memref<128x128xf32, #tpu.memory_space<vmem>>) target(%dma_start3A_187 : memref<10016x128xf32, #tpu.memory_space<vmem_shared>>) offsets(%dma_start3A_184 : memref<128xi32, #tpu.memory_space<vmem>>) semaphore(%arg16 : memref<!tpu.dma_semaphore, #tpu.memory_space<semaphore_mem>>) {add = true}
      %dma_wait3A_188 = arith.constant 38 : i32
      %dma_wait3A_189 = arith.constant 0 : i32
      %dma_wait3A_190 = tpu.memref_slice %arg9[%dma_wait3A_188, %dma_wait3A_189] : memref<40x128xi32, #tpu.memory_space<vmem>> -> memref<1x128xi32, #tpu.memory_space<vmem>>
      %dma_wait3A_191 = tpu.memref_squeeze %dma_wait3A_190 : memref<1x128xi32, #tpu.memory_space<vmem>> -> memref<128xi32, #tpu.memory_space<vmem>>
      %dma_wait3A_192 = arith.constant 0 : i32
      %dma_wait3A_193 = arith.constant 0 : i32
      %dma_wait3A_194 = tpu.memref_slice %arg12[%dma_wait3A_192, %dma_wait3A_193] : memref<10016x128xf32, #tpu.memory_space<vmem_shared>> -> memref<10016x128xf32, #tpu.memory_space<vmem_shared>>
      tpu.wait_indirect_dma semaphore(%arg15 : memref<!tpu.dma_semaphore, #tpu.memory_space<semaphore_mem>>) src(%arg10 : memref<128x128xf32, #tpu.memory_space<vmem>>) dst(%dma_wait3A_194 : memref<10016x128xf32, #tpu.memory_space<vmem_shared>>)
      %dma_wait3A_195 = arith.constant 39 : i32
      %dma_wait3A_196 = arith.constant 0 : i32
      %dma_wait3A_197 = tpu.memref_slice %arg9[%dma_wait3A_195, %dma_wait3A_196] : memref<40x128xi32, #tpu.memory_space<vmem>> -> memref<1x128xi32, #tpu.memory_space<vmem>>
      %dma_wait3A_198 = tpu.memref_squeeze %dma_wait3A_197 : memref<1x128xi32, #tpu.memory_space<vmem>> -> memref<128xi32, #tpu.memory_space<vmem>>
      %dma_wait3A_199 = arith.constant 0 : i32
      %dma_wait3A_200 = arith.constant 0 : i32
      %dma_wait3A_201 = tpu.memref_slice %arg12[%dma_wait3A_199, %dma_wait3A_200] : memref<10016x128xf32, #tpu.memory_space<vmem_shared>> -> memref<10016x128xf32, #tpu.memory_space<vmem_shared>>
      tpu.wait_indirect_dma semaphore(%arg16 : memref<!tpu.dma_semaphore, #tpu.memory_space<semaphore_mem>>) src(%arg11 : memref<128x128xf32, #tpu.memory_space<vmem>>) dst(%dma_wait3A_201 : memref<10016x128xf32, #tpu.memory_space<vmem_shared>>)
      %add3A_202 = arith.constant 40 : i32
      %add3A_203 = arith.addi %add3A_142, %add3A_202 : i32
      %mul3A_204 = arith.constant 128 : i32
      %mul3A_205 = arith.muli %add3A_203, %mul3A_204 : i32
      "tpu.region"() ({
        %run_scoped3A = tpu.sem_alloc : memref<!tpu.dma_semaphore, #tpu.memory_space<semaphore_mem>>
        %dma_start3A_261 = tpu.memref_slice %arg4[%mul3A_205] : memref<327680xi32, #tpu.memory_space<hbm>> -> memref<5120xi32, #tpu.memory_space<hbm>>
        %dma_start3A_262 = tpu.memref_slice %arg4[%mul3A_205] : memref<327680xi32, #tpu.memory_space<hbm>> -> memref<5120xi32, #tpu.memory_space<hbm>>
        tpu.enqueue_dma source(%dma_start3A_262 : memref<5120xi32, #tpu.memory_space<hbm>>) target(%arg8 : memref<5120xi32, #tpu.memory_space<vmem>>) target_semaphore(%run_scoped3A : memref<!tpu.dma_semaphore, #tpu.memory_space<semaphore_mem>>)
        %dma_wait3A_263 = tpu.memref_slice %arg4[%mul3A_205] : memref<327680xi32, #tpu.memory_space<hbm>> -> memref<5120xi32, #tpu.memory_space<hbm>>
        %dma_wait3A_264 = tpu.memref_slice %arg4[%mul3A_205] : memref<327680xi32, #tpu.memory_space<hbm>> -> memref<5120xi32, #tpu.memory_space<hbm>>
        tpu.wait_dma2 semaphore(%run_scoped3A : memref<!tpu.dma_semaphore, #tpu.memory_space<semaphore_mem>>) src(%dma_wait3A_264 : memref<5120xi32, #tpu.memory_space<hbm>>) dst(%arg8 : memref<5120xi32, #tpu.memory_space<vmem>>)
        tpu.yield
      }) : () -> ()
      "tpu.region"() ({
        %run_scoped3A = tpu.sem_alloc : memref<!tpu.dma_semaphore, #tpu.memory_space<semaphore_mem>>
        %dma_start3A_261 = arith.constant 0 : i32
        %dma_start3A_262 = tpu.memref_slice %arg5[%add3A_203, %dma_start3A_261] : memref<2560x128xi32, #tpu.memory_space<hbm>> -> memref<40x128xi32, #tpu.memory_space<hbm>>
        %dma_start3A_263 = arith.constant 0 : i32
        %dma_start3A_264 = tpu.memref_slice %arg5[%add3A_203, %dma_start3A_263] : memref<2560x128xi32, #tpu.memory_space<hbm>> -> memref<40x128xi32, #tpu.memory_space<hbm>>
        tpu.enqueue_dma source(%dma_start3A_264 : memref<40x128xi32, #tpu.memory_space<hbm>>) target(%arg9 : memref<40x128xi32, #tpu.memory_space<vmem>>) target_semaphore(%run_scoped3A : memref<!tpu.dma_semaphore, #tpu.memory_space<semaphore_mem>>)
        %dma_wait3A_265 = arith.constant 0 : i32
        %dma_wait3A_266 = tpu.memref_slice %arg5[%add3A_203, %dma_wait3A_265] : memref<2560x128xi32, #tpu.memory_space<hbm>> -> memref<40x128xi32, #tpu.memory_space<hbm>>
        %dma_wait3A_267 = arith.constant 0 : i32
        %dma_wait3A_268 = tpu.memref_slice %arg5[%add3A_203, %dma_wait3A_267] : memref<2560x128xi32, #tpu.memory_space<hbm>> -> memref<40x128xi32, #tpu.memory_space<hbm>>
        tpu.wait_dma2 semaphore(%run_scoped3A : memref<!tpu.dma_semaphore, #tpu.memory_space<semaphore_mem>>) src(%dma_wait3A_268 : memref<40x128xi32, #tpu.memory_space<hbm>>) dst(%arg9 : memref<40x128xi32, #tpu.memory_space<vmem>>)
        tpu.yield
      }) : () -> ()
      %dma_start3A_206 = arith.constant 0 : i32
      %dma_start3A_207 = tpu.memref_slice %arg8[%dma_start3A_206] : memref<5120xi32, #tpu.memory_space<vmem>> -> memref<128xi32, #tpu.memory_space<vmem>>
      %dma_start3A_208 = arith.constant 0 : i32
      %dma_start3A_209 = arith.constant 0 : i32
      %dma_start3A_210 = tpu.memref_slice %arg2[%dma_start3A_208, %dma_start3A_209] : memref<10000x128xf32, #tpu.memory_space<hbm>> -> memref<10000x128xf32, #tpu.memory_space<hbm>>
      tpu.enqueue_indirect_dma source(%dma_start3A_210 : memref<10000x128xf32, #tpu.memory_space<hbm>>) target(%arg10 : memref<128x128xf32, #tpu.memory_space<vmem>>) offsets(%dma_start3A_207 : memref<128xi32, #tpu.memory_space<vmem>>) semaphore(%arg13 : memref<!tpu.dma_semaphore, #tpu.memory_space<semaphore_mem>>)
      %dma_start3A_211 = arith.constant 128 : i32
      %dma_start3A_212 = tpu.memref_slice %arg8[%dma_start3A_211] : memref<5120xi32, #tpu.memory_space<vmem>> -> memref<128xi32, #tpu.memory_space<vmem>>
      %dma_start3A_213 = arith.constant 0 : i32
      %dma_start3A_214 = arith.constant 0 : i32
      %dma_start3A_215 = tpu.memref_slice %arg2[%dma_start3A_213, %dma_start3A_214] : memref<10000x128xf32, #tpu.memory_space<hbm>> -> memref<10000x128xf32, #tpu.memory_space<hbm>>
      tpu.enqueue_indirect_dma source(%dma_start3A_215 : memref<10000x128xf32, #tpu.memory_space<hbm>>) target(%arg11 : memref<128x128xf32, #tpu.memory_space<vmem>>) offsets(%dma_start3A_212 : memref<128xi32, #tpu.memory_space<vmem>>) semaphore(%arg14 : memref<!tpu.dma_semaphore, #tpu.memory_space<semaphore_mem>>)
      %scan3A_216 = arith.constant 0 : i32
      %scan3A_217 = arith.constant 0 : i32
      %scan3A_218 = arith.constant 19 : i32
      %scan3A_219 = arith.addi %scan3A_217, %scan3A_218 : i32
      %scan3A_220 = arith.constant 1 : i32
      %scan3A_221 = scf.for %scan3A_261 = %scan3A_217 to %scan3A_219 step %scan3A_220 iter_args(%scan3A_262 = %scan3A_216) -> (i32)  : i32 {
        %mul3A_263 = arith.constant 2 : i32
        %mul3A_264 = arith.muli %mul3A_263, %scan3A_261 : i32
        %mul3A_265 = arith.constant 2 : i32
        %mul3A_266 = arith.muli %mul3A_265, %scan3A_261 : i32
        %add3A_267 = arith.constant 1 : i32
        %add3A_268 = arith.addi %mul3A_266, %add3A_267 : i32
        %mul3A_269 = arith.constant 128 : i32
        %mul3A_270 = arith.muli %mul3A_264, %mul3A_269 : i32
        %dma_wait3A_271 = tpu.memref_slice %arg8[%mul3A_270] : memref<5120xi32, #tpu.memory_space<vmem>> -> memref<128xi32, #tpu.memory_space<vmem>>
        %dma_wait3A_272 = arith.constant 0 : i32
        %dma_wait3A_273 = arith.constant 0 : i32
        %dma_wait3A_274 = tpu.memref_slice %arg2[%dma_wait3A_272, %dma_wait3A_273] : memref<10000x128xf32, #tpu.memory_space<hbm>> -> memref<10000x128xf32, #tpu.memory_space<hbm>>
        tpu.wait_indirect_dma semaphore(%arg13 : memref<!tpu.dma_semaphore, #tpu.memory_space<semaphore_mem>>) src(%dma_wait3A_274 : memref<10000x128xf32, #tpu.memory_space<hbm>>) dst(%arg10 : memref<128x128xf32, #tpu.memory_space<vmem>>)
        %dma_start3A_275 = arith.constant 0 : i32
        %dma_start3A_276 = tpu.memref_slice %arg9[%mul3A_264, %dma_start3A_275] : memref<40x128xi32, #tpu.memory_space<vmem>> -> memref<1x128xi32, #tpu.memory_space<vmem>>
        %dma_start3A_277 = tpu.memref_squeeze %dma_start3A_276 : memref<1x128xi32, #tpu.memory_space<vmem>> -> memref<128xi32, #tpu.memory_space<vmem>>
        %dma_start3A_278 = arith.constant 0 : i32
        %dma_start3A_279 = arith.constant 0 : i32
        %dma_start3A_280 = tpu.memref_slice %arg12[%dma_start3A_278, %dma_start3A_279] : memref<10016x128xf32, #tpu.memory_space<vmem_shared>> -> memref<10016x128xf32, #tpu.memory_space<vmem_shared>>
        tpu.enqueue_indirect_dma source(%arg10 : memref<128x128xf32, #tpu.memory_space<vmem>>) target(%dma_start3A_280 : memref<10016x128xf32, #tpu.memory_space<vmem_shared>>) offsets(%dma_start3A_277 : memref<128xi32, #tpu.memory_space<vmem>>) semaphore(%arg15 : memref<!tpu.dma_semaphore, #tpu.memory_space<semaphore_mem>>) {add = true}
        %mul3A_281 = arith.constant 128 : i32
        %mul3A_282 = arith.muli %add3A_268, %mul3A_281 : i32
        %dma_wait3A_283 = tpu.memref_slice %arg8[%mul3A_282] : memref<5120xi32, #tpu.memory_space<vmem>> -> memref<128xi32, #tpu.memory_space<vmem>>
        %dma_wait3A_284 = arith.constant 0 : i32
        %dma_wait3A_285 = arith.constant 0 : i32
        %dma_wait3A_286 = tpu.memref_slice %arg2[%dma_wait3A_284, %dma_wait3A_285] : memref<10000x128xf32, #tpu.memory_space<hbm>> -> memref<10000x128xf32, #tpu.memory_space<hbm>>
        tpu.wait_indirect_dma semaphore(%arg14 : memref<!tpu.dma_semaphore, #tpu.memory_space<semaphore_mem>>) src(%dma_wait3A_286 : memref<10000x128xf32, #tpu.memory_space<hbm>>) dst(%arg11 : memref<128x128xf32, #tpu.memory_space<vmem>>)
        %dma_start3A_287 = arith.constant 0 : i32
        %dma_start3A_288 = tpu.memref_slice %arg9[%add3A_268, %dma_start3A_287] : memref<40x128xi32, #tpu.memory_space<vmem>> -> memref<1x128xi32, #tpu.memory_space<vmem>>
        %dma_start3A_289 = tpu.memref_squeeze %dma_start3A_288 : memref<1x128xi32, #tpu.memory_space<vmem>> -> memref<128xi32, #tpu.memory_space<vmem>>
        %dma_start3A_290 = arith.constant 0 : i32
        %dma_start3A_291 = arith.constant 0 : i32
        %dma_start3A_292 = tpu.memref_slice %arg12[%dma_start3A_290, %dma_start3A_291] : memref<10016x128xf32, #tpu.memory_space<vmem_shared>> -> memref<10016x128xf32, #tpu.memory_space<vmem_shared>>
        tpu.enqueue_indirect_dma source(%arg11 : memref<128x128xf32, #tpu.memory_space<vmem>>) target(%dma_start3A_292 : memref<10016x128xf32, #tpu.memory_space<vmem_shared>>) offsets(%dma_start3A_289 : memref<128xi32, #tpu.memory_space<vmem>>) semaphore(%arg16 : memref<!tpu.dma_semaphore, #tpu.memory_space<semaphore_mem>>) {add = true}
        %dma_wait3A_293 = arith.constant 0 : i32
        %dma_wait3A_294 = tpu.memref_slice %arg9[%mul3A_264, %dma_wait3A_293] : memref<40x128xi32, #tpu.memory_space<vmem>> -> memref<1x128xi32, #tpu.memory_space<vmem>>
        %dma_wait3A_295 = tpu.memref_squeeze %dma_wait3A_294 : memref<1x128xi32, #tpu.memory_space<vmem>> -> memref<128xi32, #tpu.memory_space<vmem>>
        %dma_wait3A_296 = arith.constant 0 : i32
        %dma_wait3A_297 = arith.constant 0 : i32
        %dma_wait3A_298 = tpu.memref_slice %arg12[%dma_wait3A_296, %dma_wait3A_297] : memref<10016x128xf32, #tpu.memory_space<vmem_shared>> -> memref<10016x128xf32, #tpu.memory_space<vmem_shared>>
        tpu.wait_indirect_dma semaphore(%arg15 : memref<!tpu.dma_semaphore, #tpu.memory_space<semaphore_mem>>) src(%arg10 : memref<128x128xf32, #tpu.memory_space<vmem>>) dst(%dma_wait3A_298 : memref<10016x128xf32, #tpu.memory_space<vmem_shared>>)
        %add3A_299 = arith.constant 2 : i32
        %add3A_300 = arith.addi %mul3A_264, %add3A_299 : i32
        %mul3A_301 = arith.constant 128 : i32
        %mul3A_302 = arith.muli %add3A_300, %mul3A_301 : i32
        %dma_start3A_303 = tpu.memref_slice %arg8[%mul3A_302] : memref<5120xi32, #tpu.memory_space<vmem>> -> memref<128xi32, #tpu.memory_space<vmem>>
        %dma_start3A_304 = arith.constant 0 : i32
        %dma_start3A_305 = arith.constant 0 : i32
        %dma_start3A_306 = tpu.memref_slice %arg2[%dma_start3A_304, %dma_start3A_305] : memref<10000x128xf32, #tpu.memory_space<hbm>> -> memref<10000x128xf32, #tpu.memory_space<hbm>>
        tpu.enqueue_indirect_dma source(%dma_start3A_306 : memref<10000x128xf32, #tpu.memory_space<hbm>>) target(%arg10 : memref<128x128xf32, #tpu.memory_space<vmem>>) offsets(%dma_start3A_303 : memref<128xi32, #tpu.memory_space<vmem>>) semaphore(%arg13 : memref<!tpu.dma_semaphore, #tpu.memory_space<semaphore_mem>>)
        %dma_wait3A_307 = arith.constant 0 : i32
        %dma_wait3A_308 = tpu.memref_slice %arg9[%add3A_268, %dma_wait3A_307] : memref<40x128xi32, #tpu.memory_space<vmem>> -> memref<1x128xi32, #tpu.memory_space<vmem>>
        %dma_wait3A_309 = tpu.memref_squeeze %dma_wait3A_308 : memref<1x128xi32, #tpu.memory_space<vmem>> -> memref<128xi32, #tpu.memory_space<vmem>>
        %dma_wait3A_310 = arith.constant 0 : i32
        %dma_wait3A_311 = arith.constant 0 : i32
        %dma_wait3A_312 = tpu.memref_slice %arg12[%dma_wait3A_310, %dma_wait3A_311] : memref<10016x128xf32, #tpu.memory_space<vmem_shared>> -> memref<10016x128xf32, #tpu.memory_space<vmem_shared>>
        tpu.wait_indirect_dma semaphore(%arg16 : memref<!tpu.dma_semaphore, #tpu.memory_space<semaphore_mem>>) src(%arg11 : memref<128x128xf32, #tpu.memory_space<vmem>>) dst(%dma_wait3A_312 : memref<10016x128xf32, #tpu.memory_space<vmem_shared>>)
        %add3A_313 = arith.constant 2 : i32
        %add3A_314 = arith.addi %add3A_268, %add3A_313 : i32
        %mul3A_315 = arith.constant 128 : i32
        %mul3A_316 = arith.muli %add3A_314, %mul3A_315 : i32
        %dma_start3A_317 = tpu.memref_slice %arg8[%mul3A_316] : memref<5120xi32, #tpu.memory_space<vmem>> -> memref<128xi32, #tpu.memory_space<vmem>>
        %dma_start3A_318 = arith.constant 0 : i32
        %dma_start3A_319 = arith.constant 0 : i32
        %dma_start3A_320 = tpu.memref_slice %arg2[%dma_start3A_318, %dma_start3A_319] : memref<10000x128xf32, #tpu.memory_space<hbm>> -> memref<10000x128xf32, #tpu.memory_space<hbm>>
        tpu.enqueue_indirect_dma source(%dma_start3A_320 : memref<10000x128xf32, #tpu.memory_space<hbm>>) target(%arg11 : memref<128x128xf32, #tpu.memory_space<vmem>>) offsets(%dma_start3A_317 : memref<128xi32, #tpu.memory_space<vmem>>) semaphore(%arg14 : memref<!tpu.dma_semaphore, #tpu.memory_space<semaphore_mem>>)
        %scan3A_321 = arith.constant 0 : i32
        scf.yield %scan3A_321 : i32
      }
      %scan3A_222 = arith.constant 19 : i32
      %dma_wait3A_223 = arith.constant 4864 : i32
      %dma_wait3A_224 = tpu.memref_slice %arg8[%dma_wait3A_223] : memref<5120xi32, #tpu.memory_space<vmem>> -> memref<128xi32, #tpu.memory_space<vmem>>
      %dma_wait3A_225 = arith.constant 0 : i32
      %dma_wait3A_226 = arith.constant 0 : i32
      %dma_wait3A_227 = tpu.memref_slice %arg2[%dma_wait3A_225, %dma_wait3A_226] : memref<10000x128xf32, #tpu.memory_space<hbm>> -> memref<10000x128xf32, #tpu.memory_space<hbm>>
      tpu.wait_indirect_dma semaphore(%arg13 : memref<!tpu.dma_semaphore, #tpu.memory_space<semaphore_mem>>) src(%dma_wait3A_227 : memref<10000x128xf32, #tpu.memory_space<hbm>>) dst(%arg10 : memref<128x128xf32, #tpu.memory_space<vmem>>)
      %dma_start3A_228 = arith.constant 38 : i32
      %dma_start3A_229 = arith.constant 0 : i32
      %dma_start3A_230 = tpu.memref_slice %arg9[%dma_start3A_228, %dma_start3A_229] : memref<40x128xi32, #tpu.memory_space<vmem>> -> memref<1x128xi32, #tpu.memory_space<vmem>>
      %dma_start3A_231 = tpu.memref_squeeze %dma_start3A_230 : memref<1x128xi32, #tpu.memory_space<vmem>> -> memref<128xi32, #tpu.memory_space<vmem>>
      %dma_start3A_232 = arith.constant 0 : i32
      %dma_start3A_233 = arith.constant 0 : i32
      %dma_start3A_234 = tpu.memref_slice %arg12[%dma_start3A_232, %dma_start3A_233] : memref<10016x128xf32, #tpu.memory_space<vmem_shared>> -> memref<10016x128xf32, #tpu.memory_space<vmem_shared>>
      tpu.enqueue_indirect_dma source(%arg10 : memref<128x128xf32, #tpu.memory_space<vmem>>) target(%dma_start3A_234 : memref<10016x128xf32, #tpu.memory_space<vmem_shared>>) offsets(%dma_start3A_231 : memref<128xi32, #tpu.memory_space<vmem>>) semaphore(%arg15 : memref<!tpu.dma_semaphore, #tpu.memory_space<semaphore_mem>>) {add = true}
      %dma_wait3A_235 = arith.constant 4992 : i32
      %dma_wait3A_236 = tpu.memref_slice %arg8[%dma_wait3A_235] : memref<5120xi32, #tpu.memory_space<vmem>> -> memref<128xi32, #tpu.memory_space<vmem>>
      %dma_wait3A_237 = arith.constant 0 : i32
      %dma_wait3A_238 = arith.constant 0 : i32
      %dma_wait3A_239 = tpu.memref_slice %arg2[%dma_wait3A_237, %dma_wait3A_238] : memref<10000x128xf32, #tpu.memory_space<hbm>> -> memref<10000x128xf32, #tpu.memory_space<hbm>>
      tpu.wait_indirect_dma semaphore(%arg14 : memref<!tpu.dma_semaphore, #tpu.memory_space<semaphore_mem>>) src(%dma_wait3A_239 : memref<10000x128xf32, #tpu.memory_space<hbm>>) dst(%arg11 : memref<128x128xf32, #tpu.memory_space<vmem>>)
      %dma_start3A_240 = arith.constant 39 : i32
      %dma_start3A_241 = arith.constant 0 : i32
      %dma_start3A_242 = tpu.memref_slice %arg9[%dma_start3A_240, %dma_start3A_241] : memref<40x128xi32, #tpu.memory_space<vmem>> -> memref<1x128xi32, #tpu.memory_space<vmem>>
      %dma_start3A_243 = tpu.memref_squeeze %dma_start3A_242 : memref<1x128xi32, #tpu.memory_space<vmem>> -> memref<128xi32, #tpu.memory_space<vmem>>
      %dma_start3A_244 = arith.constant 0 : i32
      %dma_start3A_245 = arith.constant 0 : i32
      %dma_start3A_246 = tpu.memref_slice %arg12[%dma_start3A_244, %dma_start3A_245] : memref<10016x128xf32, #tpu.memory_space<vmem_shared>> -> memref<10016x128xf32, #tpu.memory_space<vmem_shared>>
      tpu.enqueue_indirect_dma source(%arg11 : memref<128x128xf32, #tpu.memory_space<vmem>>) target(%dma_start3A_246 : memref<10016x128xf32, #tpu.memory_space<vmem_shared>>) offsets(%dma_start3A_243 : memref<128xi32, #tpu.memory_space<vmem>>) semaphore(%arg16 : memref<!tpu.dma_semaphore, #tpu.memory_space<semaphore_mem>>) {add = true}
      %dma_wait3A_247 = arith.constant 38 : i32
      %dma_wait3A_248 = arith.constant 0 : i32
      %dma_wait3A_249 = tpu.memref_slice %arg9[%dma_wait3A_247, %dma_wait3A_248] : memref<40x128xi32, #tpu.memory_space<vmem>> -> memref<1x128xi32, #tpu.memory_space<vmem>>
      %dma_wait3A_250 = tpu.memref_squeeze %dma_wait3A_249 : memref<1x128xi32, #tpu.memory_space<vmem>> -> memref<128xi32, #tpu.memory_space<vmem>>
      %dma_wait3A_251 = arith.constant 0 : i32
      %dma_wait3A_252 = arith.constant 0 : i32
      %dma_wait3A_253 = tpu.memref_slice %arg12[%dma_wait3A_251, %dma_wait3A_252] : memref<10016x128xf32, #tpu.memory_space<vmem_shared>> -> memref<10016x128xf32, #tpu.memory_space<vmem_shared>>
      tpu.wait_indirect_dma semaphore(%arg15 : memref<!tpu.dma_semaphore, #tpu.memory_space<semaphore_mem>>) src(%arg10 : memref<128x128xf32, #tpu.memory_space<vmem>>) dst(%dma_wait3A_253 : memref<10016x128xf32, #tpu.memory_space<vmem_shared>>)
      %dma_wait3A_254 = arith.constant 39 : i32
      %dma_wait3A_255 = arith.constant 0 : i32
      %dma_wait3A_256 = tpu.memref_slice %arg9[%dma_wait3A_254, %dma_wait3A_255] : memref<40x128xi32, #tpu.memory_space<vmem>> -> memref<1x128xi32, #tpu.memory_space<vmem>>
      %dma_wait3A_257 = tpu.memref_squeeze %dma_wait3A_256 : memref<1x128xi32, #tpu.memory_space<vmem>> -> memref<128xi32, #tpu.memory_space<vmem>>
      %dma_wait3A_258 = arith.constant 0 : i32
      %dma_wait3A_259 = arith.constant 0 : i32
      %dma_wait3A_260 = tpu.memref_slice %arg12[%dma_wait3A_258, %dma_wait3A_259] : memref<10016x128xf32, #tpu.memory_space<vmem_shared>> -> memref<10016x128xf32, #tpu.memory_space<vmem_shared>>
      tpu.wait_indirect_dma semaphore(%arg16 : memref<!tpu.dma_semaphore, #tpu.memory_space<semaphore_mem>>) src(%arg11 : memref<128x128xf32, #tpu.memory_space<vmem>>) dst(%dma_wait3A_260 : memref<10016x128xf32, #tpu.memory_space<vmem_shared>>)
    } else {
    }
    %eq3A_10 = arith.constant 1 : i32
    %eq3A_11 = arith.cmpi eq, %arg0, %eq3A_10 : i32
    %convert_element_type3A_12 = arith.extui %eq3A_11 : i1 to i32
    %cond3A_13 = arith.constant 0 : i32
    %cond3A_14 = arith.cmpi ne, %convert_element_type3A_12, %cond3A_13 : i32
    scf.if %cond3A_14 {
      %add3A = arith.constant 0 : i32
      %add3A_25 = arith.addi %mul3A_4, %add3A : i32
      %add3A_26 = arith.constant 0 : i32
      %add3A_27 = arith.addi %add3A_25, %add3A_26 : i32
      %mul3A_28 = arith.constant 128 : i32
      %mul3A_29 = arith.muli %add3A_27, %mul3A_28 : i32
      "tpu.region"() ({
        %run_scoped3A = tpu.sem_alloc : memref<!tpu.dma_semaphore, #tpu.memory_space<semaphore_mem>>
        %dma_start3A_261 = tpu.memref_slice %arg4[%mul3A_29] : memref<327680xi32, #tpu.memory_space<hbm>> -> memref<5120xi32, #tpu.memory_space<hbm>>
        %dma_start3A_262 = tpu.memref_slice %arg4[%mul3A_29] : memref<327680xi32, #tpu.memory_space<hbm>> -> memref<5120xi32, #tpu.memory_space<hbm>>
        tpu.enqueue_dma source(%dma_start3A_262 : memref<5120xi32, #tpu.memory_space<hbm>>) target(%arg8 : memref<5120xi32, #tpu.memory_space<vmem>>) target_semaphore(%run_scoped3A : memref<!tpu.dma_semaphore, #tpu.memory_space<semaphore_mem>>)
        %dma_wait3A_263 = tpu.memref_slice %arg4[%mul3A_29] : memref<327680xi32, #tpu.memory_space<hbm>> -> memref<5120xi32, #tpu.memory_space<hbm>>
        %dma_wait3A_264 = tpu.memref_slice %arg4[%mul3A_29] : memref<327680xi32, #tpu.memory_space<hbm>> -> memref<5120xi32, #tpu.memory_space<hbm>>
        tpu.wait_dma2 semaphore(%run_scoped3A : memref<!tpu.dma_semaphore, #tpu.memory_space<semaphore_mem>>) src(%dma_wait3A_264 : memref<5120xi32, #tpu.memory_space<hbm>>) dst(%arg8 : memref<5120xi32, #tpu.memory_space<vmem>>)
        tpu.yield
      }) : () -> ()
      "tpu.region"() ({
        %run_scoped3A = tpu.sem_alloc : memref<!tpu.dma_semaphore, #tpu.memory_space<semaphore_mem>>
        %dma_start3A_261 = arith.constant 0 : i32
        %dma_start3A_262 = tpu.memref_slice %arg5[%add3A_27, %dma_start3A_261] : memref<2560x128xi32, #tpu.memory_space<hbm>> -> memref<40x128xi32, #tpu.memory_space<hbm>>
        %dma_start3A_263 = arith.constant 0 : i32
        %dma_start3A_264 = tpu.memref_slice %arg5[%add3A_27, %dma_start3A_263] : memref<2560x128xi32, #tpu.memory_space<hbm>> -> memref<40x128xi32, #tpu.memory_space<hbm>>
        tpu.enqueue_dma source(%dma_start3A_264 : memref<40x128xi32, #tpu.memory_space<hbm>>) target(%arg9 : memref<40x128xi32, #tpu.memory_space<vmem>>) target_semaphore(%run_scoped3A : memref<!tpu.dma_semaphore, #tpu.memory_space<semaphore_mem>>)
        %dma_wait3A_265 = arith.constant 0 : i32
        %dma_wait3A_266 = tpu.memref_slice %arg5[%add3A_27, %dma_wait3A_265] : memref<2560x128xi32, #tpu.memory_space<hbm>> -> memref<40x128xi32, #tpu.memory_space<hbm>>
        %dma_wait3A_267 = arith.constant 0 : i32
        %dma_wait3A_268 = tpu.memref_slice %arg5[%add3A_27, %dma_wait3A_267] : memref<2560x128xi32, #tpu.memory_space<hbm>> -> memref<40x128xi32, #tpu.memory_space<hbm>>
        tpu.wait_dma2 semaphore(%run_scoped3A : memref<!tpu.dma_semaphore, #tpu.memory_space<semaphore_mem>>) src(%dma_wait3A_268 : memref<40x128xi32, #tpu.memory_space<hbm>>) dst(%arg9 : memref<40x128xi32, #tpu.memory_space<vmem>>)
        tpu.yield
      }) : () -> ()
      %dma_start3A = arith.constant 0 : i32
      %dma_start3A_30 = tpu.memref_slice %arg8[%dma_start3A] : memref<5120xi32, #tpu.memory_space<vmem>> -> memref<128xi32, #tpu.memory_space<vmem>>
      %dma_start3A_31 = arith.constant 0 : i32
      %dma_start3A_32 = arith.constant 0 : i32
      %dma_start3A_33 = tpu.memref_slice %arg3[%dma_start3A_31, %dma_start3A_32] : memref<10000x128xf32, #tpu.memory_space<hbm>> -> memref<10000x128xf32, #tpu.memory_space<hbm>>
      tpu.enqueue_indirect_dma source(%dma_start3A_33 : memref<10000x128xf32, #tpu.memory_space<hbm>>) target(%arg10 : memref<128x128xf32, #tpu.memory_space<vmem>>) offsets(%dma_start3A_30 : memref<128xi32, #tpu.memory_space<vmem>>) semaphore(%arg13 : memref<!tpu.dma_semaphore, #tpu.memory_space<semaphore_mem>>)
      %dma_start3A_34 = arith.constant 128 : i32
      %dma_start3A_35 = tpu.memref_slice %arg8[%dma_start3A_34] : memref<5120xi32, #tpu.memory_space<vmem>> -> memref<128xi32, #tpu.memory_space<vmem>>
      %dma_start3A_36 = arith.constant 0 : i32
      %dma_start3A_37 = arith.constant 0 : i32
      %dma_start3A_38 = tpu.memref_slice %arg3[%dma_start3A_36, %dma_start3A_37] : memref<10000x128xf32, #tpu.memory_space<hbm>> -> memref<10000x128xf32, #tpu.memory_space<hbm>>
      tpu.enqueue_indirect_dma source(%dma_start3A_38 : memref<10000x128xf32, #tpu.memory_space<hbm>>) target(%arg11 : memref<128x128xf32, #tpu.memory_space<vmem>>) offsets(%dma_start3A_35 : memref<128xi32, #tpu.memory_space<vmem>>) semaphore(%arg14 : memref<!tpu.dma_semaphore, #tpu.memory_space<semaphore_mem>>)
      %scan3A = arith.constant 0 : i32
      %scan3A_39 = arith.constant 0 : i32
      %scan3A_40 = arith.constant 19 : i32
      %scan3A_41 = arith.addi %scan3A_39, %scan3A_40 : i32
      %scan3A_42 = arith.constant 1 : i32
      %scan3A_43 = scf.for %scan3A_261 = %scan3A_39 to %scan3A_41 step %scan3A_42 iter_args(%scan3A_262 = %scan3A) -> (i32)  : i32 {
        %mul3A_263 = arith.constant 2 : i32
        %mul3A_264 = arith.muli %mul3A_263, %scan3A_261 : i32
        %mul3A_265 = arith.constant 2 : i32
        %mul3A_266 = arith.muli %mul3A_265, %scan3A_261 : i32
        %add3A_267 = arith.constant 1 : i32
        %add3A_268 = arith.addi %mul3A_266, %add3A_267 : i32
        %mul3A_269 = arith.constant 128 : i32
        %mul3A_270 = arith.muli %mul3A_264, %mul3A_269 : i32
        %dma_wait3A_271 = tpu.memref_slice %arg8[%mul3A_270] : memref<5120xi32, #tpu.memory_space<vmem>> -> memref<128xi32, #tpu.memory_space<vmem>>
        %dma_wait3A_272 = arith.constant 0 : i32
        %dma_wait3A_273 = arith.constant 0 : i32
        %dma_wait3A_274 = tpu.memref_slice %arg3[%dma_wait3A_272, %dma_wait3A_273] : memref<10000x128xf32, #tpu.memory_space<hbm>> -> memref<10000x128xf32, #tpu.memory_space<hbm>>
        tpu.wait_indirect_dma semaphore(%arg13 : memref<!tpu.dma_semaphore, #tpu.memory_space<semaphore_mem>>) src(%dma_wait3A_274 : memref<10000x128xf32, #tpu.memory_space<hbm>>) dst(%arg10 : memref<128x128xf32, #tpu.memory_space<vmem>>)
        %dma_start3A_275 = arith.constant 0 : i32
        %dma_start3A_276 = tpu.memref_slice %arg9[%mul3A_264, %dma_start3A_275] : memref<40x128xi32, #tpu.memory_space<vmem>> -> memref<1x128xi32, #tpu.memory_space<vmem>>
        %dma_start3A_277 = tpu.memref_squeeze %dma_start3A_276 : memref<1x128xi32, #tpu.memory_space<vmem>> -> memref<128xi32, #tpu.memory_space<vmem>>
        %dma_start3A_278 = arith.constant 0 : i32
        %dma_start3A_279 = arith.constant 0 : i32
        %dma_start3A_280 = tpu.memref_slice %arg12[%dma_start3A_278, %dma_start3A_279] : memref<10016x128xf32, #tpu.memory_space<vmem_shared>> -> memref<10016x128xf32, #tpu.memory_space<vmem_shared>>
        tpu.enqueue_indirect_dma source(%arg10 : memref<128x128xf32, #tpu.memory_space<vmem>>) target(%dma_start3A_280 : memref<10016x128xf32, #tpu.memory_space<vmem_shared>>) offsets(%dma_start3A_277 : memref<128xi32, #tpu.memory_space<vmem>>) semaphore(%arg15 : memref<!tpu.dma_semaphore, #tpu.memory_space<semaphore_mem>>) {add = true}
        %mul3A_281 = arith.constant 128 : i32
        %mul3A_282 = arith.muli %add3A_268, %mul3A_281 : i32
        %dma_wait3A_283 = tpu.memref_slice %arg8[%mul3A_282] : memref<5120xi32, #tpu.memory_space<vmem>> -> memref<128xi32, #tpu.memory_space<vmem>>
        %dma_wait3A_284 = arith.constant 0 : i32
        %dma_wait3A_285 = arith.constant 0 : i32
        %dma_wait3A_286 = tpu.memref_slice %arg3[%dma_wait3A_284, %dma_wait3A_285] : memref<10000x128xf32, #tpu.memory_space<hbm>> -> memref<10000x128xf32, #tpu.memory_space<hbm>>
        tpu.wait_indirect_dma semaphore(%arg14 : memref<!tpu.dma_semaphore, #tpu.memory_space<semaphore_mem>>) src(%dma_wait3A_286 : memref<10000x128xf32, #tpu.memory_space<hbm>>) dst(%arg11 : memref<128x128xf32, #tpu.memory_space<vmem>>)
        %dma_start3A_287 = arith.constant 0 : i32
        %dma_start3A_288 = tpu.memref_slice %arg9[%add3A_268, %dma_start3A_287] : memref<40x128xi32, #tpu.memory_space<vmem>> -> memref<1x128xi32, #tpu.memory_space<vmem>>
        %dma_start3A_289 = tpu.memref_squeeze %dma_start3A_288 : memref<1x128xi32, #tpu.memory_space<vmem>> -> memref<128xi32, #tpu.memory_space<vmem>>
        %dma_start3A_290 = arith.constant 0 : i32
        %dma_start3A_291 = arith.constant 0 : i32
        %dma_start3A_292 = tpu.memref_slice %arg12[%dma_start3A_290, %dma_start3A_291] : memref<10016x128xf32, #tpu.memory_space<vmem_shared>> -> memref<10016x128xf32, #tpu.memory_space<vmem_shared>>
        tpu.enqueue_indirect_dma source(%arg11 : memref<128x128xf32, #tpu.memory_space<vmem>>) target(%dma_start3A_292 : memref<10016x128xf32, #tpu.memory_space<vmem_shared>>) offsets(%dma_start3A_289 : memref<128xi32, #tpu.memory_space<vmem>>) semaphore(%arg16 : memref<!tpu.dma_semaphore, #tpu.memory_space<semaphore_mem>>) {add = true}
        %dma_wait3A_293 = arith.constant 0 : i32
        %dma_wait3A_294 = tpu.memref_slice %arg9[%mul3A_264, %dma_wait3A_293] : memref<40x128xi32, #tpu.memory_space<vmem>> -> memref<1x128xi32, #tpu.memory_space<vmem>>
        %dma_wait3A_295 = tpu.memref_squeeze %dma_wait3A_294 : memref<1x128xi32, #tpu.memory_space<vmem>> -> memref<128xi32, #tpu.memory_space<vmem>>
        %dma_wait3A_296 = arith.constant 0 : i32
        %dma_wait3A_297 = arith.constant 0 : i32
        %dma_wait3A_298 = tpu.memref_slice %arg12[%dma_wait3A_296, %dma_wait3A_297] : memref<10016x128xf32, #tpu.memory_space<vmem_shared>> -> memref<10016x128xf32, #tpu.memory_space<vmem_shared>>
        tpu.wait_indirect_dma semaphore(%arg15 : memref<!tpu.dma_semaphore, #tpu.memory_space<semaphore_mem>>) src(%arg10 : memref<128x128xf32, #tpu.memory_space<vmem>>) dst(%dma_wait3A_298 : memref<10016x128xf32, #tpu.memory_space<vmem_shared>>)
        %add3A_299 = arith.constant 2 : i32
        %add3A_300 = arith.addi %mul3A_264, %add3A_299 : i32
        %mul3A_301 = arith.constant 128 : i32
        %mul3A_302 = arith.muli %add3A_300, %mul3A_301 : i32
        %dma_start3A_303 = tpu.memref_slice %arg8[%mul3A_302] : memref<5120xi32, #tpu.memory_space<vmem>> -> memref<128xi32, #tpu.memory_space<vmem>>
        %dma_start3A_304 = arith.constant 0 : i32
        %dma_start3A_305 = arith.constant 0 : i32
        %dma_start3A_306 = tpu.memref_slice %arg3[%dma_start3A_304, %dma_start3A_305] : memref<10000x128xf32, #tpu.memory_space<hbm>> -> memref<10000x128xf32, #tpu.memory_space<hbm>>
        tpu.enqueue_indirect_dma source(%dma_start3A_306 : memref<10000x128xf32, #tpu.memory_space<hbm>>) target(%arg10 : memref<128x128xf32, #tpu.memory_space<vmem>>) offsets(%dma_start3A_303 : memref<128xi32, #tpu.memory_space<vmem>>) semaphore(%arg13 : memref<!tpu.dma_semaphore, #tpu.memory_space<semaphore_mem>>)
        %dma_wait3A_307 = arith.constant 0 : i32
        %dma_wait3A_308 = tpu.memref_slice %arg9[%add3A_268, %dma_wait3A_307] : memref<40x128xi32, #tpu.memory_space<vmem>> -> memref<1x128xi32, #tpu.memory_space<vmem>>
        %dma_wait3A_309 = tpu.memref_squeeze %dma_wait3A_308 : memref<1x128xi32, #tpu.memory_space<vmem>> -> memref<128xi32, #tpu.memory_space<vmem>>
        %dma_wait3A_310 = arith.constant 0 : i32
        %dma_wait3A_311 = arith.constant 0 : i32
        %dma_wait3A_312 = tpu.memref_slice %arg12[%dma_wait3A_310, %dma_wait3A_311] : memref<10016x128xf32, #tpu.memory_space<vmem_shared>> -> memref<10016x128xf32, #tpu.memory_space<vmem_shared>>
        tpu.wait_indirect_dma semaphore(%arg16 : memref<!tpu.dma_semaphore, #tpu.memory_space<semaphore_mem>>) src(%arg11 : memref<128x128xf32, #tpu.memory_space<vmem>>) dst(%dma_wait3A_312 : memref<10016x128xf32, #tpu.memory_space<vmem_shared>>)
        %add3A_313 = arith.constant 2 : i32
        %add3A_314 = arith.addi %add3A_268, %add3A_313 : i32
        %mul3A_315 = arith.constant 128 : i32
        %mul3A_316 = arith.muli %add3A_314, %mul3A_315 : i32
        %dma_start3A_317 = tpu.memref_slice %arg8[%mul3A_316] : memref<5120xi32, #tpu.memory_space<vmem>> -> memref<128xi32, #tpu.memory_space<vmem>>
        %dma_start3A_318 = arith.constant 0 : i32
        %dma_start3A_319 = arith.constant 0 : i32
        %dma_start3A_320 = tpu.memref_slice %arg3[%dma_start3A_318, %dma_start3A_319] : memref<10000x128xf32, #tpu.memory_space<hbm>> -> memref<10000x128xf32, #tpu.memory_space<hbm>>
        tpu.enqueue_indirect_dma source(%dma_start3A_320 : memref<10000x128xf32, #tpu.memory_space<hbm>>) target(%arg11 : memref<128x128xf32, #tpu.memory_space<vmem>>) offsets(%dma_start3A_317 : memref<128xi32, #tpu.memory_space<vmem>>) semaphore(%arg14 : memref<!tpu.dma_semaphore, #tpu.memory_space<semaphore_mem>>)
        %scan3A_321 = arith.constant 0 : i32
        scf.yield %scan3A_321 : i32
      }
      %scan3A_44 = arith.constant 19 : i32
      %dma_wait3A = arith.constant 4864 : i32
      %dma_wait3A_45 = tpu.memref_slice %arg8[%dma_wait3A] : memref<5120xi32, #tpu.memory_space<vmem>> -> memref<128xi32, #tpu.memory_space<vmem>>
      %dma_wait3A_46 = arith.constant 0 : i32
      %dma_wait3A_47 = arith.constant 0 : i32
      %dma_wait3A_48 = tpu.memref_slice %arg3[%dma_wait3A_46, %dma_wait3A_47] : memref<10000x128xf32, #tpu.memory_space<hbm>> -> memref<10000x128xf32, #tpu.memory_space<hbm>>
      tpu.wait_indirect_dma semaphore(%arg13 : memref<!tpu.dma_semaphore, #tpu.memory_space<semaphore_mem>>) src(%dma_wait3A_48 : memref<10000x128xf32, #tpu.memory_space<hbm>>) dst(%arg10 : memref<128x128xf32, #tpu.memory_space<vmem>>)
      %dma_start3A_49 = arith.constant 38 : i32
      %dma_start3A_50 = arith.constant 0 : i32
      %dma_start3A_51 = tpu.memref_slice %arg9[%dma_start3A_49, %dma_start3A_50] : memref<40x128xi32, #tpu.memory_space<vmem>> -> memref<1x128xi32, #tpu.memory_space<vmem>>
      %dma_start3A_52 = tpu.memref_squeeze %dma_start3A_51 : memref<1x128xi32, #tpu.memory_space<vmem>> -> memref<128xi32, #tpu.memory_space<vmem>>
      %dma_start3A_53 = arith.constant 0 : i32
      %dma_start3A_54 = arith.constant 0 : i32
      %dma_start3A_55 = tpu.memref_slice %arg12[%dma_start3A_53, %dma_start3A_54] : memref<10016x128xf32, #tpu.memory_space<vmem_shared>> -> memref<10016x128xf32, #tpu.memory_space<vmem_shared>>
      tpu.enqueue_indirect_dma source(%arg10 : memref<128x128xf32, #tpu.memory_space<vmem>>) target(%dma_start3A_55 : memref<10016x128xf32, #tpu.memory_space<vmem_shared>>) offsets(%dma_start3A_52 : memref<128xi32, #tpu.memory_space<vmem>>) semaphore(%arg15 : memref<!tpu.dma_semaphore, #tpu.memory_space<semaphore_mem>>) {add = true}
      %dma_wait3A_56 = arith.constant 4992 : i32
      %dma_wait3A_57 = tpu.memref_slice %arg8[%dma_wait3A_56] : memref<5120xi32, #tpu.memory_space<vmem>> -> memref<128xi32, #tpu.memory_space<vmem>>
      %dma_wait3A_58 = arith.constant 0 : i32
      %dma_wait3A_59 = arith.constant 0 : i32
      %dma_wait3A_60 = tpu.memref_slice %arg3[%dma_wait3A_58, %dma_wait3A_59] : memref<10000x128xf32, #tpu.memory_space<hbm>> -> memref<10000x128xf32, #tpu.memory_space<hbm>>
      tpu.wait_indirect_dma semaphore(%arg14 : memref<!tpu.dma_semaphore, #tpu.memory_space<semaphore_mem>>) src(%dma_wait3A_60 : memref<10000x128xf32, #tpu.memory_space<hbm>>) dst(%arg11 : memref<128x128xf32, #tpu.memory_space<vmem>>)
      %dma_start3A_61 = arith.constant 39 : i32
      %dma_start3A_62 = arith.constant 0 : i32
      %dma_start3A_63 = tpu.memref_slice %arg9[%dma_start3A_61, %dma_start3A_62] : memref<40x128xi32, #tpu.memory_space<vmem>> -> memref<1x128xi32, #tpu.memory_space<vmem>>
      %dma_start3A_64 = tpu.memref_squeeze %dma_start3A_63 : memref<1x128xi32, #tpu.memory_space<vmem>> -> memref<128xi32, #tpu.memory_space<vmem>>
      %dma_start3A_65 = arith.constant 0 : i32
      %dma_start3A_66 = arith.constant 0 : i32
      %dma_start3A_67 = tpu.memref_slice %arg12[%dma_start3A_65, %dma_start3A_66] : memref<10016x128xf32, #tpu.memory_space<vmem_shared>> -> memref<10016x128xf32, #tpu.memory_space<vmem_shared>>
      tpu.enqueue_indirect_dma source(%arg11 : memref<128x128xf32, #tpu.memory_space<vmem>>) target(%dma_start3A_67 : memref<10016x128xf32, #tpu.memory_space<vmem_shared>>) offsets(%dma_start3A_64 : memref<128xi32, #tpu.memory_space<vmem>>) semaphore(%arg16 : memref<!tpu.dma_semaphore, #tpu.memory_space<semaphore_mem>>) {add = true}
      %dma_wait3A_68 = arith.constant 38 : i32
      %dma_wait3A_69 = arith.constant 0 : i32
      %dma_wait3A_70 = tpu.memref_slice %arg9[%dma_wait3A_68, %dma_wait3A_69] : memref<40x128xi32, #tpu.memory_space<vmem>> -> memref<1x128xi32, #tpu.memory_space<vmem>>
      %dma_wait3A_71 = tpu.memref_squeeze %dma_wait3A_70 : memref<1x128xi32, #tpu.memory_space<vmem>> -> memref<128xi32, #tpu.memory_space<vmem>>
      %dma_wait3A_72 = arith.constant 0 : i32
      %dma_wait3A_73 = arith.constant 0 : i32
      %dma_wait3A_74 = tpu.memref_slice %arg12[%dma_wait3A_72, %dma_wait3A_73] : memref<10016x128xf32, #tpu.memory_space<vmem_shared>> -> memref<10016x128xf32, #tpu.memory_space<vmem_shared>>
      tpu.wait_indirect_dma semaphore(%arg15 : memref<!tpu.dma_semaphore, #tpu.memory_space<semaphore_mem>>) src(%arg10 : memref<128x128xf32, #tpu.memory_space<vmem>>) dst(%dma_wait3A_74 : memref<10016x128xf32, #tpu.memory_space<vmem_shared>>)
      %dma_wait3A_75 = arith.constant 39 : i32
      %dma_wait3A_76 = arith.constant 0 : i32
      %dma_wait3A_77 = tpu.memref_slice %arg9[%dma_wait3A_75, %dma_wait3A_76] : memref<40x128xi32, #tpu.memory_space<vmem>> -> memref<1x128xi32, #tpu.memory_space<vmem>>
      %dma_wait3A_78 = tpu.memref_squeeze %dma_wait3A_77 : memref<1x128xi32, #tpu.memory_space<vmem>> -> memref<128xi32, #tpu.memory_space<vmem>>
      %dma_wait3A_79 = arith.constant 0 : i32
      %dma_wait3A_80 = arith.constant 0 : i32
      %dma_wait3A_81 = tpu.memref_slice %arg12[%dma_wait3A_79, %dma_wait3A_80] : memref<10016x128xf32, #tpu.memory_space<vmem_shared>> -> memref<10016x128xf32, #tpu.memory_space<vmem_shared>>
      tpu.wait_indirect_dma semaphore(%arg16 : memref<!tpu.dma_semaphore, #tpu.memory_space<semaphore_mem>>) src(%arg11 : memref<128x128xf32, #tpu.memory_space<vmem>>) dst(%dma_wait3A_81 : memref<10016x128xf32, #tpu.memory_space<vmem_shared>>)
      %add3A_82 = arith.constant 40 : i32
      %add3A_83 = arith.addi %add3A_25, %add3A_82 : i32
      %mul3A_84 = arith.constant 128 : i32
      %mul3A_85 = arith.muli %add3A_83, %mul3A_84 : i32
      "tpu.region"() ({
        %run_scoped3A = tpu.sem_alloc : memref<!tpu.dma_semaphore, #tpu.memory_space<semaphore_mem>>
        %dma_start3A_261 = tpu.memref_slice %arg4[%mul3A_85] : memref<327680xi32, #tpu.memory_space<hbm>> -> memref<5120xi32, #tpu.memory_space<hbm>>
        %dma_start3A_262 = tpu.memref_slice %arg4[%mul3A_85] : memref<327680xi32, #tpu.memory_space<hbm>> -> memref<5120xi32, #tpu.memory_space<hbm>>
        tpu.enqueue_dma source(%dma_start3A_262 : memref<5120xi32, #tpu.memory_space<hbm>>) target(%arg8 : memref<5120xi32, #tpu.memory_space<vmem>>) target_semaphore(%run_scoped3A : memref<!tpu.dma_semaphore, #tpu.memory_space<semaphore_mem>>)
        %dma_wait3A_263 = tpu.memref_slice %arg4[%mul3A_85] : memref<327680xi32, #tpu.memory_space<hbm>> -> memref<5120xi32, #tpu.memory_space<hbm>>
        %dma_wait3A_264 = tpu.memref_slice %arg4[%mul3A_85] : memref<327680xi32, #tpu.memory_space<hbm>> -> memref<5120xi32, #tpu.memory_space<hbm>>
        tpu.wait_dma2 semaphore(%run_scoped3A : memref<!tpu.dma_semaphore, #tpu.memory_space<semaphore_mem>>) src(%dma_wait3A_264 : memref<5120xi32, #tpu.memory_space<hbm>>) dst(%arg8 : memref<5120xi32, #tpu.memory_space<vmem>>)
        tpu.yield
      }) : () -> ()
      "tpu.region"() ({
        %run_scoped3A = tpu.sem_alloc : memref<!tpu.dma_semaphore, #tpu.memory_space<semaphore_mem>>
        %dma_start3A_261 = arith.constant 0 : i32
        %dma_start3A_262 = tpu.memref_slice %arg5[%add3A_83, %dma_start3A_261] : memref<2560x128xi32, #tpu.memory_space<hbm>> -> memref<40x128xi32, #tpu.memory_space<hbm>>
        %dma_start3A_263 = arith.constant 0 : i32
        %dma_start3A_264 = tpu.memref_slice %arg5[%add3A_83, %dma_start3A_263] : memref<2560x128xi32, #tpu.memory_space<hbm>> -> memref<40x128xi32, #tpu.memory_space<hbm>>
        tpu.enqueue_dma source(%dma_start3A_264 : memref<40x128xi32, #tpu.memory_space<hbm>>) target(%arg9 : memref<40x128xi32, #tpu.memory_space<vmem>>) target_semaphore(%run_scoped3A : memref<!tpu.dma_semaphore, #tpu.memory_space<semaphore_mem>>)
        %dma_wait3A_265 = arith.constant 0 : i32
        %dma_wait3A_266 = tpu.memref_slice %arg5[%add3A_83, %dma_wait3A_265] : memref<2560x128xi32, #tpu.memory_space<hbm>> -> memref<40x128xi32, #tpu.memory_space<hbm>>
        %dma_wait3A_267 = arith.constant 0 : i32
        %dma_wait3A_268 = tpu.memref_slice %arg5[%add3A_83, %dma_wait3A_267] : memref<2560x128xi32, #tpu.memory_space<hbm>> -> memref<40x128xi32, #tpu.memory_space<hbm>>
        tpu.wait_dma2 semaphore(%run_scoped3A : memref<!tpu.dma_semaphore, #tpu.memory_space<semaphore_mem>>) src(%dma_wait3A_268 : memref<40x128xi32, #tpu.memory_space<hbm>>) dst(%arg9 : memref<40x128xi32, #tpu.memory_space<vmem>>)
        tpu.yield
      }) : () -> ()
      %dma_start3A_86 = arith.constant 0 : i32
      %dma_start3A_87 = tpu.memref_slice %arg8[%dma_start3A_86] : memref<5120xi32, #tpu.memory_space<vmem>> -> memref<128xi32, #tpu.memory_space<vmem>>
      %dma_start3A_88 = arith.constant 0 : i32
      %dma_start3A_89 = arith.constant 0 : i32
      %dma_start3A_90 = tpu.memref_slice %arg3[%dma_start3A_88, %dma_start3A_89] : memref<10000x128xf32, #tpu.memory_space<hbm>> -> memref<10000x128xf32, #tpu.memory_space<hbm>>
      tpu.enqueue_indirect_dma source(%dma_start3A_90 : memref<10000x128xf32, #tpu.memory_space<hbm>>) target(%arg10 : memref<128x128xf32, #tpu.memory_space<vmem>>) offsets(%dma_start3A_87 : memref<128xi32, #tpu.memory_space<vmem>>) semaphore(%arg13 : memref<!tpu.dma_semaphore, #tpu.memory_space<semaphore_mem>>)
      %dma_start3A_91 = arith.constant 128 : i32
      %dma_start3A_92 = tpu.memref_slice %arg8[%dma_start3A_91] : memref<5120xi32, #tpu.memory_space<vmem>> -> memref<128xi32, #tpu.memory_space<vmem>>
      %dma_start3A_93 = arith.constant 0 : i32
      %dma_start3A_94 = arith.constant 0 : i32
      %dma_start3A_95 = tpu.memref_slice %arg3[%dma_start3A_93, %dma_start3A_94] : memref<10000x128xf32, #tpu.memory_space<hbm>> -> memref<10000x128xf32, #tpu.memory_space<hbm>>
      tpu.enqueue_indirect_dma source(%dma_start3A_95 : memref<10000x128xf32, #tpu.memory_space<hbm>>) target(%arg11 : memref<128x128xf32, #tpu.memory_space<vmem>>) offsets(%dma_start3A_92 : memref<128xi32, #tpu.memory_space<vmem>>) semaphore(%arg14 : memref<!tpu.dma_semaphore, #tpu.memory_space<semaphore_mem>>)
      %scan3A_96 = arith.constant 0 : i32
      %scan3A_97 = arith.constant 0 : i32
      %scan3A_98 = arith.constant 19 : i32
      %scan3A_99 = arith.addi %scan3A_97, %scan3A_98 : i32
      %scan3A_100 = arith.constant 1 : i32
      %scan3A_101 = scf.for %scan3A_261 = %scan3A_97 to %scan3A_99 step %scan3A_100 iter_args(%scan3A_262 = %scan3A_96) -> (i32)  : i32 {
        %mul3A_263 = arith.constant 2 : i32
        %mul3A_264 = arith.muli %mul3A_263, %scan3A_261 : i32
        %mul3A_265 = arith.constant 2 : i32
        %mul3A_266 = arith.muli %mul3A_265, %scan3A_261 : i32
        %add3A_267 = arith.constant 1 : i32
        %add3A_268 = arith.addi %mul3A_266, %add3A_267 : i32
        %mul3A_269 = arith.constant 128 : i32
        %mul3A_270 = arith.muli %mul3A_264, %mul3A_269 : i32
        %dma_wait3A_271 = tpu.memref_slice %arg8[%mul3A_270] : memref<5120xi32, #tpu.memory_space<vmem>> -> memref<128xi32, #tpu.memory_space<vmem>>
        %dma_wait3A_272 = arith.constant 0 : i32
        %dma_wait3A_273 = arith.constant 0 : i32
        %dma_wait3A_274 = tpu.memref_slice %arg3[%dma_wait3A_272, %dma_wait3A_273] : memref<10000x128xf32, #tpu.memory_space<hbm>> -> memref<10000x128xf32, #tpu.memory_space<hbm>>
        tpu.wait_indirect_dma semaphore(%arg13 : memref<!tpu.dma_semaphore, #tpu.memory_space<semaphore_mem>>) src(%dma_wait3A_274 : memref<10000x128xf32, #tpu.memory_space<hbm>>) dst(%arg10 : memref<128x128xf32, #tpu.memory_space<vmem>>)
        %dma_start3A_275 = arith.constant 0 : i32
        %dma_start3A_276 = tpu.memref_slice %arg9[%mul3A_264, %dma_start3A_275] : memref<40x128xi32, #tpu.memory_space<vmem>> -> memref<1x128xi32, #tpu.memory_space<vmem>>
        %dma_start3A_277 = tpu.memref_squeeze %dma_start3A_276 : memref<1x128xi32, #tpu.memory_space<vmem>> -> memref<128xi32, #tpu.memory_space<vmem>>
        %dma_start3A_278 = arith.constant 0 : i32
        %dma_start3A_279 = arith.constant 0 : i32
        %dma_start3A_280 = tpu.memref_slice %arg12[%dma_start3A_278, %dma_start3A_279] : memref<10016x128xf32, #tpu.memory_space<vmem_shared>> -> memref<10016x128xf32, #tpu.memory_space<vmem_shared>>
        tpu.enqueue_indirect_dma source(%arg10 : memref<128x128xf32, #tpu.memory_space<vmem>>) target(%dma_start3A_280 : memref<10016x128xf32, #tpu.memory_space<vmem_shared>>) offsets(%dma_start3A_277 : memref<128xi32, #tpu.memory_space<vmem>>) semaphore(%arg15 : memref<!tpu.dma_semaphore, #tpu.memory_space<semaphore_mem>>) {add = true}
        %mul3A_281 = arith.constant 128 : i32
        %mul3A_282 = arith.muli %add3A_268, %mul3A_281 : i32
        %dma_wait3A_283 = tpu.memref_slice %arg8[%mul3A_282] : memref<5120xi32, #tpu.memory_space<vmem>> -> memref<128xi32, #tpu.memory_space<vmem>>
        %dma_wait3A_284 = arith.constant 0 : i32
        %dma_wait3A_285 = arith.constant 0 : i32
        %dma_wait3A_286 = tpu.memref_slice %arg3[%dma_wait3A_284, %dma_wait3A_285] : memref<10000x128xf32, #tpu.memory_space<hbm>> -> memref<10000x128xf32, #tpu.memory_space<hbm>>
        tpu.wait_indirect_dma semaphore(%arg14 : memref<!tpu.dma_semaphore, #tpu.memory_space<semaphore_mem>>) src(%dma_wait3A_286 : memref<10000x128xf32, #tpu.memory_space<hbm>>) dst(%arg11 : memref<128x128xf32, #tpu.memory_space<vmem>>)
        %dma_start3A_287 = arith.constant 0 : i32
        %dma_start3A_288 = tpu.memref_slice %arg9[%add3A_268, %dma_start3A_287] : memref<40x128xi32, #tpu.memory_space<vmem>> -> memref<1x128xi32, #tpu.memory_space<vmem>>
        %dma_start3A_289 = tpu.memref_squeeze %dma_start3A_288 : memref<1x128xi32, #tpu.memory_space<vmem>> -> memref<128xi32, #tpu.memory_space<vmem>>
        %dma_start3A_290 = arith.constant 0 : i32
        %dma_start3A_291 = arith.constant 0 : i32
        %dma_start3A_292 = tpu.memref_slice %arg12[%dma_start3A_290, %dma_start3A_291] : memref<10016x128xf32, #tpu.memory_space<vmem_shared>> -> memref<10016x128xf32, #tpu.memory_space<vmem_shared>>
        tpu.enqueue_indirect_dma source(%arg11 : memref<128x128xf32, #tpu.memory_space<vmem>>) target(%dma_start3A_292 : memref<10016x128xf32, #tpu.memory_space<vmem_shared>>) offsets(%dma_start3A_289 : memref<128xi32, #tpu.memory_space<vmem>>) semaphore(%arg16 : memref<!tpu.dma_semaphore, #tpu.memory_space<semaphore_mem>>) {add = true}
        %dma_wait3A_293 = arith.constant 0 : i32
        %dma_wait3A_294 = tpu.memref_slice %arg9[%mul3A_264, %dma_wait3A_293] : memref<40x128xi32, #tpu.memory_space<vmem>> -> memref<1x128xi32, #tpu.memory_space<vmem>>
        %dma_wait3A_295 = tpu.memref_squeeze %dma_wait3A_294 : memref<1x128xi32, #tpu.memory_space<vmem>> -> memref<128xi32, #tpu.memory_space<vmem>>
        %dma_wait3A_296 = arith.constant 0 : i32
        %dma_wait3A_297 = arith.constant 0 : i32
        %dma_wait3A_298 = tpu.memref_slice %arg12[%dma_wait3A_296, %dma_wait3A_297] : memref<10016x128xf32, #tpu.memory_space<vmem_shared>> -> memref<10016x128xf32, #tpu.memory_space<vmem_shared>>
        tpu.wait_indirect_dma semaphore(%arg15 : memref<!tpu.dma_semaphore, #tpu.memory_space<semaphore_mem>>) src(%arg10 : memref<128x128xf32, #tpu.memory_space<vmem>>) dst(%dma_wait3A_298 : memref<10016x128xf32, #tpu.memory_space<vmem_shared>>)
        %add3A_299 = arith.constant 2 : i32
        %add3A_300 = arith.addi %mul3A_264, %add3A_299 : i32
        %mul3A_301 = arith.constant 128 : i32
        %mul3A_302 = arith.muli %add3A_300, %mul3A_301 : i32
        %dma_start3A_303 = tpu.memref_slice %arg8[%mul3A_302] : memref<5120xi32, #tpu.memory_space<vmem>> -> memref<128xi32, #tpu.memory_space<vmem>>
        %dma_start3A_304 = arith.constant 0 : i32
        %dma_start3A_305 = arith.constant 0 : i32
        %dma_start3A_306 = tpu.memref_slice %arg3[%dma_start3A_304, %dma_start3A_305] : memref<10000x128xf32, #tpu.memory_space<hbm>> -> memref<10000x128xf32, #tpu.memory_space<hbm>>
        tpu.enqueue_indirect_dma source(%dma_start3A_306 : memref<10000x128xf32, #tpu.memory_space<hbm>>) target(%arg10 : memref<128x128xf32, #tpu.memory_space<vmem>>) offsets(%dma_start3A_303 : memref<128xi32, #tpu.memory_space<vmem>>) semaphore(%arg13 : memref<!tpu.dma_semaphore, #tpu.memory_space<semaphore_mem>>)
        %dma_wait3A_307 = arith.constant 0 : i32
        %dma_wait3A_308 = tpu.memref_slice %arg9[%add3A_268, %dma_wait3A_307] : memref<40x128xi32, #tpu.memory_space<vmem>> -> memref<1x128xi32, #tpu.memory_space<vmem>>
        %dma_wait3A_309 = tpu.memref_squeeze %dma_wait3A_308 : memref<1x128xi32, #tpu.memory_space<vmem>> -> memref<128xi32, #tpu.memory_space<vmem>>
        %dma_wait3A_310 = arith.constant 0 : i32
        %dma_wait3A_311 = arith.constant 0 : i32
        %dma_wait3A_312 = tpu.memref_slice %arg12[%dma_wait3A_310, %dma_wait3A_311] : memref<10016x128xf32, #tpu.memory_space<vmem_shared>> -> memref<10016x128xf32, #tpu.memory_space<vmem_shared>>
        tpu.wait_indirect_dma semaphore(%arg16 : memref<!tpu.dma_semaphore, #tpu.memory_space<semaphore_mem>>) src(%arg11 : memref<128x128xf32, #tpu.memory_space<vmem>>) dst(%dma_wait3A_312 : memref<10016x128xf32, #tpu.memory_space<vmem_shared>>)
        %add3A_313 = arith.constant 2 : i32
        %add3A_314 = arith.addi %add3A_268, %add3A_313 : i32
        %mul3A_315 = arith.constant 128 : i32
        %mul3A_316 = arith.muli %add3A_314, %mul3A_315 : i32
        %dma_start3A_317 = tpu.memref_slice %arg8[%mul3A_316] : memref<5120xi32, #tpu.memory_space<vmem>> -> memref<128xi32, #tpu.memory_space<vmem>>
        %dma_start3A_318 = arith.constant 0 : i32
        %dma_start3A_319 = arith.constant 0 : i32
        %dma_start3A_320 = tpu.memref_slice %arg3[%dma_start3A_318, %dma_start3A_319] : memref<10000x128xf32, #tpu.memory_space<hbm>> -> memref<10000x128xf32, #tpu.memory_space<hbm>>
        tpu.enqueue_indirect_dma source(%dma_start3A_320 : memref<10000x128xf32, #tpu.memory_space<hbm>>) target(%arg11 : memref<128x128xf32, #tpu.memory_space<vmem>>) offsets(%dma_start3A_317 : memref<128xi32, #tpu.memory_space<vmem>>) semaphore(%arg14 : memref<!tpu.dma_semaphore, #tpu.memory_space<semaphore_mem>>)
        %scan3A_321 = arith.constant 0 : i32
        scf.yield %scan3A_321 : i32
      }
      %scan3A_102 = arith.constant 19 : i32
      %dma_wait3A_103 = arith.constant 4864 : i32
      %dma_wait3A_104 = tpu.memref_slice %arg8[%dma_wait3A_103] : memref<5120xi32, #tpu.memory_space<vmem>> -> memref<128xi32, #tpu.memory_space<vmem>>
      %dma_wait3A_105 = arith.constant 0 : i32
      %dma_wait3A_106 = arith.constant 0 : i32
      %dma_wait3A_107 = tpu.memref_slice %arg3[%dma_wait3A_105, %dma_wait3A_106] : memref<10000x128xf32, #tpu.memory_space<hbm>> -> memref<10000x128xf32, #tpu.memory_space<hbm>>
      tpu.wait_indirect_dma semaphore(%arg13 : memref<!tpu.dma_semaphore, #tpu.memory_space<semaphore_mem>>) src(%dma_wait3A_107 : memref<10000x128xf32, #tpu.memory_space<hbm>>) dst(%arg10 : memref<128x128xf32, #tpu.memory_space<vmem>>)
      %dma_start3A_108 = arith.constant 38 : i32
      %dma_start3A_109 = arith.constant 0 : i32
      %dma_start3A_110 = tpu.memref_slice %arg9[%dma_start3A_108, %dma_start3A_109] : memref<40x128xi32, #tpu.memory_space<vmem>> -> memref<1x128xi32, #tpu.memory_space<vmem>>
      %dma_start3A_111 = tpu.memref_squeeze %dma_start3A_110 : memref<1x128xi32, #tpu.memory_space<vmem>> -> memref<128xi32, #tpu.memory_space<vmem>>
      %dma_start3A_112 = arith.constant 0 : i32
      %dma_start3A_113 = arith.constant 0 : i32
      %dma_start3A_114 = tpu.memref_slice %arg12[%dma_start3A_112, %dma_start3A_113] : memref<10016x128xf32, #tpu.memory_space<vmem_shared>> -> memref<10016x128xf32, #tpu.memory_space<vmem_shared>>
      tpu.enqueue_indirect_dma source(%arg10 : memref<128x128xf32, #tpu.memory_space<vmem>>) target(%dma_start3A_114 : memref<10016x128xf32, #tpu.memory_space<vmem_shared>>) offsets(%dma_start3A_111 : memref<128xi32, #tpu.memory_space<vmem>>) semaphore(%arg15 : memref<!tpu.dma_semaphore, #tpu.memory_space<semaphore_mem>>) {add = true}
      %dma_wait3A_115 = arith.constant 4992 : i32
      %dma_wait3A_116 = tpu.memref_slice %arg8[%dma_wait3A_115] : memref<5120xi32, #tpu.memory_space<vmem>> -> memref<128xi32, #tpu.memory_space<vmem>>
      %dma_wait3A_117 = arith.constant 0 : i32
      %dma_wait3A_118 = arith.constant 0 : i32
      %dma_wait3A_119 = tpu.memref_slice %arg3[%dma_wait3A_117, %dma_wait3A_118] : memref<10000x128xf32, #tpu.memory_space<hbm>> -> memref<10000x128xf32, #tpu.memory_space<hbm>>
      tpu.wait_indirect_dma semaphore(%arg14 : memref<!tpu.dma_semaphore, #tpu.memory_space<semaphore_mem>>) src(%dma_wait3A_119 : memref<10000x128xf32, #tpu.memory_space<hbm>>) dst(%arg11 : memref<128x128xf32, #tpu.memory_space<vmem>>)
      %dma_start3A_120 = arith.constant 39 : i32
      %dma_start3A_121 = arith.constant 0 : i32
      %dma_start3A_122 = tpu.memref_slice %arg9[%dma_start3A_120, %dma_start3A_121] : memref<40x128xi32, #tpu.memory_space<vmem>> -> memref<1x128xi32, #tpu.memory_space<vmem>>
      %dma_start3A_123 = tpu.memref_squeeze %dma_start3A_122 : memref<1x128xi32, #tpu.memory_space<vmem>> -> memref<128xi32, #tpu.memory_space<vmem>>
      %dma_start3A_124 = arith.constant 0 : i32
      %dma_start3A_125 = arith.constant 0 : i32
      %dma_start3A_126 = tpu.memref_slice %arg12[%dma_start3A_124, %dma_start3A_125] : memref<10016x128xf32, #tpu.memory_space<vmem_shared>> -> memref<10016x128xf32, #tpu.memory_space<vmem_shared>>
      tpu.enqueue_indirect_dma source(%arg11 : memref<128x128xf32, #tpu.memory_space<vmem>>) target(%dma_start3A_126 : memref<10016x128xf32, #tpu.memory_space<vmem_shared>>) offsets(%dma_start3A_123 : memref<128xi32, #tpu.memory_space<vmem>>) semaphore(%arg16 : memref<!tpu.dma_semaphore, #tpu.memory_space<semaphore_mem>>) {add = true}
      %dma_wait3A_127 = arith.constant 38 : i32
      %dma_wait3A_128 = arith.constant 0 : i32
      %dma_wait3A_129 = tpu.memref_slice %arg9[%dma_wait3A_127, %dma_wait3A_128] : memref<40x128xi32, #tpu.memory_space<vmem>> -> memref<1x128xi32, #tpu.memory_space<vmem>>
      %dma_wait3A_130 = tpu.memref_squeeze %dma_wait3A_129 : memref<1x128xi32, #tpu.memory_space<vmem>> -> memref<128xi32, #tpu.memory_space<vmem>>
      %dma_wait3A_131 = arith.constant 0 : i32
      %dma_wait3A_132 = arith.constant 0 : i32
      %dma_wait3A_133 = tpu.memref_slice %arg12[%dma_wait3A_131, %dma_wait3A_132] : memref<10016x128xf32, #tpu.memory_space<vmem_shared>> -> memref<10016x128xf32, #tpu.memory_space<vmem_shared>>
      tpu.wait_indirect_dma semaphore(%arg15 : memref<!tpu.dma_semaphore, #tpu.memory_space<semaphore_mem>>) src(%arg10 : memref<128x128xf32, #tpu.memory_space<vmem>>) dst(%dma_wait3A_133 : memref<10016x128xf32, #tpu.memory_space<vmem_shared>>)
      %dma_wait3A_134 = arith.constant 39 : i32
      %dma_wait3A_135 = arith.constant 0 : i32
      %dma_wait3A_136 = tpu.memref_slice %arg9[%dma_wait3A_134, %dma_wait3A_135] : memref<40x128xi32, #tpu.memory_space<vmem>> -> memref<1x128xi32, #tpu.memory_space<vmem>>
      %dma_wait3A_137 = tpu.memref_squeeze %dma_wait3A_136 : memref<1x128xi32, #tpu.memory_space<vmem>> -> memref<128xi32, #tpu.memory_space<vmem>>
      %dma_wait3A_138 = arith.constant 0 : i32
      %dma_wait3A_139 = arith.constant 0 : i32
      %dma_wait3A_140 = tpu.memref_slice %arg12[%dma_wait3A_138, %dma_wait3A_139] : memref<10016x128xf32, #tpu.memory_space<vmem_shared>> -> memref<10016x128xf32, #tpu.memory_space<vmem_shared>>
      tpu.wait_indirect_dma semaphore(%arg16 : memref<!tpu.dma_semaphore, #tpu.memory_space<semaphore_mem>>) src(%arg11 : memref<128x128xf32, #tpu.memory_space<vmem>>) dst(%dma_wait3A_140 : memref<10016x128xf32, #tpu.memory_space<vmem_shared>>)
      %add3A_141 = arith.constant 80 : i32
      %add3A_142 = arith.addi %mul3A_4, %add3A_141 : i32
      %add3A_143 = arith.constant 0 : i32
      %add3A_144 = arith.addi %add3A_142, %add3A_143 : i32
      %mul3A_145 = arith.constant 128 : i32
      %mul3A_146 = arith.muli %add3A_144, %mul3A_145 : i32
      "tpu.region"() ({
        %run_scoped3A = tpu.sem_alloc : memref<!tpu.dma_semaphore, #tpu.memory_space<semaphore_mem>>
        %dma_start3A_261 = tpu.memref_slice %arg4[%mul3A_146] : memref<327680xi32, #tpu.memory_space<hbm>> -> memref<5120xi32, #tpu.memory_space<hbm>>
        %dma_start3A_262 = tpu.memref_slice %arg4[%mul3A_146] : memref<327680xi32, #tpu.memory_space<hbm>> -> memref<5120xi32, #tpu.memory_space<hbm>>
        tpu.enqueue_dma source(%dma_start3A_262 : memref<5120xi32, #tpu.memory_space<hbm>>) target(%arg8 : memref<5120xi32, #tpu.memory_space<vmem>>) target_semaphore(%run_scoped3A : memref<!tpu.dma_semaphore, #tpu.memory_space<semaphore_mem>>)
        %dma_wait3A_263 = tpu.memref_slice %arg4[%mul3A_146] : memref<327680xi32, #tpu.memory_space<hbm>> -> memref<5120xi32, #tpu.memory_space<hbm>>
        %dma_wait3A_264 = tpu.memref_slice %arg4[%mul3A_146] : memref<327680xi32, #tpu.memory_space<hbm>> -> memref<5120xi32, #tpu.memory_space<hbm>>
        tpu.wait_dma2 semaphore(%run_scoped3A : memref<!tpu.dma_semaphore, #tpu.memory_space<semaphore_mem>>) src(%dma_wait3A_264 : memref<5120xi32, #tpu.memory_space<hbm>>) dst(%arg8 : memref<5120xi32, #tpu.memory_space<vmem>>)
        tpu.yield
      }) : () -> ()
      "tpu.region"() ({
        %run_scoped3A = tpu.sem_alloc : memref<!tpu.dma_semaphore, #tpu.memory_space<semaphore_mem>>
        %dma_start3A_261 = arith.constant 0 : i32
        %dma_start3A_262 = tpu.memref_slice %arg5[%add3A_144, %dma_start3A_261] : memref<2560x128xi32, #tpu.memory_space<hbm>> -> memref<40x128xi32, #tpu.memory_space<hbm>>
        %dma_start3A_263 = arith.constant 0 : i32
        %dma_start3A_264 = tpu.memref_slice %arg5[%add3A_144, %dma_start3A_263] : memref<2560x128xi32, #tpu.memory_space<hbm>> -> memref<40x128xi32, #tpu.memory_space<hbm>>
        tpu.enqueue_dma source(%dma_start3A_264 : memref<40x128xi32, #tpu.memory_space<hbm>>) target(%arg9 : memref<40x128xi32, #tpu.memory_space<vmem>>) target_semaphore(%run_scoped3A : memref<!tpu.dma_semaphore, #tpu.memory_space<semaphore_mem>>)
        %dma_wait3A_265 = arith.constant 0 : i32
        %dma_wait3A_266 = tpu.memref_slice %arg5[%add3A_144, %dma_wait3A_265] : memref<2560x128xi32, #tpu.memory_space<hbm>> -> memref<40x128xi32, #tpu.memory_space<hbm>>
        %dma_wait3A_267 = arith.constant 0 : i32
        %dma_wait3A_268 = tpu.memref_slice %arg5[%add3A_144, %dma_wait3A_267] : memref<2560x128xi32, #tpu.memory_space<hbm>> -> memref<40x128xi32, #tpu.memory_space<hbm>>
        tpu.wait_dma2 semaphore(%run_scoped3A : memref<!tpu.dma_semaphore, #tpu.memory_space<semaphore_mem>>) src(%dma_wait3A_268 : memref<40x128xi32, #tpu.memory_space<hbm>>) dst(%arg9 : memref<40x128xi32, #tpu.memory_space<vmem>>)
        tpu.yield
      }) : () -> ()
      %dma_start3A_147 = arith.constant 0 : i32
      %dma_start3A_148 = tpu.memref_slice %arg8[%dma_start3A_147] : memref<5120xi32, #tpu.memory_space<vmem>> -> memref<128xi32, #tpu.memory_space<vmem>>
      %dma_start3A_149 = arith.constant 0 : i32
      %dma_start3A_150 = arith.constant 0 : i32
      %dma_start3A_151 = tpu.memref_slice %arg3[%dma_start3A_149, %dma_start3A_150] : memref<10000x128xf32, #tpu.memory_space<hbm>> -> memref<10000x128xf32, #tpu.memory_space<hbm>>
      tpu.enqueue_indirect_dma source(%dma_start3A_151 : memref<10000x128xf32, #tpu.memory_space<hbm>>) target(%arg10 : memref<128x128xf32, #tpu.memory_space<vmem>>) offsets(%dma_start3A_148 : memref<128xi32, #tpu.memory_space<vmem>>) semaphore(%arg13 : memref<!tpu.dma_semaphore, #tpu.memory_space<semaphore_mem>>)
      %dma_start3A_152 = arith.constant 128 : i32
      %dma_start3A_153 = tpu.memref_slice %arg8[%dma_start3A_152] : memref<5120xi32, #tpu.memory_space<vmem>> -> memref<128xi32, #tpu.memory_space<vmem>>
      %dma_start3A_154 = arith.constant 0 : i32
      %dma_start3A_155 = arith.constant 0 : i32
      %dma_start3A_156 = tpu.memref_slice %arg3[%dma_start3A_154, %dma_start3A_155] : memref<10000x128xf32, #tpu.memory_space<hbm>> -> memref<10000x128xf32, #tpu.memory_space<hbm>>
      tpu.enqueue_indirect_dma source(%dma_start3A_156 : memref<10000x128xf32, #tpu.memory_space<hbm>>) target(%arg11 : memref<128x128xf32, #tpu.memory_space<vmem>>) offsets(%dma_start3A_153 : memref<128xi32, #tpu.memory_space<vmem>>) semaphore(%arg14 : memref<!tpu.dma_semaphore, #tpu.memory_space<semaphore_mem>>)
      %scan3A_157 = arith.constant 0 : i32
      %scan3A_158 = arith.constant 0 : i32
      %scan3A_159 = arith.constant 19 : i32
      %scan3A_160 = arith.addi %scan3A_158, %scan3A_159 : i32
      %scan3A_161 = arith.constant 1 : i32
      %scan3A_162 = scf.for %scan3A_261 = %scan3A_158 to %scan3A_160 step %scan3A_161 iter_args(%scan3A_262 = %scan3A_157) -> (i32)  : i32 {
        %mul3A_263 = arith.constant 2 : i32
        %mul3A_264 = arith.muli %mul3A_263, %scan3A_261 : i32
        %mul3A_265 = arith.constant 2 : i32
        %mul3A_266 = arith.muli %mul3A_265, %scan3A_261 : i32
        %add3A_267 = arith.constant 1 : i32
        %add3A_268 = arith.addi %mul3A_266, %add3A_267 : i32
        %mul3A_269 = arith.constant 128 : i32
        %mul3A_270 = arith.muli %mul3A_264, %mul3A_269 : i32
        %dma_wait3A_271 = tpu.memref_slice %arg8[%mul3A_270] : memref<5120xi32, #tpu.memory_space<vmem>> -> memref<128xi32, #tpu.memory_space<vmem>>
        %dma_wait3A_272 = arith.constant 0 : i32
        %dma_wait3A_273 = arith.constant 0 : i32
        %dma_wait3A_274 = tpu.memref_slice %arg3[%dma_wait3A_272, %dma_wait3A_273] : memref<10000x128xf32, #tpu.memory_space<hbm>> -> memref<10000x128xf32, #tpu.memory_space<hbm>>
        tpu.wait_indirect_dma semaphore(%arg13 : memref<!tpu.dma_semaphore, #tpu.memory_space<semaphore_mem>>) src(%dma_wait3A_274 : memref<10000x128xf32, #tpu.memory_space<hbm>>) dst(%arg10 : memref<128x128xf32, #tpu.memory_space<vmem>>)
        %dma_start3A_275 = arith.constant 0 : i32
        %dma_start3A_276 = tpu.memref_slice %arg9[%mul3A_264, %dma_start3A_275] : memref<40x128xi32, #tpu.memory_space<vmem>> -> memref<1x128xi32, #tpu.memory_space<vmem>>
        %dma_start3A_277 = tpu.memref_squeeze %dma_start3A_276 : memref<1x128xi32, #tpu.memory_space<vmem>> -> memref<128xi32, #tpu.memory_space<vmem>>
        %dma_start3A_278 = arith.constant 0 : i32
        %dma_start3A_279 = arith.constant 0 : i32
        %dma_start3A_280 = tpu.memref_slice %arg12[%dma_start3A_278, %dma_start3A_279] : memref<10016x128xf32, #tpu.memory_space<vmem_shared>> -> memref<10016x128xf32, #tpu.memory_space<vmem_shared>>
        tpu.enqueue_indirect_dma source(%arg10 : memref<128x128xf32, #tpu.memory_space<vmem>>) target(%dma_start3A_280 : memref<10016x128xf32, #tpu.memory_space<vmem_shared>>) offsets(%dma_start3A_277 : memref<128xi32, #tpu.memory_space<vmem>>) semaphore(%arg15 : memref<!tpu.dma_semaphore, #tpu.memory_space<semaphore_mem>>) {add = true}
        %mul3A_281 = arith.constant 128 : i32
        %mul3A_282 = arith.muli %add3A_268, %mul3A_281 : i32
        %dma_wait3A_283 = tpu.memref_slice %arg8[%mul3A_282] : memref<5120xi32, #tpu.memory_space<vmem>> -> memref<128xi32, #tpu.memory_space<vmem>>
        %dma_wait3A_284 = arith.constant 0 : i32
        %dma_wait3A_285 = arith.constant 0 : i32
        %dma_wait3A_286 = tpu.memref_slice %arg3[%dma_wait3A_284, %dma_wait3A_285] : memref<10000x128xf32, #tpu.memory_space<hbm>> -> memref<10000x128xf32, #tpu.memory_space<hbm>>
        tpu.wait_indirect_dma semaphore(%arg14 : memref<!tpu.dma_semaphore, #tpu.memory_space<semaphore_mem>>) src(%dma_wait3A_286 : memref<10000x128xf32, #tpu.memory_space<hbm>>) dst(%arg11 : memref<128x128xf32, #tpu.memory_space<vmem>>)
        %dma_start3A_287 = arith.constant 0 : i32
        %dma_start3A_288 = tpu.memref_slice %arg9[%add3A_268, %dma_start3A_287] : memref<40x128xi32, #tpu.memory_space<vmem>> -> memref<1x128xi32, #tpu.memory_space<vmem>>
        %dma_start3A_289 = tpu.memref_squeeze %dma_start3A_288 : memref<1x128xi32, #tpu.memory_space<vmem>> -> memref<128xi32, #tpu.memory_space<vmem>>
        %dma_start3A_290 = arith.constant 0 : i32
        %dma_start3A_291 = arith.constant 0 : i32
        %dma_start3A_292 = tpu.memref_slice %arg12[%dma_start3A_290, %dma_start3A_291] : memref<10016x128xf32, #tpu.memory_space<vmem_shared>> -> memref<10016x128xf32, #tpu.memory_space<vmem_shared>>
        tpu.enqueue_indirect_dma source(%arg11 : memref<128x128xf32, #tpu.memory_space<vmem>>) target(%dma_start3A_292 : memref<10016x128xf32, #tpu.memory_space<vmem_shared>>) offsets(%dma_start3A_289 : memref<128xi32, #tpu.memory_space<vmem>>) semaphore(%arg16 : memref<!tpu.dma_semaphore, #tpu.memory_space<semaphore_mem>>) {add = true}
        %dma_wait3A_293 = arith.constant 0 : i32
        %dma_wait3A_294 = tpu.memref_slice %arg9[%mul3A_264, %dma_wait3A_293] : memref<40x128xi32, #tpu.memory_space<vmem>> -> memref<1x128xi32, #tpu.memory_space<vmem>>
        %dma_wait3A_295 = tpu.memref_squeeze %dma_wait3A_294 : memref<1x128xi32, #tpu.memory_space<vmem>> -> memref<128xi32, #tpu.memory_space<vmem>>
        %dma_wait3A_296 = arith.constant 0 : i32
        %dma_wait3A_297 = arith.constant 0 : i32
        %dma_wait3A_298 = tpu.memref_slice %arg12[%dma_wait3A_296, %dma_wait3A_297] : memref<10016x128xf32, #tpu.memory_space<vmem_shared>> -> memref<10016x128xf32, #tpu.memory_space<vmem_shared>>
        tpu.wait_indirect_dma semaphore(%arg15 : memref<!tpu.dma_semaphore, #tpu.memory_space<semaphore_mem>>) src(%arg10 : memref<128x128xf32, #tpu.memory_space<vmem>>) dst(%dma_wait3A_298 : memref<10016x128xf32, #tpu.memory_space<vmem_shared>>)
        %add3A_299 = arith.constant 2 : i32
        %add3A_300 = arith.addi %mul3A_264, %add3A_299 : i32
        %mul3A_301 = arith.constant 128 : i32
        %mul3A_302 = arith.muli %add3A_300, %mul3A_301 : i32
        %dma_start3A_303 = tpu.memref_slice %arg8[%mul3A_302] : memref<5120xi32, #tpu.memory_space<vmem>> -> memref<128xi32, #tpu.memory_space<vmem>>
        %dma_start3A_304 = arith.constant 0 : i32
        %dma_start3A_305 = arith.constant 0 : i32
        %dma_start3A_306 = tpu.memref_slice %arg3[%dma_start3A_304, %dma_start3A_305] : memref<10000x128xf32, #tpu.memory_space<hbm>> -> memref<10000x128xf32, #tpu.memory_space<hbm>>
        tpu.enqueue_indirect_dma source(%dma_start3A_306 : memref<10000x128xf32, #tpu.memory_space<hbm>>) target(%arg10 : memref<128x128xf32, #tpu.memory_space<vmem>>) offsets(%dma_start3A_303 : memref<128xi32, #tpu.memory_space<vmem>>) semaphore(%arg13 : memref<!tpu.dma_semaphore, #tpu.memory_space<semaphore_mem>>)
        %dma_wait3A_307 = arith.constant 0 : i32
        %dma_wait3A_308 = tpu.memref_slice %arg9[%add3A_268, %dma_wait3A_307] : memref<40x128xi32, #tpu.memory_space<vmem>> -> memref<1x128xi32, #tpu.memory_space<vmem>>
        %dma_wait3A_309 = tpu.memref_squeeze %dma_wait3A_308 : memref<1x128xi32, #tpu.memory_space<vmem>> -> memref<128xi32, #tpu.memory_space<vmem>>
        %dma_wait3A_310 = arith.constant 0 : i32
        %dma_wait3A_311 = arith.constant 0 : i32
        %dma_wait3A_312 = tpu.memref_slice %arg12[%dma_wait3A_310, %dma_wait3A_311] : memref<10016x128xf32, #tpu.memory_space<vmem_shared>> -> memref<10016x128xf32, #tpu.memory_space<vmem_shared>>
        tpu.wait_indirect_dma semaphore(%arg16 : memref<!tpu.dma_semaphore, #tpu.memory_space<semaphore_mem>>) src(%arg11 : memref<128x128xf32, #tpu.memory_space<vmem>>) dst(%dma_wait3A_312 : memref<10016x128xf32, #tpu.memory_space<vmem_shared>>)
        %add3A_313 = arith.constant 2 : i32
        %add3A_314 = arith.addi %add3A_268, %add3A_313 : i32
        %mul3A_315 = arith.constant 128 : i32
        %mul3A_316 = arith.muli %add3A_314, %mul3A_315 : i32
        %dma_start3A_317 = tpu.memref_slice %arg8[%mul3A_316] : memref<5120xi32, #tpu.memory_space<vmem>> -> memref<128xi32, #tpu.memory_space<vmem>>
        %dma_start3A_318 = arith.constant 0 : i32
        %dma_start3A_319 = arith.constant 0 : i32
        %dma_start3A_320 = tpu.memref_slice %arg3[%dma_start3A_318, %dma_start3A_319] : memref<10000x128xf32, #tpu.memory_space<hbm>> -> memref<10000x128xf32, #tpu.memory_space<hbm>>
        tpu.enqueue_indirect_dma source(%dma_start3A_320 : memref<10000x128xf32, #tpu.memory_space<hbm>>) target(%arg11 : memref<128x128xf32, #tpu.memory_space<vmem>>) offsets(%dma_start3A_317 : memref<128xi32, #tpu.memory_space<vmem>>) semaphore(%arg14 : memref<!tpu.dma_semaphore, #tpu.memory_space<semaphore_mem>>)
        %scan3A_321 = arith.constant 0 : i32
        scf.yield %scan3A_321 : i32
      }
      %scan3A_163 = arith.constant 19 : i32
      %dma_wait3A_164 = arith.constant 4864 : i32
      %dma_wait3A_165 = tpu.memref_slice %arg8[%dma_wait3A_164] : memref<5120xi32, #tpu.memory_space<vmem>> -> memref<128xi32, #tpu.memory_space<vmem>>
      %dma_wait3A_166 = arith.constant 0 : i32
      %dma_wait3A_167 = arith.constant 0 : i32
      %dma_wait3A_168 = tpu.memref_slice %arg3[%dma_wait3A_166, %dma_wait3A_167] : memref<10000x128xf32, #tpu.memory_space<hbm>> -> memref<10000x128xf32, #tpu.memory_space<hbm>>
      tpu.wait_indirect_dma semaphore(%arg13 : memref<!tpu.dma_semaphore, #tpu.memory_space<semaphore_mem>>) src(%dma_wait3A_168 : memref<10000x128xf32, #tpu.memory_space<hbm>>) dst(%arg10 : memref<128x128xf32, #tpu.memory_space<vmem>>)
      %dma_start3A_169 = arith.constant 38 : i32
      %dma_start3A_170 = arith.constant 0 : i32
      %dma_start3A_171 = tpu.memref_slice %arg9[%dma_start3A_169, %dma_start3A_170] : memref<40x128xi32, #tpu.memory_space<vmem>> -> memref<1x128xi32, #tpu.memory_space<vmem>>
      %dma_start3A_172 = tpu.memref_squeeze %dma_start3A_171 : memref<1x128xi32, #tpu.memory_space<vmem>> -> memref<128xi32, #tpu.memory_space<vmem>>
      %dma_start3A_173 = arith.constant 0 : i32
      %dma_start3A_174 = arith.constant 0 : i32
      %dma_start3A_175 = tpu.memref_slice %arg12[%dma_start3A_173, %dma_start3A_174] : memref<10016x128xf32, #tpu.memory_space<vmem_shared>> -> memref<10016x128xf32, #tpu.memory_space<vmem_shared>>
      tpu.enqueue_indirect_dma source(%arg10 : memref<128x128xf32, #tpu.memory_space<vmem>>) target(%dma_start3A_175 : memref<10016x128xf32, #tpu.memory_space<vmem_shared>>) offsets(%dma_start3A_172 : memref<128xi32, #tpu.memory_space<vmem>>) semaphore(%arg15 : memref<!tpu.dma_semaphore, #tpu.memory_space<semaphore_mem>>) {add = true}
      %dma_wait3A_176 = arith.constant 4992 : i32
      %dma_wait3A_177 = tpu.memref_slice %arg8[%dma_wait3A_176] : memref<5120xi32, #tpu.memory_space<vmem>> -> memref<128xi32, #tpu.memory_space<vmem>>
      %dma_wait3A_178 = arith.constant 0 : i32
      %dma_wait3A_179 = arith.constant 0 : i32
      %dma_wait3A_180 = tpu.memref_slice %arg3[%dma_wait3A_178, %dma_wait3A_179] : memref<10000x128xf32, #tpu.memory_space<hbm>> -> memref<10000x128xf32, #tpu.memory_space<hbm>>
      tpu.wait_indirect_dma semaphore(%arg14 : memref<!tpu.dma_semaphore, #tpu.memory_space<semaphore_mem>>) src(%dma_wait3A_180 : memref<10000x128xf32, #tpu.memory_space<hbm>>) dst(%arg11 : memref<128x128xf32, #tpu.memory_space<vmem>>)
      %dma_start3A_181 = arith.constant 39 : i32
      %dma_start3A_182 = arith.constant 0 : i32
      %dma_start3A_183 = tpu.memref_slice %arg9[%dma_start3A_181, %dma_start3A_182] : memref<40x128xi32, #tpu.memory_space<vmem>> -> memref<1x128xi32, #tpu.memory_space<vmem>>
      %dma_start3A_184 = tpu.memref_squeeze %dma_start3A_183 : memref<1x128xi32, #tpu.memory_space<vmem>> -> memref<128xi32, #tpu.memory_space<vmem>>
      %dma_start3A_185 = arith.constant 0 : i32
      %dma_start3A_186 = arith.constant 0 : i32
      %dma_start3A_187 = tpu.memref_slice %arg12[%dma_start3A_185, %dma_start3A_186] : memref<10016x128xf32, #tpu.memory_space<vmem_shared>> -> memref<10016x128xf32, #tpu.memory_space<vmem_shared>>
      tpu.enqueue_indirect_dma source(%arg11 : memref<128x128xf32, #tpu.memory_space<vmem>>) target(%dma_start3A_187 : memref<10016x128xf32, #tpu.memory_space<vmem_shared>>) offsets(%dma_start3A_184 : memref<128xi32, #tpu.memory_space<vmem>>) semaphore(%arg16 : memref<!tpu.dma_semaphore, #tpu.memory_space<semaphore_mem>>) {add = true}
      %dma_wait3A_188 = arith.constant 38 : i32
      %dma_wait3A_189 = arith.constant 0 : i32
      %dma_wait3A_190 = tpu.memref_slice %arg9[%dma_wait3A_188, %dma_wait3A_189] : memref<40x128xi32, #tpu.memory_space<vmem>> -> memref<1x128xi32, #tpu.memory_space<vmem>>
      %dma_wait3A_191 = tpu.memref_squeeze %dma_wait3A_190 : memref<1x128xi32, #tpu.memory_space<vmem>> -> memref<128xi32, #tpu.memory_space<vmem>>
      %dma_wait3A_192 = arith.constant 0 : i32
      %dma_wait3A_193 = arith.constant 0 : i32
      %dma_wait3A_194 = tpu.memref_slice %arg12[%dma_wait3A_192, %dma_wait3A_193] : memref<10016x128xf32, #tpu.memory_space<vmem_shared>> -> memref<10016x128xf32, #tpu.memory_space<vmem_shared>>
      tpu.wait_indirect_dma semaphore(%arg15 : memref<!tpu.dma_semaphore, #tpu.memory_space<semaphore_mem>>) src(%arg10 : memref<128x128xf32, #tpu.memory_space<vmem>>) dst(%dma_wait3A_194 : memref<10016x128xf32, #tpu.memory_space<vmem_shared>>)
      %dma_wait3A_195 = arith.constant 39 : i32
      %dma_wait3A_196 = arith.constant 0 : i32
      %dma_wait3A_197 = tpu.memref_slice %arg9[%dma_wait3A_195, %dma_wait3A_196] : memref<40x128xi32, #tpu.memory_space<vmem>> -> memref<1x128xi32, #tpu.memory_space<vmem>>
      %dma_wait3A_198 = tpu.memref_squeeze %dma_wait3A_197 : memref<1x128xi32, #tpu.memory_space<vmem>> -> memref<128xi32, #tpu.memory_space<vmem>>
      %dma_wait3A_199 = arith.constant 0 : i32
      %dma_wait3A_200 = arith.constant 0 : i32
      %dma_wait3A_201 = tpu.memref_slice %arg12[%dma_wait3A_199, %dma_wait3A_200] : memref<10016x128xf32, #tpu.memory_space<vmem_shared>> -> memref<10016x128xf32, #tpu.memory_space<vmem_shared>>
      tpu.wait_indirect_dma semaphore(%arg16 : memref<!tpu.dma_semaphore, #tpu.memory_space<semaphore_mem>>) src(%arg11 : memref<128x128xf32, #tpu.memory_space<vmem>>) dst(%dma_wait3A_201 : memref<10016x128xf32, #tpu.memory_space<vmem_shared>>)
      %add3A_202 = arith.constant 40 : i32
      %add3A_203 = arith.addi %add3A_142, %add3A_202 : i32
      %mul3A_204 = arith.constant 128 : i32
      %mul3A_205 = arith.muli %add3A_203, %mul3A_204 : i32
      "tpu.region"() ({
        %run_scoped3A = tpu.sem_alloc : memref<!tpu.dma_semaphore, #tpu.memory_space<semaphore_mem>>
        %dma_start3A_261 = tpu.memref_slice %arg4[%mul3A_205] : memref<327680xi32, #tpu.memory_space<hbm>> -> memref<5120xi32, #tpu.memory_space<hbm>>
        %dma_start3A_262 = tpu.memref_slice %arg4[%mul3A_205] : memref<327680xi32, #tpu.memory_space<hbm>> -> memref<5120xi32, #tpu.memory_space<hbm>>
        tpu.enqueue_dma source(%dma_start3A_262 : memref<5120xi32, #tpu.memory_space<hbm>>) target(%arg8 : memref<5120xi32, #tpu.memory_space<vmem>>) target_semaphore(%run_scoped3A : memref<!tpu.dma_semaphore, #tpu.memory_space<semaphore_mem>>)
        %dma_wait3A_263 = tpu.memref_slice %arg4[%mul3A_205] : memref<327680xi32, #tpu.memory_space<hbm>> -> memref<5120xi32, #tpu.memory_space<hbm>>
        %dma_wait3A_264 = tpu.memref_slice %arg4[%mul3A_205] : memref<327680xi32, #tpu.memory_space<hbm>> -> memref<5120xi32, #tpu.memory_space<hbm>>
        tpu.wait_dma2 semaphore(%run_scoped3A : memref<!tpu.dma_semaphore, #tpu.memory_space<semaphore_mem>>) src(%dma_wait3A_264 : memref<5120xi32, #tpu.memory_space<hbm>>) dst(%arg8 : memref<5120xi32, #tpu.memory_space<vmem>>)
        tpu.yield
      }) : () -> ()
      "tpu.region"() ({
        %run_scoped3A = tpu.sem_alloc : memref<!tpu.dma_semaphore, #tpu.memory_space<semaphore_mem>>
        %dma_start3A_261 = arith.constant 0 : i32
        %dma_start3A_262 = tpu.memref_slice %arg5[%add3A_203, %dma_start3A_261] : memref<2560x128xi32, #tpu.memory_space<hbm>> -> memref<40x128xi32, #tpu.memory_space<hbm>>
        %dma_start3A_263 = arith.constant 0 : i32
        %dma_start3A_264 = tpu.memref_slice %arg5[%add3A_203, %dma_start3A_263] : memref<2560x128xi32, #tpu.memory_space<hbm>> -> memref<40x128xi32, #tpu.memory_space<hbm>>
        tpu.enqueue_dma source(%dma_start3A_264 : memref<40x128xi32, #tpu.memory_space<hbm>>) target(%arg9 : memref<40x128xi32, #tpu.memory_space<vmem>>) target_semaphore(%run_scoped3A : memref<!tpu.dma_semaphore, #tpu.memory_space<semaphore_mem>>)
        %dma_wait3A_265 = arith.constant 0 : i32
        %dma_wait3A_266 = tpu.memref_slice %arg5[%add3A_203, %dma_wait3A_265] : memref<2560x128xi32, #tpu.memory_space<hbm>> -> memref<40x128xi32, #tpu.memory_space<hbm>>
        %dma_wait3A_267 = arith.constant 0 : i32
        %dma_wait3A_268 = tpu.memref_slice %arg5[%add3A_203, %dma_wait3A_267] : memref<2560x128xi32, #tpu.memory_space<hbm>> -> memref<40x128xi32, #tpu.memory_space<hbm>>
        tpu.wait_dma2 semaphore(%run_scoped3A : memref<!tpu.dma_semaphore, #tpu.memory_space<semaphore_mem>>) src(%dma_wait3A_268 : memref<40x128xi32, #tpu.memory_space<hbm>>) dst(%arg9 : memref<40x128xi32, #tpu.memory_space<vmem>>)
        tpu.yield
      }) : () -> ()
      %dma_start3A_206 = arith.constant 0 : i32
      %dma_start3A_207 = tpu.memref_slice %arg8[%dma_start3A_206] : memref<5120xi32, #tpu.memory_space<vmem>> -> memref<128xi32, #tpu.memory_space<vmem>>
      %dma_start3A_208 = arith.constant 0 : i32
      %dma_start3A_209 = arith.constant 0 : i32
      %dma_start3A_210 = tpu.memref_slice %arg3[%dma_start3A_208, %dma_start3A_209] : memref<10000x128xf32, #tpu.memory_space<hbm>> -> memref<10000x128xf32, #tpu.memory_space<hbm>>
      tpu.enqueue_indirect_dma source(%dma_start3A_210 : memref<10000x128xf32, #tpu.memory_space<hbm>>) target(%arg10 : memref<128x128xf32, #tpu.memory_space<vmem>>) offsets(%dma_start3A_207 : memref<128xi32, #tpu.memory_space<vmem>>) semaphore(%arg13 : memref<!tpu.dma_semaphore, #tpu.memory_space<semaphore_mem>>)
      %dma_start3A_211 = arith.constant 128 : i32
      %dma_start3A_212 = tpu.memref_slice %arg8[%dma_start3A_211] : memref<5120xi32, #tpu.memory_space<vmem>> -> memref<128xi32, #tpu.memory_space<vmem>>
      %dma_start3A_213 = arith.constant 0 : i32
      %dma_start3A_214 = arith.constant 0 : i32
      %dma_start3A_215 = tpu.memref_slice %arg3[%dma_start3A_213, %dma_start3A_214] : memref<10000x128xf32, #tpu.memory_space<hbm>> -> memref<10000x128xf32, #tpu.memory_space<hbm>>
      tpu.enqueue_indirect_dma source(%dma_start3A_215 : memref<10000x128xf32, #tpu.memory_space<hbm>>) target(%arg11 : memref<128x128xf32, #tpu.memory_space<vmem>>) offsets(%dma_start3A_212 : memref<128xi32, #tpu.memory_space<vmem>>) semaphore(%arg14 : memref<!tpu.dma_semaphore, #tpu.memory_space<semaphore_mem>>)
      %scan3A_216 = arith.constant 0 : i32
      %scan3A_217 = arith.constant 0 : i32
      %scan3A_218 = arith.constant 19 : i32
      %scan3A_219 = arith.addi %scan3A_217, %scan3A_218 : i32
      %scan3A_220 = arith.constant 1 : i32
      %scan3A_221 = scf.for %scan3A_261 = %scan3A_217 to %scan3A_219 step %scan3A_220 iter_args(%scan3A_262 = %scan3A_216) -> (i32)  : i32 {
        %mul3A_263 = arith.constant 2 : i32
        %mul3A_264 = arith.muli %mul3A_263, %scan3A_261 : i32
        %mul3A_265 = arith.constant 2 : i32
        %mul3A_266 = arith.muli %mul3A_265, %scan3A_261 : i32
        %add3A_267 = arith.constant 1 : i32
        %add3A_268 = arith.addi %mul3A_266, %add3A_267 : i32
        %mul3A_269 = arith.constant 128 : i32
        %mul3A_270 = arith.muli %mul3A_264, %mul3A_269 : i32
        %dma_wait3A_271 = tpu.memref_slice %arg8[%mul3A_270] : memref<5120xi32, #tpu.memory_space<vmem>> -> memref<128xi32, #tpu.memory_space<vmem>>
        %dma_wait3A_272 = arith.constant 0 : i32
        %dma_wait3A_273 = arith.constant 0 : i32
        %dma_wait3A_274 = tpu.memref_slice %arg3[%dma_wait3A_272, %dma_wait3A_273] : memref<10000x128xf32, #tpu.memory_space<hbm>> -> memref<10000x128xf32, #tpu.memory_space<hbm>>
        tpu.wait_indirect_dma semaphore(%arg13 : memref<!tpu.dma_semaphore, #tpu.memory_space<semaphore_mem>>) src(%dma_wait3A_274 : memref<10000x128xf32, #tpu.memory_space<hbm>>) dst(%arg10 : memref<128x128xf32, #tpu.memory_space<vmem>>)
        %dma_start3A_275 = arith.constant 0 : i32
        %dma_start3A_276 = tpu.memref_slice %arg9[%mul3A_264, %dma_start3A_275] : memref<40x128xi32, #tpu.memory_space<vmem>> -> memref<1x128xi32, #tpu.memory_space<vmem>>
        %dma_start3A_277 = tpu.memref_squeeze %dma_start3A_276 : memref<1x128xi32, #tpu.memory_space<vmem>> -> memref<128xi32, #tpu.memory_space<vmem>>
        %dma_start3A_278 = arith.constant 0 : i32
        %dma_start3A_279 = arith.constant 0 : i32
        %dma_start3A_280 = tpu.memref_slice %arg12[%dma_start3A_278, %dma_start3A_279] : memref<10016x128xf32, #tpu.memory_space<vmem_shared>> -> memref<10016x128xf32, #tpu.memory_space<vmem_shared>>
        tpu.enqueue_indirect_dma source(%arg10 : memref<128x128xf32, #tpu.memory_space<vmem>>) target(%dma_start3A_280 : memref<10016x128xf32, #tpu.memory_space<vmem_shared>>) offsets(%dma_start3A_277 : memref<128xi32, #tpu.memory_space<vmem>>) semaphore(%arg15 : memref<!tpu.dma_semaphore, #tpu.memory_space<semaphore_mem>>) {add = true}
        %mul3A_281 = arith.constant 128 : i32
        %mul3A_282 = arith.muli %add3A_268, %mul3A_281 : i32
        %dma_wait3A_283 = tpu.memref_slice %arg8[%mul3A_282] : memref<5120xi32, #tpu.memory_space<vmem>> -> memref<128xi32, #tpu.memory_space<vmem>>
        %dma_wait3A_284 = arith.constant 0 : i32
        %dma_wait3A_285 = arith.constant 0 : i32
        %dma_wait3A_286 = tpu.memref_slice %arg3[%dma_wait3A_284, %dma_wait3A_285] : memref<10000x128xf32, #tpu.memory_space<hbm>> -> memref<10000x128xf32, #tpu.memory_space<hbm>>
        tpu.wait_indirect_dma semaphore(%arg14 : memref<!tpu.dma_semaphore, #tpu.memory_space<semaphore_mem>>) src(%dma_wait3A_286 : memref<10000x128xf32, #tpu.memory_space<hbm>>) dst(%arg11 : memref<128x128xf32, #tpu.memory_space<vmem>>)
        %dma_start3A_287 = arith.constant 0 : i32
        %dma_start3A_288 = tpu.memref_slice %arg9[%add3A_268, %dma_start3A_287] : memref<40x128xi32, #tpu.memory_space<vmem>> -> memref<1x128xi32, #tpu.memory_space<vmem>>
        %dma_start3A_289 = tpu.memref_squeeze %dma_start3A_288 : memref<1x128xi32, #tpu.memory_space<vmem>> -> memref<128xi32, #tpu.memory_space<vmem>>
        %dma_start3A_290 = arith.constant 0 : i32
        %dma_start3A_291 = arith.constant 0 : i32
        %dma_start3A_292 = tpu.memref_slice %arg12[%dma_start3A_290, %dma_start3A_291] : memref<10016x128xf32, #tpu.memory_space<vmem_shared>> -> memref<10016x128xf32, #tpu.memory_space<vmem_shared>>
        tpu.enqueue_indirect_dma source(%arg11 : memref<128x128xf32, #tpu.memory_space<vmem>>) target(%dma_start3A_292 : memref<10016x128xf32, #tpu.memory_space<vmem_shared>>) offsets(%dma_start3A_289 : memref<128xi32, #tpu.memory_space<vmem>>) semaphore(%arg16 : memref<!tpu.dma_semaphore, #tpu.memory_space<semaphore_mem>>) {add = true}
        %dma_wait3A_293 = arith.constant 0 : i32
        %dma_wait3A_294 = tpu.memref_slice %arg9[%mul3A_264, %dma_wait3A_293] : memref<40x128xi32, #tpu.memory_space<vmem>> -> memref<1x128xi32, #tpu.memory_space<vmem>>
        %dma_wait3A_295 = tpu.memref_squeeze %dma_wait3A_294 : memref<1x128xi32, #tpu.memory_space<vmem>> -> memref<128xi32, #tpu.memory_space<vmem>>
        %dma_wait3A_296 = arith.constant 0 : i32
        %dma_wait3A_297 = arith.constant 0 : i32
        %dma_wait3A_298 = tpu.memref_slice %arg12[%dma_wait3A_296, %dma_wait3A_297] : memref<10016x128xf32, #tpu.memory_space<vmem_shared>> -> memref<10016x128xf32, #tpu.memory_space<vmem_shared>>
        tpu.wait_indirect_dma semaphore(%arg15 : memref<!tpu.dma_semaphore, #tpu.memory_space<semaphore_mem>>) src(%arg10 : memref<128x128xf32, #tpu.memory_space<vmem>>) dst(%dma_wait3A_298 : memref<10016x128xf32, #tpu.memory_space<vmem_shared>>)
        %add3A_299 = arith.constant 2 : i32
        %add3A_300 = arith.addi %mul3A_264, %add3A_299 : i32
        %mul3A_301 = arith.constant 128 : i32
        %mul3A_302 = arith.muli %add3A_300, %mul3A_301 : i32
        %dma_start3A_303 = tpu.memref_slice %arg8[%mul3A_302] : memref<5120xi32, #tpu.memory_space<vmem>> -> memref<128xi32, #tpu.memory_space<vmem>>
        %dma_start3A_304 = arith.constant 0 : i32
        %dma_start3A_305 = arith.constant 0 : i32
        %dma_start3A_306 = tpu.memref_slice %arg3[%dma_start3A_304, %dma_start3A_305] : memref<10000x128xf32, #tpu.memory_space<hbm>> -> memref<10000x128xf32, #tpu.memory_space<hbm>>
        tpu.enqueue_indirect_dma source(%dma_start3A_306 : memref<10000x128xf32, #tpu.memory_space<hbm>>) target(%arg10 : memref<128x128xf32, #tpu.memory_space<vmem>>) offsets(%dma_start3A_303 : memref<128xi32, #tpu.memory_space<vmem>>) semaphore(%arg13 : memref<!tpu.dma_semaphore, #tpu.memory_space<semaphore_mem>>)
        %dma_wait3A_307 = arith.constant 0 : i32
        %dma_wait3A_308 = tpu.memref_slice %arg9[%add3A_268, %dma_wait3A_307] : memref<40x128xi32, #tpu.memory_space<vmem>> -> memref<1x128xi32, #tpu.memory_space<vmem>>
        %dma_wait3A_309 = tpu.memref_squeeze %dma_wait3A_308 : memref<1x128xi32, #tpu.memory_space<vmem>> -> memref<128xi32, #tpu.memory_space<vmem>>
        %dma_wait3A_310 = arith.constant 0 : i32
        %dma_wait3A_311 = arith.constant 0 : i32
        %dma_wait3A_312 = tpu.memref_slice %arg12[%dma_wait3A_310, %dma_wait3A_311] : memref<10016x128xf32, #tpu.memory_space<vmem_shared>> -> memref<10016x128xf32, #tpu.memory_space<vmem_shared>>
        tpu.wait_indirect_dma semaphore(%arg16 : memref<!tpu.dma_semaphore, #tpu.memory_space<semaphore_mem>>) src(%arg11 : memref<128x128xf32, #tpu.memory_space<vmem>>) dst(%dma_wait3A_312 : memref<10016x128xf32, #tpu.memory_space<vmem_shared>>)
        %add3A_313 = arith.constant 2 : i32
        %add3A_314 = arith.addi %add3A_268, %add3A_313 : i32
        %mul3A_315 = arith.constant 128 : i32
        %mul3A_316 = arith.muli %add3A_314, %mul3A_315 : i32
        %dma_start3A_317 = tpu.memref_slice %arg8[%mul3A_316] : memref<5120xi32, #tpu.memory_space<vmem>> -> memref<128xi32, #tpu.memory_space<vmem>>
        %dma_start3A_318 = arith.constant 0 : i32
        %dma_start3A_319 = arith.constant 0 : i32
        %dma_start3A_320 = tpu.memref_slice %arg3[%dma_start3A_318, %dma_start3A_319] : memref<10000x128xf32, #tpu.memory_space<hbm>> -> memref<10000x128xf32, #tpu.memory_space<hbm>>
        tpu.enqueue_indirect_dma source(%dma_start3A_320 : memref<10000x128xf32, #tpu.memory_space<hbm>>) target(%arg11 : memref<128x128xf32, #tpu.memory_space<vmem>>) offsets(%dma_start3A_317 : memref<128xi32, #tpu.memory_space<vmem>>) semaphore(%arg14 : memref<!tpu.dma_semaphore, #tpu.memory_space<semaphore_mem>>)
        %scan3A_321 = arith.constant 0 : i32
        scf.yield %scan3A_321 : i32
      }
      %scan3A_222 = arith.constant 19 : i32
      %dma_wait3A_223 = arith.constant 4864 : i32
      %dma_wait3A_224 = tpu.memref_slice %arg8[%dma_wait3A_223] : memref<5120xi32, #tpu.memory_space<vmem>> -> memref<128xi32, #tpu.memory_space<vmem>>
      %dma_wait3A_225 = arith.constant 0 : i32
      %dma_wait3A_226 = arith.constant 0 : i32
      %dma_wait3A_227 = tpu.memref_slice %arg3[%dma_wait3A_225, %dma_wait3A_226] : memref<10000x128xf32, #tpu.memory_space<hbm>> -> memref<10000x128xf32, #tpu.memory_space<hbm>>
      tpu.wait_indirect_dma semaphore(%arg13 : memref<!tpu.dma_semaphore, #tpu.memory_space<semaphore_mem>>) src(%dma_wait3A_227 : memref<10000x128xf32, #tpu.memory_space<hbm>>) dst(%arg10 : memref<128x128xf32, #tpu.memory_space<vmem>>)
      %dma_start3A_228 = arith.constant 38 : i32
      %dma_start3A_229 = arith.constant 0 : i32
      %dma_start3A_230 = tpu.memref_slice %arg9[%dma_start3A_228, %dma_start3A_229] : memref<40x128xi32, #tpu.memory_space<vmem>> -> memref<1x128xi32, #tpu.memory_space<vmem>>
      %dma_start3A_231 = tpu.memref_squeeze %dma_start3A_230 : memref<1x128xi32, #tpu.memory_space<vmem>> -> memref<128xi32, #tpu.memory_space<vmem>>
      %dma_start3A_232 = arith.constant 0 : i32
      %dma_start3A_233 = arith.constant 0 : i32
      %dma_start3A_234 = tpu.memref_slice %arg12[%dma_start3A_232, %dma_start3A_233] : memref<10016x128xf32, #tpu.memory_space<vmem_shared>> -> memref<10016x128xf32, #tpu.memory_space<vmem_shared>>
      tpu.enqueue_indirect_dma source(%arg10 : memref<128x128xf32, #tpu.memory_space<vmem>>) target(%dma_start3A_234 : memref<10016x128xf32, #tpu.memory_space<vmem_shared>>) offsets(%dma_start3A_231 : memref<128xi32, #tpu.memory_space<vmem>>) semaphore(%arg15 : memref<!tpu.dma_semaphore, #tpu.memory_space<semaphore_mem>>) {add = true}
      %dma_wait3A_235 = arith.constant 4992 : i32
      %dma_wait3A_236 = tpu.memref_slice %arg8[%dma_wait3A_235] : memref<5120xi32, #tpu.memory_space<vmem>> -> memref<128xi32, #tpu.memory_space<vmem>>
      %dma_wait3A_237 = arith.constant 0 : i32
      %dma_wait3A_238 = arith.constant 0 : i32
      %dma_wait3A_239 = tpu.memref_slice %arg3[%dma_wait3A_237, %dma_wait3A_238] : memref<10000x128xf32, #tpu.memory_space<hbm>> -> memref<10000x128xf32, #tpu.memory_space<hbm>>
      tpu.wait_indirect_dma semaphore(%arg14 : memref<!tpu.dma_semaphore, #tpu.memory_space<semaphore_mem>>) src(%dma_wait3A_239 : memref<10000x128xf32, #tpu.memory_space<hbm>>) dst(%arg11 : memref<128x128xf32, #tpu.memory_space<vmem>>)
      %dma_start3A_240 = arith.constant 39 : i32
      %dma_start3A_241 = arith.constant 0 : i32
      %dma_start3A_242 = tpu.memref_slice %arg9[%dma_start3A_240, %dma_start3A_241] : memref<40x128xi32, #tpu.memory_space<vmem>> -> memref<1x128xi32, #tpu.memory_space<vmem>>
      %dma_start3A_243 = tpu.memref_squeeze %dma_start3A_242 : memref<1x128xi32, #tpu.memory_space<vmem>> -> memref<128xi32, #tpu.memory_space<vmem>>
      %dma_start3A_244 = arith.constant 0 : i32
      %dma_start3A_245 = arith.constant 0 : i32
      %dma_start3A_246 = tpu.memref_slice %arg12[%dma_start3A_244, %dma_start3A_245] : memref<10016x128xf32, #tpu.memory_space<vmem_shared>> -> memref<10016x128xf32, #tpu.memory_space<vmem_shared>>
      tpu.enqueue_indirect_dma source(%arg11 : memref<128x128xf32, #tpu.memory_space<vmem>>) target(%dma_start3A_246 : memref<10016x128xf32, #tpu.memory_space<vmem_shared>>) offsets(%dma_start3A_243 : memref<128xi32, #tpu.memory_space<vmem>>) semaphore(%arg16 : memref<!tpu.dma_semaphore, #tpu.memory_space<semaphore_mem>>) {add = true}
      %dma_wait3A_247 = arith.constant 38 : i32
      %dma_wait3A_248 = arith.constant 0 : i32
      %dma_wait3A_249 = tpu.memref_slice %arg9[%dma_wait3A_247, %dma_wait3A_248] : memref<40x128xi32, #tpu.memory_space<vmem>> -> memref<1x128xi32, #tpu.memory_space<vmem>>
      %dma_wait3A_250 = tpu.memref_squeeze %dma_wait3A_249 : memref<1x128xi32, #tpu.memory_space<vmem>> -> memref<128xi32, #tpu.memory_space<vmem>>
      %dma_wait3A_251 = arith.constant 0 : i32
      %dma_wait3A_252 = arith.constant 0 : i32
      %dma_wait3A_253 = tpu.memref_slice %arg12[%dma_wait3A_251, %dma_wait3A_252] : memref<10016x128xf32, #tpu.memory_space<vmem_shared>> -> memref<10016x128xf32, #tpu.memory_space<vmem_shared>>
      tpu.wait_indirect_dma semaphore(%arg15 : memref<!tpu.dma_semaphore, #tpu.memory_space<semaphore_mem>>) src(%arg10 : memref<128x128xf32, #tpu.memory_space<vmem>>) dst(%dma_wait3A_253 : memref<10016x128xf32, #tpu.memory_space<vmem_shared>>)
      %dma_wait3A_254 = arith.constant 39 : i32
      %dma_wait3A_255 = arith.constant 0 : i32
      %dma_wait3A_256 = tpu.memref_slice %arg9[%dma_wait3A_254, %dma_wait3A_255] : memref<40x128xi32, #tpu.memory_space<vmem>> -> memref<1x128xi32, #tpu.memory_space<vmem>>
      %dma_wait3A_257 = tpu.memref_squeeze %dma_wait3A_256 : memref<1x128xi32, #tpu.memory_space<vmem>> -> memref<128xi32, #tpu.memory_space<vmem>>
      %dma_wait3A_258 = arith.constant 0 : i32
      %dma_wait3A_259 = arith.constant 0 : i32
      %dma_wait3A_260 = tpu.memref_slice %arg12[%dma_wait3A_258, %dma_wait3A_259] : memref<10016x128xf32, #tpu.memory_space<vmem_shared>> -> memref<10016x128xf32, #tpu.memory_space<vmem_shared>>
      tpu.wait_indirect_dma semaphore(%arg16 : memref<!tpu.dma_semaphore, #tpu.memory_space<semaphore_mem>>) src(%arg11 : memref<128x128xf32, #tpu.memory_space<vmem>>) dst(%dma_wait3A_260 : memref<10016x128xf32, #tpu.memory_space<vmem_shared>>)
    } else {
    }
    %barrier3A_15 = arith.constant 0 : index
    tpu.barrier barrier_id(%barrier3A_15)
    %mul3A_16 = arith.constant 624 : i32
    %mul3A_17 = arith.muli %arg1, %mul3A_16 : i32
    %mul3A_18 = arith.constant 624 : i32
    %mul3A_19 = arith.muli %arg1, %mul3A_18 : i32
    "tpu.region"() ({
      %run_scoped3A = tpu.sem_alloc : memref<!tpu.dma_semaphore, #tpu.memory_space<semaphore_mem>>
      %dma_start3A = arith.constant 0 : i32
      %dma_start3A_25 = tpu.memref_slice %arg7[%arg0, %mul3A_19, %dma_start3A] : memref<2x10000x128xf32, #tpu.memory_space<hbm>> -> memref<1x624x128xf32, #tpu.memory_space<hbm>>
      %dma_start3A_26 = tpu.memref_squeeze %dma_start3A_25 : memref<1x624x128xf32, #tpu.memory_space<hbm>> -> memref<624x128xf32, #tpu.memory_space<hbm>>
      %dma_start3A_27 = arith.constant 0 : i32
      %dma_start3A_28 = tpu.memref_slice %arg12[%mul3A_17, %dma_start3A_27] : memref<10016x128xf32, #tpu.memory_space<vmem_shared>> -> memref<624x128xf32, #tpu.memory_space<vmem_shared>>
      tpu.enqueue_dma source(%dma_start3A_28 : memref<624x128xf32, #tpu.memory_space<vmem_shared>>) target(%dma_start3A_26 : memref<624x128xf32, #tpu.memory_space<hbm>>) target_semaphore(%run_scoped3A : memref<!tpu.dma_semaphore, #tpu.memory_space<semaphore_mem>>)
      %dma_wait3A = arith.constant 0 : i32
      %dma_wait3A_29 = tpu.memref_slice %arg7[%arg0, %mul3A_19, %dma_wait3A] : memref<2x10000x128xf32, #tpu.memory_space<hbm>> -> memref<1x624x128xf32, #tpu.memory_space<hbm>>
      %dma_wait3A_30 = tpu.memref_squeeze %dma_wait3A_29 : memref<1x624x128xf32, #tpu.memory_space<hbm>> -> memref<624x128xf32, #tpu.memory_space<hbm>>
      %dma_wait3A_31 = arith.constant 0 : i32
      %dma_wait3A_32 = tpu.memref_slice %arg12[%mul3A_17, %dma_wait3A_31] : memref<10016x128xf32, #tpu.memory_space<vmem_shared>> -> memref<624x128xf32, #tpu.memory_space<vmem_shared>>
      tpu.wait_dma2 semaphore(%run_scoped3A : memref<!tpu.dma_semaphore, #tpu.memory_space<semaphore_mem>>) src(%dma_wait3A_32 : memref<624x128xf32, #tpu.memory_space<vmem_shared>>) dst(%dma_wait3A_30 : memref<624x128xf32, #tpu.memory_space<hbm>>)
      tpu.yield
    }) : () -> ()
    %eq3A_20 = arith.constant 15 : i32
    %eq3A_21 = arith.cmpi eq, %arg1, %eq3A_20 : i32
    %convert_element_type3A_22 = arith.extui %eq3A_21 : i1 to i32
    %cond3A_23 = arith.constant 0 : i32
    %cond3A_24 = arith.cmpi ne, %convert_element_type3A_22, %cond3A_23 : i32
    scf.if %cond3A_24 {
      "tpu.region"() ({
        %run_scoped3A = tpu.sem_alloc : memref<!tpu.dma_semaphore, #tpu.memory_space<semaphore_mem>>
        %dma_start3A = arith.constant 9984 : i32
        %dma_start3A_25 = arith.constant 0 : i32
        %dma_start3A_26 = tpu.memref_slice %arg7[%arg0, %dma_start3A, %dma_start3A_25] : memref<2x10000x128xf32, #tpu.memory_space<hbm>> -> memref<1x16x128xf32, #tpu.memory_space<hbm>>
        %dma_start3A_27 = tpu.memref_squeeze %dma_start3A_26 : memref<1x16x128xf32, #tpu.memory_space<hbm>> -> memref<16x128xf32, #tpu.memory_space<hbm>>
        %dma_start3A_28 = arith.constant 9984 : i32
        %dma_start3A_29 = arith.constant 0 : i32
        %dma_start3A_30 = tpu.memref_slice %arg12[%dma_start3A_28, %dma_start3A_29] : memref<10016x128xf32, #tpu.memory_space<vmem_shared>> -> memref<16x128xf32, #tpu.memory_space<vmem_shared>>
        tpu.enqueue_dma source(%dma_start3A_30 : memref<16x128xf32, #tpu.memory_space<vmem_shared>>) target(%dma_start3A_27 : memref<16x128xf32, #tpu.memory_space<hbm>>) target_semaphore(%run_scoped3A : memref<!tpu.dma_semaphore, #tpu.memory_space<semaphore_mem>>)
        %dma_wait3A = arith.constant 9984 : i32
        %dma_wait3A_31 = arith.constant 0 : i32
        %dma_wait3A_32 = tpu.memref_slice %arg7[%arg0, %dma_wait3A, %dma_wait3A_31] : memref<2x10000x128xf32, #tpu.memory_space<hbm>> -> memref<1x16x128xf32, #tpu.memory_space<hbm>>
        %dma_wait3A_33 = tpu.memref_squeeze %dma_wait3A_32 : memref<1x16x128xf32, #tpu.memory_space<hbm>> -> memref<16x128xf32, #tpu.memory_space<hbm>>
        %dma_wait3A_34 = arith.constant 9984 : i32
        %dma_wait3A_35 = arith.constant 0 : i32
        %dma_wait3A_36 = tpu.memref_slice %arg12[%dma_wait3A_34, %dma_wait3A_35] : memref<10016x128xf32, #tpu.memory_space<vmem_shared>> -> memref<16x128xf32, #tpu.memory_space<vmem_shared>>
        tpu.wait_dma2 semaphore(%run_scoped3A : memref<!tpu.dma_semaphore, #tpu.memory_space<semaphore_mem>>) src(%dma_wait3A_36 : memref<16x128xf32, #tpu.memory_space<vmem_shared>>) dst(%dma_wait3A_33 : memref<16x128xf32, #tpu.memory_space<hbm>>)
        tpu.yield
      }) : () -> ()
    } else {
    }
    return
  }
}

#map = affine_map<(d0, d1) -> (0, 0)>
#map1 = affine_map<(d0, d1) -> (0)>
#map2 = affine_map<(d0, d1) -> (0, 0, 0)>
module attributes {stable_mosaic.version = 14 : i64} {
  func.func @body(%arg0: i32, %arg1: i32, %arg2: memref<10000x128xf32, #tpu.memory_space<hbm>>, %arg3: memref<327680xi32, #tpu.memory_space<hbm>>, %arg4: memref<2560x128xi32, #tpu.memory_space<hbm>>, %arg5: memref<624x128xf32, #tpu.memory_space<hbm>>, %arg6: memref<2x10000x128xf32, #tpu.memory_space<hbm>>, %arg7: memref<5120xi32, #tpu.memory_space<vmem>>, %arg8: memref<40x128xi32, #tpu.memory_space<vmem>>, %arg9: memref<128x128xf32, #tpu.memory_space<vmem>>, %arg10: memref<128x128xf32, #tpu.memory_space<vmem>>, %arg11: memref<10016x128xf32, #tpu.memory_space<vmem_shared>>, %arg12: memref<!tpu.dma_semaphore, #tpu.memory_space<semaphore_mem>>, %arg13: memref<!tpu.dma_semaphore, #tpu.memory_space<semaphore_mem>>, %arg14: memref<!tpu.dma_semaphore, #tpu.memory_space<semaphore_mem>>, %arg15: memref<!tpu.dma_semaphore, #tpu.memory_space<semaphore_mem>>) attributes {dimension_semantics = [#tpu.dimension_semantics<core_parallel>, #tpu.dimension_semantics<subcore_parallel>], iteration_bounds = array<i64: 2, 16>, scalar_prefetch = 0 : i64, scratch_operands = 9 : i64, tpu.core_type = #tpu.core_type<sc_vector_subcore>, window_params = [{transform_indices = #map}, {transform_indices = #map1}, {transform_indices = #map}, {transform_indices = #map}, {transform_indices = #map2}]} {
    %mul3A = arith.constant 624 : i32
    %mul3A_0 = arith.muli %arg1, %mul3A : i32
    "tpu.region"() ({
      %run_scoped3A = tpu.sem_alloc : memref<!tpu.dma_semaphore, #tpu.memory_space<semaphore_mem>>
      %dma_start3A_132 = arith.constant 0 : i32
      %dma_start3A_133 = tpu.memref_slice %arg11[%mul3A_0, %dma_start3A_132] : memref<10016x128xf32, #tpu.memory_space<vmem_shared>> -> memref<624x128xf32, #tpu.memory_space<vmem_shared>>
      %dma_start3A_134 = arith.constant 0 : i32
      %dma_start3A_135 = arith.constant 0 : i32
      %dma_start3A_136 = tpu.memref_slice %arg5[%dma_start3A_134, %dma_start3A_135] : memref<624x128xf32, #tpu.memory_space<hbm>> -> memref<624x128xf32, #tpu.memory_space<hbm>>
      tpu.enqueue_dma source(%dma_start3A_136 : memref<624x128xf32, #tpu.memory_space<hbm>>) target(%dma_start3A_133 : memref<624x128xf32, #tpu.memory_space<vmem_shared>>) target_semaphore(%run_scoped3A : memref<!tpu.dma_semaphore, #tpu.memory_space<semaphore_mem>>)
      %dma_wait3A_137 = arith.constant 0 : i32
      %dma_wait3A_138 = tpu.memref_slice %arg11[%mul3A_0, %dma_wait3A_137] : memref<10016x128xf32, #tpu.memory_space<vmem_shared>> -> memref<624x128xf32, #tpu.memory_space<vmem_shared>>
      %dma_wait3A_139 = arith.constant 0 : i32
      %dma_wait3A_140 = arith.constant 0 : i32
      %dma_wait3A_141 = tpu.memref_slice %arg5[%dma_wait3A_139, %dma_wait3A_140] : memref<624x128xf32, #tpu.memory_space<hbm>> -> memref<624x128xf32, #tpu.memory_space<hbm>>
      tpu.wait_dma2 semaphore(%run_scoped3A : memref<!tpu.dma_semaphore, #tpu.memory_space<semaphore_mem>>) src(%dma_wait3A_141 : memref<624x128xf32, #tpu.memory_space<hbm>>) dst(%dma_wait3A_138 : memref<624x128xf32, #tpu.memory_space<vmem_shared>>)
      tpu.yield
    }) : () -> ()
    %eq3A = arith.constant 15 : i32
    %eq3A_1 = arith.cmpi eq, %arg1, %eq3A : i32
    %convert_element_type3A = arith.extui %eq3A_1 : i1 to i32
    %cond3A = arith.constant 0 : i32
    %cond3A_2 = arith.cmpi ne, %convert_element_type3A, %cond3A : i32
    scf.if %cond3A_2 {
      "tpu.region"() ({
        %run_scoped3A = tpu.sem_alloc : memref<!tpu.dma_semaphore, #tpu.memory_space<semaphore_mem>>
        %dma_start3A_132 = arith.constant 9984 : i32
        %dma_start3A_133 = arith.constant 0 : i32
        %dma_start3A_134 = tpu.memref_slice %arg11[%dma_start3A_132, %dma_start3A_133] : memref<10016x128xf32, #tpu.memory_space<vmem_shared>> -> memref<32x128xf32, #tpu.memory_space<vmem_shared>>
        %dma_start3A_135 = arith.constant 0 : i32
        %dma_start3A_136 = arith.constant 0 : i32
        %dma_start3A_137 = tpu.memref_slice %arg5[%dma_start3A_135, %dma_start3A_136] : memref<624x128xf32, #tpu.memory_space<hbm>> -> memref<32x128xf32, #tpu.memory_space<hbm>>
        tpu.enqueue_dma source(%dma_start3A_137 : memref<32x128xf32, #tpu.memory_space<hbm>>) target(%dma_start3A_134 : memref<32x128xf32, #tpu.memory_space<vmem_shared>>) target_semaphore(%run_scoped3A : memref<!tpu.dma_semaphore, #tpu.memory_space<semaphore_mem>>)
        %dma_wait3A_138 = arith.constant 9984 : i32
        %dma_wait3A_139 = arith.constant 0 : i32
        %dma_wait3A_140 = tpu.memref_slice %arg11[%dma_wait3A_138, %dma_wait3A_139] : memref<10016x128xf32, #tpu.memory_space<vmem_shared>> -> memref<32x128xf32, #tpu.memory_space<vmem_shared>>
        %dma_wait3A_141 = arith.constant 0 : i32
        %dma_wait3A_142 = arith.constant 0 : i32
        %dma_wait3A_143 = tpu.memref_slice %arg5[%dma_wait3A_141, %dma_wait3A_142] : memref<624x128xf32, #tpu.memory_space<hbm>> -> memref<32x128xf32, #tpu.memory_space<hbm>>
        tpu.wait_dma2 semaphore(%run_scoped3A : memref<!tpu.dma_semaphore, #tpu.memory_space<semaphore_mem>>) src(%dma_wait3A_143 : memref<32x128xf32, #tpu.memory_space<hbm>>) dst(%dma_wait3A_140 : memref<32x128xf32, #tpu.memory_space<vmem_shared>>)
        tpu.yield
      }) : () -> ()
    } else {
    }
    %barrier3A = arith.constant 0 : index
    tpu.barrier barrier_id(%barrier3A)
    %mul3A_3 = arith.constant 16 : i32
    %mul3A_4 = arith.muli %arg0, %mul3A_3 : i32
    %add3A = arith.addi %mul3A_4, %arg1 : i32
    %mul3A_5 = arith.constant 80 : i32
    %mul3A_6 = arith.muli %add3A, %mul3A_5 : i32
    %add3A_7 = arith.constant 0 : i32
    %add3A_8 = arith.addi %mul3A_6, %add3A_7 : i32
    %mul3A_9 = arith.constant 128 : i32
    %mul3A_10 = arith.muli %add3A_8, %mul3A_9 : i32
    "tpu.region"() ({
      %run_scoped3A = tpu.sem_alloc : memref<!tpu.dma_semaphore, #tpu.memory_space<semaphore_mem>>
      %dma_start3A_132 = tpu.memref_slice %arg3[%mul3A_10] : memref<327680xi32, #tpu.memory_space<hbm>> -> memref<5120xi32, #tpu.memory_space<hbm>>
      %dma_start3A_133 = tpu.memref_slice %arg3[%mul3A_10] : memref<327680xi32, #tpu.memory_space<hbm>> -> memref<5120xi32, #tpu.memory_space<hbm>>
      tpu.enqueue_dma source(%dma_start3A_133 : memref<5120xi32, #tpu.memory_space<hbm>>) target(%arg7 : memref<5120xi32, #tpu.memory_space<vmem>>) target_semaphore(%run_scoped3A : memref<!tpu.dma_semaphore, #tpu.memory_space<semaphore_mem>>)
      %dma_wait3A_134 = tpu.memref_slice %arg3[%mul3A_10] : memref<327680xi32, #tpu.memory_space<hbm>> -> memref<5120xi32, #tpu.memory_space<hbm>>
      %dma_wait3A_135 = tpu.memref_slice %arg3[%mul3A_10] : memref<327680xi32, #tpu.memory_space<hbm>> -> memref<5120xi32, #tpu.memory_space<hbm>>
      tpu.wait_dma2 semaphore(%run_scoped3A : memref<!tpu.dma_semaphore, #tpu.memory_space<semaphore_mem>>) src(%dma_wait3A_135 : memref<5120xi32, #tpu.memory_space<hbm>>) dst(%arg7 : memref<5120xi32, #tpu.memory_space<vmem>>)
      tpu.yield
    }) : () -> ()
    "tpu.region"() ({
      %run_scoped3A = tpu.sem_alloc : memref<!tpu.dma_semaphore, #tpu.memory_space<semaphore_mem>>
      %dma_start3A_132 = arith.constant 0 : i32
      %dma_start3A_133 = tpu.memref_slice %arg4[%add3A_8, %dma_start3A_132] : memref<2560x128xi32, #tpu.memory_space<hbm>> -> memref<40x128xi32, #tpu.memory_space<hbm>>
      %dma_start3A_134 = arith.constant 0 : i32
      %dma_start3A_135 = tpu.memref_slice %arg4[%add3A_8, %dma_start3A_134] : memref<2560x128xi32, #tpu.memory_space<hbm>> -> memref<40x128xi32, #tpu.memory_space<hbm>>
      tpu.enqueue_dma source(%dma_start3A_135 : memref<40x128xi32, #tpu.memory_space<hbm>>) target(%arg8 : memref<40x128xi32, #tpu.memory_space<vmem>>) target_semaphore(%run_scoped3A : memref<!tpu.dma_semaphore, #tpu.memory_space<semaphore_mem>>)
      %dma_wait3A_136 = arith.constant 0 : i32
      %dma_wait3A_137 = tpu.memref_slice %arg4[%add3A_8, %dma_wait3A_136] : memref<2560x128xi32, #tpu.memory_space<hbm>> -> memref<40x128xi32, #tpu.memory_space<hbm>>
      %dma_wait3A_138 = arith.constant 0 : i32
      %dma_wait3A_139 = tpu.memref_slice %arg4[%add3A_8, %dma_wait3A_138] : memref<2560x128xi32, #tpu.memory_space<hbm>> -> memref<40x128xi32, #tpu.memory_space<hbm>>
      tpu.wait_dma2 semaphore(%run_scoped3A : memref<!tpu.dma_semaphore, #tpu.memory_space<semaphore_mem>>) src(%dma_wait3A_139 : memref<40x128xi32, #tpu.memory_space<hbm>>) dst(%arg8 : memref<40x128xi32, #tpu.memory_space<vmem>>)
      tpu.yield
    }) : () -> ()
    %dma_start3A = arith.constant 0 : i32
    %dma_start3A_11 = tpu.memref_slice %arg7[%dma_start3A] : memref<5120xi32, #tpu.memory_space<vmem>> -> memref<128xi32, #tpu.memory_space<vmem>>
    %dma_start3A_12 = arith.constant 0 : i32
    %dma_start3A_13 = arith.constant 0 : i32
    %dma_start3A_14 = tpu.memref_slice %arg2[%dma_start3A_12, %dma_start3A_13] : memref<10000x128xf32, #tpu.memory_space<hbm>> -> memref<10000x128xf32, #tpu.memory_space<hbm>>
    tpu.enqueue_indirect_dma source(%dma_start3A_14 : memref<10000x128xf32, #tpu.memory_space<hbm>>) target(%arg9 : memref<128x128xf32, #tpu.memory_space<vmem>>) offsets(%dma_start3A_11 : memref<128xi32, #tpu.memory_space<vmem>>) semaphore(%arg12 : memref<!tpu.dma_semaphore, #tpu.memory_space<semaphore_mem>>)
    %dma_start3A_15 = arith.constant 128 : i32
    %dma_start3A_16 = tpu.memref_slice %arg7[%dma_start3A_15] : memref<5120xi32, #tpu.memory_space<vmem>> -> memref<128xi32, #tpu.memory_space<vmem>>
    %dma_start3A_17 = arith.constant 0 : i32
    %dma_start3A_18 = arith.constant 0 : i32
    %dma_start3A_19 = tpu.memref_slice %arg2[%dma_start3A_17, %dma_start3A_18] : memref<10000x128xf32, #tpu.memory_space<hbm>> -> memref<10000x128xf32, #tpu.memory_space<hbm>>
    tpu.enqueue_indirect_dma source(%dma_start3A_19 : memref<10000x128xf32, #tpu.memory_space<hbm>>) target(%arg10 : memref<128x128xf32, #tpu.memory_space<vmem>>) offsets(%dma_start3A_16 : memref<128xi32, #tpu.memory_space<vmem>>) semaphore(%arg13 : memref<!tpu.dma_semaphore, #tpu.memory_space<semaphore_mem>>)
    %scan3A = arith.constant 0 : i32
    %scan3A_20 = arith.constant 0 : i32
    %scan3A_21 = arith.constant 19 : i32
    %scan3A_22 = arith.addi %scan3A_20, %scan3A_21 : i32
    %scan3A_23 = arith.constant 1 : i32
    %scan3A_24 = scf.for %scan3A_132 = %scan3A_20 to %scan3A_22 step %scan3A_23 iter_args(%scan3A_133 = %scan3A) -> (i32)  : i32 {
      %mul3A_134 = arith.constant 2 : i32
      %mul3A_135 = arith.muli %mul3A_134, %scan3A_132 : i32
      %mul3A_136 = arith.constant 2 : i32
      %mul3A_137 = arith.muli %mul3A_136, %scan3A_132 : i32
      %add3A_138 = arith.constant 1 : i32
      %add3A_139 = arith.addi %mul3A_137, %add3A_138 : i32
      %mul3A_140 = arith.constant 128 : i32
      %mul3A_141 = arith.muli %mul3A_135, %mul3A_140 : i32
      %dma_wait3A_142 = tpu.memref_slice %arg7[%mul3A_141] : memref<5120xi32, #tpu.memory_space<vmem>> -> memref<128xi32, #tpu.memory_space<vmem>>
      %dma_wait3A_143 = arith.constant 0 : i32
      %dma_wait3A_144 = arith.constant 0 : i32
      %dma_wait3A_145 = tpu.memref_slice %arg2[%dma_wait3A_143, %dma_wait3A_144] : memref<10000x128xf32, #tpu.memory_space<hbm>> -> memref<10000x128xf32, #tpu.memory_space<hbm>>
      tpu.wait_indirect_dma semaphore(%arg12 : memref<!tpu.dma_semaphore, #tpu.memory_space<semaphore_mem>>) src(%dma_wait3A_145 : memref<10000x128xf32, #tpu.memory_space<hbm>>) dst(%arg9 : memref<128x128xf32, #tpu.memory_space<vmem>>)
      %dma_start3A_146 = arith.constant 0 : i32
      %dma_start3A_147 = tpu.memref_slice %arg8[%mul3A_135, %dma_start3A_146] : memref<40x128xi32, #tpu.memory_space<vmem>> -> memref<1x128xi32, #tpu.memory_space<vmem>>
      %dma_start3A_148 = tpu.memref_squeeze %dma_start3A_147 : memref<1x128xi32, #tpu.memory_space<vmem>> -> memref<128xi32, #tpu.memory_space<vmem>>
      %dma_start3A_149 = arith.constant 0 : i32
      %dma_start3A_150 = arith.constant 0 : i32
      %dma_start3A_151 = tpu.memref_slice %arg11[%dma_start3A_149, %dma_start3A_150] : memref<10016x128xf32, #tpu.memory_space<vmem_shared>> -> memref<10016x128xf32, #tpu.memory_space<vmem_shared>>
      tpu.enqueue_indirect_dma source(%arg9 : memref<128x128xf32, #tpu.memory_space<vmem>>) target(%dma_start3A_151 : memref<10016x128xf32, #tpu.memory_space<vmem_shared>>) offsets(%dma_start3A_148 : memref<128xi32, #tpu.memory_space<vmem>>) semaphore(%arg14 : memref<!tpu.dma_semaphore, #tpu.memory_space<semaphore_mem>>) {add = true}
      %mul3A_152 = arith.constant 128 : i32
      %mul3A_153 = arith.muli %add3A_139, %mul3A_152 : i32
      %dma_wait3A_154 = tpu.memref_slice %arg7[%mul3A_153] : memref<5120xi32, #tpu.memory_space<vmem>> -> memref<128xi32, #tpu.memory_space<vmem>>
      %dma_wait3A_155 = arith.constant 0 : i32
      %dma_wait3A_156 = arith.constant 0 : i32
      %dma_wait3A_157 = tpu.memref_slice %arg2[%dma_wait3A_155, %dma_wait3A_156] : memref<10000x128xf32, #tpu.memory_space<hbm>> -> memref<10000x128xf32, #tpu.memory_space<hbm>>
      tpu.wait_indirect_dma semaphore(%arg13 : memref<!tpu.dma_semaphore, #tpu.memory_space<semaphore_mem>>) src(%dma_wait3A_157 : memref<10000x128xf32, #tpu.memory_space<hbm>>) dst(%arg10 : memref<128x128xf32, #tpu.memory_space<vmem>>)
      %dma_start3A_158 = arith.constant 0 : i32
      %dma_start3A_159 = tpu.memref_slice %arg8[%add3A_139, %dma_start3A_158] : memref<40x128xi32, #tpu.memory_space<vmem>> -> memref<1x128xi32, #tpu.memory_space<vmem>>
      %dma_start3A_160 = tpu.memref_squeeze %dma_start3A_159 : memref<1x128xi32, #tpu.memory_space<vmem>> -> memref<128xi32, #tpu.memory_space<vmem>>
      %dma_start3A_161 = arith.constant 0 : i32
      %dma_start3A_162 = arith.constant 0 : i32
      %dma_start3A_163 = tpu.memref_slice %arg11[%dma_start3A_161, %dma_start3A_162] : memref<10016x128xf32, #tpu.memory_space<vmem_shared>> -> memref<10016x128xf32, #tpu.memory_space<vmem_shared>>
      tpu.enqueue_indirect_dma source(%arg10 : memref<128x128xf32, #tpu.memory_space<vmem>>) target(%dma_start3A_163 : memref<10016x128xf32, #tpu.memory_space<vmem_shared>>) offsets(%dma_start3A_160 : memref<128xi32, #tpu.memory_space<vmem>>) semaphore(%arg15 : memref<!tpu.dma_semaphore, #tpu.memory_space<semaphore_mem>>) {add = true}
      %dma_wait3A_164 = arith.constant 0 : i32
      %dma_wait3A_165 = tpu.memref_slice %arg8[%mul3A_135, %dma_wait3A_164] : memref<40x128xi32, #tpu.memory_space<vmem>> -> memref<1x128xi32, #tpu.memory_space<vmem>>
      %dma_wait3A_166 = tpu.memref_squeeze %dma_wait3A_165 : memref<1x128xi32, #tpu.memory_space<vmem>> -> memref<128xi32, #tpu.memory_space<vmem>>
      %dma_wait3A_167 = arith.constant 0 : i32
      %dma_wait3A_168 = arith.constant 0 : i32
      %dma_wait3A_169 = tpu.memref_slice %arg11[%dma_wait3A_167, %dma_wait3A_168] : memref<10016x128xf32, #tpu.memory_space<vmem_shared>> -> memref<10016x128xf32, #tpu.memory_space<vmem_shared>>
      tpu.wait_indirect_dma semaphore(%arg14 : memref<!tpu.dma_semaphore, #tpu.memory_space<semaphore_mem>>) src(%arg9 : memref<128x128xf32, #tpu.memory_space<vmem>>) dst(%dma_wait3A_169 : memref<10016x128xf32, #tpu.memory_space<vmem_shared>>)
      %add3A_170 = arith.constant 2 : i32
      %add3A_171 = arith.addi %mul3A_135, %add3A_170 : i32
      %mul3A_172 = arith.constant 128 : i32
      %mul3A_173 = arith.muli %add3A_171, %mul3A_172 : i32
      %dma_start3A_174 = tpu.memref_slice %arg7[%mul3A_173] : memref<5120xi32, #tpu.memory_space<vmem>> -> memref<128xi32, #tpu.memory_space<vmem>>
      %dma_start3A_175 = arith.constant 0 : i32
      %dma_start3A_176 = arith.constant 0 : i32
      %dma_start3A_177 = tpu.memref_slice %arg2[%dma_start3A_175, %dma_start3A_176] : memref<10000x128xf32, #tpu.memory_space<hbm>> -> memref<10000x128xf32, #tpu.memory_space<hbm>>
      tpu.enqueue_indirect_dma source(%dma_start3A_177 : memref<10000x128xf32, #tpu.memory_space<hbm>>) target(%arg9 : memref<128x128xf32, #tpu.memory_space<vmem>>) offsets(%dma_start3A_174 : memref<128xi32, #tpu.memory_space<vmem>>) semaphore(%arg12 : memref<!tpu.dma_semaphore, #tpu.memory_space<semaphore_mem>>)
      %dma_wait3A_178 = arith.constant 0 : i32
      %dma_wait3A_179 = tpu.memref_slice %arg8[%add3A_139, %dma_wait3A_178] : memref<40x128xi32, #tpu.memory_space<vmem>> -> memref<1x128xi32, #tpu.memory_space<vmem>>
      %dma_wait3A_180 = tpu.memref_squeeze %dma_wait3A_179 : memref<1x128xi32, #tpu.memory_space<vmem>> -> memref<128xi32, #tpu.memory_space<vmem>>
      %dma_wait3A_181 = arith.constant 0 : i32
      %dma_wait3A_182 = arith.constant 0 : i32
      %dma_wait3A_183 = tpu.memref_slice %arg11[%dma_wait3A_181, %dma_wait3A_182] : memref<10016x128xf32, #tpu.memory_space<vmem_shared>> -> memref<10016x128xf32, #tpu.memory_space<vmem_shared>>
      tpu.wait_indirect_dma semaphore(%arg15 : memref<!tpu.dma_semaphore, #tpu.memory_space<semaphore_mem>>) src(%arg10 : memref<128x128xf32, #tpu.memory_space<vmem>>) dst(%dma_wait3A_183 : memref<10016x128xf32, #tpu.memory_space<vmem_shared>>)
      %add3A_184 = arith.constant 2 : i32
      %add3A_185 = arith.addi %add3A_139, %add3A_184 : i32
      %mul3A_186 = arith.constant 128 : i32
      %mul3A_187 = arith.muli %add3A_185, %mul3A_186 : i32
      %dma_start3A_188 = tpu.memref_slice %arg7[%mul3A_187] : memref<5120xi32, #tpu.memory_space<vmem>> -> memref<128xi32, #tpu.memory_space<vmem>>
      %dma_start3A_189 = arith.constant 0 : i32
      %dma_start3A_190 = arith.constant 0 : i32
      %dma_start3A_191 = tpu.memref_slice %arg2[%dma_start3A_189, %dma_start3A_190] : memref<10000x128xf32, #tpu.memory_space<hbm>> -> memref<10000x128xf32, #tpu.memory_space<hbm>>
      tpu.enqueue_indirect_dma source(%dma_start3A_191 : memref<10000x128xf32, #tpu.memory_space<hbm>>) target(%arg10 : memref<128x128xf32, #tpu.memory_space<vmem>>) offsets(%dma_start3A_188 : memref<128xi32, #tpu.memory_space<vmem>>) semaphore(%arg13 : memref<!tpu.dma_semaphore, #tpu.memory_space<semaphore_mem>>)
      %scan3A_192 = arith.constant 0 : i32
      scf.yield %scan3A_192 : i32
    }
    %scan3A_25 = arith.constant 19 : i32
    %dma_wait3A = arith.constant 4864 : i32
    %dma_wait3A_26 = tpu.memref_slice %arg7[%dma_wait3A] : memref<5120xi32, #tpu.memory_space<vmem>> -> memref<128xi32, #tpu.memory_space<vmem>>
    %dma_wait3A_27 = arith.constant 0 : i32
    %dma_wait3A_28 = arith.constant 0 : i32
    %dma_wait3A_29 = tpu.memref_slice %arg2[%dma_wait3A_27, %dma_wait3A_28] : memref<10000x128xf32, #tpu.memory_space<hbm>> -> memref<10000x128xf32, #tpu.memory_space<hbm>>
    tpu.wait_indirect_dma semaphore(%arg12 : memref<!tpu.dma_semaphore, #tpu.memory_space<semaphore_mem>>) src(%dma_wait3A_29 : memref<10000x128xf32, #tpu.memory_space<hbm>>) dst(%arg9 : memref<128x128xf32, #tpu.memory_space<vmem>>)
    %dma_start3A_30 = arith.constant 38 : i32
    %dma_start3A_31 = arith.constant 0 : i32
    %dma_start3A_32 = tpu.memref_slice %arg8[%dma_start3A_30, %dma_start3A_31] : memref<40x128xi32, #tpu.memory_space<vmem>> -> memref<1x128xi32, #tpu.memory_space<vmem>>
    %dma_start3A_33 = tpu.memref_squeeze %dma_start3A_32 : memref<1x128xi32, #tpu.memory_space<vmem>> -> memref<128xi32, #tpu.memory_space<vmem>>
    %dma_start3A_34 = arith.constant 0 : i32
    %dma_start3A_35 = arith.constant 0 : i32
    %dma_start3A_36 = tpu.memref_slice %arg11[%dma_start3A_34, %dma_start3A_35] : memref<10016x128xf32, #tpu.memory_space<vmem_shared>> -> memref<10016x128xf32, #tpu.memory_space<vmem_shared>>
    tpu.enqueue_indirect_dma source(%arg9 : memref<128x128xf32, #tpu.memory_space<vmem>>) target(%dma_start3A_36 : memref<10016x128xf32, #tpu.memory_space<vmem_shared>>) offsets(%dma_start3A_33 : memref<128xi32, #tpu.memory_space<vmem>>) semaphore(%arg14 : memref<!tpu.dma_semaphore, #tpu.memory_space<semaphore_mem>>) {add = true}
    %dma_wait3A_37 = arith.constant 4992 : i32
    %dma_wait3A_38 = tpu.memref_slice %arg7[%dma_wait3A_37] : memref<5120xi32, #tpu.memory_space<vmem>> -> memref<128xi32, #tpu.memory_space<vmem>>
    %dma_wait3A_39 = arith.constant 0 : i32
    %dma_wait3A_40 = arith.constant 0 : i32
    %dma_wait3A_41 = tpu.memref_slice %arg2[%dma_wait3A_39, %dma_wait3A_40] : memref<10000x128xf32, #tpu.memory_space<hbm>> -> memref<10000x128xf32, #tpu.memory_space<hbm>>
    tpu.wait_indirect_dma semaphore(%arg13 : memref<!tpu.dma_semaphore, #tpu.memory_space<semaphore_mem>>) src(%dma_wait3A_41 : memref<10000x128xf32, #tpu.memory_space<hbm>>) dst(%arg10 : memref<128x128xf32, #tpu.memory_space<vmem>>)
    %dma_start3A_42 = arith.constant 39 : i32
    %dma_start3A_43 = arith.constant 0 : i32
    %dma_start3A_44 = tpu.memref_slice %arg8[%dma_start3A_42, %dma_start3A_43] : memref<40x128xi32, #tpu.memory_space<vmem>> -> memref<1x128xi32, #tpu.memory_space<vmem>>
    %dma_start3A_45 = tpu.memref_squeeze %dma_start3A_44 : memref<1x128xi32, #tpu.memory_space<vmem>> -> memref<128xi32, #tpu.memory_space<vmem>>
    %dma_start3A_46 = arith.constant 0 : i32
    %dma_start3A_47 = arith.constant 0 : i32
    %dma_start3A_48 = tpu.memref_slice %arg11[%dma_start3A_46, %dma_start3A_47] : memref<10016x128xf32, #tpu.memory_space<vmem_shared>> -> memref<10016x128xf32, #tpu.memory_space<vmem_shared>>
    tpu.enqueue_indirect_dma source(%arg10 : memref<128x128xf32, #tpu.memory_space<vmem>>) target(%dma_start3A_48 : memref<10016x128xf32, #tpu.memory_space<vmem_shared>>) offsets(%dma_start3A_45 : memref<128xi32, #tpu.memory_space<vmem>>) semaphore(%arg15 : memref<!tpu.dma_semaphore, #tpu.memory_space<semaphore_mem>>) {add = true}
    %dma_wait3A_49 = arith.constant 38 : i32
    %dma_wait3A_50 = arith.constant 0 : i32
    %dma_wait3A_51 = tpu.memref_slice %arg8[%dma_wait3A_49, %dma_wait3A_50] : memref<40x128xi32, #tpu.memory_space<vmem>> -> memref<1x128xi32, #tpu.memory_space<vmem>>
    %dma_wait3A_52 = tpu.memref_squeeze %dma_wait3A_51 : memref<1x128xi32, #tpu.memory_space<vmem>> -> memref<128xi32, #tpu.memory_space<vmem>>
    %dma_wait3A_53 = arith.constant 0 : i32
    %dma_wait3A_54 = arith.constant 0 : i32
    %dma_wait3A_55 = tpu.memref_slice %arg11[%dma_wait3A_53, %dma_wait3A_54] : memref<10016x128xf32, #tpu.memory_space<vmem_shared>> -> memref<10016x128xf32, #tpu.memory_space<vmem_shared>>
    tpu.wait_indirect_dma semaphore(%arg14 : memref<!tpu.dma_semaphore, #tpu.memory_space<semaphore_mem>>) src(%arg9 : memref<128x128xf32, #tpu.memory_space<vmem>>) dst(%dma_wait3A_55 : memref<10016x128xf32, #tpu.memory_space<vmem_shared>>)
    %dma_wait3A_56 = arith.constant 39 : i32
    %dma_wait3A_57 = arith.constant 0 : i32
    %dma_wait3A_58 = tpu.memref_slice %arg8[%dma_wait3A_56, %dma_wait3A_57] : memref<40x128xi32, #tpu.memory_space<vmem>> -> memref<1x128xi32, #tpu.memory_space<vmem>>
    %dma_wait3A_59 = tpu.memref_squeeze %dma_wait3A_58 : memref<1x128xi32, #tpu.memory_space<vmem>> -> memref<128xi32, #tpu.memory_space<vmem>>
    %dma_wait3A_60 = arith.constant 0 : i32
    %dma_wait3A_61 = arith.constant 0 : i32
    %dma_wait3A_62 = tpu.memref_slice %arg11[%dma_wait3A_60, %dma_wait3A_61] : memref<10016x128xf32, #tpu.memory_space<vmem_shared>> -> memref<10016x128xf32, #tpu.memory_space<vmem_shared>>
    tpu.wait_indirect_dma semaphore(%arg15 : memref<!tpu.dma_semaphore, #tpu.memory_space<semaphore_mem>>) src(%arg10 : memref<128x128xf32, #tpu.memory_space<vmem>>) dst(%dma_wait3A_62 : memref<10016x128xf32, #tpu.memory_space<vmem_shared>>)
    %add3A_63 = arith.constant 40 : i32
    %add3A_64 = arith.addi %mul3A_6, %add3A_63 : i32
    %mul3A_65 = arith.constant 128 : i32
    %mul3A_66 = arith.muli %add3A_64, %mul3A_65 : i32
    "tpu.region"() ({
      %run_scoped3A = tpu.sem_alloc : memref<!tpu.dma_semaphore, #tpu.memory_space<semaphore_mem>>
      %dma_start3A_132 = tpu.memref_slice %arg3[%mul3A_66] : memref<327680xi32, #tpu.memory_space<hbm>> -> memref<5120xi32, #tpu.memory_space<hbm>>
      %dma_start3A_133 = tpu.memref_slice %arg3[%mul3A_66] : memref<327680xi32, #tpu.memory_space<hbm>> -> memref<5120xi32, #tpu.memory_space<hbm>>
      tpu.enqueue_dma source(%dma_start3A_133 : memref<5120xi32, #tpu.memory_space<hbm>>) target(%arg7 : memref<5120xi32, #tpu.memory_space<vmem>>) target_semaphore(%run_scoped3A : memref<!tpu.dma_semaphore, #tpu.memory_space<semaphore_mem>>)
      %dma_wait3A_134 = tpu.memref_slice %arg3[%mul3A_66] : memref<327680xi32, #tpu.memory_space<hbm>> -> memref<5120xi32, #tpu.memory_space<hbm>>
      %dma_wait3A_135 = tpu.memref_slice %arg3[%mul3A_66] : memref<327680xi32, #tpu.memory_space<hbm>> -> memref<5120xi32, #tpu.memory_space<hbm>>
      tpu.wait_dma2 semaphore(%run_scoped3A : memref<!tpu.dma_semaphore, #tpu.memory_space<semaphore_mem>>) src(%dma_wait3A_135 : memref<5120xi32, #tpu.memory_space<hbm>>) dst(%arg7 : memref<5120xi32, #tpu.memory_space<vmem>>)
      tpu.yield
    }) : () -> ()
    "tpu.region"() ({
      %run_scoped3A = tpu.sem_alloc : memref<!tpu.dma_semaphore, #tpu.memory_space<semaphore_mem>>
      %dma_start3A_132 = arith.constant 0 : i32
      %dma_start3A_133 = tpu.memref_slice %arg4[%add3A_64, %dma_start3A_132] : memref<2560x128xi32, #tpu.memory_space<hbm>> -> memref<40x128xi32, #tpu.memory_space<hbm>>
      %dma_start3A_134 = arith.constant 0 : i32
      %dma_start3A_135 = tpu.memref_slice %arg4[%add3A_64, %dma_start3A_134] : memref<2560x128xi32, #tpu.memory_space<hbm>> -> memref<40x128xi32, #tpu.memory_space<hbm>>
      tpu.enqueue_dma source(%dma_start3A_135 : memref<40x128xi32, #tpu.memory_space<hbm>>) target(%arg8 : memref<40x128xi32, #tpu.memory_space<vmem>>) target_semaphore(%run_scoped3A : memref<!tpu.dma_semaphore, #tpu.memory_space<semaphore_mem>>)
      %dma_wait3A_136 = arith.constant 0 : i32
      %dma_wait3A_137 = tpu.memref_slice %arg4[%add3A_64, %dma_wait3A_136] : memref<2560x128xi32, #tpu.memory_space<hbm>> -> memref<40x128xi32, #tpu.memory_space<hbm>>
      %dma_wait3A_138 = arith.constant 0 : i32
      %dma_wait3A_139 = tpu.memref_slice %arg4[%add3A_64, %dma_wait3A_138] : memref<2560x128xi32, #tpu.memory_space<hbm>> -> memref<40x128xi32, #tpu.memory_space<hbm>>
      tpu.wait_dma2 semaphore(%run_scoped3A : memref<!tpu.dma_semaphore, #tpu.memory_space<semaphore_mem>>) src(%dma_wait3A_139 : memref<40x128xi32, #tpu.memory_space<hbm>>) dst(%arg8 : memref<40x128xi32, #tpu.memory_space<vmem>>)
      tpu.yield
    }) : () -> ()
    %dma_start3A_67 = arith.constant 0 : i32
    %dma_start3A_68 = tpu.memref_slice %arg7[%dma_start3A_67] : memref<5120xi32, #tpu.memory_space<vmem>> -> memref<128xi32, #tpu.memory_space<vmem>>
    %dma_start3A_69 = arith.constant 0 : i32
    %dma_start3A_70 = arith.constant 0 : i32
    %dma_start3A_71 = tpu.memref_slice %arg2[%dma_start3A_69, %dma_start3A_70] : memref<10000x128xf32, #tpu.memory_space<hbm>> -> memref<10000x128xf32, #tpu.memory_space<hbm>>
    tpu.enqueue_indirect_dma source(%dma_start3A_71 : memref<10000x128xf32, #tpu.memory_space<hbm>>) target(%arg9 : memref<128x128xf32, #tpu.memory_space<vmem>>) offsets(%dma_start3A_68 : memref<128xi32, #tpu.memory_space<vmem>>) semaphore(%arg12 : memref<!tpu.dma_semaphore, #tpu.memory_space<semaphore_mem>>)
    %dma_start3A_72 = arith.constant 128 : i32
    %dma_start3A_73 = tpu.memref_slice %arg7[%dma_start3A_72] : memref<5120xi32, #tpu.memory_space<vmem>> -> memref<128xi32, #tpu.memory_space<vmem>>
    %dma_start3A_74 = arith.constant 0 : i32
    %dma_start3A_75 = arith.constant 0 : i32
    %dma_start3A_76 = tpu.memref_slice %arg2[%dma_start3A_74, %dma_start3A_75] : memref<10000x128xf32, #tpu.memory_space<hbm>> -> memref<10000x128xf32, #tpu.memory_space<hbm>>
    tpu.enqueue_indirect_dma source(%dma_start3A_76 : memref<10000x128xf32, #tpu.memory_space<hbm>>) target(%arg10 : memref<128x128xf32, #tpu.memory_space<vmem>>) offsets(%dma_start3A_73 : memref<128xi32, #tpu.memory_space<vmem>>) semaphore(%arg13 : memref<!tpu.dma_semaphore, #tpu.memory_space<semaphore_mem>>)
    %scan3A_77 = arith.constant 0 : i32
    %scan3A_78 = arith.constant 0 : i32
    %scan3A_79 = arith.constant 19 : i32
    %scan3A_80 = arith.addi %scan3A_78, %scan3A_79 : i32
    %scan3A_81 = arith.constant 1 : i32
    %scan3A_82 = scf.for %scan3A_132 = %scan3A_78 to %scan3A_80 step %scan3A_81 iter_args(%scan3A_133 = %scan3A_77) -> (i32)  : i32 {
      %mul3A_134 = arith.constant 2 : i32
      %mul3A_135 = arith.muli %mul3A_134, %scan3A_132 : i32
      %mul3A_136 = arith.constant 2 : i32
      %mul3A_137 = arith.muli %mul3A_136, %scan3A_132 : i32
      %add3A_138 = arith.constant 1 : i32
      %add3A_139 = arith.addi %mul3A_137, %add3A_138 : i32
      %mul3A_140 = arith.constant 128 : i32
      %mul3A_141 = arith.muli %mul3A_135, %mul3A_140 : i32
      %dma_wait3A_142 = tpu.memref_slice %arg7[%mul3A_141] : memref<5120xi32, #tpu.memory_space<vmem>> -> memref<128xi32, #tpu.memory_space<vmem>>
      %dma_wait3A_143 = arith.constant 0 : i32
      %dma_wait3A_144 = arith.constant 0 : i32
      %dma_wait3A_145 = tpu.memref_slice %arg2[%dma_wait3A_143, %dma_wait3A_144] : memref<10000x128xf32, #tpu.memory_space<hbm>> -> memref<10000x128xf32, #tpu.memory_space<hbm>>
      tpu.wait_indirect_dma semaphore(%arg12 : memref<!tpu.dma_semaphore, #tpu.memory_space<semaphore_mem>>) src(%dma_wait3A_145 : memref<10000x128xf32, #tpu.memory_space<hbm>>) dst(%arg9 : memref<128x128xf32, #tpu.memory_space<vmem>>)
      %dma_start3A_146 = arith.constant 0 : i32
      %dma_start3A_147 = tpu.memref_slice %arg8[%mul3A_135, %dma_start3A_146] : memref<40x128xi32, #tpu.memory_space<vmem>> -> memref<1x128xi32, #tpu.memory_space<vmem>>
      %dma_start3A_148 = tpu.memref_squeeze %dma_start3A_147 : memref<1x128xi32, #tpu.memory_space<vmem>> -> memref<128xi32, #tpu.memory_space<vmem>>
      %dma_start3A_149 = arith.constant 0 : i32
      %dma_start3A_150 = arith.constant 0 : i32
      %dma_start3A_151 = tpu.memref_slice %arg11[%dma_start3A_149, %dma_start3A_150] : memref<10016x128xf32, #tpu.memory_space<vmem_shared>> -> memref<10016x128xf32, #tpu.memory_space<vmem_shared>>
      tpu.enqueue_indirect_dma source(%arg9 : memref<128x128xf32, #tpu.memory_space<vmem>>) target(%dma_start3A_151 : memref<10016x128xf32, #tpu.memory_space<vmem_shared>>) offsets(%dma_start3A_148 : memref<128xi32, #tpu.memory_space<vmem>>) semaphore(%arg14 : memref<!tpu.dma_semaphore, #tpu.memory_space<semaphore_mem>>) {add = true}
      %mul3A_152 = arith.constant 128 : i32
      %mul3A_153 = arith.muli %add3A_139, %mul3A_152 : i32
      %dma_wait3A_154 = tpu.memref_slice %arg7[%mul3A_153] : memref<5120xi32, #tpu.memory_space<vmem>> -> memref<128xi32, #tpu.memory_space<vmem>>
      %dma_wait3A_155 = arith.constant 0 : i32
      %dma_wait3A_156 = arith.constant 0 : i32
      %dma_wait3A_157 = tpu.memref_slice %arg2[%dma_wait3A_155, %dma_wait3A_156] : memref<10000x128xf32, #tpu.memory_space<hbm>> -> memref<10000x128xf32, #tpu.memory_space<hbm>>
      tpu.wait_indirect_dma semaphore(%arg13 : memref<!tpu.dma_semaphore, #tpu.memory_space<semaphore_mem>>) src(%dma_wait3A_157 : memref<10000x128xf32, #tpu.memory_space<hbm>>) dst(%arg10 : memref<128x128xf32, #tpu.memory_space<vmem>>)
      %dma_start3A_158 = arith.constant 0 : i32
      %dma_start3A_159 = tpu.memref_slice %arg8[%add3A_139, %dma_start3A_158] : memref<40x128xi32, #tpu.memory_space<vmem>> -> memref<1x128xi32, #tpu.memory_space<vmem>>
      %dma_start3A_160 = tpu.memref_squeeze %dma_start3A_159 : memref<1x128xi32, #tpu.memory_space<vmem>> -> memref<128xi32, #tpu.memory_space<vmem>>
      %dma_start3A_161 = arith.constant 0 : i32
      %dma_start3A_162 = arith.constant 0 : i32
      %dma_start3A_163 = tpu.memref_slice %arg11[%dma_start3A_161, %dma_start3A_162] : memref<10016x128xf32, #tpu.memory_space<vmem_shared>> -> memref<10016x128xf32, #tpu.memory_space<vmem_shared>>
      tpu.enqueue_indirect_dma source(%arg10 : memref<128x128xf32, #tpu.memory_space<vmem>>) target(%dma_start3A_163 : memref<10016x128xf32, #tpu.memory_space<vmem_shared>>) offsets(%dma_start3A_160 : memref<128xi32, #tpu.memory_space<vmem>>) semaphore(%arg15 : memref<!tpu.dma_semaphore, #tpu.memory_space<semaphore_mem>>) {add = true}
      %dma_wait3A_164 = arith.constant 0 : i32
      %dma_wait3A_165 = tpu.memref_slice %arg8[%mul3A_135, %dma_wait3A_164] : memref<40x128xi32, #tpu.memory_space<vmem>> -> memref<1x128xi32, #tpu.memory_space<vmem>>
      %dma_wait3A_166 = tpu.memref_squeeze %dma_wait3A_165 : memref<1x128xi32, #tpu.memory_space<vmem>> -> memref<128xi32, #tpu.memory_space<vmem>>
      %dma_wait3A_167 = arith.constant 0 : i32
      %dma_wait3A_168 = arith.constant 0 : i32
      %dma_wait3A_169 = tpu.memref_slice %arg11[%dma_wait3A_167, %dma_wait3A_168] : memref<10016x128xf32, #tpu.memory_space<vmem_shared>> -> memref<10016x128xf32, #tpu.memory_space<vmem_shared>>
      tpu.wait_indirect_dma semaphore(%arg14 : memref<!tpu.dma_semaphore, #tpu.memory_space<semaphore_mem>>) src(%arg9 : memref<128x128xf32, #tpu.memory_space<vmem>>) dst(%dma_wait3A_169 : memref<10016x128xf32, #tpu.memory_space<vmem_shared>>)
      %add3A_170 = arith.constant 2 : i32
      %add3A_171 = arith.addi %mul3A_135, %add3A_170 : i32
      %mul3A_172 = arith.constant 128 : i32
      %mul3A_173 = arith.muli %add3A_171, %mul3A_172 : i32
      %dma_start3A_174 = tpu.memref_slice %arg7[%mul3A_173] : memref<5120xi32, #tpu.memory_space<vmem>> -> memref<128xi32, #tpu.memory_space<vmem>>
      %dma_start3A_175 = arith.constant 0 : i32
      %dma_start3A_176 = arith.constant 0 : i32
      %dma_start3A_177 = tpu.memref_slice %arg2[%dma_start3A_175, %dma_start3A_176] : memref<10000x128xf32, #tpu.memory_space<hbm>> -> memref<10000x128xf32, #tpu.memory_space<hbm>>
      tpu.enqueue_indirect_dma source(%dma_start3A_177 : memref<10000x128xf32, #tpu.memory_space<hbm>>) target(%arg9 : memref<128x128xf32, #tpu.memory_space<vmem>>) offsets(%dma_start3A_174 : memref<128xi32, #tpu.memory_space<vmem>>) semaphore(%arg12 : memref<!tpu.dma_semaphore, #tpu.memory_space<semaphore_mem>>)
      %dma_wait3A_178 = arith.constant 0 : i32
      %dma_wait3A_179 = tpu.memref_slice %arg8[%add3A_139, %dma_wait3A_178] : memref<40x128xi32, #tpu.memory_space<vmem>> -> memref<1x128xi32, #tpu.memory_space<vmem>>
      %dma_wait3A_180 = tpu.memref_squeeze %dma_wait3A_179 : memref<1x128xi32, #tpu.memory_space<vmem>> -> memref<128xi32, #tpu.memory_space<vmem>>
      %dma_wait3A_181 = arith.constant 0 : i32
      %dma_wait3A_182 = arith.constant 0 : i32
      %dma_wait3A_183 = tpu.memref_slice %arg11[%dma_wait3A_181, %dma_wait3A_182] : memref<10016x128xf32, #tpu.memory_space<vmem_shared>> -> memref<10016x128xf32, #tpu.memory_space<vmem_shared>>
      tpu.wait_indirect_dma semaphore(%arg15 : memref<!tpu.dma_semaphore, #tpu.memory_space<semaphore_mem>>) src(%arg10 : memref<128x128xf32, #tpu.memory_space<vmem>>) dst(%dma_wait3A_183 : memref<10016x128xf32, #tpu.memory_space<vmem_shared>>)
      %add3A_184 = arith.constant 2 : i32
      %add3A_185 = arith.addi %add3A_139, %add3A_184 : i32
      %mul3A_186 = arith.constant 128 : i32
      %mul3A_187 = arith.muli %add3A_185, %mul3A_186 : i32
      %dma_start3A_188 = tpu.memref_slice %arg7[%mul3A_187] : memref<5120xi32, #tpu.memory_space<vmem>> -> memref<128xi32, #tpu.memory_space<vmem>>
      %dma_start3A_189 = arith.constant 0 : i32
      %dma_start3A_190 = arith.constant 0 : i32
      %dma_start3A_191 = tpu.memref_slice %arg2[%dma_start3A_189, %dma_start3A_190] : memref<10000x128xf32, #tpu.memory_space<hbm>> -> memref<10000x128xf32, #tpu.memory_space<hbm>>
      tpu.enqueue_indirect_dma source(%dma_start3A_191 : memref<10000x128xf32, #tpu.memory_space<hbm>>) target(%arg10 : memref<128x128xf32, #tpu.memory_space<vmem>>) offsets(%dma_start3A_188 : memref<128xi32, #tpu.memory_space<vmem>>) semaphore(%arg13 : memref<!tpu.dma_semaphore, #tpu.memory_space<semaphore_mem>>)
      %scan3A_192 = arith.constant 0 : i32
      scf.yield %scan3A_192 : i32
    }
    %scan3A_83 = arith.constant 19 : i32
    %dma_wait3A_84 = arith.constant 4864 : i32
    %dma_wait3A_85 = tpu.memref_slice %arg7[%dma_wait3A_84] : memref<5120xi32, #tpu.memory_space<vmem>> -> memref<128xi32, #tpu.memory_space<vmem>>
    %dma_wait3A_86 = arith.constant 0 : i32
    %dma_wait3A_87 = arith.constant 0 : i32
    %dma_wait3A_88 = tpu.memref_slice %arg2[%dma_wait3A_86, %dma_wait3A_87] : memref<10000x128xf32, #tpu.memory_space<hbm>> -> memref<10000x128xf32, #tpu.memory_space<hbm>>
    tpu.wait_indirect_dma semaphore(%arg12 : memref<!tpu.dma_semaphore, #tpu.memory_space<semaphore_mem>>) src(%dma_wait3A_88 : memref<10000x128xf32, #tpu.memory_space<hbm>>) dst(%arg9 : memref<128x128xf32, #tpu.memory_space<vmem>>)
    %dma_start3A_89 = arith.constant 38 : i32
    %dma_start3A_90 = arith.constant 0 : i32
    %dma_start3A_91 = tpu.memref_slice %arg8[%dma_start3A_89, %dma_start3A_90] : memref<40x128xi32, #tpu.memory_space<vmem>> -> memref<1x128xi32, #tpu.memory_space<vmem>>
    %dma_start3A_92 = tpu.memref_squeeze %dma_start3A_91 : memref<1x128xi32, #tpu.memory_space<vmem>> -> memref<128xi32, #tpu.memory_space<vmem>>
    %dma_start3A_93 = arith.constant 0 : i32
    %dma_start3A_94 = arith.constant 0 : i32
    %dma_start3A_95 = tpu.memref_slice %arg11[%dma_start3A_93, %dma_start3A_94] : memref<10016x128xf32, #tpu.memory_space<vmem_shared>> -> memref<10016x128xf32, #tpu.memory_space<vmem_shared>>
    tpu.enqueue_indirect_dma source(%arg9 : memref<128x128xf32, #tpu.memory_space<vmem>>) target(%dma_start3A_95 : memref<10016x128xf32, #tpu.memory_space<vmem_shared>>) offsets(%dma_start3A_92 : memref<128xi32, #tpu.memory_space<vmem>>) semaphore(%arg14 : memref<!tpu.dma_semaphore, #tpu.memory_space<semaphore_mem>>) {add = true}
    %dma_wait3A_96 = arith.constant 4992 : i32
    %dma_wait3A_97 = tpu.memref_slice %arg7[%dma_wait3A_96] : memref<5120xi32, #tpu.memory_space<vmem>> -> memref<128xi32, #tpu.memory_space<vmem>>
    %dma_wait3A_98 = arith.constant 0 : i32
    %dma_wait3A_99 = arith.constant 0 : i32
    %dma_wait3A_100 = tpu.memref_slice %arg2[%dma_wait3A_98, %dma_wait3A_99] : memref<10000x128xf32, #tpu.memory_space<hbm>> -> memref<10000x128xf32, #tpu.memory_space<hbm>>
    tpu.wait_indirect_dma semaphore(%arg13 : memref<!tpu.dma_semaphore, #tpu.memory_space<semaphore_mem>>) src(%dma_wait3A_100 : memref<10000x128xf32, #tpu.memory_space<hbm>>) dst(%arg10 : memref<128x128xf32, #tpu.memory_space<vmem>>)
    %dma_start3A_101 = arith.constant 39 : i32
    %dma_start3A_102 = arith.constant 0 : i32
    %dma_start3A_103 = tpu.memref_slice %arg8[%dma_start3A_101, %dma_start3A_102] : memref<40x128xi32, #tpu.memory_space<vmem>> -> memref<1x128xi32, #tpu.memory_space<vmem>>
    %dma_start3A_104 = tpu.memref_squeeze %dma_start3A_103 : memref<1x128xi32, #tpu.memory_space<vmem>> -> memref<128xi32, #tpu.memory_space<vmem>>
    %dma_start3A_105 = arith.constant 0 : i32
    %dma_start3A_106 = arith.constant 0 : i32
    %dma_start3A_107 = tpu.memref_slice %arg11[%dma_start3A_105, %dma_start3A_106] : memref<10016x128xf32, #tpu.memory_space<vmem_shared>> -> memref<10016x128xf32, #tpu.memory_space<vmem_shared>>
    tpu.enqueue_indirect_dma source(%arg10 : memref<128x128xf32, #tpu.memory_space<vmem>>) target(%dma_start3A_107 : memref<10016x128xf32, #tpu.memory_space<vmem_shared>>) offsets(%dma_start3A_104 : memref<128xi32, #tpu.memory_space<vmem>>) semaphore(%arg15 : memref<!tpu.dma_semaphore, #tpu.memory_space<semaphore_mem>>) {add = true}
    %dma_wait3A_108 = arith.constant 38 : i32
    %dma_wait3A_109 = arith.constant 0 : i32
    %dma_wait3A_110 = tpu.memref_slice %arg8[%dma_wait3A_108, %dma_wait3A_109] : memref<40x128xi32, #tpu.memory_space<vmem>> -> memref<1x128xi32, #tpu.memory_space<vmem>>
    %dma_wait3A_111 = tpu.memref_squeeze %dma_wait3A_110 : memref<1x128xi32, #tpu.memory_space<vmem>> -> memref<128xi32, #tpu.memory_space<vmem>>
    %dma_wait3A_112 = arith.constant 0 : i32
    %dma_wait3A_113 = arith.constant 0 : i32
    %dma_wait3A_114 = tpu.memref_slice %arg11[%dma_wait3A_112, %dma_wait3A_113] : memref<10016x128xf32, #tpu.memory_space<vmem_shared>> -> memref<10016x128xf32, #tpu.memory_space<vmem_shared>>
    tpu.wait_indirect_dma semaphore(%arg14 : memref<!tpu.dma_semaphore, #tpu.memory_space<semaphore_mem>>) src(%arg9 : memref<128x128xf32, #tpu.memory_space<vmem>>) dst(%dma_wait3A_114 : memref<10016x128xf32, #tpu.memory_space<vmem_shared>>)
    %dma_wait3A_115 = arith.constant 39 : i32
    %dma_wait3A_116 = arith.constant 0 : i32
    %dma_wait3A_117 = tpu.memref_slice %arg8[%dma_wait3A_115, %dma_wait3A_116] : memref<40x128xi32, #tpu.memory_space<vmem>> -> memref<1x128xi32, #tpu.memory_space<vmem>>
    %dma_wait3A_118 = tpu.memref_squeeze %dma_wait3A_117 : memref<1x128xi32, #tpu.memory_space<vmem>> -> memref<128xi32, #tpu.memory_space<vmem>>
    %dma_wait3A_119 = arith.constant 0 : i32
    %dma_wait3A_120 = arith.constant 0 : i32
    %dma_wait3A_121 = tpu.memref_slice %arg11[%dma_wait3A_119, %dma_wait3A_120] : memref<10016x128xf32, #tpu.memory_space<vmem_shared>> -> memref<10016x128xf32, #tpu.memory_space<vmem_shared>>
    tpu.wait_indirect_dma semaphore(%arg15 : memref<!tpu.dma_semaphore, #tpu.memory_space<semaphore_mem>>) src(%arg10 : memref<128x128xf32, #tpu.memory_space<vmem>>) dst(%dma_wait3A_121 : memref<10016x128xf32, #tpu.memory_space<vmem_shared>>)
    %barrier3A_122 = arith.constant 0 : index
    tpu.barrier barrier_id(%barrier3A_122)
    %mul3A_123 = arith.constant 624 : i32
    %mul3A_124 = arith.muli %arg1, %mul3A_123 : i32
    %mul3A_125 = arith.constant 624 : i32
    %mul3A_126 = arith.muli %arg1, %mul3A_125 : i32
    "tpu.region"() ({
      %run_scoped3A = tpu.sem_alloc : memref<!tpu.dma_semaphore, #tpu.memory_space<semaphore_mem>>
      %dma_start3A_132 = arith.constant 0 : i32
      %dma_start3A_133 = tpu.memref_slice %arg6[%arg0, %mul3A_126, %dma_start3A_132] : memref<2x10000x128xf32, #tpu.memory_space<hbm>> -> memref<1x624x128xf32, #tpu.memory_space<hbm>>
      %dma_start3A_134 = tpu.memref_squeeze %dma_start3A_133 : memref<1x624x128xf32, #tpu.memory_space<hbm>> -> memref<624x128xf32, #tpu.memory_space<hbm>>
      %dma_start3A_135 = arith.constant 0 : i32
      %dma_start3A_136 = tpu.memref_slice %arg11[%mul3A_124, %dma_start3A_135] : memref<10016x128xf32, #tpu.memory_space<vmem_shared>> -> memref<624x128xf32, #tpu.memory_space<vmem_shared>>
      tpu.enqueue_dma source(%dma_start3A_136 : memref<624x128xf32, #tpu.memory_space<vmem_shared>>) target(%dma_start3A_134 : memref<624x128xf32, #tpu.memory_space<hbm>>) target_semaphore(%run_scoped3A : memref<!tpu.dma_semaphore, #tpu.memory_space<semaphore_mem>>)
      %dma_wait3A_137 = arith.constant 0 : i32
      %dma_wait3A_138 = tpu.memref_slice %arg6[%arg0, %mul3A_126, %dma_wait3A_137] : memref<2x10000x128xf32, #tpu.memory_space<hbm>> -> memref<1x624x128xf32, #tpu.memory_space<hbm>>
      %dma_wait3A_139 = tpu.memref_squeeze %dma_wait3A_138 : memref<1x624x128xf32, #tpu.memory_space<hbm>> -> memref<624x128xf32, #tpu.memory_space<hbm>>
      %dma_wait3A_140 = arith.constant 0 : i32
      %dma_wait3A_141 = tpu.memref_slice %arg11[%mul3A_124, %dma_wait3A_140] : memref<10016x128xf32, #tpu.memory_space<vmem_shared>> -> memref<624x128xf32, #tpu.memory_space<vmem_shared>>
      tpu.wait_dma2 semaphore(%run_scoped3A : memref<!tpu.dma_semaphore, #tpu.memory_space<semaphore_mem>>) src(%dma_wait3A_141 : memref<624x128xf32, #tpu.memory_space<vmem_shared>>) dst(%dma_wait3A_139 : memref<624x128xf32, #tpu.memory_space<hbm>>)
      tpu.yield
    }) : () -> ()
    %eq3A_127 = arith.constant 15 : i32
    %eq3A_128 = arith.cmpi eq, %arg1, %eq3A_127 : i32
    %convert_element_type3A_129 = arith.extui %eq3A_128 : i1 to i32
    %cond3A_130 = arith.constant 0 : i32
    %cond3A_131 = arith.cmpi ne, %convert_element_type3A_129, %cond3A_130 : i32
    scf.if %cond3A_131 {
      "tpu.region"() ({
        %run_scoped3A = tpu.sem_alloc : memref<!tpu.dma_semaphore, #tpu.memory_space<semaphore_mem>>
        %dma_start3A_132 = arith.constant 9984 : i32
        %dma_start3A_133 = arith.constant 0 : i32
        %dma_start3A_134 = tpu.memref_slice %arg6[%arg0, %dma_start3A_132, %dma_start3A_133] : memref<2x10000x128xf32, #tpu.memory_space<hbm>> -> memref<1x16x128xf32, #tpu.memory_space<hbm>>
        %dma_start3A_135 = tpu.memref_squeeze %dma_start3A_134 : memref<1x16x128xf32, #tpu.memory_space<hbm>> -> memref<16x128xf32, #tpu.memory_space<hbm>>
        %dma_start3A_136 = arith.constant 9984 : i32
        %dma_start3A_137 = arith.constant 0 : i32
        %dma_start3A_138 = tpu.memref_slice %arg11[%dma_start3A_136, %dma_start3A_137] : memref<10016x128xf32, #tpu.memory_space<vmem_shared>> -> memref<16x128xf32, #tpu.memory_space<vmem_shared>>
        tpu.enqueue_dma source(%dma_start3A_138 : memref<16x128xf32, #tpu.memory_space<vmem_shared>>) target(%dma_start3A_135 : memref<16x128xf32, #tpu.memory_space<hbm>>) target_semaphore(%run_scoped3A : memref<!tpu.dma_semaphore, #tpu.memory_space<semaphore_mem>>)
        %dma_wait3A_139 = arith.constant 9984 : i32
        %dma_wait3A_140 = arith.constant 0 : i32
        %dma_wait3A_141 = tpu.memref_slice %arg6[%arg0, %dma_wait3A_139, %dma_wait3A_140] : memref<2x10000x128xf32, #tpu.memory_space<hbm>> -> memref<1x16x128xf32, #tpu.memory_space<hbm>>
        %dma_wait3A_142 = tpu.memref_squeeze %dma_wait3A_141 : memref<1x16x128xf32, #tpu.memory_space<hbm>> -> memref<16x128xf32, #tpu.memory_space<hbm>>
        %dma_wait3A_143 = arith.constant 9984 : i32
        %dma_wait3A_144 = arith.constant 0 : i32
        %dma_wait3A_145 = tpu.memref_slice %arg11[%dma_wait3A_143, %dma_wait3A_144] : memref<10016x128xf32, #tpu.memory_space<vmem_shared>> -> memref<16x128xf32, #tpu.memory_space<vmem_shared>>
        tpu.wait_dma2 semaphore(%run_scoped3A : memref<!tpu.dma_semaphore, #tpu.memory_space<semaphore_mem>>) src(%dma_wait3A_145 : memref<16x128xf32, #tpu.memory_space<vmem_shared>>) dst(%dma_wait3A_142 : memref<16x128xf32, #tpu.memory_space<hbm>>)
        tpu.yield
      }) : () -> ()
    } else {
    }
    return
  }
}

module attributes {stable_mosaic.version = 14 : i64} {
  func.func @_layer0_body(%arg0: i32, %arg1: memref<2x2000x128xf32, #tpu.memory_space<vmem>>, %arg2: memref<2x2000x128xf32, #tpu.memory_space<vmem>>, %arg3: memref<2000x128xf32, #tpu.memory_space<vmem>>, %arg4: memref<128x256xf32, #tpu.memory_space<vmem>>, %arg5: memref<1x256xf32, #tpu.memory_space<vmem>>, %arg6: memref<128x256xf32, #tpu.memory_space<vmem>>, %arg7: memref<2000x128xf32, #tpu.memory_space<vmem>>, %arg8: memref<2000x128xf32, #tpu.memory_space<vmem>>) attributes {dimension_semantics = [#tpu.dimension_semantics<arbitrary>], iteration_bounds = array<i64: 5>, scalar_prefetch = 0 : i64, scratch_operands = 0 : i64, tpu.core_type = #tpu.core_type<tc>, window_params = [{transform_indices = @transform_0, window_bounds = array<i64: 2, 2000, 128>}, {transform_indices = @transform_1, window_bounds = array<i64: 2, 2000, 128>}, {transform_indices = @transform_2, window_bounds = array<i64: 2000, 128>}, {pipeline_mode = #tpu.pipeline_mode<synchronous>, transform_indices = @transform_3, window_bounds = array<i64: 128, 256>}, {pipeline_mode = #tpu.pipeline_mode<synchronous>, transform_indices = @transform_4, window_bounds = array<i64: 1, 256>}, {pipeline_mode = #tpu.pipeline_mode<synchronous>, transform_indices = @transform_5, window_bounds = array<i64: 128, 256>}, {transform_indices = @transform_6, window_bounds = array<i64: 2000, 128>}, {transform_indices = @transform_7, window_bounds = array<i64: 2000, 128>}]} {
    %get3A = arith.constant 0 : index
    %get3A_0 = arith.constant 0 : index
    %get3A_1 = arith.constant 0 : index
    %get3A_2 = vector.load %arg1[%get3A, %get3A_0, %get3A_1] : memref<2x2000x128xf32, #tpu.memory_space<vmem>>, vector<1x2000x128xf32>
    %get3A_3 = vector.shape_cast %get3A_2 : vector<1x2000x128xf32> to vector<2000x128xf32>
    %get3A_4 = arith.constant 1 : index
    %get3A_5 = arith.constant 0 : index
    %get3A_6 = arith.constant 0 : index
    %get3A_7 = vector.load %arg1[%get3A_4, %get3A_5, %get3A_6] : memref<2x2000x128xf32, #tpu.memory_space<vmem>>, vector<1x2000x128xf32>
    %get3A_8 = vector.shape_cast %get3A_7 : vector<1x2000x128xf32> to vector<2000x128xf32>
    %add3A = arith.addf %get3A_3, %get3A_8 : vector<2000x128xf32>
    %get3A_9 = arith.constant 0 : index
    %get3A_10 = arith.constant 0 : index
    %get3A_11 = arith.constant 0 : index
    %get3A_12 = vector.load %arg2[%get3A_9, %get3A_10, %get3A_11] : memref<2x2000x128xf32, #tpu.memory_space<vmem>>, vector<1x2000x1xf32>
    %get3A_13 = vector.shape_cast %get3A_12 : vector<1x2000x1xf32> to vector<2000x1xf32>
    %get3A_14 = arith.constant 1 : index
    %get3A_15 = arith.constant 0 : index
    %get3A_16 = arith.constant 0 : index
    %get3A_17 = vector.load %arg2[%get3A_14, %get3A_15, %get3A_16] : memref<2x2000x128xf32, #tpu.memory_space<vmem>>, vector<1x2000x1xf32>
    %get3A_18 = vector.shape_cast %get3A_17 : vector<1x2000x1xf32> to vector<2000x1xf32>
    %add3A_19 = arith.addf %get3A_13, %get3A_18 : vector<2000x1xf32>
    %max3A = arith.constant 1.000000e+00 : f32
    %max3A_20 = vector.broadcast %max3A : f32 to vector<2000x1xf32>
    %max3A_21 = arith.maximumf %add3A_19, %max3A_20 : vector<2000x1xf32>
    %div3A = arith.constant 1.000000e+00 : f32
    %div3A_22 = vector.broadcast %div3A : f32 to vector<2000x1xf32>
    %div3A_23 = arith.divf %div3A_22, %max3A_21 : vector<2000x1xf32>
    %mul3A = vector.broadcast %div3A_23 : vector<2000x1xf32> to vector<2000x128xf32>
    %mul3A_24 = arith.mulf %add3A, %mul3A : vector<2000x128xf32>
    %get3A_25 = arith.constant 0 : index
    %get3A_26 = arith.constant 0 : index
    %get3A_27 = vector.load %arg4[%get3A_25, %get3A_26] : memref<128x256xf32, #tpu.memory_space<vmem>>, vector<128x256xf32>
    %dot_general3A = arith.constant dense<0.000000e+00> : vector<2000x256xf32>
    %dot_general3A_28 = tpu.matmul %mul3A_24, %get3A_27, %dot_general3A {dimension_numbers = #tpu.dot_dimension_numbers<[1], [0], [0], [1], [0, 0, 1, 1], [], []>, transpose_lhs_hint = false} : vector<2000x128xf32>, vector<128x256xf32>, vector<2000x256xf32> -> vector<2000x256xf32>
    %get3A_29 = arith.constant 0 : index
    %get3A_30 = arith.constant 0 : index
    %get3A_31 = vector.load %arg5[%get3A_29, %get3A_30] : memref<1x256xf32, #tpu.memory_space<vmem>>, vector<1x256xf32>
    %add3A_32 = vector.broadcast %get3A_31 : vector<1x256xf32> to vector<2000x256xf32>
    %add3A_33 = arith.addf %dot_general3A_28, %add3A_32 : vector<2000x256xf32>
    %get3A_34 = arith.constant 0 : index
    %get3A_35 = arith.constant 0 : index
    %get3A_36 = vector.load %arg3[%get3A_34, %get3A_35] : memref<2000x128xf32, #tpu.memory_space<vmem>>, vector<2000x128xf32>
    %get3A_37 = arith.constant 0 : index
    %get3A_38 = arith.constant 0 : index
    %get3A_39 = vector.load %arg6[%get3A_37, %get3A_38] : memref<128x256xf32, #tpu.memory_space<vmem>>, vector<128x256xf32>
    %dot_general3A_40 = arith.constant dense<0.000000e+00> : vector<2000x256xf32>
    %dot_general3A_41 = tpu.matmul %get3A_36, %get3A_39, %dot_general3A_40 {dimension_numbers = #tpu.dot_dimension_numbers<[1], [0], [0], [1], [0, 0, 1, 1], [], []>, transpose_lhs_hint = false} : vector<2000x128xf32>, vector<128x256xf32>, vector<2000x256xf32> -> vector<2000x256xf32>
    %add3A_42 = arith.addf %add3A_33, %dot_general3A_41 : vector<2000x256xf32>
    %max3A_43 = arith.constant 0.000000e+00 : f32
    %max3A_44 = vector.broadcast %max3A_43 : f32 to vector<2000x256xf32>
    %max3A_45 = arith.maximumf %add3A_42, %max3A_44 : vector<2000x256xf32>
    %slice3A = vector.extract_strided_slice %max3A_45 {offsets = [0, 0], sizes = [2000, 128], strides = [1, 1]} : vector<2000x256xf32> to vector<2000x128xf32>
    %swap3A = arith.constant 0 : index
    %swap3A_46 = arith.constant 0 : index
    %swap3A_47 = vector.load %arg7[%swap3A, %swap3A_46] : memref<2000x128xf32, #tpu.memory_space<vmem>>, vector<2000x128xf32>
    tpu.vector_store %arg7[%swap3A, %swap3A_46], %slice3A {strides = array<i32>} : memref<2000x128xf32, #tpu.memory_space<vmem>>, vector<2000x128xf32>,
    %slice3A_48 = vector.extract_strided_slice %max3A_45 {offsets = [0, 128], sizes = [2000, 128], strides = [1, 1]} : vector<2000x256xf32> to vector<2000x128xf32>
    %swap3A_49 = arith.constant 0 : index
    %swap3A_50 = arith.constant 0 : index
    %swap3A_51 = vector.load %arg8[%swap3A_49, %swap3A_50] : memref<2000x128xf32, #tpu.memory_space<vmem>>, vector<2000x128xf32>
    tpu.vector_store %arg8[%swap3A_49, %swap3A_50], %slice3A_48 {strides = array<i32>} : memref<2000x128xf32, #tpu.memory_space<vmem>>, vector<2000x128xf32>,
    return
  }
  func.func @transform_0(%arg0: i32) -> (i32, i32, i32) {
    %c0_i32 = arith.constant 0 : i32
    %c0_i32_0 = arith.constant 0 : i32
    %c0_i32_1 = arith.constant 0 : i32
    return %c0_i32, %arg0, %c0_i32_0 : i32, i32, i32
  }
  func.func @transform_1(%arg0: i32) -> (i32, i32, i32) {
    %c0_i32 = arith.constant 0 : i32
    %c0_i32_0 = arith.constant 0 : i32
    %c0_i32_1 = arith.constant 0 : i32
    return %c0_i32, %arg0, %c0_i32_0 : i32, i32, i32
  }
  func.func @transform_2(%arg0: i32) -> (i32, i32) {
    %c0_i32 = arith.constant 0 : i32
    %c0_i32_0 = arith.constant 0 : i32
    return %arg0, %c0_i32 : i32, i32
  }
  func.func @transform_3(%arg0: i32) -> (i32, i32) {
    %c0_i32 = arith.constant 0 : i32
    %c0_i32_0 = arith.constant 0 : i32
    %c0_i32_1 = arith.constant 0 : i32
    return %c0_i32, %c0_i32_0 : i32, i32
  }
  func.func @transform_4(%arg0: i32) -> (i32, i32) {
    %c0_i32 = arith.constant 0 : i32
    %c0_i32_0 = arith.constant 0 : i32
    %c0_i32_1 = arith.constant 0 : i32
    return %c0_i32, %c0_i32_0 : i32, i32
  }
  func.func @transform_5(%arg0: i32) -> (i32, i32) {
    %c0_i32 = arith.constant 0 : i32
    %c0_i32_0 = arith.constant 0 : i32
    %c0_i32_1 = arith.constant 0 : i32
    return %c0_i32, %c0_i32_0 : i32, i32
  }
  func.func @transform_6(%arg0: i32) -> (i32, i32) {
    %c0_i32 = arith.constant 0 : i32
    %c0_i32_0 = arith.constant 0 : i32
    return %arg0, %c0_i32 : i32, i32
  }
  func.func @transform_7(%arg0: i32) -> (i32, i32) {
    %c0_i32 = arith.constant 0 : i32
    %c0_i32_0 = arith.constant 0 : i32
    return %arg0, %c0_i32 : i32, i32
  }
}

module attributes {stable_mosaic.version = 14 : i64} {
  func.func @_layer2_body(%arg0: i32, %arg1: memref<2x2000x128xf32, #tpu.memory_space<vmem>>, %arg2: memref<2x2000x128xf32, #tpu.memory_space<vmem>>, %arg3: memref<2000x128xf32, #tpu.memory_space<vmem>>, %arg4: memref<2000x128xf32, #tpu.memory_space<vmem>>, %arg5: memref<128x128xf32, #tpu.memory_space<vmem>>, %arg6: memref<128x128xf32, #tpu.memory_space<vmem>>, %arg7: memref<1x128xf32, #tpu.memory_space<vmem>>, %arg8: memref<2000x128xf32, #tpu.memory_space<vmem>>) attributes {dimension_semantics = [#tpu.dimension_semantics<arbitrary>], iteration_bounds = array<i64: 5>, scalar_prefetch = 0 : i64, scratch_operands = 0 : i64, tpu.core_type = #tpu.core_type<tc>, window_params = [{transform_indices = @transform_0, window_bounds = array<i64: 2, 2000, 128>}, {transform_indices = @transform_1, window_bounds = array<i64: 2, 2000, 128>}, {transform_indices = @transform_2, window_bounds = array<i64: 2000, 128>}, {transform_indices = @transform_3, window_bounds = array<i64: 2000, 128>}, {pipeline_mode = #tpu.pipeline_mode<synchronous>, transform_indices = @transform_4, window_bounds = array<i64: 128, 128>}, {pipeline_mode = #tpu.pipeline_mode<synchronous>, transform_indices = @transform_5, window_bounds = array<i64: 128, 128>}, {pipeline_mode = #tpu.pipeline_mode<synchronous>, transform_indices = @transform_6, window_bounds = array<i64: 1, 128>}, {transform_indices = @transform_7, window_bounds = array<i64: 2000, 128>}]} {
    %get3A = arith.constant 0 : index
    %get3A_0 = arith.constant 0 : index
    %get3A_1 = arith.constant 0 : index
    %get3A_2 = vector.load %arg1[%get3A, %get3A_0, %get3A_1] : memref<2x2000x128xf32, #tpu.memory_space<vmem>>, vector<1x2000x128xf32>
    %get3A_3 = vector.shape_cast %get3A_2 : vector<1x2000x128xf32> to vector<2000x128xf32>
    %get3A_4 = arith.constant 1 : index
    %get3A_5 = arith.constant 0 : index
    %get3A_6 = arith.constant 0 : index
    %get3A_7 = vector.load %arg1[%get3A_4, %get3A_5, %get3A_6] : memref<2x2000x128xf32, #tpu.memory_space<vmem>>, vector<1x2000x128xf32>
    %get3A_8 = vector.shape_cast %get3A_7 : vector<1x2000x128xf32> to vector<2000x128xf32>
    %add3A = arith.addf %get3A_3, %get3A_8 : vector<2000x128xf32>
    %get3A_9 = arith.constant 0 : index
    %get3A_10 = arith.constant 0 : index
    %get3A_11 = arith.constant 0 : index
    %get3A_12 = vector.load %arg2[%get3A_9, %get3A_10, %get3A_11] : memref<2x2000x128xf32, #tpu.memory_space<vmem>>, vector<1x2000x1xf32>
    %get3A_13 = vector.shape_cast %get3A_12 : vector<1x2000x1xf32> to vector<2000x1xf32>
    %get3A_14 = arith.constant 1 : index
    %get3A_15 = arith.constant 0 : index
    %get3A_16 = arith.constant 0 : index
    %get3A_17 = vector.load %arg2[%get3A_14, %get3A_15, %get3A_16] : memref<2x2000x128xf32, #tpu.memory_space<vmem>>, vector<1x2000x1xf32>
    %get3A_18 = vector.shape_cast %get3A_17 : vector<1x2000x1xf32> to vector<2000x1xf32>
    %add3A_19 = arith.addf %get3A_13, %get3A_18 : vector<2000x1xf32>
    %max3A = arith.constant 1.000000e+00 : f32
    %max3A_20 = vector.broadcast %max3A : f32 to vector<2000x1xf32>
    %max3A_21 = arith.maximumf %add3A_19, %max3A_20 : vector<2000x1xf32>
    %div3A = arith.constant 1.000000e+00 : f32
    %div3A_22 = vector.broadcast %div3A : f32 to vector<2000x1xf32>
    %div3A_23 = arith.divf %div3A_22, %max3A_21 : vector<2000x1xf32>
    %mul3A = vector.broadcast %div3A_23 : vector<2000x1xf32> to vector<2000x128xf32>
    %mul3A_24 = arith.mulf %add3A, %mul3A : vector<2000x128xf32>
    %get3A_25 = arith.constant 0 : index
    %get3A_26 = arith.constant 0 : index
    %get3A_27 = vector.load %arg7[%get3A_25, %get3A_26] : memref<1x128xf32, #tpu.memory_space<vmem>>, vector<1x128xf32>
    %add3A_28 = vector.broadcast %get3A_27 : vector<1x128xf32> to vector<2000x128xf32>
    %add3A_29 = arith.addf %mul3A_24, %add3A_28 : vector<2000x128xf32>
    %get3A_30 = arith.constant 0 : index
    %get3A_31 = arith.constant 0 : index
    %get3A_32 = vector.load %arg3[%get3A_30, %get3A_31] : memref<2000x128xf32, #tpu.memory_space<vmem>>, vector<2000x128xf32>
    %get3A_33 = arith.constant 0 : index
    %get3A_34 = arith.constant 0 : index
    %get3A_35 = vector.load %arg5[%get3A_33, %get3A_34] : memref<128x128xf32, #tpu.memory_space<vmem>>, vector<128x128xf32>
    %dot_general3A = arith.constant dense<0.000000e+00> : vector<2000x128xf32>
    %dot_general3A_36 = tpu.matmul %get3A_32, %get3A_35, %dot_general3A {dimension_numbers = #tpu.dot_dimension_numbers<[1], [0], [0], [1], [0, 0, 1, 1], [], []>, transpose_lhs_hint = false} : vector<2000x128xf32>, vector<128x128xf32>, vector<2000x128xf32> -> vector<2000x128xf32>
    %add3A_37 = arith.addf %add3A_29, %dot_general3A_36 : vector<2000x128xf32>
    %get3A_38 = arith.constant 0 : index
    %get3A_39 = arith.constant 0 : index
    %get3A_40 = vector.load %arg4[%get3A_38, %get3A_39] : memref<2000x128xf32, #tpu.memory_space<vmem>>, vector<2000x128xf32>
    %get3A_41 = arith.constant 0 : index
    %get3A_42 = arith.constant 0 : index
    %get3A_43 = vector.load %arg6[%get3A_41, %get3A_42] : memref<128x128xf32, #tpu.memory_space<vmem>>, vector<128x128xf32>
    %dot_general3A_44 = arith.constant dense<0.000000e+00> : vector<2000x128xf32>
    %dot_general3A_45 = tpu.matmul %get3A_40, %get3A_43, %dot_general3A_44 {dimension_numbers = #tpu.dot_dimension_numbers<[1], [0], [0], [1], [0, 0, 1, 1], [], []>, transpose_lhs_hint = false} : vector<2000x128xf32>, vector<128x128xf32>, vector<2000x128xf32> -> vector<2000x128xf32>
    %add3A_46 = arith.addf %add3A_37, %dot_general3A_45 : vector<2000x128xf32>
    %swap3A = arith.constant 0 : index
    %swap3A_47 = arith.constant 0 : index
    %swap3A_48 = vector.load %arg8[%swap3A, %swap3A_47] : memref<2000x128xf32, #tpu.memory_space<vmem>>, vector<2000x128xf32>
    tpu.vector_store %arg8[%swap3A, %swap3A_47], %add3A_46 {strides = array<i32>} : memref<2000x128xf32, #tpu.memory_space<vmem>>, vector<2000x128xf32>,
    return
  }
  func.func @transform_0(%arg0: i32) -> (i32, i32, i32) {
    %c0_i32 = arith.constant 0 : i32
    %c0_i32_0 = arith.constant 0 : i32
    %c0_i32_1 = arith.constant 0 : i32
    return %c0_i32, %arg0, %c0_i32_0 : i32, i32, i32
  }
  func.func @transform_1(%arg0: i32) -> (i32, i32, i32) {
    %c0_i32 = arith.constant 0 : i32
    %c0_i32_0 = arith.constant 0 : i32
    %c0_i32_1 = arith.constant 0 : i32
    return %c0_i32, %arg0, %c0_i32_0 : i32, i32, i32
  }
  func.func @transform_2(%arg0: i32) -> (i32, i32) {
    %c0_i32 = arith.constant 0 : i32
    %c0_i32_0 = arith.constant 0 : i32
    return %arg0, %c0_i32 : i32, i32
  }
  func.func @transform_3(%arg0: i32) -> (i32, i32) {
    %c0_i32 = arith.constant 0 : i32
    %c0_i32_0 = arith.constant 0 : i32
    return %arg0, %c0_i32 : i32, i32
  }
  func.func @transform_4(%arg0: i32) -> (i32, i32) {
    %c0_i32 = arith.constant 0 : i32
    %c0_i32_0 = arith.constant 0 : i32
    %c0_i32_1 = arith.constant 0 : i32
    return %c0_i32, %c0_i32_0 : i32, i32
  }
  func.func @transform_5(%arg0: i32) -> (i32, i32) {
    %c0_i32 = arith.constant 0 : i32
    %c0_i32_0 = arith.constant 0 : i32
    %c0_i32_1 = arith.constant 0 : i32
    return %c0_i32, %c0_i32_0 : i32, i32
  }
  func.func @transform_6(%arg0: i32) -> (i32, i32) {
    %c0_i32 = arith.constant 0 : i32
    %c0_i32_0 = arith.constant 0 : i32
    %c0_i32_1 = arith.constant 0 : i32
    return %c0_i32, %c0_i32_0 : i32, i32
  }
  func.func @transform_7(%arg0: i32) -> (i32, i32) {
    %c0_i32 = arith.constant 0 : i32
    %c0_i32_0 = arith.constant 0 : i32
    return %arg0, %c0_i32 : i32, i32
  }
}

module attributes {stable_mosaic.version = 14 : i64} {
  func.func @_layer1_body(%arg0: i32, %arg1: memref<2x2000x128xf32, #tpu.memory_space<vmem>>, %arg2: memref<2x2000x128xf32, #tpu.memory_space<vmem>>, %arg3: memref<2000x128xf32, #tpu.memory_space<vmem>>, %arg4: memref<2000x128xf32, #tpu.memory_space<vmem>>, %arg5: memref<128x256xf32, #tpu.memory_space<vmem>>, %arg6: memref<128x256xf32, #tpu.memory_space<vmem>>, %arg7: memref<1x256xf32, #tpu.memory_space<vmem>>, %arg8: memref<128x256xf32, #tpu.memory_space<vmem>>, %arg9: memref<128x256xf32, #tpu.memory_space<vmem>>, %arg10: memref<256x128xf32, #tpu.memory_space<vmem>>, %arg11: memref<2000x128xf32, #tpu.memory_space<vmem>>, %arg12: memref<2000x128xf32, #tpu.memory_space<vmem>>, %arg13: memref<2000x128xf32, #tpu.memory_space<vmem>>) attributes {dimension_semantics = [#tpu.dimension_semantics<arbitrary>], iteration_bounds = array<i64: 5>, scalar_prefetch = 0 : i64, scratch_operands = 0 : i64, tpu.core_type = #tpu.core_type<tc>, window_params = [{transform_indices = @transform_0, window_bounds = array<i64: 2, 2000, 128>}, {transform_indices = @transform_1, window_bounds = array<i64: 2, 2000, 128>}, {transform_indices = @transform_2, window_bounds = array<i64: 2000, 128>}, {transform_indices = @transform_3, window_bounds = array<i64: 2000, 128>}, {pipeline_mode = #tpu.pipeline_mode<synchronous>, transform_indices = @transform_4, window_bounds = array<i64: 128, 256>}, {pipeline_mode = #tpu.pipeline_mode<synchronous>, transform_indices = @transform_5, window_bounds = array<i64: 128, 256>}, {pipeline_mode = #tpu.pipeline_mode<synchronous>, transform_indices = @transform_6, window_bounds = array<i64: 1, 256>}, {pipeline_mode = #tpu.pipeline_mode<synchronous>, transform_indices = @transform_7, window_bounds = array<i64: 128, 256>}, {pipeline_mode = #tpu.pipeline_mode<synchronous>, transform_indices = @transform_8, window_bounds = array<i64: 128, 256>}, {pipeline_mode = #tpu.pipeline_mode<synchronous>, transform_indices = @transform_9, window_bounds = array<i64: 256, 128>}, {transform_indices = @transform_10, window_bounds = array<i64: 2000, 128>}, {transform_indices = @transform_11, window_bounds = array<i64: 2000, 128>}, {transform_indices = @transform_12, window_bounds = array<i64: 2000, 128>}]} {
    %get3A = arith.constant 0 : index
    %get3A_0 = arith.constant 0 : index
    %get3A_1 = arith.constant 0 : index
    %get3A_2 = vector.load %arg2[%get3A, %get3A_0, %get3A_1] : memref<2x2000x128xf32, #tpu.memory_space<vmem>>, vector<1x2000x1xf32>
    %get3A_3 = vector.shape_cast %get3A_2 : vector<1x2000x1xf32> to vector<2000x1xf32>
    %get3A_4 = arith.constant 1 : index
    %get3A_5 = arith.constant 0 : index
    %get3A_6 = arith.constant 0 : index
    %get3A_7 = vector.load %arg2[%get3A_4, %get3A_5, %get3A_6] : memref<2x2000x128xf32, #tpu.memory_space<vmem>>, vector<1x2000x1xf32>
    %get3A_8 = vector.shape_cast %get3A_7 : vector<1x2000x1xf32> to vector<2000x1xf32>
    %add3A = arith.addf %get3A_3, %get3A_8 : vector<2000x1xf32>
    %max3A = arith.constant 1.000000e+00 : f32
    %max3A_9 = vector.broadcast %max3A : f32 to vector<2000x1xf32>
    %max3A_10 = arith.maximumf %add3A, %max3A_9 : vector<2000x1xf32>
    %div3A = arith.constant 1.000000e+00 : f32
    %div3A_11 = vector.broadcast %div3A : f32 to vector<2000x1xf32>
    %div3A_12 = arith.divf %div3A_11, %max3A_10 : vector<2000x1xf32>
    %get3A_13 = arith.constant 0 : index
    %get3A_14 = arith.constant 0 : index
    %get3A_15 = arith.constant 0 : index
    %get3A_16 = vector.load %arg1[%get3A_13, %get3A_14, %get3A_15] : memref<2x2000x128xf32, #tpu.memory_space<vmem>>, vector<1x2000x128xf32>
    %get3A_17 = vector.shape_cast %get3A_16 : vector<1x2000x128xf32> to vector<2000x128xf32>
    %mul3A = vector.broadcast %div3A_12 : vector<2000x1xf32> to vector<2000x128xf32>
    %mul3A_18 = arith.mulf %get3A_17, %mul3A : vector<2000x128xf32>
    %get3A_19 = arith.constant 0 : index
    %get3A_20 = arith.constant 0 : index
    %get3A_21 = vector.load %arg5[%get3A_19, %get3A_20] : memref<128x256xf32, #tpu.memory_space<vmem>>, vector<128x256xf32>
    %dot_general3A = arith.constant dense<0.000000e+00> : vector<2000x256xf32>
    %dot_general3A_22 = tpu.matmul %mul3A_18, %get3A_21, %dot_general3A {dimension_numbers = #tpu.dot_dimension_numbers<[1], [0], [0], [1], [0, 0, 1, 1], [], []>, transpose_lhs_hint = false} : vector<2000x128xf32>, vector<128x256xf32>, vector<2000x256xf32> -> vector<2000x256xf32>
    %get3A_23 = arith.constant 1 : index
    %get3A_24 = arith.constant 0 : index
    %get3A_25 = arith.constant 0 : index
    %get3A_26 = vector.load %arg1[%get3A_23, %get3A_24, %get3A_25] : memref<2x2000x128xf32, #tpu.memory_space<vmem>>, vector<1x2000x128xf32>
    %get3A_27 = vector.shape_cast %get3A_26 : vector<1x2000x128xf32> to vector<2000x128xf32>
    %mul3A_28 = vector.broadcast %div3A_12 : vector<2000x1xf32> to vector<2000x128xf32>
    %mul3A_29 = arith.mulf %get3A_27, %mul3A_28 : vector<2000x128xf32>
    %get3A_30 = arith.constant 0 : index
    %get3A_31 = arith.constant 0 : index
    %get3A_32 = vector.load %arg6[%get3A_30, %get3A_31] : memref<128x256xf32, #tpu.memory_space<vmem>>, vector<128x256xf32>
    %dot_general3A_33 = arith.constant dense<0.000000e+00> : vector<2000x256xf32>
    %dot_general3A_34 = tpu.matmul %mul3A_29, %get3A_32, %dot_general3A_33 {dimension_numbers = #tpu.dot_dimension_numbers<[1], [0], [0], [1], [0, 0, 1, 1], [], []>, transpose_lhs_hint = false} : vector<2000x128xf32>, vector<128x256xf32>, vector<2000x256xf32> -> vector<2000x256xf32>
    %add3A_35 = arith.addf %dot_general3A_22, %dot_general3A_34 : vector<2000x256xf32>
    %get3A_36 = arith.constant 0 : index
    %get3A_37 = arith.constant 0 : index
    %get3A_38 = vector.load %arg7[%get3A_36, %get3A_37] : memref<1x256xf32, #tpu.memory_space<vmem>>, vector<1x256xf32>
    %add3A_39 = vector.broadcast %get3A_38 : vector<1x256xf32> to vector<2000x256xf32>
    %add3A_40 = arith.addf %add3A_35, %add3A_39 : vector<2000x256xf32>
    %get3A_41 = arith.constant 0 : index
    %get3A_42 = arith.constant 0 : index
    %get3A_43 = vector.load %arg3[%get3A_41, %get3A_42] : memref<2000x128xf32, #tpu.memory_space<vmem>>, vector<2000x128xf32>
    %get3A_44 = arith.constant 0 : index
    %get3A_45 = arith.constant 0 : index
    %get3A_46 = vector.load %arg8[%get3A_44, %get3A_45] : memref<128x256xf32, #tpu.memory_space<vmem>>, vector<128x256xf32>
    %dot_general3A_47 = arith.constant dense<0.000000e+00> : vector<2000x256xf32>
    %dot_general3A_48 = tpu.matmul %get3A_43, %get3A_46, %dot_general3A_47 {dimension_numbers = #tpu.dot_dimension_numbers<[1], [0], [0], [1], [0, 0, 1, 1], [], []>, transpose_lhs_hint = false} : vector<2000x128xf32>, vector<128x256xf32>, vector<2000x256xf32> -> vector<2000x256xf32>
    %add3A_49 = arith.addf %add3A_40, %dot_general3A_48 : vector<2000x256xf32>
    %get3A_50 = arith.constant 0 : index
    %get3A_51 = arith.constant 0 : index
    %get3A_52 = vector.load %arg4[%get3A_50, %get3A_51] : memref<2000x128xf32, #tpu.memory_space<vmem>>, vector<2000x128xf32>
    %get3A_53 = arith.constant 0 : index
    %get3A_54 = arith.constant 0 : index
    %get3A_55 = vector.load %arg9[%get3A_53, %get3A_54] : memref<128x256xf32, #tpu.memory_space<vmem>>, vector<128x256xf32>
    %dot_general3A_56 = arith.constant dense<0.000000e+00> : vector<2000x256xf32>
    %dot_general3A_57 = tpu.matmul %get3A_52, %get3A_55, %dot_general3A_56 {dimension_numbers = #tpu.dot_dimension_numbers<[1], [0], [0], [1], [0, 0, 1, 1], [], []>, transpose_lhs_hint = false} : vector<2000x128xf32>, vector<128x256xf32>, vector<2000x256xf32> -> vector<2000x256xf32>
    %add3A_58 = arith.addf %add3A_49, %dot_general3A_57 : vector<2000x256xf32>
    %max3A_59 = arith.constant 0.000000e+00 : f32
    %max3A_60 = vector.broadcast %max3A_59 : f32 to vector<2000x256xf32>
    %max3A_61 = arith.maximumf %add3A_58, %max3A_60 : vector<2000x256xf32>
    %slice3A = vector.extract_strided_slice %max3A_61 {offsets = [0, 0], sizes = [2000, 128], strides = [1, 1]} : vector<2000x256xf32> to vector<2000x128xf32>
    %swap3A = arith.constant 0 : index
    %swap3A_62 = arith.constant 0 : index
    %swap3A_63 = vector.load %arg11[%swap3A, %swap3A_62] : memref<2000x128xf32, #tpu.memory_space<vmem>>, vector<2000x128xf32>
    tpu.vector_store %arg11[%swap3A, %swap3A_62], %slice3A {strides = array<i32>} : memref<2000x128xf32, #tpu.memory_space<vmem>>, vector<2000x128xf32>,
    %slice3A_64 = vector.extract_strided_slice %max3A_61 {offsets = [0, 128], sizes = [2000, 128], strides = [1, 1]} : vector<2000x256xf32> to vector<2000x128xf32>
    %swap3A_65 = arith.constant 0 : index
    %swap3A_66 = arith.constant 0 : index
    %swap3A_67 = vector.load %arg12[%swap3A_65, %swap3A_66] : memref<2000x128xf32, #tpu.memory_space<vmem>>, vector<2000x128xf32>
    tpu.vector_store %arg12[%swap3A_65, %swap3A_66], %slice3A_64 {strides = array<i32>} : memref<2000x128xf32, #tpu.memory_space<vmem>>, vector<2000x128xf32>,
    %get3A_68 = arith.constant 0 : index
    %get3A_69 = arith.constant 0 : index
    %get3A_70 = vector.load %arg10[%get3A_68, %get3A_69] : memref<256x128xf32, #tpu.memory_space<vmem>>, vector<256x128xf32>
    %dot_general3A_71 = arith.constant dense<0.000000e+00> : vector<2000x128xf32>
    %dot_general3A_72 = tpu.matmul %max3A_61, %get3A_70, %dot_general3A_71 {dimension_numbers = #tpu.dot_dimension_numbers<[1], [0], [0], [1], [0, 0, 1, 1], [], []>, transpose_lhs_hint = false} : vector<2000x256xf32>, vector<256x128xf32>, vector<2000x128xf32> -> vector<2000x128xf32>
    %swap3A_73 = arith.constant 0 : index
    %swap3A_74 = arith.constant 0 : index
    %swap3A_75 = vector.load %arg13[%swap3A_73, %swap3A_74] : memref<2000x128xf32, #tpu.memory_space<vmem>>, vector<2000x128xf32>
    tpu.vector_store %arg13[%swap3A_73, %swap3A_74], %dot_general3A_72 {strides = array<i32>} : memref<2000x128xf32, #tpu.memory_space<vmem>>, vector<2000x128xf32>,
    return
  }
  func.func @transform_0(%arg0: i32) -> (i32, i32, i32) {
    %c0_i32 = arith.constant 0 : i32
    %c0_i32_0 = arith.constant 0 : i32
    %c0_i32_1 = arith.constant 0 : i32
    return %c0_i32, %arg0, %c0_i32_0 : i32, i32, i32
  }
  func.func @transform_1(%arg0: i32) -> (i32, i32, i32) {
    %c0_i32 = arith.constant 0 : i32
    %c0_i32_0 = arith.constant 0 : i32
    %c0_i32_1 = arith.constant 0 : i32
    return %c0_i32, %arg0, %c0_i32_0 : i32, i32, i32
  }
  func.func @transform_2(%arg0: i32) -> (i32, i32) {
    %c0_i32 = arith.constant 0 : i32
    %c0_i32_0 = arith.constant 0 : i32
    return %arg0, %c0_i32 : i32, i32
  }
  func.func @transform_3(%arg0: i32) -> (i32, i32) {
    %c0_i32 = arith.constant 0 : i32
    %c0_i32_0 = arith.constant 0 : i32
    return %arg0, %c0_i32 : i32, i32
  }
  func.func @transform_4(%arg0: i32) -> (i32, i32) {
    %c0_i32 = arith.constant 0 : i32
    %c0_i32_0 = arith.constant 0 : i32
    %c0_i32_1 = arith.constant 0 : i32
    return %c0_i32, %c0_i32_0 : i32, i32
  }
  func.func @transform_5(%arg0: i32) -> (i32, i32) {
    %c0_i32 = arith.constant 0 : i32
    %c0_i32_0 = arith.constant 0 : i32
    %c0_i32_1 = arith.constant 0 : i32
    return %c0_i32, %c0_i32_0 : i32, i32
  }
  func.func @transform_6(%arg0: i32) -> (i32, i32) {
    %c0_i32 = arith.constant 0 : i32
    %c0_i32_0 = arith.constant 0 : i32
    %c0_i32_1 = arith.constant 0 : i32
    return %c0_i32, %c0_i32_0 : i32, i32
  }
  func.func @transform_7(%arg0: i32) -> (i32, i32) {
    %c0_i32 = arith.constant 0 : i32
    %c0_i32_0 = arith.constant 0 : i32
    %c0_i32_1 = arith.constant 0 : i32
    return %c0_i32, %c0_i32_0 : i32, i32
  }
  func.func @transform_8(%arg0: i32) -> (i32, i32) {
    %c0_i32 = arith.constant 0 : i32
    %c0_i32_0 = arith.constant 0 : i32
    %c0_i32_1 = arith.constant 0 : i32
    return %c0_i32, %c0_i32_0 : i32, i32
  }
  func.func @transform_9(%arg0: i32) -> (i32, i32) {
    %c0_i32 = arith.constant 0 : i32
    %c0_i32_0 = arith.constant 0 : i32
    %c0_i32_1 = arith.constant 0 : i32
    return %c0_i32, %c0_i32_0 : i32, i32
  }
  func.func @transform_10(%arg0: i32) -> (i32, i32) {
    %c0_i32 = arith.constant 0 : i32
    %c0_i32_0 = arith.constant 0 : i32
    return %arg0, %c0_i32 : i32, i32
  }
  func.func @transform_11(%arg0: i32) -> (i32, i32) {
    %c0_i32 = arith.constant 0 : i32
    %c0_i32_0 = arith.constant 0 : i32
    return %arg0, %c0_i32 : i32, i32
  }
  func.func @transform_12(%arg0: i32) -> (i32, i32) {
    %c0_i32 = arith.constant 0 : i32
    %c0_i32_0 = arith.constant 0 : i32
    return %arg0, %c0_i32 : i32, i32
  }
}

</mosaic_0001>

<sc_bundles>
// kernel: kernel.12.cloned.1.call-start
scs
__scs_entry_jumppad:
0x0: {  	(pc) =	sbr.rel $0x88, $3  }
0x1: {  	(tag) =	ssettag $0x0;
	lr =	simm.s32 $0x1  }
0x2: {  	[smem:$0x3F96] =	sst lr;
	_ =	strace $0xD0000000  }
0x3: {  	_ = 	snop  }
0x4: {  	_ = 	snop  }
0x5: {  	_ = 	snop  }
0x6: {  	_ = 	snop  }
0x7: {  	_ = 	snop  }
__scs_overlays_trampoline_lowered:
0x8: {  	[smem:$0x3FA5] =	sst s0  }
0x9: {  	[smem:$0x3FA6] =	sst s1  }
0xa: {  	[smem:$0x3FA7] =	sst s2  }
0xb: {  	[smem:$0x3FA8] =	sst s3  }
0xc: {  	[smem:$0x3FA9] =	sst s4  }
0xd: {  	[smem:$0x3FAA] =	sst s5  }
0xe: {  	[smem:$0x3FAB] =	sst s6  }
0xf: {  	[smem:$0x3FAC] =	sst s7  }
0x10: {  	[smem:$0x3FAD] =	sst s8  }
0x11: {  	[smem:$0x3FAE] =	sst s9;
	s0 =	simm.s32 @!p0 $0x0  }
0x12: {  	s1 =	sld [smem:$0x3F94];
	s0 =	simm.s32 @p0 $0x1  }
0x13: {  	[smem:$0x3FAF] =	sst s0;
	s0 =	simm.s32 @!p1 $0x0  }
0x14: {  	s2 =	sld [smem:$0x3F93];
	s0 =	simm.s32 @p1 $0x1  }
0x15: {  	[smem:$0x3FB0] =	sst s0;
	s0 =	simm.s32 @!p2 $0x0  }
0x16: {  	s3 =	sld [smem:$0x3FDB];
	s0 =	simm.s32 @p2 $0x1  }
0x17: {  	s4 =	simm.s32 $0x1BF5;
	[smem:$0x3FB2] =	sst s0  }
0x18: {  	s0 =	sld [smem:$0x3F95];
	_ =	swait.ge [sflag:s4], $0x0  }
0x19: {  	s7 =	sld [smem:$0x3F96]  }
0x1a: {  	s8 =	sadd.s32 $0xFFFFE003, lr  }
0x1b: {  	s9 =	sadd.s32 $0xFFFFFEF7, lr;
	s5 =	simm.s32 $0xFFFFFFFF;
	p2 =	slt.u32 s8, $0xFFFFF086  }
0x1c: {  	p1 =	slt.u32 s9, $0xF7A;
	s5 =	simm.s32 @!p2 $0x0  }
0x1d: {  	s5 =	simm.s32 @p1 $0x1;
	p0 =	seq.s32 s7, s2  }
0x1e: {  	s7 =	smul.u32 @!p0 $0xF7A, s2;
	p2 =	seq.s32 @!p0 s5, $0x0  }
0x1f: {  	s9 =	smul.u32 $0xF7A, s1;
	s8 =	simm.s32 @!p0 $0x1BF5;
	p2 =	por !p2, p0  }
0x20: {  	[sflag:s8] =	ssyncset.s32 @!p0 $0xFFFFF086;
	s6 =	sadd.s32 @!p0 s3, s7;
	s7 =	simm.s32 @!p0 $0x108  }
0x21: {  	s3 =	sadd.s32 s3, s9;
	s6 =	sadd.s32 @!p0 $0x88, s6;
	s7 =	simm.s32 @p2 $0x1082  }
0x22: {  	[simem:s7], [sflag:s8] =	dma.local @!p0 [hbm:s6], $0xF7A  }
0x23: {  	s9 =	sor.u32 $0xD0000000, s2;
	s6 =	simm.s32 $0x108;
	_ =	swait.ge @!p0 [sflag:s8], $0x0  }
0x24: {  	s3 =	sadd.s32 $0x88, s3;
	s6 =	simm.s32 @!p1 $0x1082;
	[sflag:s4] =	ssyncset.s32 $0xFFFFF086  }
0x25: {  	[simem:s6], [sflag:s4] =	dma.local [hbm:s3], $0xF7A  }
0x26: {  	[smem:$0x3F96] =	sst s1;
	(tag) =	ssettag s2;
	_ =	strace s9  }
0x27: {  	s1 =	sld [smem:$0x3FA6]  }
0x28: {  	s2 =	sld [smem:$0x3FA7]  }
0x29: {  	s4 =	sld [smem:$0x3FA9]  }
0x2a: {  	p0 =	seq.s32 s5, $0x0;
	s5 =	sld [smem:$0x3FAA]  }
0x2b: {  	s6 =	sld [smem:$0x3FAB]  }
0x2c: {  	s7 =	sld [smem:$0x3FAC]  }
0x2d: {  	s3 =	simm.s32 $0x108;
	s8 =	sld [smem:$0x3FAD]  }
0x2e: {  	s3 =	simm.s32 @!p0 $0x1082;
	s9 =	sld [smem:$0x3FAE]  }
0x2f: {  	lr =	sadd.s32 s0, s3;
	s0 =	sld [smem:$0x3FA5]  }
0x30: {  	s3 =	sld [smem:$0x3FA8]  }
0x31: {  	[smem:$0x3FB1] =	sst s10  }
0x32: {  	s10 =	sld [smem:$0x3FAF];
	_ =	sdelay $0x3  }
0x33: {  	p0 =	seq.s32 s10, $0x1;
	s10 =	sld [smem:$0x3FB1];
	_ =	sdelay $0x3  }
0x34: {  	[smem:$0x3FB1] =	sst s10  }
0x35: {  	s10 =	sld [smem:$0x3FB0];
	_ =	sdelay $0x3  }
0x36: {  	p1 =	seq.s32 s10, $0x1;
	s10 =	sld [smem:$0x3FB1];
	_ =	sdelay $0x3  }
0x37: {  	[smem:$0x3FB1] =	sst s10  }
0x38: {  	s10 =	sld [smem:$0x3FB2]  }
0x39: {  	_ = 	snop;
	(pc) =	sbr.ind lr, $3  }
0x3a: {  	_ = 	snop  }
0x3b: {  	_ = 	snop  }
0x3c: {  	p2 =	seq.s32 s10, $0x1;
	s10 =	sld [smem:$0x3FB1]  }
0x3d: {  	_ =	shalt  }
0x3e: {  	_ =	shalt  }
0x3f: {  	_ =	shalt  }
0x40: {  	_ =	shalt  }
0x41: {  	_ =	shalt  }
0x42: {  	_ =	shalt  }
0x43: {  	_ =	shalt  }
0x44: {  	_ =	shalt  }
0x45: {  	_ =	shalt  }
0x46: {  	_ =	shalt  }
0x47: {  	_ =	shalt  }
0x48: {  	_ =	shalt  }
0x49: {  	_ =	shalt  }
0x4a: {  	_ =	shalt  }
0x4b: {  	_ =	shalt  }
0x4c: {  	_ =	shalt  }
0x4d: {  	_ =	shalt  }
0x4e: {  	_ =	shalt  }
0x4f: {  	_ =	shalt  }
0x50: {  	_ =	shalt  }
0x51: {  	_ =	shalt  }
0x52: {  	_ =	shalt  }
0x53: {  	_ =	shalt  }
0x54: {  	_ =	shalt  }
0x55: {  	_ =	shalt  }
0x56: {  	_ =	shalt  }
0x57: {  	_ =	shalt  }
0x58: {  	_ =	shalt  }
0x59: {  	_ =	shalt  }
0x5a: {  	_ =	shalt  }
0x5b: {  	_ =	shalt  }
0x5c: {  	_ =	shalt  }
0x5d: {  	_ =	shalt  }
0x5e: {  	_ =	shalt  }
0x5f: {  	_ =	shalt  }
0x60: {  	_ =	shalt  }
0x61: {  	_ =	shalt  }
0x62: {  	_ =	shalt  }
0x63: {  	_ =	shalt  }
0x64: {  	_ =	shalt  }
0x65: {  	_ =	shalt  }
0x66: {  	_ =	shalt  }
0x67: {  	_ =	shalt  }
0x68: {  	_ =	shalt  }
0x69: {  	_ =	shalt  }
0x6a: {  	_ =	shalt  }
0x6b: {  	_ =	shalt  }
0x6c: {  	_ =	shalt  }
0x6d: {  	_ =	shalt  }
0x6e: {  	_ =	shalt  }
0x6f: {  	_ =	shalt  }
0x70: {  	_ =	shalt  }
0x71: {  	_ =	shalt  }
0x72: {  	_ =	shalt  }
0x73: {  	_ =	shalt  }
0x74: {  	_ =	shalt  }
0x75: {  	_ =	shalt  }
0x76: {  	_ =	shalt  }
0x77: {  	_ =	shalt  }
0x78: {  	_ =	shalt  }
0x79: {  	_ =	shalt  }
0x7a: {  	_ =	shalt  }
0x7b: {  	_ =	shalt  }
0x7c: {  	_ =	shalt  }
0x7d: {  	_ =	shalt  }
0x7e: {  	_ =	shalt  }
0x7f: {  	_ =	shalt  }
0x80: {  	_ =	shalt  }
0x81: {  	_ =	shalt  }
0x82: {  	_ =	shalt  }
0x83: {  	_ =	shalt  }
0x84: {  	_ =	shalt  }
0x85: {  	_ =	shalt  }
0x86: {  	_ =	shalt  }
0x87: {  	_ =	shalt  }
.Lfunc_end0:
.L_simem_size_0:
called_computation.1_lowered:
.L_overlay_start_0:
0x88: {  	s2 =	sld [smem:$0x3FD9]  }
0x89: {  	s3 =	sld [smem:$0x3FFE];
	_ =	sdelay $0x1  }
0x8a: {  	s1 =	srdreg.scid  }
0x8b: {  	s0 =	sand.u32 $0x1, s1  }
0x8c: {  	s17 =	sshll.u32 s0, $0xA;
	s2 =	sadd.s32 s3, s2  }
0x8d: {  	s2 =	sadd.s32 s2, s17  }
0x8e: {  	[smem:$0x3FBD] =	sst s2  }
0x8f: {  	_ = 	snop  }
0x90: {  	s2 =	sld [smem:$0x3FC9];
	(tm) =	ssettm $0x1  }
0x91: {  	s18 =	sld [smem:$0x3FFB];
	_ =	sdelay $0x3  }
0x92: {  	_ =	strace s18  }
0x93: {  	s3 =	sld [smem:$0x3FFC];
	_ =	sdelay $0x3  }
0x94: {  	_ =	strace s3  }
0x95: {  	s3 =	sld [smem:$0x3FFD];
	_ =	sdelay $0x3  }
0x96: {  	_ =	strace s3  }
0x97: {  	_ =	strace $0x8FFFFFFF  }
0x98: {  	s19 =	sld [smem:$0x3FDB];
	_ =	sdelay $0x1  }
0x99: {  	s4 =	simm.s32 $_scs_section_size  }
0x9a: {  	s5 =	simm.s32 $_size__tile_overlayer_lowered;
	s6 =	simm.s32 $_tile_overlayer_lowered  }
0x9b: {  	s22 =	simm.s32 $0x1BFF;
	s21 =	sshll.u32 s6, $0x1;
	s3 =	sadd.s32 s4, s19  }
0x9c: {  	s7 =	simm.s32 $0x0;
	s20 =	sshll.u32 s5, $0x1;
	s5 =	sadd.s32 s21, s3  }
0x9d: {  	[timem:s7], [sflag:s22] =	dma.local [hbm:s5], s20  }
0x9e: {  	_ =	swait.ge [sflag:s22], s20  }
0x9f: {  	s4 =	ssub.s32 $0x0, s20;
	[sflag:s22] =	ssyncset.done $0x0  }
0xa0: {  	[sflag:s22] =	ssyncadd.s32 s4;
	_ =	sdelay $0x1  }
0xa1: {  	s23 =	simm.s32 $0x1B8B  }
0xa2: {  	_ =	swait.ge [sflag:s23], $0x1  }
0xa3: {  	[sflag:s23] =	ssyncset.done $0x0  }
0xa4: {  	s25 =	simm.s32 $0x1B8E;
	s24 =	sld [smem:$0x3FFE];
	[sflag:s23] =	ssyncadd.s32 $0xFFFFFFFF  }
0xa5: {  	s26 =	simm.s32 $execute0_lowered;
	[smem:$0x3FD2] =	sst s25  }
0xa6: {  	s5 =	sshll.u32 s26, $0x1;
	_ =	strace $0x80000046;
	[dreg:$0x1] =	wrdreg $0xFFFFFFFF  }
0xa7: {  	s28 =	simm.s32 $_size_execute0_lowered;
	s3 =	sadd.s32 s3, s5;
	[dreg:$0x0] =	wrdreg $0x0  }
0xa8: {  	s5 =	sshll.u32 s28, $0x1;
	[dreg:$0x2] =	wrdreg s3  }
0xa9: {  	[dreg:$0x3] =	wrdreg s5  }
0xaa: {  	[dreg:$0x4] =	wrdreg $0xC0  }
0xab: {  	_ =	task [dreg:s7], $0x5FFFF  }
0xac: {  	[dreg:$0x1] =	wrdreg $0xFFFFFFFF  }
0xad: {  	[dreg:$0x0] =	wrdreg $0x60  }
0xae: {  	[dreg:$0x2] =	wrdreg s2  }
0xaf: {  	[dreg:$0x3] =	wrdreg s24  }
0xb0: {  	[dreg:$0x4] =	wrdreg $0xA8000  }
0xb1: {  	[dreg:$0x5] =	wrdreg $0xA  }
0xb2: {  	_ =	task.clear_ibuf [dreg:s7], $0x6FFFF;
	_ =	strace $0x90000046  }
0xb3: {  	s29 =	simm.s32 $0xA;
	_ =	strace $0x80000048  }
0xb4: {  	_ =	swait.ge [sflag:s29], $0x1  }
0xb5: {  	[sflag:s29] =	ssyncadd.s32 $0xFFFFFFFF  }
0xb6: {  	_ =	strace $0x90000048  }
0xb7: {  	_ =	sfence  }
0xb8: {  	s30 =	sld [smem:$0x0];
	_ =	sdelay $0x2  }
0xb9: {  	s31 =	sshll.u32 s1, $0xD;
	s1 =	sshrl.u32 s1, $0x2  }
0xba: {  	s3 =	sand.u32 $0x4000, s31;
	s1 =	sadd.s32 s1, s30  }
0xbb: {  	s0 =	sor.u32 s3, s0;
	s1 =	sshll.u32 s1, $0x11  }
0xbc: {  	s0 =	sor.u32 s1, s0  }
0xbd: {  	s0 =	sadd.s32 $0x8F2B, s0  }
0xbe: {  	[sflag:s0] =	ssyncadd.remote.s32 $0x1  }
0xbf: {  	_ =	sfence.sel $0xFFFF  }
0xc0: {  	[dreg:$0x0] =	wrdreg $0xFFFFFFFF;
	(pc) =	sbr.abs _section_cstart, $3  }
0xc1: {  	[dreg:$0x1] =	wrdreg $0xFFFFFFFF  }
0xc2: {  	_ =	task.clear_ibuf [dreg:s7], $0x2FFFF;
	_ =	strace $0x9FFFFFFF  }
0xc3: {  	(tm) =	ssettm $0x7FFFFFFF  }
tec
execute0_lowered:
.L_overlay_start_1:
0x0: {  	(tag) =	ssettag $0x1  }
0x1: {  	s1 =	rddreg [dreg:$0x0]  }
0x2: {  	s6 =	rddreg [dreg:$0x1]  }
0x3: {  	s2 =	rddreg [dreg:$0x2]  }
0x4: {  	s0 =	rddreg [dreg:$0x3]  }
0x5: {  	s3 =	simm.s32 $0x0;
	s7 =	srdreg.scid;
	s4 =	stileid.u32  }
0x6: {  	s18 =	simm.s32 $0x80;
	s19 =	simm.s32 $0x2800;
	s20 =	simm.s32 $0x6800  }
0x7: {  	s21 =	simm.s32 $0x1;
	s22 =	simm.s32 $0x2;
	s23 =	simm.s32 $0x3  }
0x8: {  	s28 =	simm.s32 $0x0;
	[smem:$0x7FF] =	sst s3;
	s9 =	sadd.s32 $0xDA00, s6  }
0x9: {  	s10 =	sadd.s32 $0x3A00, s6;
	s5 =	sadd.s32 $0x17A00, s6;
	s7 =	sand.u32 $0x1, s7  }
0xa: {  	s11 =	smul.u32 $0x4E000, s4;
	s13 =	sadd.s32 $0x1A200, s6;
	s29 =	sshll.u32 s4, $0x6  }
0xb: {  	s16 =	sadd.s32 $0x138000, s2;
	s17 =	smul.u32 $0x13800, s4;
	p0 =	sne.s32 s4, $0xF  }
0xc: {  	_ =	strace $0x80000047;
	s8 =	ssub.s32 $0x2, s7;
	s12 =	sshll.u32 s7, $0x4  }
0xd: {  	s30 =	smul.u32 $0x138800, s7;
	s6 =	sor.u32 $0x1C05, s29;
	s16 =	sshrl.u32 @!p0 s16, $0x3  }
0xe: {  	s24 =	sshrl.u32 s8, $0x1;
	s12 =	sor.u32 s4, s12;
	s25 =	sshrl.u32 s11, $0x2  }
0xf: {  	s14 =	ssub.s32 s8, s24;
	s26 =	smul.u32 $0x500, s12;
	s15 =	sadd.s32 s25, s2  }
0x10: {  	s17 =	sadd.s32 s17, s30;
	s12 =	sshrl.u32 s30, $0x3;
	s24 =	simm.s32 $0x4  }
0x11: {  	s25 =	simm.s32 $0x2700;
	s31 =	sshrl.u32 s17, $0x3;
	s12 =	sadd.s32 s13, s12  }
0x12: {  	s17 =	simm.s32 $0x1400;
	s7 =	sadd.s32 s9, s26;
	s8 =	sadd.s32 s10, s26  }
0x13: {  	s11 =	sadd.s32 $0x280, s26;
	s12 =	sadd.s32 $0x27000, s12;
	s26 =	simm.s32 $0x2780  }
0x14: {  	s9 =	sadd.s32 s9, s11;
	s10 =	sadd.s32 s10, s11;
	s11 =	sadd.s32 s13, s31  }
0x15: {  	s13 =	smax.u32 s14, $0x1;
	s14 =	sshrl.u32 s15, $0x3;
	s15 =	simm.s32 $0x5  }
.LBB2_1:
0x16: {  	[spmem:s14], [sflag:s6] =	dma.local [hbm:s5], $0x2700  }
0x17: {  	_ =	swait.ge [sflag:s15], $0x2700  }
0x18: {  	[sflag:s15] =	ssyncset.done $0x0  }
0x19: {  	s29 =	simm.s32 @!p0 $0x5;
	[sflag:s15] =	ssyncadd.s32 $0xFFFFD900  }
0x1a: {  	[spmem:s16], [sflag:s6] =	dma.local @!p0 [hbm:s5], $0x200  }
0x1b: {  	_ =	swait.ge @!p0 [sflag:s29], $0x200  }
0x1c: {  	[sflag:s29] =	ssyncset.done @!p0 $0x0  }
0x1d: {  	[sflag:s29] =	ssyncadd.s32 @!p0 $0xFFFFFE00  }
0x1e: {  	[bflag:$0x0] =	sbarrier.arrive $0xFFFF  }
0x1f: {  	[tilespmem:s3], [sflag:$0x5] =	stream.linear.gather [hbm4b:s7+s3], $0x1400, $0x38;
	[tilespmem:$0x1E100] =	vst v63  }
0x20: {  	_ =	swait.ge [sflag:s15], $0x1400  }
0x21: {  	[sflag:s15] =	ssyncset.done $0x0  }
0x22: {  	[sflag:s15] =	ssyncadd.s32 $0xFFFFEC00  }
0x23: {  	[tilespmem:s17], [sflag:$0x5] =	stream.linear.gather [hbm4b:s8+s3], $0x1400, $0x38;
	[tilespmem:$0x1E100] =	vst v63  }
0x24: {  	_ =	swait.ge [sflag:s15], $0x1400  }
0x25: {  	[sflag:s15] =	ssyncset.done $0x0  }
0x26: {  	[sflag:s15] =	ssyncadd.s32 $0xFFFFEC00  }
0x27: {  	[tilespmem:s19], [sflag:$0x1] =	stream.indirect.gather [hbm4b:s1+s18], $0x80, s3, s18, $0xb8;
	[tilespmem:$0x1E100] =	vst v63  }
0x28: {  	_ = 	snop  }
0x29: {  	[tilespmem:s20], [sflag:$0x2] =	stream.indirect.gather [hbm4b:s1+s18], $0x80, s18, s18, $0xb8;
	[tilespmem:$0x1E100] =	vst v63  }
0x2a: {  	_ =	swait.ge [sflag:s21], $0x4000  }
0x2b: {  	[sflag:s21] =	ssyncset.done $0x0  }
0x2c: {  	s29 =	simm.s32 $0x1400;
	[sflag:s21] =	ssyncadd.s32 $0xFFFFC000  }
0x2d: {  	[spmem:s2] =	stream.indirect.scatter.add.f32 [tilespmem:s19], [sflag:$0x3], $0x80, s29, s18, $0xb8;
	[tilespmem:$0x1E100] =	vst v63  }
0x2e: {  	_ =	swait.ge [sflag:s22], $0x4000  }
0x2f: {  	[sflag:s22] =	ssyncset.done $0x0  }
0x30: {  	s29 =	simm.s32 $0x1480;
	[sflag:s22] =	ssyncadd.s32 $0xFFFFC000  }
0x31: {  	[spmem:s2] =	stream.indirect.scatter.add.f32 [tilespmem:s20], [sflag:$0x4], $0x80, s29, s18, $0xb8;
	[tilespmem:$0x1E100] =	vst v63  }
0x32: {  	_ =	swait.ge [sflag:s23], $0x4000  }
0x33: {  	[sflag:s23] =	ssyncset.done $0x0  }
0x34: {  	s29 =	simm.s32 $0x100;
	[sflag:s23] =	ssyncadd.s32 $0xFFFFC000  }
0x35: {  	[tilespmem:s19], [sflag:$0x1] =	stream.indirect.gather [hbm4b:s1+s18], $0x80, s29, s18, $0xb8;
	[tilespmem:$0x1E100] =	vst v63  }
0x36: {  	_ =	swait.ge [sflag:s24], $0x4000  }
0x37: {  	[sflag:s24] =	ssyncset.done $0x0  }
0x38: {  	s30 =	simm.s32 $0x180;
	s29 =	simm.s32 $0x400;
	[sflag:s24] =	ssyncadd.s32 $0xFFFFC000  }
.LBB2_2:
0x39: {  	[tilespmem:s20], [sflag:$0x2] =	stream.indirect.gather [hbm4b:s1+s18], $0x80, s30, s18, $0xb8;
	[tilespmem:$0x1E100] =	vst v63  }
0x3a: {  	s30 =	smov.u32 s29  }
0x3b: {  	p1 =	sne.s32 s29, $0x4800;
	s29 =	sadd.s32 $0x400, s29;
	_ =	swait.ge [sflag:s21], $0x4000  }
0x3c: {  	s30 =	sshra.s32 s30, $0x2;
	[sflag:s21] =	ssyncset.done $0x0  }
0x3d: {  	s31 =	sadd.s32 $0x1400, s30;
	[sflag:s21] =	ssyncadd.s32 $0xFFFFC000  }
0x3e: {  	[spmem:s2] =	stream.indirect.scatter.add.f32 [tilespmem:s19], [sflag:$0x3], $0x80, s31, s18, $0xb8;
	[tilespmem:$0x1E100] =	vst v63  }
0x3f: {  	_ =	swait.ge [sflag:s22], $0x4000  }
0x40: {  	[sflag:s22] =	ssyncset.done $0x0  }
0x41: {  	s31 =	sadd.s32 $0x1480, s30;
	[sflag:s22] =	ssyncadd.s32 $0xFFFFC000  }
0x42: {  	[spmem:s2] =	stream.indirect.scatter.add.f32 [tilespmem:s20], [sflag:$0x4], $0x80, s31, s18, $0xb8;
	[tilespmem:$0x1E100] =	vst v63  }
0x43: {  	_ =	swait.ge [sflag:s23], $0x4000  }
0x44: {  	[sflag:s23] =	ssyncset.done $0x0  }
.Ltmp0:
0x45: {  	s31 =	sadd.s32 $0x100, s30;
	[sflag:s23] =	ssyncadd.s32 $0xFFFFC000;
	(pc) =	sbr.rel @p1 .LBB2_2-.Ltmp0, $4  }
0x46: {  	[tilespmem:s19], [sflag:$0x1] =	stream.indirect.gather [hbm4b:s1+s18], $0x80, s31, s18, $0xb8;
	[tilespmem:$0x1E100] =	vst v63  }
0x47: {  	_ =	swait.ge [sflag:s24], $0x4000  }
0x48: {  	[sflag:s24] =	ssyncset.done $0x0  }
0x49: {  	s30 =	sadd.s32 $0x180, s30;
	[sflag:s24] =	ssyncadd.s32 $0xFFFFC000  }
0x4a: {  	[tilespmem:s20], [sflag:$0x2] =	stream.indirect.gather [hbm4b:s1+s18], $0x80, s30, s18, $0xb8;
	[tilespmem:$0x1E100] =	vst v63  }
0x4b: {  	_ =	swait.ge [sflag:s21], $0x4000  }
0x4c: {  	[sflag:s21] =	ssyncset.done $0x0  }
0x4d: {  	[sflag:s21] =	ssyncadd.s32 $0xFFFFC000  }
0x4e: {  	[spmem:s2] =	stream.indirect.scatter.add.f32 [tilespmem:s19], [sflag:$0x3], $0x80, s25, s18, $0xb8;
	[tilespmem:$0x1E100] =	vst v63  }
0x4f: {  	_ =	swait.ge [sflag:s22], $0x4000  }
0x50: {  	[sflag:s22] =	ssyncset.done $0x0  }
0x51: {  	[sflag:s22] =	ssyncadd.s32 $0xFFFFC000  }
0x52: {  	[spmem:s2] =	stream.indirect.scatter.add.f32 [tilespmem:s20], [sflag:$0x4], $0x80, s26, s18, $0xb8;
	[tilespmem:$0x1E100] =	vst v63  }
0x53: {  	_ =	swait.ge [sflag:s23], $0x4000  }
0x54: {  	[sflag:s23] =	ssyncset.done $0x0  }
0x55: {  	[sflag:s23] =	ssyncadd.s32 $0xFFFFC000  }
0x56: {  	_ =	swait.ge [sflag:s24], $0x4000  }
0x57: {  	[sflag:s24] =	ssyncset.done $0x0  }
0x58: {  	s29 =	simm.s32 $0x0;
	[sflag:s24] =	ssyncadd.s32 $0xFFFFC000  }
0x59: {  	[tilespmem:s29], [sflag:$0x5] =	stream.linear.gather [hbm4b:s9+s29], $0x1400, $0x38;
	[tilespmem:$0x1E100] =	vst v63  }
0x5a: {  	_ =	swait.ge [sflag:s15], $0x1400  }
0x5b: {  	[sflag:s15] =	ssyncset.done $0x0  }
0x5c: {  	[sflag:s15] =	ssyncadd.s32 $0xFFFFEC00  }
0x5d: {  	[tilespmem:s17], [sflag:$0x5] =	stream.linear.gather [hbm4b:s10+s29], $0x1400, $0x38;
	[tilespmem:$0x1E100] =	vst v63  }
0x5e: {  	_ =	swait.ge [sflag:s15], $0x1400  }
0x5f: {  	[sflag:s15] =	ssyncset.done $0x0  }
0x60: {  	[sflag:s15] =	ssyncadd.s32 $0xFFFFEC00  }
0x61: {  	[tilespmem:s19], [sflag:$0x1] =	stream.indirect.gather [hbm4b:s1+s18], $0x80, s29, s18, $0xb8;
	[tilespmem:$0x1E100] =	vst v63  }
0x62: {  	_ = 	snop  }
0x63: {  	[tilespmem:s20], [sflag:$0x2] =	stream.indirect.gather [hbm4b:s1+s18], $0x80, s18, s18, $0xb8;
	[tilespmem:$0x1E100] =	vst v63  }
0x64: {  	_ =	swait.ge [sflag:s21], $0x4000  }
0x65: {  	[sflag:s21] =	ssyncset.done $0x0  }
0x66: {  	s29 =	simm.s32 $0x1400;
	[sflag:s21] =	ssyncadd.s32 $0xFFFFC000  }
0x67: {  	[spmem:s2] =	stream.indirect.scatter.add.f32 [tilespmem:s19], [sflag:$0x3], $0x80, s29, s18, $0xb8;
	[tilespmem:$0x1E100] =	vst v63  }
0x68: {  	_ =	swait.ge [sflag:s22], $0x4000  }
0x69: {  	[sflag:s22] =	ssyncset.done $0x0  }
0x6a: {  	s29 =	simm.s32 $0x1480;
	[sflag:s22] =	ssyncadd.s32 $0xFFFFC000  }
0x6b: {  	[spmem:s2] =	stream.indirect.scatter.add.f32 [tilespmem:s20], [sflag:$0x4], $0x80, s29, s18, $0xb8;
	[tilespmem:$0x1E100] =	vst v63  }
0x6c: {  	_ =	swait.ge [sflag:s23], $0x4000  }
0x6d: {  	[sflag:s23] =	ssyncset.done $0x0  }
0x6e: {  	s29 =	simm.s32 $0x100;
	[sflag:s23] =	ssyncadd.s32 $0xFFFFC000  }
0x6f: {  	[tilespmem:s19], [sflag:$0x1] =	stream.indirect.gather [hbm4b:s1+s18], $0x80, s29, s18, $0xb8;
	[tilespmem:$0x1E100] =	vst v63  }
0x70: {  	_ =	swait.ge [sflag:s24], $0x4000  }
0x71: {  	[sflag:s24] =	ssyncset.done $0x0  }
0x72: {  	s30 =	simm.s32 $0x180;
	s29 =	simm.s32 $0x400;
	[sflag:s24] =	ssyncadd.s32 $0xFFFFC000  }
.LBB2_4:
0x73: {  	[tilespmem:s20], [sflag:$0x2] =	stream.indirect.gather [hbm4b:s1+s18], $0x80, s30, s18, $0xb8;
	[tilespmem:$0x1E100] =	vst v63  }
0x74: {  	s30 =	smov.u32 s29  }
0x75: {  	p1 =	sne.s32 s29, $0x4800;
	s29 =	sadd.s32 $0x400, s29;
	_ =	swait.ge [sflag:s21], $0x4000  }
0x76: {  	s30 =	sshra.s32 s30, $0x2;
	[sflag:s21] =	ssyncset.done $0x0  }
0x77: {  	s31 =	sadd.s32 $0x1400, s30;
	[sflag:s21] =	ssyncadd.s32 $0xFFFFC000  }
0x78: {  	[spmem:s2] =	stream.indirect.scatter.add.f32 [tilespmem:s19], [sflag:$0x3], $0x80, s31, s18, $0xb8;
	[tilespmem:$0x1E100] =	vst v63  }
0x79: {  	_ =	swait.ge [sflag:s22], $0x4000  }
0x7a: {  	[sflag:s22] =	ssyncset.done $0x0  }
0x7b: {  	s31 =	sadd.s32 $0x1480, s30;
	[sflag:s22] =	ssyncadd.s32 $0xFFFFC000  }
0x7c: {  	[spmem:s2] =	stream.indirect.scatter.add.f32 [tilespmem:s20], [sflag:$0x4], $0x80, s31, s18, $0xb8;
	[tilespmem:$0x1E100] =	vst v63  }
0x7d: {  	_ =	swait.ge [sflag:s23], $0x4000  }
0x7e: {  	[sflag:s23] =	ssyncset.done $0x0  }
.Ltmp1:
0x7f: {  	s31 =	sadd.s32 $0x100, s30;
	[sflag:s23] =	ssyncadd.s32 $0xFFFFC000;
	(pc) =	sbr.rel @p1 .LBB2_4-.Ltmp1, $4  }
0x80: {  	[tilespmem:s19], [sflag:$0x1] =	stream.indirect.gather [hbm4b:s1+s18], $0x80, s31, s18, $0xb8;
	[tilespmem:$0x1E100] =	vst v63  }
0x81: {  	_ =	swait.ge [sflag:s24], $0x4000  }
0x82: {  	[sflag:s24] =	ssyncset.done $0x0  }
0x83: {  	s30 =	sadd.s32 $0x180, s30;
	[sflag:s24] =	ssyncadd.s32 $0xFFFFC000  }
0x84: {  	[tilespmem:s20], [sflag:$0x2] =	stream.indirect.gather [hbm4b:s1+s18], $0x80, s30, s18, $0xb8;
	[tilespmem:$0x1E100] =	vst v63  }
0x85: {  	_ =	swait.ge [sflag:s21], $0x4000  }
0x86: {  	[sflag:s21] =	ssyncset.done $0x0  }
0x87: {  	[sflag:s21] =	ssyncadd.s32 $0xFFFFC000  }
0x88: {  	[spmem:s2] =	stream.indirect.scatter.add.f32 [tilespmem:s19], [sflag:$0x3], $0x80, s25, s18, $0xb8;
	[tilespmem:$0x1E100] =	vst v63  }
0x89: {  	_ =	swait.ge [sflag:s22], $0x4000  }
0x8a: {  	[sflag:s22] =	ssyncset.done $0x0  }
0x8b: {  	[sflag:s22] =	ssyncadd.s32 $0xFFFFC000  }
0x8c: {  	[spmem:s2] =	stream.indirect.scatter.add.f32 [tilespmem:s20], [sflag:$0x4], $0x80, s26, s18, $0xb8;
	[tilespmem:$0x1E100] =	vst v63  }
0x8d: {  	_ =	swait.ge [sflag:s23], $0x4000  }
0x8e: {  	[sflag:s23] =	ssyncset.done $0x0  }
0x8f: {  	[sflag:s23] =	ssyncadd.s32 $0xFFFFC000  }
0x90: {  	_ =	swait.ge [sflag:s24], $0x4000  }
0x91: {  	[sflag:s24] =	ssyncset.done $0x0  }
0x92: {  	[sflag:s24] =	ssyncadd.s32 $0xFFFFC000  }
0x93: {  	[bflag:$0x0] =	sbarrier.arrive $0xFFFF  }
0x94: {  	[hbm:s11], [sflag:s6] =	dma.local [spmem:s14], $0x2700  }
0x95: {  	s28 =	sadd.s32 $0x1, s28;
	_ =	swait.ge [sflag:s15], $0x2700  }
0x96: {  	p1 =	sne.s32 s28, s13;
	[sflag:s15] =	ssyncset.done $0x0  }
.Ltmp2:
0x97: {  	s29 =	simm.s32 @!p0 $0x5;
	[sflag:s15] =	ssyncadd.s32 $0xFFFFD900;
	(pc) =	sbr.rel @p1 .LBB2_1-.Ltmp2, $4  }
0x98: {  	[hbm:s12], [sflag:s6] =	dma.local @!p0 [spmem:s16], $0x100  }
0x99: {  	_ =	swait.ge @!p0 [sflag:s29], $0x100  }
0x9a: {  	[sflag:s29] =	ssyncset.done @!p0 $0x0  }
0x9b: {  	[sflag:s29] =	ssyncadd.s32 @!p0 $0xFFFFFF00  }
0x9c: {  	_ =	sfence.sel $0x180000  }
0x9d: {  	[bflag:$0x0] =	sbarrier.arrive $0xFFFF  }
0x9e: {  	p0 =	sne.s32 s4, $0x0;
	_ =	strace $0x90000047  }
0x9f: {  	s0 =	sadd.s32 @!p0 $0x100000, s0;
	[bflag:$0x2] =	sbarrier.arrive $0xFFFF  }
0xa0: {  	[sflag:s0] =	ssyncadd.tile.s32 @!p0 $0x1;
	_ =	shalt  }
.Lfunc_end2:
_tile_overlayer_lowered:
.L_overlay_start_2:
0xa1: {  	(tag) =	ssettag $0x2  }
0xa2: {  	s0 =	rddreg [dreg:$0x0];
	s2 =	stileid.u32  }
0xa3: {  	s1 =	rddreg [dreg:$0x1];
	p0 =	sne.s32 s2, $0x0  }
0xa4: {  	s3 =	rddreg [dreg:$0x2];
	[bflag:$0x3] =	sbarrier.arrive $0xFFFF;
	s2 =	simm.s32 @!p0 $0x1C05  }
0xa5: {  	[timem:s3], [sflag:s2] =	dma.local @!p0 [hbm:s0], s1  }
0xa6: {  	s0 =	simm.s32 @!p0 $0x5  }
0xa7: {  	_ =	swait.ge @!p0 [sflag:s0], s1  }
0xa8: {  	s1 =	ssub.s32 @!p0 $0x0, s1;
	[sflag:s0] =	ssyncset.done @!p0 $0x0  }
0xa9: {  	[sflag:s0] =	ssyncadd.s32 @!p0 s1  }
0xaa: {  	[bflag:$0x3] =	sbarrier.arrive $0xFFFF  }
0xab: {  	_ =	shalt  }

// kernel: kernel.15.cloned.1.call-start
scs
__scs_entry_jumppad:
0x0: {  	(pc) =	sbr.rel $0x88, $3  }
0x1: {  	(tag) =	ssettag $0x0;
	lr =	simm.s32 $0x1  }
0x2: {  	[smem:$0x3F96] =	sst lr;
	_ =	strace $0xD0000000  }
0x3: {  	_ = 	snop  }
0x4: {  	_ = 	snop  }
0x5: {  	_ = 	snop  }
0x6: {  	_ = 	snop  }
0x7: {  	_ = 	snop  }
__scs_overlays_trampoline_lowered:
0x8: {  	[smem:$0x3FA5] =	sst s0  }
0x9: {  	[smem:$0x3FA6] =	sst s1  }
0xa: {  	[smem:$0x3FA7] =	sst s2  }
0xb: {  	[smem:$0x3FA8] =	sst s3  }
0xc: {  	[smem:$0x3FA9] =	sst s4  }
0xd: {  	[smem:$0x3FAA] =	sst s5  }
0xe: {  	[smem:$0x3FAB] =	sst s6  }
0xf: {  	[smem:$0x3FAC] =	sst s7  }
0x10: {  	[smem:$0x3FAD] =	sst s8  }
0x11: {  	[smem:$0x3FAE] =	sst s9;
	s0 =	simm.s32 @!p0 $0x0  }
0x12: {  	s1 =	sld [smem:$0x3F94];
	s0 =	simm.s32 @p0 $0x1  }
0x13: {  	[smem:$0x3FAF] =	sst s0;
	s0 =	simm.s32 @!p1 $0x0  }
0x14: {  	s2 =	sld [smem:$0x3F93];
	s0 =	simm.s32 @p1 $0x1  }
0x15: {  	[smem:$0x3FB0] =	sst s0;
	s0 =	simm.s32 @!p2 $0x0  }
0x16: {  	s3 =	sld [smem:$0x3FDB];
	s0 =	simm.s32 @p2 $0x1  }
0x17: {  	s4 =	simm.s32 $0x1BF5;
	[smem:$0x3FB2] =	sst s0  }
0x18: {  	s0 =	sld [smem:$0x3F95];
	_ =	swait.ge [sflag:s4], $0x0  }
0x19: {  	s7 =	sld [smem:$0x3F96]  }
0x1a: {  	s8 =	sadd.s32 $0xFFFFE003, lr  }
0x1b: {  	s9 =	sadd.s32 $0xFFFFFEF7, lr;
	s5 =	simm.s32 $0xFFFFFFFF;
	p2 =	slt.u32 s8, $0xFFFFF086  }
0x1c: {  	p1 =	slt.u32 s9, $0xF7A;
	s5 =	simm.s32 @!p2 $0x0  }
0x1d: {  	s5 =	simm.s32 @p1 $0x1;
	p0 =	seq.s32 s7, s2  }
0x1e: {  	s7 =	smul.u32 @!p0 $0xF7A, s2;
	p2 =	seq.s32 @!p0 s5, $0x0  }
0x1f: {  	s9 =	smul.u32 $0xF7A, s1;
	s8 =	simm.s32 @!p0 $0x1BF5;
	p2 =	por !p2, p0  }
0x20: {  	[sflag:s8] =	ssyncset.s32 @!p0 $0xFFFFF086;
	s6 =	sadd.s32 @!p0 s3, s7;
	s7 =	simm.s32 @!p0 $0x108  }
0x21: {  	s3 =	sadd.s32 s3, s9;
	s6 =	sadd.s32 @!p0 $0x88, s6;
	s7 =	simm.s32 @p2 $0x1082  }
0x22: {  	[simem:s7], [sflag:s8] =	dma.local @!p0 [hbm:s6], $0xF7A  }
0x23: {  	s9 =	sor.u32 $0xD0000000, s2;
	s6 =	simm.s32 $0x108;
	_ =	swait.ge @!p0 [sflag:s8], $0x0  }
0x24: {  	s3 =	sadd.s32 $0x88, s3;
	s6 =	simm.s32 @!p1 $0x1082;
	[sflag:s4] =	ssyncset.s32 $0xFFFFF086  }
0x25: {  	[simem:s6], [sflag:s4] =	dma.local [hbm:s3], $0xF7A  }
0x26: {  	[smem:$0x3F96] =	sst s1;
	(tag) =	ssettag s2;
	_ =	strace s9  }
0x27: {  	s1 =	sld [smem:$0x3FA6]  }
0x28: {  	s2 =	sld [smem:$0x3FA7]  }
0x29: {  	s4 =	sld [smem:$0x3FA9]  }
0x2a: {  	p0 =	seq.s32 s5, $0x0;
	s5 =	sld [smem:$0x3FAA]  }
0x2b: {  	s6 =	sld [smem:$0x3FAB]  }
0x2c: {  	s7 =	sld [smem:$0x3FAC]  }
0x2d: {  	s3 =	simm.s32 $0x108;
	s8 =	sld [smem:$0x3FAD]  }
0x2e: {  	s3 =	simm.s32 @!p0 $0x1082;
	s9 =	sld [smem:$0x3FAE]  }
0x2f: {  	lr =	sadd.s32 s0, s3;
	s0 =	sld [smem:$0x3FA5]  }
0x30: {  	s3 =	sld [smem:$0x3FA8]  }
0x31: {  	[smem:$0x3FB1] =	sst s10  }
0x32: {  	s10 =	sld [smem:$0x3FAF];
	_ =	sdelay $0x3  }
0x33: {  	p0 =	seq.s32 s10, $0x1;
	s10 =	sld [smem:$0x3FB1];
	_ =	sdelay $0x3  }
0x34: {  	[smem:$0x3FB1] =	sst s10  }
0x35: {  	s10 =	sld [smem:$0x3FB0];
	_ =	sdelay $0x3  }
0x36: {  	p1 =	seq.s32 s10, $0x1;
	s10 =	sld [smem:$0x3FB1];
	_ =	sdelay $0x3  }
0x37: {  	[smem:$0x3FB1] =	sst s10  }
0x38: {  	s10 =	sld [smem:$0x3FB2]  }
0x39: {  	_ = 	snop;
	(pc) =	sbr.ind lr, $3  }
0x3a: {  	_ = 	snop  }
0x3b: {  	_ = 	snop  }
0x3c: {  	p2 =	seq.s32 s10, $0x1;
	s10 =	sld [smem:$0x3FB1]  }
0x3d: {  	_ =	shalt  }
0x3e: {  	_ =	shalt  }
0x3f: {  	_ =	shalt  }
0x40: {  	_ =	shalt  }
0x41: {  	_ =	shalt  }
0x42: {  	_ =	shalt  }
0x43: {  	_ =	shalt  }
0x44: {  	_ =	shalt  }
0x45: {  	_ =	shalt  }
0x46: {  	_ =	shalt  }
0x47: {  	_ =	shalt  }
0x48: {  	_ =	shalt  }
0x49: {  	_ =	shalt  }
0x4a: {  	_ =	shalt  }
0x4b: {  	_ =	shalt  }
0x4c: {  	_ =	shalt  }
0x4d: {  	_ =	shalt  }
0x4e: {  	_ =	shalt  }
0x4f: {  	_ =	shalt  }
0x50: {  	_ =	shalt  }
0x51: {  	_ =	shalt  }
0x52: {  	_ =	shalt  }
0x53: {  	_ =	shalt  }
0x54: {  	_ =	shalt  }
0x55: {  	_ =	shalt  }
0x56: {  	_ =	shalt  }
0x57: {  	_ =	shalt  }
0x58: {  	_ =	shalt  }
0x59: {  	_ =	shalt  }
0x5a: {  	_ =	shalt  }
0x5b: {  	_ =	shalt  }
0x5c: {  	_ =	shalt  }
0x5d: {  	_ =	shalt  }
0x5e: {  	_ =	shalt  }
0x5f: {  	_ =	shalt  }
0x60: {  	_ =	shalt  }
0x61: {  	_ =	shalt  }
0x62: {  	_ =	shalt  }
0x63: {  	_ =	shalt  }
0x64: {  	_ =	shalt  }
0x65: {  	_ =	shalt  }
0x66: {  	_ =	shalt  }
0x67: {  	_ =	shalt  }
0x68: {  	_ =	shalt  }
0x69: {  	_ =	shalt  }
0x6a: {  	_ =	shalt  }
0x6b: {  	_ =	shalt  }
0x6c: {  	_ =	shalt  }
0x6d: {  	_ =	shalt  }
0x6e: {  	_ =	shalt  }
0x6f: {  	_ =	shalt  }
0x70: {  	_ =	shalt  }
0x71: {  	_ =	shalt  }
0x72: {  	_ =	shalt  }
0x73: {  	_ =	shalt  }
0x74: {  	_ =	shalt  }
0x75: {  	_ =	shalt  }
0x76: {  	_ =	shalt  }
0x77: {  	_ =	shalt  }
0x78: {  	_ =	shalt  }
0x79: {  	_ =	shalt  }
0x7a: {  	_ =	shalt  }
0x7b: {  	_ =	shalt  }
0x7c: {  	_ =	shalt  }
0x7d: {  	_ =	shalt  }
0x7e: {  	_ =	shalt  }
0x7f: {  	_ =	shalt  }
0x80: {  	_ =	shalt  }
0x81: {  	_ =	shalt  }
0x82: {  	_ =	shalt  }
0x83: {  	_ =	shalt  }
0x84: {  	_ =	shalt  }
0x85: {  	_ =	shalt  }
0x86: {  	_ =	shalt  }
0x87: {  	_ =	shalt  }
.Lfunc_end0:
.L_simem_size_0:
called_computation.2_lowered:
.L_overlay_start_0:
0x88: {  	s2 =	sld [smem:$0x3FD9]  }
0x89: {  	s3 =	sld [smem:$0x3FFE];
	_ =	sdelay $0x1  }
0x8a: {  	s1 =	srdreg.scid  }
0x8b: {  	s0 =	sand.u32 $0x1, s1  }
0x8c: {  	s17 =	sshll.u32 s0, $0xA;
	s2 =	sadd.s32 s3, s2  }
0x8d: {  	s2 =	sadd.s32 s2, s17  }
0x8e: {  	[smem:$0x3FBD] =	sst s2  }
0x8f: {  	_ = 	snop  }
0x90: {  	s2 =	sld [smem:$0x3FD0];
	(tm) =	ssettm $0x1  }
0x91: {  	s18 =	sld [smem:$0x3FFB];
	_ =	sdelay $0x3  }
0x92: {  	_ =	strace s18  }
0x93: {  	s3 =	sld [smem:$0x3FFC];
	_ =	sdelay $0x3  }
0x94: {  	_ =	strace s3  }
0x95: {  	s3 =	sld [smem:$0x3FFD];
	_ =	sdelay $0x3  }
0x96: {  	_ =	strace s3  }
0x97: {  	_ =	strace $0x8FFFFFFF  }
0x98: {  	s19 =	sld [smem:$0x3FDB];
	_ =	sdelay $0x1  }
0x99: {  	s4 =	simm.s32 $_scs_section_size  }
0x9a: {  	s5 =	simm.s32 $_size__tile_overlayer_lowered;
	s6 =	simm.s32 $_tile_overlayer_lowered  }
0x9b: {  	s22 =	simm.s32 $0x1BFF;
	s21 =	sshll.u32 s6, $0x1;
	s3 =	sadd.s32 s4, s19  }
0x9c: {  	s7 =	simm.s32 $0x0;
	s20 =	sshll.u32 s5, $0x1;
	s5 =	sadd.s32 s21, s3  }
0x9d: {  	[timem:s7], [sflag:s22] =	dma.local [hbm:s5], s20  }
0x9e: {  	_ =	swait.ge [sflag:s22], s20  }
0x9f: {  	s4 =	ssub.s32 $0x0, s20;
	[sflag:s22] =	ssyncset.done $0x0  }
0xa0: {  	[sflag:s22] =	ssyncadd.s32 s4;
	_ =	sdelay $0x1  }
0xa1: {  	s23 =	simm.s32 $0x1B8B  }
0xa2: {  	_ =	swait.ge [sflag:s23], $0x1  }
0xa3: {  	[sflag:s23] =	ssyncset.done $0x0  }
0xa4: {  	s25 =	simm.s32 $0x1B8E;
	s24 =	sld [smem:$0x3FFE];
	[sflag:s23] =	ssyncadd.s32 $0xFFFFFFFF  }
0xa5: {  	s26 =	simm.s32 $execute0_lowered;
	[smem:$0x3FD2] =	sst s25  }
0xa6: {  	s5 =	sshll.u32 s26, $0x1;
	_ =	strace $0x8000004C;
	[dreg:$0x1] =	wrdreg $0xFFFFFFFF  }
0xa7: {  	s28 =	simm.s32 $_size_execute0_lowered;
	s3 =	sadd.s32 s3, s5;
	[dreg:$0x0] =	wrdreg $0x0  }
0xa8: {  	s5 =	sshll.u32 s28, $0x1;
	[dreg:$0x2] =	wrdreg s3  }
0xa9: {  	[dreg:$0x3] =	wrdreg s5  }
0xaa: {  	[dreg:$0x4] =	wrdreg $0xC0  }
0xab: {  	_ =	task [dreg:s7], $0x5FFFF  }
0xac: {  	[dreg:$0x1] =	wrdreg $0xFFFFFFFF  }
0xad: {  	[dreg:$0x0] =	wrdreg $0x60  }
0xae: {  	[dreg:$0x2] =	wrdreg s2  }
0xaf: {  	[dreg:$0x3] =	wrdreg s24  }
0xb0: {  	[dreg:$0x4] =	wrdreg $0xA8000  }
0xb1: {  	[dreg:$0x5] =	wrdreg $0x9  }
0xb2: {  	_ =	task.clear_ibuf [dreg:s7], $0x6FFFF;
	_ =	strace $0x9000004C  }
0xb3: {  	s29 =	simm.s32 $0x9;
	_ =	strace $0x8000004E  }
0xb4: {  	_ =	swait.ge [sflag:s29], $0x1  }
0xb5: {  	[sflag:s29] =	ssyncadd.s32 $0xFFFFFFFF  }
0xb6: {  	_ =	strace $0x9000004E  }
0xb7: {  	_ =	sfence  }
0xb8: {  	s30 =	sld [smem:$0x0];
	_ =	sdelay $0x2  }
0xb9: {  	s31 =	sshll.u32 s1, $0xD;
	s1 =	sshrl.u32 s1, $0x2  }
0xba: {  	s3 =	sand.u32 $0x4000, s31;
	s1 =	sadd.s32 s1, s30  }
0xbb: {  	s0 =	sor.u32 s3, s0;
	s1 =	sshll.u32 s1, $0x11  }
0xbc: {  	s0 =	sor.u32 s1, s0  }
0xbd: {  	s0 =	sadd.s32 $0x8F2B, s0  }
0xbe: {  	[sflag:s0] =	ssyncadd.remote.s32 $0x1  }
0xbf: {  	_ =	sfence.sel $0xFFFF  }
0xc0: {  	[dreg:$0x0] =	wrdreg $0xFFFFFFFF;
	(pc) =	sbr.abs _section_cstart, $3  }
0xc1: {  	[dreg:$0x1] =	wrdreg $0xFFFFFFFF  }
0xc2: {  	_ =	task.clear_ibuf [dreg:s7], $0x2FFFF;
	_ =	strace $0x9FFFFFFF  }
0xc3: {  	(tm) =	ssettm $0x7FFFFFFF  }
tec
execute0_lowered:
.L_overlay_start_1:
0x0: {  	(tag) =	ssettag $0x1  }
0x1: {  	s1 =	rddreg [dreg:$0x0]  }
0x2: {  	s0 =	rddreg [dreg:$0x1]  }
0x3: {  	s2 =	rddreg [dreg:$0x2]  }
0x4: {  	s3 =	simm.s32 $0x0;
	s21 =	srdreg.scid;
	s11 =	stileid.u32  }
0x5: {  	s28 =	simm.s32 $0x2;
	s29 =	simm.s32 $0x3;
	s30 =	simm.s32 $0x4  }
0x6: {  	s31 =	simm.s32 $0x2700;
	[smem:$0x7FF] =	sst s3;
	s5 =	sadd.s32 $0x1A200, s0  }
0x7: {  	s3 =	sand.u32 $0x1, s21;
	s4 =	sadd.s32 $0xDA00, s0;
	s8 =	smul.u32 $0x4E000, s11  }
0x8: {  	s9 =	sadd.s32 $0x3A00, s0;
	s6 =	sadd.s32 $0x17A00, s0;
	s0 =	sadd.s32 $0xB6600, s0  }
0x9: {  	s22 =	sshll.u32 s11, $0x6;
	s23 =	smul.u32 $0xA00, s11;
	s12 =	sadd.s32 $0x138000, s2  }
0xa: {  	s16 =	smul.u32 $0x13800, s11;
	p1 =	sne.s32 s11, $0xF;
	s21 =	simm.s32 $0x5  }
0xb: {  	_ =	strace $0x8000004D;
	s7 =	ssub.s32 $0x2, s3;
	[dreg:$0x5] =	wrdreg s12  }
0xc: {  	p0 =	seq.s32 s3, $0x1;
	s3 =	smul.u32 $0x138800, s3;
	s10 =	sshrl.u32 s7, $0x1  }
0xd: {  	s8 =	sshrl.u32 s8, $0x2;
	s24 =	sadd.s32 s4, s23;
	s25 =	sadd.s32 s9, s23  }
0xe: {  	s13 =	sadd.s32 $0x280, s23;
	s15 =	sadd.s32 $0x500, s23;
	[dreg:$0x6] =	wrdreg s24  }
0xf: {  	s7 =	ssub.s32 s7, s10;
	s8 =	sadd.s32 s8, s2;
	[dreg:$0x7] =	wrdreg s25  }
0x10: {  	s12 =	sadd.s32 s4, s13;
	s13 =	sadd.s32 s9, s13;
	s14 =	sadd.s32 s4, s15  }
0x11: {  	s15 =	sadd.s32 s9, s15;
	s10 =	sadd.s32 $0x780, s23;
	s17 =	sadd.s32 s16, s3  }
0x12: {  	s3 =	sshrl.u32 s3, $0x3;
	s23 =	simm.s32 $0x80;
	s24 =	simm.s32 $0x2800  }
.Ltmp0:
0x13: {  	s25 =	simm.s32 $0x6800;
	[dreg:$0x4] =	wrdreg s8;
	(pc) =	sbr.rel .LBB2_1-.Ltmp0, $4  }
0x14: {  	s8 =	sor.u32 $0x1C05, s22;
	s16 =	sadd.s32 s4, s10;
	s26 =	sshrl.u32 s17, $0x3  }
0x15: {  	s17 =	sadd.s32 s9, s10;
	s20 =	smax.u32 s7, $0x1;
	s22 =	simm.s32 $0x1400  }
0x16: {  	s4 =	simm.s32 $0x0;
	s18 =	sadd.s32 s0, s26;
	s0 =	sadd.s32 s0, s3  }
0x17: {  	s26 =	simm.s32 $0x1;
	s19 =	sadd.s32 $0x27000, s0;
	s0 =	simm.s32 $0x2780  }
.LBB2_19:
0x18: {  	[tilespmem:s25], [sflag:$0x2] =	stream.indirect.gather [hbm4b:s5+s23], $0x80, s10, s23, $0xb8;
	[tilespmem:$0x1E100] =	vst v63  }
.LBB2_20:
0x19: {  	_ =	swait.ge [sflag:s26], $0x4000  }
0x1a: {  	[sflag:s26] =	ssyncset.done $0x0  }
0x1b: {  	[sflag:s26] =	ssyncadd.s32 $0xFFFFC000  }
0x1c: {  	[spmem:s2] =	stream.indirect.scatter.add.f32 [tilespmem:s24], [sflag:$0x3], $0x80, s31, s23, $0xb8;
	[tilespmem:$0x1E100] =	vst v63  }
0x1d: {  	_ =	swait.ge [sflag:s28], $0x4000  }
0x1e: {  	[sflag:s28] =	ssyncset.done $0x0  }
0x1f: {  	[sflag:s28] =	ssyncadd.s32 $0xFFFFC000  }
0x20: {  	[spmem:s2] =	stream.indirect.scatter.add.f32 [tilespmem:s25], [sflag:$0x4], $0x80, s0, s23, $0xb8;
	[tilespmem:$0x1E100] =	vst v63  }
0x21: {  	_ =	swait.ge [sflag:s29], $0x4000  }
0x22: {  	[sflag:s29] =	ssyncset.done $0x0  }
0x23: {  	[sflag:s29] =	ssyncadd.s32 $0xFFFFC000  }
0x24: {  	_ =	swait.ge [sflag:s30], $0x4000  }
0x25: {  	[sflag:s30] =	ssyncset.done $0x0  }
0x26: {  	[sflag:s30] =	ssyncadd.s32 $0xFFFFC000  }
0x27: {  	[bflag:$0x0] =	sbarrier.arrive $0xFFFF  }
0x28: {  	[hbm:s18], [sflag:s8] =	dma.local [spmem:s3], $0x2700  }
0x29: {  	s4 =	sadd.s32 $0x1, s4;
	_ =	swait.ge [sflag:s21], $0x2700  }
0x2a: {  	p2 =	sne.s32 s4, s20;
	[sflag:s21] =	ssyncset.done $0x0  }
.Ltmp1:
0x2b: {  	s3 =	simm.s32 @!p1 $0x5;
	[sflag:s21] =	ssyncadd.s32 $0xFFFFD900;
	(pc) =	sbr.rel @!p2 .LBB2_21-.Ltmp1, $4  }
0x2c: {  	[hbm:s19], [sflag:s8] =	dma.local @!p1 [spmem:s7], $0x100  }
0x2d: {  	_ =	swait.ge @!p1 [sflag:s3], $0x100  }
0x2e: {  	[sflag:s3] =	ssyncset.done @!p1 $0x0  }
0x2f: {  	[sflag:s3] =	ssyncadd.s32 @!p1 $0xFFFFFF00  }
.LBB2_1:
0x30: {  	s3 =	rddreg [dreg:$0x4]  }
0x31: {  	s3 =	sshrl.u32 s3, $0x3  }
0x32: {  	[spmem:s3], [sflag:s8] =	dma.local [hbm:s6], $0x2700  }
0x33: {  	_ =	swait.ge [sflag:s21], $0x2700  }
0x34: {  	[sflag:s21] =	ssyncset.done $0x0;
	s7 =	rddreg [dreg:$0x5]  }
0x35: {  	s9 =	simm.s32 @!p1 $0x5;
	[sflag:s21] =	ssyncadd.s32 $0xFFFFD900;
	s7 =	sshrl.u32 @!p1 s7, $0x3  }
0x36: {  	[spmem:s7], [sflag:s8] =	dma.local @!p1 [hbm:s6], $0x200  }
0x37: {  	_ =	swait.ge @!p1 [sflag:s9], $0x200  }
0x38: {  	[sflag:s9] =	ssyncset.done @!p1 $0x0  }
0x39: {  	[sflag:s9] =	ssyncadd.s32 @!p1 $0xFFFFFE00  }
0x3a: {  	[bflag:$0x0] =	sbarrier.arrive $0xFFFF  }
0x3b: {  	s9 =	simm.s32 $0x0;
	s10 =	rddreg [dreg:$0x6]  }
0x3c: {  	[tilespmem:s9], [sflag:$0x5] =	stream.linear.gather [hbm4b:s10+s9], $0x1400, $0x38;
	[tilespmem:$0x1E100] =	vst v63  }
0x3d: {  	_ =	swait.ge [sflag:s21], $0x1400  }
0x3e: {  	[sflag:s21] =	ssyncset.done $0x0  }
.Ltmp2:
0x3f: {  	s11 =	rddreg [dreg:$0x7];
	[sflag:s21] =	ssyncadd.s32 $0xFFFFEC00;
	(pc) =	sbr.rel @!p0 .LBB2_2-.Ltmp2, $4  }
0x40: {  	[tilespmem:s22], [sflag:$0x5] =	stream.linear.gather [hbm4b:s11+s9], $0x1400, $0x38;
	[tilespmem:$0x1E100] =	vst v63  }
0x41: {  	_ =	swait.ge [sflag:s21], $0x1400  }
0x42: {  	[sflag:s21] =	ssyncset.done $0x0  }
0x43: {  	s9 =	simm.s32 $0x0;
	[sflag:s21] =	ssyncadd.s32 $0xFFFFEC00  }
0x44: {  	[tilespmem:s24], [sflag:$0x1] =	stream.indirect.gather [hbm4b:s5+s23], $0x80, s9, s23, $0xb8;
	[tilespmem:$0x1E100] =	vst v63  }
0x45: {  	_ = 	snop  }
0x46: {  	[tilespmem:s25], [sflag:$0x2] =	stream.indirect.gather [hbm4b:s5+s23], $0x80, s23, s23, $0xb8;
	[tilespmem:$0x1E100] =	vst v63  }
0x47: {  	_ =	swait.ge [sflag:s26], $0x4000  }
0x48: {  	[sflag:s26] =	ssyncset.done $0x0  }
0x49: {  	s11 =	simm.s32 $0x1400;
	[sflag:s26] =	ssyncadd.s32 $0xFFFFC000  }
0x4a: {  	[spmem:s2] =	stream.indirect.scatter.add.f32 [tilespmem:s24], [sflag:$0x3], $0x80, s11, s23, $0xb8;
	[tilespmem:$0x1E100] =	vst v63  }
0x4b: {  	_ =	swait.ge [sflag:s28], $0x4000  }
0x4c: {  	[sflag:s28] =	ssyncset.done $0x0  }
0x4d: {  	s10 =	simm.s32 $0x1480;
	[sflag:s28] =	ssyncadd.s32 $0xFFFFC000  }
0x4e: {  	[spmem:s2] =	stream.indirect.scatter.add.f32 [tilespmem:s25], [sflag:$0x4], $0x80, s10, s23, $0xb8;
	[tilespmem:$0x1E100] =	vst v63  }
0x4f: {  	_ =	swait.ge [sflag:s29], $0x4000  }
0x50: {  	[sflag:s29] =	ssyncset.done $0x0  }
0x51: {  	s11 =	simm.s32 $0x100;
	[sflag:s29] =	ssyncadd.s32 $0xFFFFC000  }
0x52: {  	[tilespmem:s24], [sflag:$0x1] =	stream.indirect.gather [hbm4b:s5+s23], $0x80, s11, s23, $0xb8;
	[tilespmem:$0x1E100] =	vst v63  }
0x53: {  	_ =	swait.ge [sflag:s30], $0x4000  }
0x54: {  	[sflag:s30] =	ssyncset.done $0x0  }
0x55: {  	s9 =	simm.s32 $0x400;
	s10 =	simm.s32 $0x180;
	[sflag:s30] =	ssyncadd.s32 $0xFFFFC000  }
.LBB2_12:
0x56: {  	[tilespmem:s25], [sflag:$0x2] =	stream.indirect.gather [hbm4b:s5+s23], $0x80, s10, s23, $0xb8;
	[tilespmem:$0x1E100] =	vst v63  }
0x57: {  	s10 =	smov.u32 s9  }
0x58: {  	p2 =	sne.s32 s9, $0x4800;
	s9 =	sadd.s32 $0x400, s9;
	_ =	swait.ge [sflag:s26], $0x4000  }
0x59: {  	s10 =	sshra.s32 s10, $0x2;
	[sflag:s26] =	ssyncset.done $0x0  }
0x5a: {  	s11 =	sadd.s32 $0x1400, s10;
	[sflag:s26] =	ssyncadd.s32 $0xFFFFC000  }
0x5b: {  	[spmem:s2] =	stream.indirect.scatter.add.f32 [tilespmem:s24], [sflag:$0x3], $0x80, s11, s23, $0xb8;
	[tilespmem:$0x1E100] =	vst v63  }
0x5c: {  	_ =	swait.ge [sflag:s28], $0x4000  }
0x5d: {  	[sflag:s28] =	ssyncset.done $0x0  }
0x5e: {  	s11 =	sadd.s32 $0x1480, s10;
	[sflag:s28] =	ssyncadd.s32 $0xFFFFC000  }
0x5f: {  	[spmem:s2] =	stream.indirect.scatter.add.f32 [tilespmem:s25], [sflag:$0x4], $0x80, s11, s23, $0xb8;
	[tilespmem:$0x1E100] =	vst v63  }
0x60: {  	_ =	swait.ge [sflag:s29], $0x4000  }
0x61: {  	[sflag:s29] =	ssyncset.done $0x0  }
.Ltmp3:
0x62: {  	s11 =	sadd.s32 $0x100, s10;
	[sflag:s29] =	ssyncadd.s32 $0xFFFFC000;
	(pc) =	sbr.rel @p2 .LBB2_12-.Ltmp3, $4  }
0x63: {  	[tilespmem:s24], [sflag:$0x1] =	stream.indirect.gather [hbm4b:s5+s23], $0x80, s11, s23, $0xb8;
	[tilespmem:$0x1E100] =	vst v63  }
0x64: {  	_ =	swait.ge [sflag:s30], $0x4000  }
0x65: {  	[sflag:s30] =	ssyncset.done $0x0  }
0x66: {  	s10 =	sadd.s32 $0x180, s10;
	[sflag:s30] =	ssyncadd.s32 $0xFFFFC000  }
0x67: {  	[tilespmem:s25], [sflag:$0x2] =	stream.indirect.gather [hbm4b:s5+s23], $0x80, s10, s23, $0xb8;
	[tilespmem:$0x1E100] =	vst v63  }
0x68: {  	_ =	swait.ge [sflag:s26], $0x4000  }
0x69: {  	[sflag:s26] =	ssyncset.done $0x0  }
0x6a: {  	[sflag:s26] =	ssyncadd.s32 $0xFFFFC000  }
0x6b: {  	[spmem:s2] =	stream.indirect.scatter.add.f32 [tilespmem:s24], [sflag:$0x3], $0x80, s31, s23, $0xb8;
	[tilespmem:$0x1E100] =	vst v63  }
0x6c: {  	_ =	swait.ge [sflag:s28], $0x4000  }
0x6d: {  	[sflag:s28] =	ssyncset.done $0x0  }
0x6e: {  	[sflag:s28] =	ssyncadd.s32 $0xFFFFC000  }
0x6f: {  	[spmem:s2] =	stream.indirect.scatter.add.f32 [tilespmem:s25], [sflag:$0x4], $0x80, s0, s23, $0xb8;
	[tilespmem:$0x1E100] =	vst v63  }
0x70: {  	_ =	swait.ge [sflag:s29], $0x4000  }
0x71: {  	[sflag:s29] =	ssyncset.done $0x0  }
0x72: {  	[sflag:s29] =	ssyncadd.s32 $0xFFFFC000  }
0x73: {  	_ =	swait.ge [sflag:s30], $0x4000  }
0x74: {  	[sflag:s30] =	ssyncset.done $0x0  }
0x75: {  	s9 =	simm.s32 $0x0;
	[sflag:s30] =	ssyncadd.s32 $0xFFFFC000  }
0x76: {  	[tilespmem:s9], [sflag:$0x5] =	stream.linear.gather [hbm4b:s12+s9], $0x1400, $0x38;
	[tilespmem:$0x1E100] =	vst v63  }
0x77: {  	_ =	swait.ge [sflag:s21], $0x1400  }
0x78: {  	[sflag:s21] =	ssyncset.done $0x0  }
0x79: {  	[sflag:s21] =	ssyncadd.s32 $0xFFFFEC00  }
0x7a: {  	[tilespmem:s22], [sflag:$0x5] =	stream.linear.gather [hbm4b:s13+s9], $0x1400, $0x38;
	[tilespmem:$0x1E100] =	vst v63  }
0x7b: {  	_ =	swait.ge [sflag:s21], $0x1400  }
0x7c: {  	[sflag:s21] =	ssyncset.done $0x0  }
0x7d: {  	[sflag:s21] =	ssyncadd.s32 $0xFFFFEC00  }
0x7e: {  	[tilespmem:s24], [sflag:$0x1] =	stream.indirect.gather [hbm4b:s5+s23], $0x80, s9, s23, $0xb8;
	[tilespmem:$0x1E100] =	vst v63  }
0x7f: {  	_ = 	snop  }
0x80: {  	[tilespmem:s25], [sflag:$0x2] =	stream.indirect.gather [hbm4b:s5+s23], $0x80, s23, s23, $0xb8;
	[tilespmem:$0x1E100] =	vst v63  }
0x81: {  	_ =	swait.ge [sflag:s26], $0x4000  }
0x82: {  	[sflag:s26] =	ssyncset.done $0x0  }
0x83: {  	s11 =	simm.s32 $0x1400;
	[sflag:s26] =	ssyncadd.s32 $0xFFFFC000  }
0x84: {  	[spmem:s2] =	stream.indirect.scatter.add.f32 [tilespmem:s24], [sflag:$0x3], $0x80, s11, s23, $0xb8;
	[tilespmem:$0x1E100] =	vst v63  }
0x85: {  	_ =	swait.ge [sflag:s28], $0x4000  }
0x86: {  	[sflag:s28] =	ssyncset.done $0x0  }
0x87: {  	s10 =	simm.s32 $0x1480;
	[sflag:s28] =	ssyncadd.s32 $0xFFFFC000  }
0x88: {  	[spmem:s2] =	stream.indirect.scatter.add.f32 [tilespmem:s25], [sflag:$0x4], $0x80, s10, s23, $0xb8;
	[tilespmem:$0x1E100] =	vst v63  }
0x89: {  	_ =	swait.ge [sflag:s29], $0x4000  }
0x8a: {  	[sflag:s29] =	ssyncset.done $0x0  }
0x8b: {  	s11 =	simm.s32 $0x100;
	[sflag:s29] =	ssyncadd.s32 $0xFFFFC000  }
0x8c: {  	[tilespmem:s24], [sflag:$0x1] =	stream.indirect.gather [hbm4b:s5+s23], $0x80, s11, s23, $0xb8;
	[tilespmem:$0x1E100] =	vst v63  }
0x8d: {  	_ =	swait.ge [sflag:s30], $0x4000  }
0x8e: {  	[sflag:s30] =	ssyncset.done $0x0  }
0x8f: {  	s9 =	simm.s32 $0x400;
	s10 =	simm.s32 $0x180;
	[sflag:s30] =	ssyncadd.s32 $0xFFFFC000  }
.LBB2_14:
0x90: {  	[tilespmem:s25], [sflag:$0x2] =	stream.indirect.gather [hbm4b:s5+s23], $0x80, s10, s23, $0xb8;
	[tilespmem:$0x1E100] =	vst v63  }
0x91: {  	s10 =	smov.u32 s9  }
0x92: {  	p2 =	sne.s32 s9, $0x4800;
	s9 =	sadd.s32 $0x400, s9;
	_ =	swait.ge [sflag:s26], $0x4000  }
0x93: {  	s10 =	sshra.s32 s10, $0x2;
	[sflag:s26] =	ssyncset.done $0x0  }
0x94: {  	s11 =	sadd.s32 $0x1400, s10;
	[sflag:s26] =	ssyncadd.s32 $0xFFFFC000  }
0x95: {  	[spmem:s2] =	stream.indirect.scatter.add.f32 [tilespmem:s24], [sflag:$0x3], $0x80, s11, s23, $0xb8;
	[tilespmem:$0x1E100] =	vst v63  }
0x96: {  	_ =	swait.ge [sflag:s28], $0x4000  }
0x97: {  	[sflag:s28] =	ssyncset.done $0x0  }
0x98: {  	s11 =	sadd.s32 $0x1480, s10;
	[sflag:s28] =	ssyncadd.s32 $0xFFFFC000  }
0x99: {  	[spmem:s2] =	stream.indirect.scatter.add.f32 [tilespmem:s25], [sflag:$0x4], $0x80, s11, s23, $0xb8;
	[tilespmem:$0x1E100] =	vst v63  }
0x9a: {  	_ =	swait.ge [sflag:s29], $0x4000  }
0x9b: {  	[sflag:s29] =	ssyncset.done $0x0  }
.Ltmp4:
0x9c: {  	s11 =	sadd.s32 $0x100, s10;
	[sflag:s29] =	ssyncadd.s32 $0xFFFFC000;
	(pc) =	sbr.rel @p2 .LBB2_14-.Ltmp4, $4  }
0x9d: {  	[tilespmem:s24], [sflag:$0x1] =	stream.indirect.gather [hbm4b:s5+s23], $0x80, s11, s23, $0xb8;
	[tilespmem:$0x1E100] =	vst v63  }
0x9e: {  	_ =	swait.ge [sflag:s30], $0x4000  }
0x9f: {  	[sflag:s30] =	ssyncset.done $0x0  }
0xa0: {  	s10 =	sadd.s32 $0x180, s10;
	[sflag:s30] =	ssyncadd.s32 $0xFFFFC000  }
0xa1: {  	[tilespmem:s25], [sflag:$0x2] =	stream.indirect.gather [hbm4b:s5+s23], $0x80, s10, s23, $0xb8;
	[tilespmem:$0x1E100] =	vst v63  }
0xa2: {  	_ =	swait.ge [sflag:s26], $0x4000  }
0xa3: {  	[sflag:s26] =	ssyncset.done $0x0  }
0xa4: {  	[sflag:s26] =	ssyncadd.s32 $0xFFFFC000  }
0xa5: {  	[spmem:s2] =	stream.indirect.scatter.add.f32 [tilespmem:s24], [sflag:$0x3], $0x80, s31, s23, $0xb8;
	[tilespmem:$0x1E100] =	vst v63  }
0xa6: {  	_ =	swait.ge [sflag:s28], $0x4000  }
0xa7: {  	[sflag:s28] =	ssyncset.done $0x0  }
0xa8: {  	[sflag:s28] =	ssyncadd.s32 $0xFFFFC000  }
0xa9: {  	[spmem:s2] =	stream.indirect.scatter.add.f32 [tilespmem:s25], [sflag:$0x4], $0x80, s0, s23, $0xb8;
	[tilespmem:$0x1E100] =	vst v63  }
0xaa: {  	_ =	swait.ge [sflag:s29], $0x4000  }
0xab: {  	[sflag:s29] =	ssyncset.done $0x0  }
0xac: {  	[sflag:s29] =	ssyncadd.s32 $0xFFFFC000  }
0xad: {  	_ =	swait.ge [sflag:s30], $0x4000  }
0xae: {  	[sflag:s30] =	ssyncset.done $0x0  }
0xaf: {  	s9 =	simm.s32 $0x0;
	[sflag:s30] =	ssyncadd.s32 $0xFFFFC000  }
0xb0: {  	[tilespmem:s9], [sflag:$0x5] =	stream.linear.gather [hbm4b:s14+s9], $0x1400, $0x38;
	[tilespmem:$0x1E100] =	vst v63  }
0xb1: {  	_ =	swait.ge [sflag:s21], $0x1400  }
0xb2: {  	[sflag:s21] =	ssyncset.done $0x0  }
0xb3: {  	[sflag:s21] =	ssyncadd.s32 $0xFFFFEC00  }
0xb4: {  	[tilespmem:s22], [sflag:$0x5] =	stream.linear.gather [hbm4b:s15+s9], $0x1400, $0x38;
	[tilespmem:$0x1E100] =	vst v63  }
0xb5: {  	_ =	swait.ge [sflag:s21], $0x1400  }
0xb6: {  	[sflag:s21] =	ssyncset.done $0x0  }
0xb7: {  	[sflag:s21] =	ssyncadd.s32 $0xFFFFEC00  }
0xb8: {  	[tilespmem:s24], [sflag:$0x1] =	stream.indirect.gather [hbm4b:s5+s23], $0x80, s9, s23, $0xb8;
	[tilespmem:$0x1E100] =	vst v63  }
0xb9: {  	_ = 	snop  }
0xba: {  	[tilespmem:s25], [sflag:$0x2] =	stream.indirect.gather [hbm4b:s5+s23], $0x80, s23, s23, $0xb8;
	[tilespmem:$0x1E100] =	vst v63  }
0xbb: {  	_ =	swait.ge [sflag:s26], $0x4000  }
0xbc: {  	[sflag:s26] =	ssyncset.done $0x0  }
0xbd: {  	s11 =	simm.s32 $0x1400;
	[sflag:s26] =	ssyncadd.s32 $0xFFFFC000  }
0xbe: {  	[spmem:s2] =	stream.indirect.scatter.add.f32 [tilespmem:s24], [sflag:$0x3], $0x80, s11, s23, $0xb8;
	[tilespmem:$0x1E100] =	vst v63  }
0xbf: {  	_ =	swait.ge [sflag:s28], $0x4000  }
0xc0: {  	[sflag:s28] =	ssyncset.done $0x0  }
0xc1: {  	s10 =	simm.s32 $0x1480;
	[sflag:s28] =	ssyncadd.s32 $0xFFFFC000  }
0xc2: {  	[spmem:s2] =	stream.indirect.scatter.add.f32 [tilespmem:s25], [sflag:$0x4], $0x80, s10, s23, $0xb8;
	[tilespmem:$0x1E100] =	vst v63  }
0xc3: {  	_ =	swait.ge [sflag:s29], $0x4000  }
0xc4: {  	[sflag:s29] =	ssyncset.done $0x0  }
0xc5: {  	s11 =	simm.s32 $0x100;
	[sflag:s29] =	ssyncadd.s32 $0xFFFFC000  }
0xc6: {  	[tilespmem:s24], [sflag:$0x1] =	stream.indirect.gather [hbm4b:s5+s23], $0x80, s11, s23, $0xb8;
	[tilespmem:$0x1E100] =	vst v63  }
0xc7: {  	_ =	swait.ge [sflag:s30], $0x4000  }
0xc8: {  	[sflag:s30] =	ssyncset.done $0x0  }
0xc9: {  	s9 =	simm.s32 $0x400;
	s10 =	simm.s32 $0x180;
	[sflag:s30] =	ssyncadd.s32 $0xFFFFC000  }
.LBB2_16:
0xca: {  	[tilespmem:s25], [sflag:$0x2] =	stream.indirect.gather [hbm4b:s5+s23], $0x80, s10, s23, $0xb8;
	[tilespmem:$0x1E100] =	vst v63  }
0xcb: {  	s10 =	smov.u32 s9  }
0xcc: {  	p2 =	sne.s32 s9, $0x4800;
	s9 =	sadd.s32 $0x400, s9;
	_ =	swait.ge [sflag:s26], $0x4000  }
0xcd: {  	s10 =	sshra.s32 s10, $0x2;
	[sflag:s26] =	ssyncset.done $0x0  }
0xce: {  	s11 =	sadd.s32 $0x1400, s10;
	[sflag:s26] =	ssyncadd.s32 $0xFFFFC000  }
0xcf: {  	[spmem:s2] =	stream.indirect.scatter.add.f32 [tilespmem:s24], [sflag:$0x3], $0x80, s11, s23, $0xb8;
	[tilespmem:$0x1E100] =	vst v63  }
0xd0: {  	_ =	swait.ge [sflag:s28], $0x4000  }
0xd1: {  	[sflag:s28] =	ssyncset.done $0x0  }
0xd2: {  	s11 =	sadd.s32 $0x1480, s10;
	[sflag:s28] =	ssyncadd.s32 $0xFFFFC000  }
0xd3: {  	[spmem:s2] =	stream.indirect.scatter.add.f32 [tilespmem:s25], [sflag:$0x4], $0x80, s11, s23, $0xb8;
	[tilespmem:$0x1E100] =	vst v63  }
0xd4: {  	_ =	swait.ge [sflag:s29], $0x4000  }
0xd5: {  	[sflag:s29] =	ssyncset.done $0x0  }
.Ltmp5:
0xd6: {  	s11 =	sadd.s32 $0x100, s10;
	[sflag:s29] =	ssyncadd.s32 $0xFFFFC000;
	(pc) =	sbr.rel @p2 .LBB2_16-.Ltmp5, $4  }
0xd7: {  	[tilespmem:s24], [sflag:$0x1] =	stream.indirect.gather [hbm4b:s5+s23], $0x80, s11, s23, $0xb8;
	[tilespmem:$0x1E100] =	vst v63  }
0xd8: {  	_ =	swait.ge [sflag:s30], $0x4000  }
0xd9: {  	[sflag:s30] =	ssyncset.done $0x0  }
0xda: {  	s10 =	sadd.s32 $0x180, s10;
	[sflag:s30] =	ssyncadd.s32 $0xFFFFC000  }
0xdb: {  	[tilespmem:s25], [sflag:$0x2] =	stream.indirect.gather [hbm4b:s5+s23], $0x80, s10, s23, $0xb8;
	[tilespmem:$0x1E100] =	vst v63  }
0xdc: {  	_ =	swait.ge [sflag:s26], $0x4000  }
0xdd: {  	[sflag:s26] =	ssyncset.done $0x0  }
0xde: {  	[sflag:s26] =	ssyncadd.s32 $0xFFFFC000  }
0xdf: {  	[spmem:s2] =	stream.indirect.scatter.add.f32 [tilespmem:s24], [sflag:$0x3], $0x80, s31, s23, $0xb8;
	[tilespmem:$0x1E100] =	vst v63  }
0xe0: {  	_ =	swait.ge [sflag:s28], $0x4000  }
0xe1: {  	[sflag:s28] =	ssyncset.done $0x0  }
0xe2: {  	[sflag:s28] =	ssyncadd.s32 $0xFFFFC000  }
0xe3: {  	[spmem:s2] =	stream.indirect.scatter.add.f32 [tilespmem:s25], [sflag:$0x4], $0x80, s0, s23, $0xb8;
	[tilespmem:$0x1E100] =	vst v63  }
0xe4: {  	_ =	swait.ge [sflag:s29], $0x4000  }
0xe5: {  	[sflag:s29] =	ssyncset.done $0x0  }
0xe6: {  	[sflag:s29] =	ssyncadd.s32 $0xFFFFC000  }
0xe7: {  	_ =	swait.ge [sflag:s30], $0x4000  }
0xe8: {  	[sflag:s30] =	ssyncset.done $0x0  }
0xe9: {  	s9 =	simm.s32 $0x0;
	[sflag:s30] =	ssyncadd.s32 $0xFFFFC000  }
0xea: {  	[tilespmem:s9], [sflag:$0x5] =	stream.linear.gather [hbm4b:s16+s9], $0x1400, $0x38;
	[tilespmem:$0x1E100] =	vst v63  }
0xeb: {  	_ =	swait.ge [sflag:s21], $0x1400  }
0xec: {  	[sflag:s21] =	ssyncset.done $0x0  }
0xed: {  	[sflag:s21] =	ssyncadd.s32 $0xFFFFEC00  }
0xee: {  	[tilespmem:s22], [sflag:$0x5] =	stream.linear.gather [hbm4b:s17+s9], $0x1400, $0x38;
	[tilespmem:$0x1E100] =	vst v63  }
0xef: {  	_ =	swait.ge [sflag:s21], $0x1400  }
0xf0: {  	[sflag:s21] =	ssyncset.done $0x0  }
0xf1: {  	[sflag:s21] =	ssyncadd.s32 $0xFFFFEC00  }
0xf2: {  	[tilespmem:s24], [sflag:$0x1] =	stream.indirect.gather [hbm4b:s5+s23], $0x80, s9, s23, $0xb8;
	[tilespmem:$0x1E100] =	vst v63  }
0xf3: {  	_ = 	snop  }
0xf4: {  	[tilespmem:s25], [sflag:$0x2] =	stream.indirect.gather [hbm4b:s5+s23], $0x80, s23, s23, $0xb8;
	[tilespmem:$0x1E100] =	vst v63  }
0xf5: {  	_ =	swait.ge [sflag:s26], $0x4000  }
0xf6: {  	[sflag:s26] =	ssyncset.done $0x0  }
0xf7: {  	s11 =	simm.s32 $0x1400;
	[sflag:s26] =	ssyncadd.s32 $0xFFFFC000  }
0xf8: {  	[spmem:s2] =	stream.indirect.scatter.add.f32 [tilespmem:s24], [sflag:$0x3], $0x80, s11, s23, $0xb8;
	[tilespmem:$0x1E100] =	vst v63  }
0xf9: {  	_ =	swait.ge [sflag:s28], $0x4000  }
0xfa: {  	[sflag:s28] =	ssyncset.done $0x0  }
0xfb: {  	s10 =	simm.s32 $0x1480;
	[sflag:s28] =	ssyncadd.s32 $0xFFFFC000  }
0xfc: {  	[spmem:s2] =	stream.indirect.scatter.add.f32 [tilespmem:s25], [sflag:$0x4], $0x80, s10, s23, $0xb8;
	[tilespmem:$0x1E100] =	vst v63  }
0xfd: {  	_ =	swait.ge [sflag:s29], $0x4000  }
0xfe: {  	[sflag:s29] =	ssyncset.done $0x0  }
0xff: {  	s11 =	simm.s32 $0x100;
	[sflag:s29] =	ssyncadd.s32 $0xFFFFC000  }
0x100: {  	[tilespmem:s24], [sflag:$0x1] =	stream.indirect.gather [hbm4b:s5+s23], $0x80, s11, s23, $0xb8;
	[tilespmem:$0x1E100] =	vst v63  }
0x101: {  	_ =	swait.ge [sflag:s30], $0x4000  }
0x102: {  	[sflag:s30] =	ssyncset.done $0x0  }
0x103: {  	s9 =	simm.s32 $0x400;
	s10 =	simm.s32 $0x180;
	[sflag:s30] =	ssyncadd.s32 $0xFFFFC000  }
.LBB2_18:
0x104: {  	[tilespmem:s25], [sflag:$0x2] =	stream.indirect.gather [hbm4b:s5+s23], $0x80, s10, s23, $0xb8;
	[tilespmem:$0x1E100] =	vst v63  }
0x105: {  	s10 =	smov.u32 s9  }
0x106: {  	p2 =	sne.s32 s9, $0x4800;
	s9 =	sadd.s32 $0x400, s9;
	_ =	swait.ge [sflag:s26], $0x4000  }
0x107: {  	s10 =	sshra.s32 s10, $0x2;
	[sflag:s26] =	ssyncset.done $0x0  }
0x108: {  	s11 =	sadd.s32 $0x1400, s10;
	[sflag:s26] =	ssyncadd.s32 $0xFFFFC000  }
0x109: {  	[spmem:s2] =	stream.indirect.scatter.add.f32 [tilespmem:s24], [sflag:$0x3], $0x80, s11, s23, $0xb8;
	[tilespmem:$0x1E100] =	vst v63  }
0x10a: {  	_ =	swait.ge [sflag:s28], $0x4000  }
0x10b: {  	[sflag:s28] =	ssyncset.done $0x0  }
0x10c: {  	s11 =	sadd.s32 $0x1480, s10;
	[sflag:s28] =	ssyncadd.s32 $0xFFFFC000  }
0x10d: {  	[spmem:s2] =	stream.indirect.scatter.add.f32 [tilespmem:s25], [sflag:$0x4], $0x80, s11, s23, $0xb8;
	[tilespmem:$0x1E100] =	vst v63  }
0x10e: {  	_ =	swait.ge [sflag:s29], $0x4000  }
0x10f: {  	[sflag:s29] =	ssyncset.done $0x0  }
.Ltmp6:
0x110: {  	s11 =	sadd.s32 $0x100, s10;
	[sflag:s29] =	ssyncadd.s32 $0xFFFFC000;
	(pc) =	sbr.rel @p2 .LBB2_18-.Ltmp6, $4  }
0x111: {  	[tilespmem:s24], [sflag:$0x1] =	stream.indirect.gather [hbm4b:s5+s23], $0x80, s11, s23, $0xb8;
	[tilespmem:$0x1E100] =	vst v63  }
0x112: {  	_ =	swait.ge [sflag:s30], $0x4000  }
0x113: {  	[sflag:s30] =	ssyncset.done $0x0  }
0x114: {  	s10 =	sadd.s32 $0x180, s10;
	[sflag:s30] =	ssyncadd.s32 $0xFFFFC000  }
.Ltmp7:
0x115: {  	_ = 	snop;
	(pc) =	sbr.rel .LBB2_19-.Ltmp7, $1  }
0x116: {  	_ =	sdelay $0x3  }
.LBB2_2:
0x117: {  	[tilespmem:s24], [sflag:$0x1] =	stream.indirect.gather [hbm4b:s1+s23], $0x80, s9, s23, $0xb8;
	[tilespmem:$0x1E100] =	vst v63  }
0x118: {  	_ = 	snop  }
0x119: {  	[tilespmem:s25], [sflag:$0x2] =	stream.indirect.gather [hbm4b:s1+s23], $0x80, s23, s23, $0xb8;
	[tilespmem:$0x1E100] =	vst v63  }
0x11a: {  	_ =	swait.ge [sflag:s26], $0x4000  }
0x11b: {  	[sflag:s26] =	ssyncset.done $0x0  }
0x11c: {  	s11 =	simm.s32 $0x1400;
	[sflag:s26] =	ssyncadd.s32 $0xFFFFC000  }
0x11d: {  	[spmem:s2] =	stream.indirect.scatter.add.f32 [tilespmem:s24], [sflag:$0x3], $0x80, s11, s23, $0xb8;
	[tilespmem:$0x1E100] =	vst v63  }
0x11e: {  	_ =	swait.ge [sflag:s28], $0x4000  }
0x11f: {  	[sflag:s28] =	ssyncset.done $0x0  }
0x120: {  	s10 =	simm.s32 $0x1480;
	[sflag:s28] =	ssyncadd.s32 $0xFFFFC000  }
0x121: {  	[spmem:s2] =	stream.indirect.scatter.add.f32 [tilespmem:s25], [sflag:$0x4], $0x80, s10, s23, $0xb8;
	[tilespmem:$0x1E100] =	vst v63  }
0x122: {  	_ =	swait.ge [sflag:s29], $0x4000  }
0x123: {  	[sflag:s29] =	ssyncset.done $0x0  }
0x124: {  	s11 =	simm.s32 $0x100;
	[sflag:s29] =	ssyncadd.s32 $0xFFFFC000  }
0x125: {  	[tilespmem:s24], [sflag:$0x1] =	stream.indirect.gather [hbm4b:s1+s23], $0x80, s11, s23, $0xb8;
	[tilespmem:$0x1E100] =	vst v63  }
0x126: {  	_ =	swait.ge [sflag:s30], $0x4000  }
0x127: {  	[sflag:s30] =	ssyncset.done $0x0  }
0x128: {  	s9 =	simm.s32 $0x400;
	s10 =	simm.s32 $0x180;
	[sflag:s30] =	ssyncadd.s32 $0xFFFFC000  }
.LBB2_3:
0x129: {  	[tilespmem:s25], [sflag:$0x2] =	stream.indirect.gather [hbm4b:s1+s23], $0x80, s10, s23, $0xb8;
	[tilespmem:$0x1E100] =	vst v63  }
0x12a: {  	s10 =	smov.u32 s9  }
0x12b: {  	p2 =	sne.s32 s9, $0x4800;
	s9 =	sadd.s32 $0x400, s9;
	_ =	swait.ge [sflag:s26], $0x4000  }
0x12c: {  	s10 =	sshra.s32 s10, $0x2;
	[sflag:s26] =	ssyncset.done $0x0  }
0x12d: {  	s11 =	sadd.s32 $0x1400, s10;
	[sflag:s26] =	ssyncadd.s32 $0xFFFFC000  }
0x12e: {  	[spmem:s2] =	stream.indirect.scatter.add.f32 [tilespmem:s24], [sflag:$0x3], $0x80, s11, s23, $0xb8;
	[tilespmem:$0x1E100] =	vst v63  }
0x12f: {  	_ =	swait.ge [sflag:s28], $0x4000  }
0x130: {  	[sflag:s28] =	ssyncset.done $0x0  }
0x131: {  	s11 =	sadd.s32 $0x1480, s10;
	[sflag:s28] =	ssyncadd.s32 $0xFFFFC000  }
0x132: {  	[spmem:s2] =	stream.indirect.scatter.add.f32 [tilespmem:s25], [sflag:$0x4], $0x80, s11, s23, $0xb8;
	[tilespmem:$0x1E100] =	vst v63  }
0x133: {  	_ =	swait.ge [sflag:s29], $0x4000  }
0x134: {  	[sflag:s29] =	ssyncset.done $0x0  }
.Ltmp8:
0x135: {  	s11 =	sadd.s32 $0x100, s10;
	[sflag:s29] =	ssyncadd.s32 $0xFFFFC000;
	(pc) =	sbr.rel @p2 .LBB2_3-.Ltmp8, $4  }
0x136: {  	[tilespmem:s24], [sflag:$0x1] =	stream.indirect.gather [hbm4b:s1+s23], $0x80, s11, s23, $0xb8;
	[tilespmem:$0x1E100] =	vst v63  }
0x137: {  	_ =	swait.ge [sflag:s30], $0x4000  }
0x138: {  	[sflag:s30] =	ssyncset.done $0x0  }
0x139: {  	s10 =	sadd.s32 $0x180, s10;
	[sflag:s30] =	ssyncadd.s32 $0xFFFFC000  }
0x13a: {  	[tilespmem:s25], [sflag:$0x2] =	stream.indirect.gather [hbm4b:s1+s23], $0x80, s10, s23, $0xb8;
	[tilespmem:$0x1E100] =	vst v63  }
0x13b: {  	_ =	swait.ge [sflag:s26], $0x4000  }
0x13c: {  	[sflag:s26] =	ssyncset.done $0x0  }
0x13d: {  	[sflag:s26] =	ssyncadd.s32 $0xFFFFC000  }
0x13e: {  	[spmem:s2] =	stream.indirect.scatter.add.f32 [tilespmem:s24], [sflag:$0x3], $0x80, s31, s23, $0xb8;
	[tilespmem:$0x1E100] =	vst v63  }
0x13f: {  	_ =	swait.ge [sflag:s28], $0x4000  }
0x140: {  	[sflag:s28] =	ssyncset.done $0x0  }
0x141: {  	[sflag:s28] =	ssyncadd.s32 $0xFFFFC000  }
0x142: {  	[spmem:s2] =	stream.indirect.scatter.add.f32 [tilespmem:s25], [sflag:$0x4], $0x80, s0, s23, $0xb8;
	[tilespmem:$0x1E100] =	vst v63  }
0x143: {  	_ =	swait.ge [sflag:s29], $0x4000  }
0x144: {  	[sflag:s29] =	ssyncset.done $0x0  }
0x145: {  	[sflag:s29] =	ssyncadd.s32 $0xFFFFC000  }
0x146: {  	_ =	swait.ge [sflag:s30], $0x4000  }
0x147: {  	[sflag:s30] =	ssyncset.done $0x0  }
0x148: {  	s9 =	simm.s32 $0x0;
	[sflag:s30] =	ssyncadd.s32 $0xFFFFC000  }
0x149: {  	[tilespmem:s9], [sflag:$0x5] =	stream.linear.gather [hbm4b:s12+s9], $0x1400, $0x38;
	[tilespmem:$0x1E100] =	vst v63  }
0x14a: {  	_ =	swait.ge [sflag:s21], $0x1400  }
0x14b: {  	[sflag:s21] =	ssyncset.done $0x0  }
0x14c: {  	[sflag:s21] =	ssyncadd.s32 $0xFFFFEC00  }
0x14d: {  	[tilespmem:s22], [sflag:$0x5] =	stream.linear.gather [hbm4b:s13+s9], $0x1400, $0x38;
	[tilespmem:$0x1E100] =	vst v63  }
0x14e: {  	_ =	swait.ge [sflag:s21], $0x1400  }
0x14f: {  	[sflag:s21] =	ssyncset.done $0x0  }
0x150: {  	[sflag:s21] =	ssyncadd.s32 $0xFFFFEC00  }
0x151: {  	[tilespmem:s24], [sflag:$0x1] =	stream.indirect.gather [hbm4b:s1+s23], $0x80, s9, s23, $0xb8;
	[tilespmem:$0x1E100] =	vst v63  }
0x152: {  	_ = 	snop  }
0x153: {  	[tilespmem:s25], [sflag:$0x2] =	stream.indirect.gather [hbm4b:s1+s23], $0x80, s23, s23, $0xb8;
	[tilespmem:$0x1E100] =	vst v63  }
0x154: {  	_ =	swait.ge [sflag:s26], $0x4000  }
0x155: {  	[sflag:s26] =	ssyncset.done $0x0  }
0x156: {  	s11 =	simm.s32 $0x1400;
	[sflag:s26] =	ssyncadd.s32 $0xFFFFC000  }
0x157: {  	[spmem:s2] =	stream.indirect.scatter.add.f32 [tilespmem:s24], [sflag:$0x3], $0x80, s11, s23, $0xb8;
	[tilespmem:$0x1E100] =	vst v63  }
0x158: {  	_ =	swait.ge [sflag:s28], $0x4000  }
0x159: {  	[sflag:s28] =	ssyncset.done $0x0  }
0x15a: {  	s10 =	simm.s32 $0x1480;
	[sflag:s28] =	ssyncadd.s32 $0xFFFFC000  }
0x15b: {  	[spmem:s2] =	stream.indirect.scatter.add.f32 [tilespmem:s25], [sflag:$0x4], $0x80, s10, s23, $0xb8;
	[tilespmem:$0x1E100] =	vst v63  }
0x15c: {  	_ =	swait.ge [sflag:s29], $0x4000  }
0x15d: {  	[sflag:s29] =	ssyncset.done $0x0  }
0x15e: {  	s11 =	simm.s32 $0x100;
	[sflag:s29] =	ssyncadd.s32 $0xFFFFC000  }
0x15f: {  	[tilespmem:s24], [sflag:$0x1] =	stream.indirect.gather [hbm4b:s1+s23], $0x80, s11, s23, $0xb8;
	[tilespmem:$0x1E100] =	vst v63  }
0x160: {  	_ =	swait.ge [sflag:s30], $0x4000  }
0x161: {  	[sflag:s30] =	ssyncset.done $0x0  }
0x162: {  	s9 =	simm.s32 $0x400;
	s10 =	simm.s32 $0x180;
	[sflag:s30] =	ssyncadd.s32 $0xFFFFC000  }
.LBB2_5:
0x163: {  	[tilespmem:s25], [sflag:$0x2] =	stream.indirect.gather [hbm4b:s1+s23], $0x80, s10, s23, $0xb8;
	[tilespmem:$0x1E100] =	vst v63  }
0x164: {  	s10 =	smov.u32 s9  }
0x165: {  	p2 =	sne.s32 s9, $0x4800;
	s9 =	sadd.s32 $0x400, s9;
	_ =	swait.ge [sflag:s26], $0x4000  }
0x166: {  	s10 =	sshra.s32 s10, $0x2;
	[sflag:s26] =	ssyncset.done $0x0  }
0x167: {  	s11 =	sadd.s32 $0x1400, s10;
	[sflag:s26] =	ssyncadd.s32 $0xFFFFC000  }
0x168: {  	[spmem:s2] =	stream.indirect.scatter.add.f32 [tilespmem:s24], [sflag:$0x3], $0x80, s11, s23, $0xb8;
	[tilespmem:$0x1E100] =	vst v63  }
0x169: {  	_ =	swait.ge [sflag:s28], $0x4000  }
0x16a: {  	[sflag:s28] =	ssyncset.done $0x0  }
0x16b: {  	s11 =	sadd.s32 $0x1480, s10;
	[sflag:s28] =	ssyncadd.s32 $0xFFFFC000  }
0x16c: {  	[spmem:s2] =	stream.indirect.scatter.add.f32 [tilespmem:s25], [sflag:$0x4], $0x80, s11, s23, $0xb8;
	[tilespmem:$0x1E100] =	vst v63  }
0x16d: {  	_ =	swait.ge [sflag:s29], $0x4000  }
0x16e: {  	[sflag:s29] =	ssyncset.done $0x0  }
.Ltmp9:
0x16f: {  	s11 =	sadd.s32 $0x100, s10;
	[sflag:s29] =	ssyncadd.s32 $0xFFFFC000;
	(pc) =	sbr.rel @p2 .LBB2_5-.Ltmp9, $4  }
0x170: {  	[tilespmem:s24], [sflag:$0x1] =	stream.indirect.gather [hbm4b:s1+s23], $0x80, s11, s23, $0xb8;
	[tilespmem:$0x1E100] =	vst v63  }
0x171: {  	_ =	swait.ge [sflag:s30], $0x4000  }
0x172: {  	[sflag:s30] =	ssyncset.done $0x0  }
0x173: {  	s10 =	sadd.s32 $0x180, s10;
	[sflag:s30] =	ssyncadd.s32 $0xFFFFC000  }
0x174: {  	[tilespmem:s25], [sflag:$0x2] =	stream.indirect.gather [hbm4b:s1+s23], $0x80, s10, s23, $0xb8;
	[tilespmem:$0x1E100] =	vst v63  }
0x175: {  	_ =	swait.ge [sflag:s26], $0x4000  }
0x176: {  	[sflag:s26] =	ssyncset.done $0x0  }
0x177: {  	[sflag:s26] =	ssyncadd.s32 $0xFFFFC000  }
0x178: {  	[spmem:s2] =	stream.indirect.scatter.add.f32 [tilespmem:s24], [sflag:$0x3], $0x80, s31, s23, $0xb8;
	[tilespmem:$0x1E100] =	vst v63  }
0x179: {  	_ =	swait.ge [sflag:s28], $0x4000  }
0x17a: {  	[sflag:s28] =	ssyncset.done $0x0  }
0x17b: {  	[sflag:s28] =	ssyncadd.s32 $0xFFFFC000  }
0x17c: {  	[spmem:s2] =	stream.indirect.scatter.add.f32 [tilespmem:s25], [sflag:$0x4], $0x80, s0, s23, $0xb8;
	[tilespmem:$0x1E100] =	vst v63  }
0x17d: {  	_ =	swait.ge [sflag:s29], $0x4000  }
0x17e: {  	[sflag:s29] =	ssyncset.done $0x0  }
0x17f: {  	[sflag:s29] =	ssyncadd.s32 $0xFFFFC000  }
0x180: {  	_ =	swait.ge [sflag:s30], $0x4000  }
0x181: {  	[sflag:s30] =	ssyncset.done $0x0  }
0x182: {  	s9 =	simm.s32 $0x0;
	[sflag:s30] =	ssyncadd.s32 $0xFFFFC000  }
0x183: {  	[tilespmem:s9], [sflag:$0x5] =	stream.linear.gather [hbm4b:s14+s9], $0x1400, $0x38;
	[tilespmem:$0x1E100] =	vst v63  }
0x184: {  	_ =	swait.ge [sflag:s21], $0x1400  }
0x185: {  	[sflag:s21] =	ssyncset.done $0x0  }
0x186: {  	[sflag:s21] =	ssyncadd.s32 $0xFFFFEC00  }
0x187: {  	[tilespmem:s22], [sflag:$0x5] =	stream.linear.gather [hbm4b:s15+s9], $0x1400, $0x38;
	[tilespmem:$0x1E100] =	vst v63  }
0x188: {  	_ =	swait.ge [sflag:s21], $0x1400  }
0x189: {  	[sflag:s21] =	ssyncset.done $0x0  }
0x18a: {  	[sflag:s21] =	ssyncadd.s32 $0xFFFFEC00  }
0x18b: {  	[tilespmem:s24], [sflag:$0x1] =	stream.indirect.gather [hbm4b:s1+s23], $0x80, s9, s23, $0xb8;
	[tilespmem:$0x1E100] =	vst v63  }
0x18c: {  	_ = 	snop  }
0x18d: {  	[tilespmem:s25], [sflag:$0x2] =	stream.indirect.gather [hbm4b:s1+s23], $0x80, s23, s23, $0xb8;
	[tilespmem:$0x1E100] =	vst v63  }
0x18e: {  	_ =	swait.ge [sflag:s26], $0x4000  }
0x18f: {  	[sflag:s26] =	ssyncset.done $0x0  }
0x190: {  	s11 =	simm.s32 $0x1400;
	[sflag:s26] =	ssyncadd.s32 $0xFFFFC000  }
0x191: {  	[spmem:s2] =	stream.indirect.scatter.add.f32 [tilespmem:s24], [sflag:$0x3], $0x80, s11, s23, $0xb8;
	[tilespmem:$0x1E100] =	vst v63  }
0x192: {  	_ =	swait.ge [sflag:s28], $0x4000  }
0x193: {  	[sflag:s28] =	ssyncset.done $0x0  }
0x194: {  	s10 =	simm.s32 $0x1480;
	[sflag:s28] =	ssyncadd.s32 $0xFFFFC000  }
0x195: {  	[spmem:s2] =	stream.indirect.scatter.add.f32 [tilespmem:s25], [sflag:$0x4], $0x80, s10, s23, $0xb8;
	[tilespmem:$0x1E100] =	vst v63  }
0x196: {  	_ =	swait.ge [sflag:s29], $0x4000  }
0x197: {  	[sflag:s29] =	ssyncset.done $0x0  }
0x198: {  	s11 =	simm.s32 $0x100;
	[sflag:s29] =	ssyncadd.s32 $0xFFFFC000  }
0x199: {  	[tilespmem:s24], [sflag:$0x1] =	stream.indirect.gather [hbm4b:s1+s23], $0x80, s11, s23, $0xb8;
	[tilespmem:$0x1E100] =	vst v63  }
0x19a: {  	_ =	swait.ge [sflag:s30], $0x4000  }
0x19b: {  	[sflag:s30] =	ssyncset.done $0x0  }
0x19c: {  	s9 =	simm.s32 $0x400;
	s10 =	simm.s32 $0x180;
	[sflag:s30] =	ssyncadd.s32 $0xFFFFC000  }
.LBB2_7:
0x19d: {  	[tilespmem:s25], [sflag:$0x2] =	stream.indirect.gather [hbm4b:s1+s23], $0x80, s10, s23, $0xb8;
	[tilespmem:$0x1E100] =	vst v63  }
0x19e: {  	s10 =	smov.u32 s9  }
0x19f: {  	p2 =	sne.s32 s9, $0x4800;
	s9 =	sadd.s32 $0x400, s9;
	_ =	swait.ge [sflag:s26], $0x4000  }
0x1a0: {  	s10 =	sshra.s32 s10, $0x2;
	[sflag:s26] =	ssyncset.done $0x0  }
0x1a1: {  	s11 =	sadd.s32 $0x1400, s10;
	[sflag:s26] =	ssyncadd.s32 $0xFFFFC000  }
0x1a2: {  	[spmem:s2] =	stream.indirect.scatter.add.f32 [tilespmem:s24], [sflag:$0x3], $0x80, s11, s23, $0xb8;
	[tilespmem:$0x1E100] =	vst v63  }
0x1a3: {  	_ =	swait.ge [sflag:s28], $0x4000  }
0x1a4: {  	[sflag:s28] =	ssyncset.done $0x0  }
0x1a5: {  	s11 =	sadd.s32 $0x1480, s10;
	[sflag:s28] =	ssyncadd.s32 $0xFFFFC000  }
0x1a6: {  	[spmem:s2] =	stream.indirect.scatter.add.f32 [tilespmem:s25], [sflag:$0x4], $0x80, s11, s23, $0xb8;
	[tilespmem:$0x1E100] =	vst v63  }
0x1a7: {  	_ =	swait.ge [sflag:s29], $0x4000  }
0x1a8: {  	[sflag:s29] =	ssyncset.done $0x0  }
.Ltmp10:
0x1a9: {  	s11 =	sadd.s32 $0x100, s10;
	[sflag:s29] =	ssyncadd.s32 $0xFFFFC000;
	(pc) =	sbr.rel @p2 .LBB2_7-.Ltmp10, $4  }
0x1aa: {  	[tilespmem:s24], [sflag:$0x1] =	stream.indirect.gather [hbm4b:s1+s23], $0x80, s11, s23, $0xb8;
	[tilespmem:$0x1E100] =	vst v63  }
0x1ab: {  	_ =	swait.ge [sflag:s30], $0x4000  }
0x1ac: {  	[sflag:s30] =	ssyncset.done $0x0  }
0x1ad: {  	s10 =	sadd.s32 $0x180, s10;
	[sflag:s30] =	ssyncadd.s32 $0xFFFFC000  }
0x1ae: {  	[tilespmem:s25], [sflag:$0x2] =	stream.indirect.gather [hbm4b:s1+s23], $0x80, s10, s23, $0xb8;
	[tilespmem:$0x1E100] =	vst v63  }
0x1af: {  	_ =	swait.ge [sflag:s26], $0x4000  }
0x1b0: {  	[sflag:s26] =	ssyncset.done $0x0  }
0x1b1: {  	[sflag:s26] =	ssyncadd.s32 $0xFFFFC000  }
0x1b2: {  	[spmem:s2] =	stream.indirect.scatter.add.f32 [tilespmem:s24], [sflag:$0x3], $0x80, s31, s23, $0xb8;
	[tilespmem:$0x1E100] =	vst v63  }
0x1b3: {  	_ =	swait.ge [sflag:s28], $0x4000  }
0x1b4: {  	[sflag:s28] =	ssyncset.done $0x0  }
0x1b5: {  	[sflag:s28] =	ssyncadd.s32 $0xFFFFC000  }
0x1b6: {  	[spmem:s2] =	stream.indirect.scatter.add.f32 [tilespmem:s25], [sflag:$0x4], $0x80, s0, s23, $0xb8;
	[tilespmem:$0x1E100] =	vst v63  }
0x1b7: {  	_ =	swait.ge [sflag:s29], $0x4000  }
0x1b8: {  	[sflag:s29] =	ssyncset.done $0x0  }
0x1b9: {  	[sflag:s29] =	ssyncadd.s32 $0xFFFFC000  }
0x1ba: {  	_ =	swait.ge [sflag:s30], $0x4000  }
0x1bb: {  	[sflag:s30] =	ssyncset.done $0x0  }
0x1bc: {  	s9 =	simm.s32 $0x0;
	[sflag:s30] =	ssyncadd.s32 $0xFFFFC000  }
0x1bd: {  	[tilespmem:s9], [sflag:$0x5] =	stream.linear.gather [hbm4b:s16+s9], $0x1400, $0x38;
	[tilespmem:$0x1E100] =	vst v63  }
0x1be: {  	_ =	swait.ge [sflag:s21], $0x1400  }
0x1bf: {  	[sflag:s21] =	ssyncset.done $0x0  }
0x1c0: {  	[sflag:s21] =	ssyncadd.s32 $0xFFFFEC00  }
0x1c1: {  	[tilespmem:s22], [sflag:$0x5] =	stream.linear.gather [hbm4b:s17+s9], $0x1400, $0x38;
	[tilespmem:$0x1E100] =	vst v63  }
0x1c2: {  	_ =	swait.ge [sflag:s21], $0x1400  }
0x1c3: {  	[sflag:s21] =	ssyncset.done $0x0  }
0x1c4: {  	[sflag:s21] =	ssyncadd.s32 $0xFFFFEC00  }
0x1c5: {  	[tilespmem:s24], [sflag:$0x1] =	stream.indirect.gather [hbm4b:s1+s23], $0x80, s9, s23, $0xb8;
	[tilespmem:$0x1E100] =	vst v63  }
0x1c6: {  	_ = 	snop  }
0x1c7: {  	[tilespmem:s25], [sflag:$0x2] =	stream.indirect.gather [hbm4b:s1+s23], $0x80, s23, s23, $0xb8;
	[tilespmem:$0x1E100] =	vst v63  }
0x1c8: {  	_ =	swait.ge [sflag:s26], $0x4000  }
0x1c9: {  	[sflag:s26] =	ssyncset.done $0x0  }
0x1ca: {  	s11 =	simm.s32 $0x1400;
	[sflag:s26] =	ssyncadd.s32 $0xFFFFC000  }
0x1cb: {  	[spmem:s2] =	stream.indirect.scatter.add.f32 [tilespmem:s24], [sflag:$0x3], $0x80, s11, s23, $0xb8;
	[tilespmem:$0x1E100] =	vst v63  }
0x1cc: {  	_ =	swait.ge [sflag:s28], $0x4000  }
0x1cd: {  	[sflag:s28] =	ssyncset.done $0x0  }
0x1ce: {  	s10 =	simm.s32 $0x1480;
	[sflag:s28] =	ssyncadd.s32 $0xFFFFC000  }
0x1cf: {  	[spmem:s2] =	stream.indirect.scatter.add.f32 [tilespmem:s25], [sflag:$0x4], $0x80, s10, s23, $0xb8;
	[tilespmem:$0x1E100] =	vst v63  }
0x1d0: {  	_ =	swait.ge [sflag:s29], $0x4000  }
0x1d1: {  	[sflag:s29] =	ssyncset.done $0x0  }
0x1d2: {  	s11 =	simm.s32 $0x100;
	[sflag:s29] =	ssyncadd.s32 $0xFFFFC000  }
0x1d3: {  	[tilespmem:s24], [sflag:$0x1] =	stream.indirect.gather [hbm4b:s1+s23], $0x80, s11, s23, $0xb8;
	[tilespmem:$0x1E100] =	vst v63  }
0x1d4: {  	_ =	swait.ge [sflag:s30], $0x4000  }
0x1d5: {  	[sflag:s30] =	ssyncset.done $0x0  }
0x1d6: {  	s9 =	simm.s32 $0x400;
	s10 =	simm.s32 $0x180;
	[sflag:s30] =	ssyncadd.s32 $0xFFFFC000  }
.LBB2_9:
0x1d7: {  	[tilespmem:s25], [sflag:$0x2] =	stream.indirect.gather [hbm4b:s1+s23], $0x80, s10, s23, $0xb8;
	[tilespmem:$0x1E100] =	vst v63  }
0x1d8: {  	s10 =	smov.u32 s9  }
0x1d9: {  	p2 =	seq.s32 s9, $0x4800;
	s9 =	sadd.s32 $0x400, s9;
	_ =	swait.ge [sflag:s26], $0x4000  }
0x1da: {  	s10 =	sshra.s32 s10, $0x2;
	[sflag:s26] =	ssyncset.done $0x0  }
0x1db: {  	s11 =	sadd.s32 $0x1400, s10;
	[sflag:s26] =	ssyncadd.s32 $0xFFFFC000  }
0x1dc: {  	[spmem:s2] =	stream.indirect.scatter.add.f32 [tilespmem:s24], [sflag:$0x3], $0x80, s11, s23, $0xb8;
	[tilespmem:$0x1E100] =	vst v63  }
0x1dd: {  	_ =	swait.ge [sflag:s28], $0x4000  }
0x1de: {  	[sflag:s28] =	ssyncset.done $0x0  }
0x1df: {  	s11 =	sadd.s32 $0x1480, s10;
	[sflag:s28] =	ssyncadd.s32 $0xFFFFC000  }
0x1e0: {  	[spmem:s2] =	stream.indirect.scatter.add.f32 [tilespmem:s25], [sflag:$0x4], $0x80, s11, s23, $0xb8;
	[tilespmem:$0x1E100] =	vst v63  }
0x1e1: {  	_ =	swait.ge [sflag:s29], $0x4000  }
0x1e2: {  	[sflag:s29] =	ssyncset.done $0x0  }
.Ltmp11:
0x1e3: {  	s11 =	sadd.s32 $0x100, s10;
	[sflag:s29] =	ssyncadd.s32 $0xFFFFC000;
	(pc) =	sbr.rel @!p2 .LBB2_9-.Ltmp11, $4  }
0x1e4: {  	[tilespmem:s24], [sflag:$0x1] =	stream.indirect.gather [hbm4b:s1+s23], $0x80, s11, s23, $0xb8;
	[tilespmem:$0x1E100] =	vst v63  }
0x1e5: {  	_ =	swait.ge [sflag:s30], $0x4000  }
0x1e6: {  	[sflag:s30] =	ssyncset.done $0x0  }
0x1e7: {  	s10 =	sadd.s32 $0x180, s10;
	[sflag:s30] =	ssyncadd.s32 $0xFFFFC000  }
.Ltmp12:
0x1e8: {  	(pc) =	sbr.rel .LBB2_20-.Ltmp12, $2  }
0x1e9: {  	_ =	sdelay $0x2  }
0x1ea: {  	[tilespmem:s25], [sflag:$0x2] =	stream.indirect.gather [hbm4b:s1+s23], $0x80, s10, s23, $0xb8;
	[tilespmem:$0x1E100] =	vst v63  }
.LBB2_21:
0x1eb: {  	_ =	sfence.sel $0x180000  }
0x1ec: {  	[bflag:$0x0] =	sbarrier.arrive $0xFFFF  }
0x1ed: {  	_ =	strace $0x9000004D  }
0x1ee: {  	s0 =	stileid.u32;
	[bflag:$0x2] =	sbarrier.arrive $0xFFFF  }
0x1ef: {  	p0 =	sne.s32 s0, $0x0;
	s0 =	rddreg [dreg:$0x3]  }
0x1f0: {  	s0 =	sadd.s32 @!p0 $0x100000, s0  }
0x1f1: {  	[sflag:s0] =	ssyncadd.tile.s32 @!p0 $0x1;
	_ =	shalt  }
.Lfunc_end2:
_tile_overlayer_lowered:
.L_overlay_start_2:
0x1f2: {  	(tag) =	ssettag $0x2  }
0x1f3: {  	s0 =	rddreg [dreg:$0x0];
	s2 =	stileid.u32  }
0x1f4: {  	s1 =	rddreg [dreg:$0x1];
	p0 =	sne.s32 s2, $0x0  }
0x1f5: {  	s3 =	rddreg [dreg:$0x2];
	[bflag:$0x3] =	sbarrier.arrive $0xFFFF;
	s2 =	simm.s32 @!p0 $0x1C05  }
0x1f6: {  	[timem:s3], [sflag:s2] =	dma.local @!p0 [hbm:s0], s1  }
0x1f7: {  	s0 =	simm.s32 @!p0 $0x5  }
0x1f8: {  	_ =	swait.ge @!p0 [sflag:s0], s1  }
0x1f9: {  	s1 =	ssub.s32 @!p0 $0x0, s1;
	[sflag:s0] =	ssyncset.done @!p0 $0x0  }
0x1fa: {  	[sflag:s0] =	ssyncadd.s32 @!p0 s1  }
0x1fb: {  	[bflag:$0x3] =	sbarrier.arrive $0xFFFF  }
0x1fc: {  	_ =	shalt  }

// kernel: kernel.18.cloned.1.call-start
scs
__scs_entry_jumppad:
0x0: {  	(pc) =	sbr.rel $0x88, $3  }
0x1: {  	(tag) =	ssettag $0x0;
	lr =	simm.s32 $0x1  }
0x2: {  	[smem:$0x3F96] =	sst lr;
	_ =	strace $0xD0000000  }
0x3: {  	_ = 	snop  }
0x4: {  	_ = 	snop  }
0x5: {  	_ = 	snop  }
0x6: {  	_ = 	snop  }
0x7: {  	_ = 	snop  }
__scs_overlays_trampoline_lowered:
0x8: {  	[smem:$0x3FA5] =	sst s0  }
0x9: {  	[smem:$0x3FA6] =	sst s1  }
0xa: {  	[smem:$0x3FA7] =	sst s2  }
0xb: {  	[smem:$0x3FA8] =	sst s3  }
0xc: {  	[smem:$0x3FA9] =	sst s4  }
0xd: {  	[smem:$0x3FAA] =	sst s5  }
0xe: {  	[smem:$0x3FAB] =	sst s6  }
0xf: {  	[smem:$0x3FAC] =	sst s7  }
0x10: {  	[smem:$0x3FAD] =	sst s8  }
0x11: {  	[smem:$0x3FAE] =	sst s9;
	s0 =	simm.s32 @!p0 $0x0  }
0x12: {  	s1 =	sld [smem:$0x3F94];
	s0 =	simm.s32 @p0 $0x1  }
0x13: {  	[smem:$0x3FAF] =	sst s0;
	s0 =	simm.s32 @!p1 $0x0  }
0x14: {  	s2 =	sld [smem:$0x3F93];
	s0 =	simm.s32 @p1 $0x1  }
0x15: {  	[smem:$0x3FB0] =	sst s0;
	s0 =	simm.s32 @!p2 $0x0  }
0x16: {  	s3 =	sld [smem:$0x3FDB];
	s0 =	simm.s32 @p2 $0x1  }
0x17: {  	s4 =	simm.s32 $0x1BF5;
	[smem:$0x3FB2] =	sst s0  }
0x18: {  	s0 =	sld [smem:$0x3F95];
	_ =	swait.ge [sflag:s4], $0x0  }
0x19: {  	s7 =	sld [smem:$0x3F96]  }
0x1a: {  	s8 =	sadd.s32 $0xFFFFE003, lr  }
0x1b: {  	s9 =	sadd.s32 $0xFFFFFEF7, lr;
	s5 =	simm.s32 $0xFFFFFFFF;
	p2 =	slt.u32 s8, $0xFFFFF086  }
0x1c: {  	p1 =	slt.u32 s9, $0xF7A;
	s5 =	simm.s32 @!p2 $0x0  }
0x1d: {  	s5 =	simm.s32 @p1 $0x1;
	p0 =	seq.s32 s7, s2  }
0x1e: {  	s7 =	smul.u32 @!p0 $0xF7A, s2;
	p2 =	seq.s32 @!p0 s5, $0x0  }
0x1f: {  	s9 =	smul.u32 $0xF7A, s1;
	s8 =	simm.s32 @!p0 $0x1BF5;
	p2 =	por !p2, p0  }
0x20: {  	[sflag:s8] =	ssyncset.s32 @!p0 $0xFFFFF086;
	s6 =	sadd.s32 @!p0 s3, s7;
	s7 =	simm.s32 @!p0 $0x108  }
0x21: {  	s3 =	sadd.s32 s3, s9;
	s6 =	sadd.s32 @!p0 $0x88, s6;
	s7 =	simm.s32 @p2 $0x1082  }
0x22: {  	[simem:s7], [sflag:s8] =	dma.local @!p0 [hbm:s6], $0xF7A  }
0x23: {  	s9 =	sor.u32 $0xD0000000, s2;
	s6 =	simm.s32 $0x108;
	_ =	swait.ge @!p0 [sflag:s8], $0x0  }
0x24: {  	s3 =	sadd.s32 $0x88, s3;
	s6 =	simm.s32 @!p1 $0x1082;
	[sflag:s4] =	ssyncset.s32 $0xFFFFF086  }
0x25: {  	[simem:s6], [sflag:s4] =	dma.local [hbm:s3], $0xF7A  }
0x26: {  	[smem:$0x3F96] =	sst s1;
	(tag) =	ssettag s2;
	_ =	strace s9  }
0x27: {  	s1 =	sld [smem:$0x3FA6]  }
0x28: {  	s2 =	sld [smem:$0x3FA7]  }
0x29: {  	s4 =	sld [smem:$0x3FA9]  }
0x2a: {  	p0 =	seq.s32 s5, $0x0;
	s5 =	sld [smem:$0x3FAA]  }
0x2b: {  	s6 =	sld [smem:$0x3FAB]  }
0x2c: {  	s7 =	sld [smem:$0x3FAC]  }
0x2d: {  	s3 =	simm.s32 $0x108;
	s8 =	sld [smem:$0x3FAD]  }
0x2e: {  	s3 =	simm.s32 @!p0 $0x1082;
	s9 =	sld [smem:$0x3FAE]  }
0x2f: {  	lr =	sadd.s32 s0, s3;
	s0 =	sld [smem:$0x3FA5]  }
0x30: {  	s3 =	sld [smem:$0x3FA8]  }
0x31: {  	[smem:$0x3FB1] =	sst s10  }
0x32: {  	s10 =	sld [smem:$0x3FAF];
	_ =	sdelay $0x3  }
0x33: {  	p0 =	seq.s32 s10, $0x1;
	s10 =	sld [smem:$0x3FB1];
	_ =	sdelay $0x3  }
0x34: {  	[smem:$0x3FB1] =	sst s10  }
0x35: {  	s10 =	sld [smem:$0x3FB0];
	_ =	sdelay $0x3  }
0x36: {  	p1 =	seq.s32 s10, $0x1;
	s10 =	sld [smem:$0x3FB1];
	_ =	sdelay $0x3  }
0x37: {  	[smem:$0x3FB1] =	sst s10  }
0x38: {  	s10 =	sld [smem:$0x3FB2]  }
0x39: {  	_ = 	snop;
	(pc) =	sbr.ind lr, $3  }
0x3a: {  	_ = 	snop  }
0x3b: {  	_ = 	snop  }
0x3c: {  	p2 =	seq.s32 s10, $0x1;
	s10 =	sld [smem:$0x3FB1]  }
0x3d: {  	_ =	shalt  }
0x3e: {  	_ =	shalt  }
0x3f: {  	_ =	shalt  }
0x40: {  	_ =	shalt  }
0x41: {  	_ =	shalt  }
0x42: {  	_ =	shalt  }
0x43: {  	_ =	shalt  }
0x44: {  	_ =	shalt  }
0x45: {  	_ =	shalt  }
0x46: {  	_ =	shalt  }
0x47: {  	_ =	shalt  }
0x48: {  	_ =	shalt  }
0x49: {  	_ =	shalt  }
0x4a: {  	_ =	shalt  }
0x4b: {  	_ =	shalt  }
0x4c: {  	_ =	shalt  }
0x4d: {  	_ =	shalt  }
0x4e: {  	_ =	shalt  }
0x4f: {  	_ =	shalt  }
0x50: {  	_ =	shalt  }
0x51: {  	_ =	shalt  }
0x52: {  	_ =	shalt  }
0x53: {  	_ =	shalt  }
0x54: {  	_ =	shalt  }
0x55: {  	_ =	shalt  }
0x56: {  	_ =	shalt  }
0x57: {  	_ =	shalt  }
0x58: {  	_ =	shalt  }
0x59: {  	_ =	shalt  }
0x5a: {  	_ =	shalt  }
0x5b: {  	_ =	shalt  }
0x5c: {  	_ =	shalt  }
0x5d: {  	_ =	shalt  }
0x5e: {  	_ =	shalt  }
0x5f: {  	_ =	shalt  }
0x60: {  	_ =	shalt  }
0x61: {  	_ =	shalt  }
0x62: {  	_ =	shalt  }
0x63: {  	_ =	shalt  }
0x64: {  	_ =	shalt  }
0x65: {  	_ =	shalt  }
0x66: {  	_ =	shalt  }
0x67: {  	_ =	shalt  }
0x68: {  	_ =	shalt  }
0x69: {  	_ =	shalt  }
0x6a: {  	_ =	shalt  }
0x6b: {  	_ =	shalt  }
0x6c: {  	_ =	shalt  }
0x6d: {  	_ =	shalt  }
0x6e: {  	_ =	shalt  }
0x6f: {  	_ =	shalt  }
0x70: {  	_ =	shalt  }
0x71: {  	_ =	shalt  }
0x72: {  	_ =	shalt  }
0x73: {  	_ =	shalt  }
0x74: {  	_ =	shalt  }
0x75: {  	_ =	shalt  }
0x76: {  	_ =	shalt  }
0x77: {  	_ =	shalt  }
0x78: {  	_ =	shalt  }
0x79: {  	_ =	shalt  }
0x7a: {  	_ =	shalt  }
0x7b: {  	_ =	shalt  }
0x7c: {  	_ =	shalt  }
0x7d: {  	_ =	shalt  }
0x7e: {  	_ =	shalt  }
0x7f: {  	_ =	shalt  }
0x80: {  	_ =	shalt  }
0x81: {  	_ =	shalt  }
0x82: {  	_ =	shalt  }
0x83: {  	_ =	shalt  }
0x84: {  	_ =	shalt  }
0x85: {  	_ =	shalt  }
0x86: {  	_ =	shalt  }
0x87: {  	_ =	shalt  }
.Lfunc_end0:
.L_simem_size_0:
called_computation.3_lowered:
.L_overlay_start_0:
0x88: {  	s2 =	sld [smem:$0x3FD9]  }
0x89: {  	s3 =	sld [smem:$0x3FFE];
	_ =	sdelay $0x1  }
0x8a: {  	s1 =	srdreg.scid  }
0x8b: {  	s0 =	sand.u32 $0x1, s1  }
0x8c: {  	s17 =	sshll.u32 s0, $0xA;
	s2 =	sadd.s32 s3, s2  }
0x8d: {  	s2 =	sadd.s32 s2, s17  }
0x8e: {  	[smem:$0x3FBD] =	sst s2  }
0x8f: {  	_ = 	snop  }
0x90: {  	s2 =	sld [smem:$0x3FD0];
	(tm) =	ssettm $0x1  }
0x91: {  	s18 =	sld [smem:$0x3FFB];
	_ =	sdelay $0x3  }
0x92: {  	_ =	strace s18  }
0x93: {  	s3 =	sld [smem:$0x3FFC];
	_ =	sdelay $0x3  }
0x94: {  	_ =	strace s3  }
0x95: {  	s3 =	sld [smem:$0x3FFD];
	_ =	sdelay $0x3  }
0x96: {  	_ =	strace s3  }
0x97: {  	_ =	strace $0x8FFFFFFF  }
0x98: {  	s19 =	sld [smem:$0x3FDB];
	_ =	sdelay $0x1  }
0x99: {  	s4 =	simm.s32 $_scs_section_size  }
0x9a: {  	s5 =	simm.s32 $_size__tile_overlayer_lowered;
	s6 =	simm.s32 $_tile_overlayer_lowered  }
0x9b: {  	s22 =	simm.s32 $0x1BFF;
	s21 =	sshll.u32 s6, $0x1;
	s3 =	sadd.s32 s4, s19  }
0x9c: {  	s7 =	simm.s32 $0x0;
	s20 =	sshll.u32 s5, $0x1;
	s5 =	sadd.s32 s21, s3  }
0x9d: {  	[timem:s7], [sflag:s22] =	dma.local [hbm:s5], s20  }
0x9e: {  	_ =	swait.ge [sflag:s22], s20  }
0x9f: {  	s4 =	ssub.s32 $0x0, s20;
	[sflag:s22] =	ssyncset.done $0x0  }
0xa0: {  	[sflag:s22] =	ssyncadd.s32 s4;
	_ =	sdelay $0x1  }
0xa1: {  	s23 =	simm.s32 $0x1B8B  }
0xa2: {  	_ =	swait.ge [sflag:s23], $0x1  }
0xa3: {  	[sflag:s23] =	ssyncset.done $0x0  }
0xa4: {  	s25 =	simm.s32 $0x1B8E;
	s24 =	sld [smem:$0x3FFE];
	[sflag:s23] =	ssyncadd.s32 $0xFFFFFFFF  }
0xa5: {  	s26 =	simm.s32 $execute0_lowered;
	[smem:$0x3FD2] =	sst s25  }
0xa6: {  	s5 =	sshll.u32 s26, $0x1;
	_ =	strace $0x8000004F;
	[dreg:$0x1] =	wrdreg $0xFFFFFFFF  }
0xa7: {  	s28 =	simm.s32 $_size_execute0_lowered;
	s3 =	sadd.s32 s3, s5;
	[dreg:$0x0] =	wrdreg $0x0  }
0xa8: {  	s5 =	sshll.u32 s28, $0x1;
	[dreg:$0x2] =	wrdreg s3  }
0xa9: {  	[dreg:$0x3] =	wrdreg s5  }
0xaa: {  	[dreg:$0x4] =	wrdreg $0xC0  }
0xab: {  	_ =	task [dreg:s7], $0x5FFFF  }
0xac: {  	[dreg:$0x1] =	wrdreg $0xFFFFFFFF  }
0xad: {  	[dreg:$0x0] =	wrdreg $0x60  }
0xae: {  	[dreg:$0x2] =	wrdreg s2  }
0xaf: {  	[dreg:$0x3] =	wrdreg s24  }
0xb0: {  	[dreg:$0x4] =	wrdreg $0xA8000  }
0xb1: {  	[dreg:$0x5] =	wrdreg $0x9  }
0xb2: {  	_ =	task.clear_ibuf [dreg:s7], $0x6FFFF;
	_ =	strace $0x9000004F  }
0xb3: {  	s29 =	simm.s32 $0x9;
	_ =	strace $0x80000051  }
0xb4: {  	_ =	swait.ge [sflag:s29], $0x1  }
0xb5: {  	[sflag:s29] =	ssyncadd.s32 $0xFFFFFFFF  }
0xb6: {  	_ =	strace $0x90000051  }
0xb7: {  	_ =	sfence  }
0xb8: {  	s30 =	sld [smem:$0x0];
	_ =	sdelay $0x2  }
0xb9: {  	s31 =	sshll.u32 s1, $0xD;
	s1 =	sshrl.u32 s1, $0x2  }
0xba: {  	s3 =	sand.u32 $0x4000, s31;
	s1 =	sadd.s32 s1, s30  }
0xbb: {  	s0 =	sor.u32 s3, s0;
	s1 =	sshll.u32 s1, $0x11  }
0xbc: {  	s0 =	sor.u32 s1, s0  }
0xbd: {  	s0 =	sadd.s32 $0x8F2B, s0  }
0xbe: {  	[sflag:s0] =	ssyncadd.remote.s32 $0x1  }
0xbf: {  	_ =	sfence.sel $0xFFFF  }
0xc0: {  	[dreg:$0x0] =	wrdreg $0xFFFFFFFF;
	(pc) =	sbr.abs _section_cstart, $3  }
0xc1: {  	[dreg:$0x1] =	wrdreg $0xFFFFFFFF  }
0xc2: {  	_ =	task.clear_ibuf [dreg:s7], $0x2FFFF;
	_ =	strace $0x9FFFFFFF  }
0xc3: {  	(tm) =	ssettm $0x7FFFFFFF  }
tec
execute0_lowered:
.L_overlay_start_1:
0x0: {  	(tag) =	ssettag $0x1  }
0x1: {  	s1 =	rddreg [dreg:$0x0]  }
0x2: {  	s6 =	rddreg [dreg:$0x1]  }
0x3: {  	s2 =	rddreg [dreg:$0x2]  }
0x4: {  	s0 =	rddreg [dreg:$0x3]  }
0x5: {  	s3 =	simm.s32 $0x0;
	s7 =	srdreg.scid;
	s4 =	stileid.u32  }
0x6: {  	s18 =	simm.s32 $0x80;
	s19 =	simm.s32 $0x2800;
	s20 =	simm.s32 $0x6800  }
0x7: {  	s21 =	simm.s32 $0x1;
	s22 =	simm.s32 $0x2;
	s23 =	simm.s32 $0x3  }
0x8: {  	s28 =	simm.s32 $0x0;
	[smem:$0x7FF] =	sst s3;
	s9 =	sadd.s32 $0xDA00, s6  }
0x9: {  	s10 =	sadd.s32 $0x3A00, s6;
	s5 =	sadd.s32 $0x17A00, s6;
	s7 =	sand.u32 $0x1, s7  }
0xa: {  	s11 =	smul.u32 $0x4E000, s4;
	s13 =	sadd.s32 $0x1A200, s6;
	s29 =	sshll.u32 s4, $0x6  }
0xb: {  	s16 =	sadd.s32 $0x138000, s2;
	s17 =	smul.u32 $0x13800, s4;
	p0 =	sne.s32 s4, $0xF  }
0xc: {  	_ =	strace $0x80000050;
	s8 =	ssub.s32 $0x2, s7;
	s12 =	sshll.u32 s7, $0x4  }
0xd: {  	s30 =	smul.u32 $0x138800, s7;
	s6 =	sor.u32 $0x1C05, s29;
	s16 =	sshrl.u32 @!p0 s16, $0x3  }
0xe: {  	s24 =	sshrl.u32 s8, $0x1;
	s12 =	sor.u32 s4, s12;
	s25 =	sshrl.u32 s11, $0x2  }
0xf: {  	s14 =	ssub.s32 s8, s24;
	s26 =	smul.u32 $0x500, s12;
	s15 =	sadd.s32 s25, s2  }
0x10: {  	s17 =	sadd.s32 s17, s30;
	s12 =	sshrl.u32 s30, $0x3;
	s24 =	simm.s32 $0x4  }
0x11: {  	s25 =	simm.s32 $0x2700;
	s31 =	sshrl.u32 s17, $0x3;
	s12 =	sadd.s32 s13, s12  }
0x12: {  	s17 =	simm.s32 $0x1400;
	s7 =	sadd.s32 s9, s26;
	s8 =	sadd.s32 s10, s26  }
0x13: {  	s11 =	sadd.s32 $0x280, s26;
	s12 =	sadd.s32 $0x27000, s12;
	s26 =	simm.s32 $0x2780  }
0x14: {  	s9 =	sadd.s32 s9, s11;
	s10 =	sadd.s32 s10, s11;
	s11 =	sadd.s32 s13, s31  }
0x15: {  	s13 =	smax.u32 s14, $0x1;
	s14 =	sshrl.u32 s15, $0x3;
	s15 =	simm.s32 $0x5  }
.LBB2_1:
0x16: {  	[spmem:s14], [sflag:s6] =	dma.local [hbm:s5], $0x2700  }
0x17: {  	_ =	swait.ge [sflag:s15], $0x2700  }
0x18: {  	[sflag:s15] =	ssyncset.done $0x0  }
0x19: {  	s29 =	simm.s32 @!p0 $0x5;
	[sflag:s15] =	ssyncadd.s32 $0xFFFFD900  }
0x1a: {  	[spmem:s16], [sflag:s6] =	dma.local @!p0 [hbm:s5], $0x200  }
0x1b: {  	_ =	swait.ge @!p0 [sflag:s29], $0x200  }
0x1c: {  	[sflag:s29] =	ssyncset.done @!p0 $0x0  }
0x1d: {  	[sflag:s29] =	ssyncadd.s32 @!p0 $0xFFFFFE00  }
0x1e: {  	[bflag:$0x0] =	sbarrier.arrive $0xFFFF  }
0x1f: {  	[tilespmem:s3], [sflag:$0x5] =	stream.linear.gather [hbm4b:s7+s3], $0x1400, $0x38;
	[tilespmem:$0x1E100] =	vst v63  }
0x20: {  	_ =	swait.ge [sflag:s15], $0x1400  }
0x21: {  	[sflag:s15] =	ssyncset.done $0x0  }
0x22: {  	[sflag:s15] =	ssyncadd.s32 $0xFFFFEC00  }
0x23: {  	[tilespmem:s17], [sflag:$0x5] =	stream.linear.gather [hbm4b:s8+s3], $0x1400, $0x38;
	[tilespmem:$0x1E100] =	vst v63  }
0x24: {  	_ =	swait.ge [sflag:s15], $0x1400  }
0x25: {  	[sflag:s15] =	ssyncset.done $0x0  }
0x26: {  	[sflag:s15] =	ssyncadd.s32 $0xFFFFEC00  }
0x27: {  	[tilespmem:s19], [sflag:$0x1] =	stream.indirect.gather [hbm4b:s1+s18], $0x80, s3, s18, $0xb8;
	[tilespmem:$0x1E100] =	vst v63  }
0x28: {  	_ = 	snop  }
0x29: {  	[tilespmem:s20], [sflag:$0x2] =	stream.indirect.gather [hbm4b:s1+s18], $0x80, s18, s18, $0xb8;
	[tilespmem:$0x1E100] =	vst v63  }
0x2a: {  	_ =	swait.ge [sflag:s21], $0x4000  }
0x2b: {  	[sflag:s21] =	ssyncset.done $0x0  }
0x2c: {  	s29 =	simm.s32 $0x1400;
	[sflag:s21] =	ssyncadd.s32 $0xFFFFC000  }
0x2d: {  	[spmem:s2] =	stream.indirect.scatter.add.f32 [tilespmem:s19], [sflag:$0x3], $0x80, s29, s18, $0xb8;
	[tilespmem:$0x1E100] =	vst v63  }
0x2e: {  	_ =	swait.ge [sflag:s22], $0x4000  }
0x2f: {  	[sflag:s22] =	ssyncset.done $0x0  }
0x30: {  	s29 =	simm.s32 $0x1480;
	[sflag:s22] =	ssyncadd.s32 $0xFFFFC000  }
0x31: {  	[spmem:s2] =	stream.indirect.scatter.add.f32 [tilespmem:s20], [sflag:$0x4], $0x80, s29, s18, $0xb8;
	[tilespmem:$0x1E100] =	vst v63  }
0x32: {  	_ =	swait.ge [sflag:s23], $0x4000  }
0x33: {  	[sflag:s23] =	ssyncset.done $0x0  }
0x34: {  	s29 =	simm.s32 $0x100;
	[sflag:s23] =	ssyncadd.s32 $0xFFFFC000  }
0x35: {  	[tilespmem:s19], [sflag:$0x1] =	stream.indirect.gather [hbm4b:s1+s18], $0x80, s29, s18, $0xb8;
	[tilespmem:$0x1E100] =	vst v63  }
0x36: {  	_ =	swait.ge [sflag:s24], $0x4000  }
0x37: {  	[sflag:s24] =	ssyncset.done $0x0  }
0x38: {  	s30 =	simm.s32 $0x180;
	s29 =	simm.s32 $0x400;
	[sflag:s24] =	ssyncadd.s32 $0xFFFFC000  }
.LBB2_2:
0x39: {  	[tilespmem:s20], [sflag:$0x2] =	stream.indirect.gather [hbm4b:s1+s18], $0x80, s30, s18, $0xb8;
	[tilespmem:$0x1E100] =	vst v63  }
0x3a: {  	s30 =	smov.u32 s29  }
0x3b: {  	p1 =	sne.s32 s29, $0x4800;
	s29 =	sadd.s32 $0x400, s29;
	_ =	swait.ge [sflag:s21], $0x4000  }
0x3c: {  	s30 =	sshra.s32 s30, $0x2;
	[sflag:s21] =	ssyncset.done $0x0  }
0x3d: {  	s31 =	sadd.s32 $0x1400, s30;
	[sflag:s21] =	ssyncadd.s32 $0xFFFFC000  }
0x3e: {  	[spmem:s2] =	stream.indirect.scatter.add.f32 [tilespmem:s19], [sflag:$0x3], $0x80, s31, s18, $0xb8;
	[tilespmem:$0x1E100] =	vst v63  }
0x3f: {  	_ =	swait.ge [sflag:s22], $0x4000  }
0x40: {  	[sflag:s22] =	ssyncset.done $0x0  }
0x41: {  	s31 =	sadd.s32 $0x1480, s30;
	[sflag:s22] =	ssyncadd.s32 $0xFFFFC000  }
0x42: {  	[spmem:s2] =	stream.indirect.scatter.add.f32 [tilespmem:s20], [sflag:$0x4], $0x80, s31, s18, $0xb8;
	[tilespmem:$0x1E100] =	vst v63  }
0x43: {  	_ =	swait.ge [sflag:s23], $0x4000  }
0x44: {  	[sflag:s23] =	ssyncset.done $0x0  }
.Ltmp0:
0x45: {  	s31 =	sadd.s32 $0x100, s30;
	[sflag:s23] =	ssyncadd.s32 $0xFFFFC000;
	(pc) =	sbr.rel @p1 .LBB2_2-.Ltmp0, $4  }
0x46: {  	[tilespmem:s19], [sflag:$0x1] =	stream.indirect.gather [hbm4b:s1+s18], $0x80, s31, s18, $0xb8;
	[tilespmem:$0x1E100] =	vst v63  }
0x47: {  	_ =	swait.ge [sflag:s24], $0x4000  }
0x48: {  	[sflag:s24] =	ssyncset.done $0x0  }
0x49: {  	s30 =	sadd.s32 $0x180, s30;
	[sflag:s24] =	ssyncadd.s32 $0xFFFFC000  }
0x4a: {  	[tilespmem:s20], [sflag:$0x2] =	stream.indirect.gather [hbm4b:s1+s18], $0x80, s30, s18, $0xb8;
	[tilespmem:$0x1E100] =	vst v63  }
0x4b: {  	_ =	swait.ge [sflag:s21], $0x4000  }
0x4c: {  	[sflag:s21] =	ssyncset.done $0x0  }
0x4d: {  	[sflag:s21] =	ssyncadd.s32 $0xFFFFC000  }
0x4e: {  	[spmem:s2] =	stream.indirect.scatter.add.f32 [tilespmem:s19], [sflag:$0x3], $0x80, s25, s18, $0xb8;
	[tilespmem:$0x1E100] =	vst v63  }
0x4f: {  	_ =	swait.ge [sflag:s22], $0x4000  }
0x50: {  	[sflag:s22] =	ssyncset.done $0x0  }
0x51: {  	[sflag:s22] =	ssyncadd.s32 $0xFFFFC000  }
0x52: {  	[spmem:s2] =	stream.indirect.scatter.add.f32 [tilespmem:s20], [sflag:$0x4], $0x80, s26, s18, $0xb8;
	[tilespmem:$0x1E100] =	vst v63  }
0x53: {  	_ =	swait.ge [sflag:s23], $0x4000  }
0x54: {  	[sflag:s23] =	ssyncset.done $0x0  }
0x55: {  	[sflag:s23] =	ssyncadd.s32 $0xFFFFC000  }
0x56: {  	_ =	swait.ge [sflag:s24], $0x4000  }
0x57: {  	[sflag:s24] =	ssyncset.done $0x0  }
0x58: {  	s29 =	simm.s32 $0x0;
	[sflag:s24] =	ssyncadd.s32 $0xFFFFC000  }
0x59: {  	[tilespmem:s29], [sflag:$0x5] =	stream.linear.gather [hbm4b:s9+s29], $0x1400, $0x38;
	[tilespmem:$0x1E100] =	vst v63  }
0x5a: {  	_ =	swait.ge [sflag:s15], $0x1400  }
0x5b: {  	[sflag:s15] =	ssyncset.done $0x0  }
0x5c: {  	[sflag:s15] =	ssyncadd.s32 $0xFFFFEC00  }
0x5d: {  	[tilespmem:s17], [sflag:$0x5] =	stream.linear.gather [hbm4b:s10+s29], $0x1400, $0x38;
	[tilespmem:$0x1E100] =	vst v63  }
0x5e: {  	_ =	swait.ge [sflag:s15], $0x1400  }
0x5f: {  	[sflag:s15] =	ssyncset.done $0x0  }
0x60: {  	[sflag:s15] =	ssyncadd.s32 $0xFFFFEC00  }
0x61: {  	[tilespmem:s19], [sflag:$0x1] =	stream.indirect.gather [hbm4b:s1+s18], $0x80, s29, s18, $0xb8;
	[tilespmem:$0x1E100] =	vst v63  }
0x62: {  	_ = 	snop  }
0x63: {  	[tilespmem:s20], [sflag:$0x2] =	stream.indirect.gather [hbm4b:s1+s18], $0x80, s18, s18, $0xb8;
	[tilespmem:$0x1E100] =	vst v63  }
0x64: {  	_ =	swait.ge [sflag:s21], $0x4000  }
0x65: {  	[sflag:s21] =	ssyncset.done $0x0  }
0x66: {  	s29 =	simm.s32 $0x1400;
	[sflag:s21] =	ssyncadd.s32 $0xFFFFC000  }
0x67: {  	[spmem:s2] =	stream.indirect.scatter.add.f32 [tilespmem:s19], [sflag:$0x3], $0x80, s29, s18, $0xb8;
	[tilespmem:$0x1E100] =	vst v63  }
0x68: {  	_ =	swait.ge [sflag:s22], $0x4000  }
0x69: {  	[sflag:s22] =	ssyncset.done $0x0  }
0x6a: {  	s29 =	simm.s32 $0x1480;
	[sflag:s22] =	ssyncadd.s32 $0xFFFFC000  }
0x6b: {  	[spmem:s2] =	stream.indirect.scatter.add.f32 [tilespmem:s20], [sflag:$0x4], $0x80, s29, s18, $0xb8;
	[tilespmem:$0x1E100] =	vst v63  }
0x6c: {  	_ =	swait.ge [sflag:s23], $0x4000  }
0x6d: {  	[sflag:s23] =	ssyncset.done $0x0  }
0x6e: {  	s29 =	simm.s32 $0x100;
	[sflag:s23] =	ssyncadd.s32 $0xFFFFC000  }
0x6f: {  	[tilespmem:s19], [sflag:$0x1] =	stream.indirect.gather [hbm4b:s1+s18], $0x80, s29, s18, $0xb8;
	[tilespmem:$0x1E100] =	vst v63  }
0x70: {  	_ =	swait.ge [sflag:s24], $0x4000  }
0x71: {  	[sflag:s24] =	ssyncset.done $0x0  }
0x72: {  	s30 =	simm.s32 $0x180;
	s29 =	simm.s32 $0x400;
	[sflag:s24] =	ssyncadd.s32 $0xFFFFC000  }
.LBB2_4:
0x73: {  	[tilespmem:s20], [sflag:$0x2] =	stream.indirect.gather [hbm4b:s1+s18], $0x80, s30, s18, $0xb8;
	[tilespmem:$0x1E100] =	vst v63  }
0x74: {  	s30 =	smov.u32 s29  }
0x75: {  	p1 =	sne.s32 s29, $0x4800;
	s29 =	sadd.s32 $0x400, s29;
	_ =	swait.ge [sflag:s21], $0x4000  }
0x76: {  	s30 =	sshra.s32 s30, $0x2;
	[sflag:s21] =	ssyncset.done $0x0  }
0x77: {  	s31 =	sadd.s32 $0x1400, s30;
	[sflag:s21] =	ssyncadd.s32 $0xFFFFC000  }
0x78: {  	[spmem:s2] =	stream.indirect.scatter.add.f32 [tilespmem:s19], [sflag:$0x3], $0x80, s31, s18, $0xb8;
	[tilespmem:$0x1E100] =	vst v63  }
0x79: {  	_ =	swait.ge [sflag:s22], $0x4000  }
0x7a: {  	[sflag:s22] =	ssyncset.done $0x0  }
0x7b: {  	s31 =	sadd.s32 $0x1480, s30;
	[sflag:s22] =	ssyncadd.s32 $0xFFFFC000  }
0x7c: {  	[spmem:s2] =	stream.indirect.scatter.add.f32 [tilespmem:s20], [sflag:$0x4], $0x80, s31, s18, $0xb8;
	[tilespmem:$0x1E100] =	vst v63  }
0x7d: {  	_ =	swait.ge [sflag:s23], $0x4000  }
0x7e: {  	[sflag:s23] =	ssyncset.done $0x0  }
.Ltmp1:
0x7f: {  	s31 =	sadd.s32 $0x100, s30;
	[sflag:s23] =	ssyncadd.s32 $0xFFFFC000;
	(pc) =	sbr.rel @p1 .LBB2_4-.Ltmp1, $4  }
0x80: {  	[tilespmem:s19], [sflag:$0x1] =	stream.indirect.gather [hbm4b:s1+s18], $0x80, s31, s18, $0xb8;
	[tilespmem:$0x1E100] =	vst v63  }
0x81: {  	_ =	swait.ge [sflag:s24], $0x4000  }
0x82: {  	[sflag:s24] =	ssyncset.done $0x0  }
0x83: {  	s30 =	sadd.s32 $0x180, s30;
	[sflag:s24] =	ssyncadd.s32 $0xFFFFC000  }
0x84: {  	[tilespmem:s20], [sflag:$0x2] =	stream.indirect.gather [hbm4b:s1+s18], $0x80, s30, s18, $0xb8;
	[tilespmem:$0x1E100] =	vst v63  }
0x85: {  	_ =	swait.ge [sflag:s21], $0x4000  }
0x86: {  	[sflag:s21] =	ssyncset.done $0x0  }
0x87: {  	[sflag:s21] =	ssyncadd.s32 $0xFFFFC000  }
0x88: {  	[spmem:s2] =	stream.indirect.scatter.add.f32 [tilespmem:s19], [sflag:$0x3], $0x80, s25, s18, $0xb8;
	[tilespmem:$0x1E100] =	vst v63  }
0x89: {  	_ =	swait.ge [sflag:s22], $0x4000  }
0x8a: {  	[sflag:s22] =	ssyncset.done $0x0  }
0x8b: {  	[sflag:s22] =	ssyncadd.s32 $0xFFFFC000  }
0x8c: {  	[spmem:s2] =	stream.indirect.scatter.add.f32 [tilespmem:s20], [sflag:$0x4], $0x80, s26, s18, $0xb8;
	[tilespmem:$0x1E100] =	vst v63  }
0x8d: {  	_ =	swait.ge [sflag:s23], $0x4000  }
0x8e: {  	[sflag:s23] =	ssyncset.done $0x0  }
0x8f: {  	[sflag:s23] =	ssyncadd.s32 $0xFFFFC000  }
0x90: {  	_ =	swait.ge [sflag:s24], $0x4000  }
0x91: {  	[sflag:s24] =	ssyncset.done $0x0  }
0x92: {  	[sflag:s24] =	ssyncadd.s32 $0xFFFFC000  }
0x93: {  	[bflag:$0x0] =	sbarrier.arrive $0xFFFF  }
0x94: {  	[hbm:s11], [sflag:s6] =	dma.local [spmem:s14], $0x2700  }
0x95: {  	s28 =	sadd.s32 $0x1, s28;
	_ =	swait.ge [sflag:s15], $0x2700  }
0x96: {  	p1 =	sne.s32 s28, s13;
	[sflag:s15] =	ssyncset.done $0x0  }
.Ltmp2:
0x97: {  	s29 =	simm.s32 @!p0 $0x5;
	[sflag:s15] =	ssyncadd.s32 $0xFFFFD900;
	(pc) =	sbr.rel @p1 .LBB2_1-.Ltmp2, $4  }
0x98: {  	[hbm:s12], [sflag:s6] =	dma.local @!p0 [spmem:s16], $0x100  }
0x99: {  	_ =	swait.ge @!p0 [sflag:s29], $0x100  }
0x9a: {  	[sflag:s29] =	ssyncset.done @!p0 $0x0  }
0x9b: {  	[sflag:s29] =	ssyncadd.s32 @!p0 $0xFFFFFF00  }
0x9c: {  	_ =	sfence.sel $0x180000  }
0x9d: {  	[bflag:$0x0] =	sbarrier.arrive $0xFFFF  }
0x9e: {  	p0 =	sne.s32 s4, $0x0;
	_ =	strace $0x90000050  }
0x9f: {  	s0 =	sadd.s32 @!p0 $0x100000, s0;
	[bflag:$0x2] =	sbarrier.arrive $0xFFFF  }
0xa0: {  	[sflag:s0] =	ssyncadd.tile.s32 @!p0 $0x1;
	_ =	shalt  }
.Lfunc_end2:
_tile_overlayer_lowered:
.L_overlay_start_2:
0xa1: {  	(tag) =	ssettag $0x2  }
0xa2: {  	s0 =	rddreg [dreg:$0x0];
	s2 =	stileid.u32  }
0xa3: {  	s1 =	rddreg [dreg:$0x1];
	p0 =	sne.s32 s2, $0x0  }
0xa4: {  	s3 =	rddreg [dreg:$0x2];
	[bflag:$0x3] =	sbarrier.arrive $0xFFFF;
	s2 =	simm.s32 @!p0 $0x1C05  }
0xa5: {  	[timem:s3], [sflag:s2] =	dma.local @!p0 [hbm:s0], s1  }
0xa6: {  	s0 =	simm.s32 @!p0 $0x5  }
0xa7: {  	_ =	swait.ge @!p0 [sflag:s0], s1  }
0xa8: {  	s1 =	ssub.s32 @!p0 $0x0, s1;
	[sflag:s0] =	ssyncset.done @!p0 $0x0  }
0xa9: {  	[sflag:s0] =	ssyncadd.s32 @!p0 s1  }
0xaa: {  	[bflag:$0x3] =	sbarrier.arrive $0xFFFF  }
0xab: {  	_ =	shalt  }

// kernel: kernel.9.cloned.1.call-start
scs
__scs_entry_jumppad:
0x0: {  	(pc) =	sbr.rel $0x88, $3  }
0x1: {  	(tag) =	ssettag $0x0;
	lr =	simm.s32 $0x1  }
0x2: {  	[smem:$0x3F96] =	sst lr;
	_ =	strace $0xD0000000  }
0x3: {  	_ = 	snop  }
0x4: {  	_ = 	snop  }
0x5: {  	_ = 	snop  }
0x6: {  	_ = 	snop  }
0x7: {  	_ = 	snop  }
__scs_overlays_trampoline_lowered:
0x8: {  	[smem:$0x3FA5] =	sst s0  }
0x9: {  	[smem:$0x3FA6] =	sst s1  }
0xa: {  	[smem:$0x3FA7] =	sst s2  }
0xb: {  	[smem:$0x3FA8] =	sst s3  }
0xc: {  	[smem:$0x3FA9] =	sst s4  }
0xd: {  	[smem:$0x3FAA] =	sst s5  }
0xe: {  	[smem:$0x3FAB] =	sst s6  }
0xf: {  	[smem:$0x3FAC] =	sst s7  }
0x10: {  	[smem:$0x3FAD] =	sst s8  }
0x11: {  	[smem:$0x3FAE] =	sst s9;
	s0 =	simm.s32 @!p0 $0x0  }
0x12: {  	s1 =	sld [smem:$0x3F94];
	s0 =	simm.s32 @p0 $0x1  }
0x13: {  	[smem:$0x3FAF] =	sst s0;
	s0 =	simm.s32 @!p1 $0x0  }
0x14: {  	s2 =	sld [smem:$0x3F93];
	s0 =	simm.s32 @p1 $0x1  }
0x15: {  	[smem:$0x3FB0] =	sst s0;
	s0 =	simm.s32 @!p2 $0x0  }
0x16: {  	s3 =	sld [smem:$0x3FDB];
	s0 =	simm.s32 @p2 $0x1  }
0x17: {  	s4 =	simm.s32 $0x1BF5;
	[smem:$0x3FB2] =	sst s0  }
0x18: {  	s0 =	sld [smem:$0x3F95];
	_ =	swait.ge [sflag:s4], $0x0  }
0x19: {  	s7 =	sld [smem:$0x3F96]  }
0x1a: {  	s8 =	sadd.s32 $0xFFFFE003, lr  }
0x1b: {  	s9 =	sadd.s32 $0xFFFFFEF7, lr;
	s5 =	simm.s32 $0xFFFFFFFF;
	p2 =	slt.u32 s8, $0xFFFFF086  }
0x1c: {  	p1 =	slt.u32 s9, $0xF7A;
	s5 =	simm.s32 @!p2 $0x0  }
0x1d: {  	s5 =	simm.s32 @p1 $0x1;
	p0 =	seq.s32 s7, s2  }
0x1e: {  	s7 =	smul.u32 @!p0 $0xF7A, s2;
	p2 =	seq.s32 @!p0 s5, $0x0  }
0x1f: {  	s9 =	smul.u32 $0xF7A, s1;
	s8 =	simm.s32 @!p0 $0x1BF5;
	p2 =	por !p2, p0  }
0x20: {  	[sflag:s8] =	ssyncset.s32 @!p0 $0xFFFFF086;
	s6 =	sadd.s32 @!p0 s3, s7;
	s7 =	simm.s32 @!p0 $0x108  }
0x21: {  	s3 =	sadd.s32 s3, s9;
	s6 =	sadd.s32 @!p0 $0x88, s6;
	s7 =	simm.s32 @p2 $0x1082  }
0x22: {  	[simem:s7], [sflag:s8] =	dma.local @!p0 [hbm:s6], $0xF7A  }
0x23: {  	s9 =	sor.u32 $0xD0000000, s2;
	s6 =	simm.s32 $0x108;
	_ =	swait.ge @!p0 [sflag:s8], $0x0  }
0x24: {  	s3 =	sadd.s32 $0x88, s3;
	s6 =	simm.s32 @!p1 $0x1082;
	[sflag:s4] =	ssyncset.s32 $0xFFFFF086  }
0x25: {  	[simem:s6], [sflag:s4] =	dma.local [hbm:s3], $0xF7A  }
0x26: {  	[smem:$0x3F96] =	sst s1;
	(tag) =	ssettag s2;
	_ =	strace s9  }
0x27: {  	s1 =	sld [smem:$0x3FA6]  }
0x28: {  	s2 =	sld [smem:$0x3FA7]  }
0x29: {  	s4 =	sld [smem:$0x3FA9]  }
0x2a: {  	p0 =	seq.s32 s5, $0x0;
	s5 =	sld [smem:$0x3FAA]  }
0x2b: {  	s6 =	sld [smem:$0x3FAB]  }
0x2c: {  	s7 =	sld [smem:$0x3FAC]  }
0x2d: {  	s3 =	simm.s32 $0x108;
	s8 =	sld [smem:$0x3FAD]  }
0x2e: {  	s3 =	simm.s32 @!p0 $0x1082;
	s9 =	sld [smem:$0x3FAE]  }
0x2f: {  	lr =	sadd.s32 s0, s3;
	s0 =	sld [smem:$0x3FA5]  }
0x30: {  	s3 =	sld [smem:$0x3FA8]  }
0x31: {  	[smem:$0x3FB1] =	sst s10  }
0x32: {  	s10 =	sld [smem:$0x3FAF];
	_ =	sdelay $0x3  }
0x33: {  	p0 =	seq.s32 s10, $0x1;
	s10 =	sld [smem:$0x3FB1];
	_ =	sdelay $0x3  }
0x34: {  	[smem:$0x3FB1] =	sst s10  }
0x35: {  	s10 =	sld [smem:$0x3FB0];
	_ =	sdelay $0x3  }
0x36: {  	p1 =	seq.s32 s10, $0x1;
	s10 =	sld [smem:$0x3FB1];
	_ =	sdelay $0x3  }
0x37: {  	[smem:$0x3FB1] =	sst s10  }
0x38: {  	s10 =	sld [smem:$0x3FB2]  }
0x39: {  	_ = 	snop;
	(pc) =	sbr.ind lr, $3  }
0x3a: {  	_ = 	snop  }
0x3b: {  	_ = 	snop  }
0x3c: {  	p2 =	seq.s32 s10, $0x1;
	s10 =	sld [smem:$0x3FB1]  }
0x3d: {  	_ =	shalt  }
0x3e: {  	_ =	shalt  }
0x3f: {  	_ =	shalt  }
0x40: {  	_ =	shalt  }
0x41: {  	_ =	shalt  }
0x42: {  	_ =	shalt  }
0x43: {  	_ =	shalt  }
0x44: {  	_ =	shalt  }
0x45: {  	_ =	shalt  }
0x46: {  	_ =	shalt  }
0x47: {  	_ =	shalt  }
0x48: {  	_ =	shalt  }
0x49: {  	_ =	shalt  }
0x4a: {  	_ =	shalt  }
0x4b: {  	_ =	shalt  }
0x4c: {  	_ =	shalt  }
0x4d: {  	_ =	shalt  }
0x4e: {  	_ =	shalt  }
0x4f: {  	_ =	shalt  }
0x50: {  	_ =	shalt  }
0x51: {  	_ =	shalt  }
0x52: {  	_ =	shalt  }
0x53: {  	_ =	shalt  }
0x54: {  	_ =	shalt  }
0x55: {  	_ =	shalt  }
0x56: {  	_ =	shalt  }
0x57: {  	_ =	shalt  }
0x58: {  	_ =	shalt  }
0x59: {  	_ =	shalt  }
0x5a: {  	_ =	shalt  }
0x5b: {  	_ =	shalt  }
0x5c: {  	_ =	shalt  }
0x5d: {  	_ =	shalt  }
0x5e: {  	_ =	shalt  }
0x5f: {  	_ =	shalt  }
0x60: {  	_ =	shalt  }
0x61: {  	_ =	shalt  }
0x62: {  	_ =	shalt  }
0x63: {  	_ =	shalt  }
0x64: {  	_ =	shalt  }
0x65: {  	_ =	shalt  }
0x66: {  	_ =	shalt  }
0x67: {  	_ =	shalt  }
0x68: {  	_ =	shalt  }
0x69: {  	_ =	shalt  }
0x6a: {  	_ =	shalt  }
0x6b: {  	_ =	shalt  }
0x6c: {  	_ =	shalt  }
0x6d: {  	_ =	shalt  }
0x6e: {  	_ =	shalt  }
0x6f: {  	_ =	shalt  }
0x70: {  	_ =	shalt  }
0x71: {  	_ =	shalt  }
0x72: {  	_ =	shalt  }
0x73: {  	_ =	shalt  }
0x74: {  	_ =	shalt  }
0x75: {  	_ =	shalt  }
0x76: {  	_ =	shalt  }
0x77: {  	_ =	shalt  }
0x78: {  	_ =	shalt  }
0x79: {  	_ =	shalt  }
0x7a: {  	_ =	shalt  }
0x7b: {  	_ =	shalt  }
0x7c: {  	_ =	shalt  }
0x7d: {  	_ =	shalt  }
0x7e: {  	_ =	shalt  }
0x7f: {  	_ =	shalt  }
0x80: {  	_ =	shalt  }
0x81: {  	_ =	shalt  }
0x82: {  	_ =	shalt  }
0x83: {  	_ =	shalt  }
0x84: {  	_ =	shalt  }
0x85: {  	_ =	shalt  }
0x86: {  	_ =	shalt  }
0x87: {  	_ =	shalt  }
.Lfunc_end0:
.L_simem_size_0:
called_computation_lowered:
.L_overlay_start_0:
0x88: {  	s2 =	sld [smem:$0x3FD9]  }
0x89: {  	s3 =	sld [smem:$0x3FFE];
	_ =	sdelay $0x1  }
0x8a: {  	s1 =	srdreg.scid  }
0x8b: {  	s0 =	sand.u32 $0x1, s1  }
0x8c: {  	s17 =	sshll.u32 s0, $0xA;
	s2 =	sadd.s32 s3, s2  }
0x8d: {  	s2 =	sadd.s32 s2, s17  }
0x8e: {  	[smem:$0x3FBD] =	sst s2  }
0x8f: {  	_ = 	snop  }
0x90: {  	s18 =	sld [smem:$0x3FD0];
	(tm) =	ssettm $0x1  }
0x91: {  	s19 =	sld [smem:$0x3FFB];
	_ =	sdelay $0x3  }
0x92: {  	_ =	strace s19  }
0x93: {  	s2 =	sld [smem:$0x3FFC];
	_ =	sdelay $0x3  }
0x94: {  	_ =	strace s2  }
0x95: {  	s2 =	sld [smem:$0x3FFD];
	_ =	sdelay $0x3  }
0x96: {  	_ =	strace s2  }
0x97: {  	_ =	strace $0x8FFFFFFF  }
0x98: {  	s20 =	sld [smem:$0x3FDB];
	_ =	sdelay $0x1  }
0x99: {  	s4 =	simm.s32 $_scs_section_size  }
0x9a: {  	s5 =	simm.s32 $_size__tile_overlayer_lowered;
	s6 =	simm.s32 $_tile_overlayer_lowered  }
0x9b: {  	s7 =	simm.s32 $0x1BFF;
	s21 =	sshll.u32 s6, $0x1;
	s4 =	sadd.s32 s4, s20  }
0x9c: {  	s22 =	simm.s32 $0x0;
	s5 =	sshll.u32 s5, $0x1;
	s6 =	sadd.s32 s21, s4  }
0x9d: {  	[timem:s22], [sflag:s7] =	dma.local [hbm:s6], s5  }
0x9e: {  	_ =	swait.ge [sflag:s7], s5  }
0x9f: {  	s5 =	ssub.s32 $0x0, s5;
	[sflag:s7] =	ssyncset.done $0x0  }
0xa0: {  	[sflag:s7] =	ssyncadd.s32 s5;
	_ =	sdelay $0x1  }
0xa1: {  	s23 =	simm.s32 $0x1B8B  }
0xa2: {  	_ =	swait.ge [sflag:s23], $0x1  }
0xa3: {  	[sflag:s23] =	ssyncset.done $0x0  }
0xa4: {  	[sflag:s23] =	ssyncadd.s32 $0xFFFFFFFF  }
0xa5: {  	s5 =	sld [smem:$0x0]  }
0xa6: {  	s6 =	sand.u32 $0xFFFFFFFE, s1  }
0xa7: {  	p0 =	sne.s32 s1, s6  }
0xa8: {  	s6 =	sshll.u32 @p0 s6, $0xE  }
0xa9: {  	s6 =	sadd.s32 @p0 $0x11B8D, s6;
	s7 =	sshll.u32 @p0 s5, $0x11  }
0xaa: {  	s6 =	sor.u32 @p0 s7, s6  }
0xab: {  	[sflag:s6] =	ssyncadd.remote.s32 @p0 $0x1;
	_ =	sdelay $0x1  }
0xac: {  	s6 =	simm.s32 @p0 $0x1B8D  }
0xad: {  	_ =	swait.eq @p0 [sflag:s6], $0x1  }
0xae: {  	[sflag:s6] =	ssyncadd.s32 @p0 $0xFFFFFFFF  }
0xaf: {  	s7 =	sshll.u32 @!p0 s1, $0xE  }
0xb0: {  	s7 =	sor.u32 @!p0 $0x4000, s7;
	s6 =	simm.s32 @!p0 $0x1B8D  }
0xb1: {  	s5 =	sshll.u32 @!p0 s5, $0x11;
	s7 =	sadd.s32 @!p0 $0x11B8D, s7;
	_ =	swait.eq @!p0 [sflag:s6], $0x1  }
0xb2: {  	s5 =	sor.u32 @!p0 s5, s7;
	[sflag:s6] =	ssyncadd.s32 @!p0 $0xFFFFFFFF  }
0xb3: {  	s25 =	simm.s32 $0x1B8E;
	s24 =	sld [smem:$0x3FFE];
	[sflag:s5] =	ssyncadd.remote.s32 @!p0 $0x1  }
0xb4: {  	s26 =	simm.s32 $execute0_lowered;
	[smem:$0x3FD2] =	sst s25  }
0xb5: {  	s6 =	sshll.u32 s26, $0x1;
	_ =	strace $0x80000049;
	[dreg:$0x1] =	wrdreg $0xFFFFFFFF  }
0xb6: {  	s28 =	simm.s32 $_size_execute0_lowered;
	s4 =	sadd.s32 s4, s6;
	[dreg:$0x0] =	wrdreg $0x0  }
0xb7: {  	s6 =	sshll.u32 s28, $0x1;
	[dreg:$0x2] =	wrdreg s4  }
0xb8: {  	[dreg:$0x3] =	wrdreg s6  }
0xb9: {  	[dreg:$0x4] =	wrdreg $0xC0  }
0xba: {  	_ =	task [dreg:s22], $0x5FFFF  }
0xbb: {  	[dreg:$0x1] =	wrdreg $0xFFFFFFFF  }
0xbc: {  	[dreg:$0x0] =	wrdreg $0x60  }
0xbd: {  	[dreg:$0x2] =	wrdreg s24  }
0xbe: {  	[dreg:$0x3] =	wrdreg s18  }
0xbf: {  	[dreg:$0x4] =	wrdreg $0x54000  }
0xc0: {  	[dreg:$0x5] =	wrdreg $0x9  }
0xc1: {  	_ =	task.clear_ibuf [dreg:s22], $0x6FFFF;
	_ =	strace $0x90000049  }
0xc2: {  	s29 =	simm.s32 $0x9;
	_ =	strace $0x8000004B  }
0xc3: {  	_ =	swait.ge [sflag:s29], $0x1  }
0xc4: {  	[sflag:s29] =	ssyncadd.s32 $0xFFFFFFFF  }
0xc5: {  	_ =	strace $0x9000004B  }
0xc6: {  	_ =	sfence  }
0xc7: {  	s30 =	sld [smem:$0x0];
	_ =	sdelay $0x2  }
0xc8: {  	s31 =	sshll.u32 s1, $0xD;
	s1 =	sshrl.u32 s1, $0x2  }
0xc9: {  	s4 =	sand.u32 $0x4000, s31;
	s1 =	sadd.s32 s1, s30  }
0xca: {  	s0 =	sor.u32 s4, s0;
	s1 =	sshll.u32 s1, $0x11  }
0xcb: {  	s0 =	sor.u32 s1, s0  }
0xcc: {  	s0 =	sadd.s32 $0x8F2B, s0  }
0xcd: {  	[sflag:s0] =	ssyncadd.remote.s32 $0x1  }
0xce: {  	_ =	sfence.sel $0xFFFF  }
0xcf: {  	[dreg:$0x0] =	wrdreg $0xFFFFFFFF;
	(pc) =	sbr.abs _section_cstart, $3  }
0xd0: {  	[dreg:$0x1] =	wrdreg $0xFFFFFFFF  }
0xd1: {  	_ =	task.clear_ibuf [dreg:s22], $0x2FFFF;
	_ =	strace $0x9FFFFFFF  }
0xd2: {  	(tm) =	ssettm $0x7FFFFFFF  }
0xd3: {  	_ =	shalt  }
tec
execute0_lowered:
.L_overlay_start_1:
0x0: {  	(tag) =	ssettag $0x1  }
0x1: {  	s6 =	rddreg [dreg:$0x0]  }
0x2: {  	s1 =	rddreg [dreg:$0x1]  }
0x3: {  	s2 =	rddreg [dreg:$0x2]  }
0x4: {  	s0 =	rddreg [dreg:$0x3];
	s3 =	simm.s32 $0x0;
	s4 =	srdreg.scid  }
0x5: {  	s17 =	simm.s32 $0x1;
	s18 =	simm.s32 $0x2;
	s19 =	simm.s32 $0x0  }
0x6: {  	[smem:$0x7FF] =	sst s3;
	s7 =	sand.u32 $0x1, s4;
	s8 =	sadd.s32 $0x3A00, s6  }
0x7: {  	s4 =	stileid.u32;
	s14 =	sadd.s32 $0x68400, s6;
	s16 =	sadd.s32 $0x138000, s2  }
0x8: {  	_ =	strace $0x8000004A;
	s5 =	sshll.u32 s7, $0x4;
	s10 =	smul.u32 $0x4E000, s4  }
0x9: {  	s9 =	ssub.s32 $0x2, s7;
	s26 =	sshll.u32 s4, $0x6;
	s28 =	smul.u32 $0x138800, s7  }
0xa: {  	s29 =	smul.u32 $0x13800, s4;
	p0 =	sne.s32 s4, $0xF;
	s11 =	sor.u32 s4, s5  }
0xb: {  	s5 =	sadd.s32 $0x17A00, s6;
	s12 =	sshrl.u32 s9, $0x1;
	s13 =	smul.u32 $0x500, s11  }
0xc: {  	s6 =	sor.u32 $0x1C03, s26;
	s12 =	ssub.s32 s9, s12;
	s24 =	smul.u32 $0x2800, s11  }
0xd: {  	s25 =	sshrl.u32 s10, $0x2;
	s30 =	sadd.s32 s29, s28;
	s31 =	sshrl.u32 s28, $0x3  }
0xe: {  	s15 =	sadd.s32 s25, s2;
	s10 =	sadd.s32 s14, s31;
	s11 =	smax.u32 s12, $0x1  }
0xf: {  	s7 =	sadd.s32 s8, s13;
	s9 =	sshrl.u32 s24, $0x3;
	s10 =	sadd.s32 $0x27000, s10  }
0x10: {  	s12 =	sshrl.u32 s15, $0x3;
	s13 =	simm.s32 $0x3;
	s8 =	sadd.s32 s8, s9  }
0x11: {  	s15 =	simm.s32 $0x1400;
	s9 =	sshrl.u32 s30, $0x3;
	s8 =	sadd.s32 $0x280, s8  }
0x12: {  	s9 =	sadd.s32 s14, s9;
	s14 =	sshrl.u32 @!p0 s16, $0x3;
	s16 =	simm.s32 $0x80  }
.LBB2_1:
0x13: {  	[spmem:s12], [sflag:s6] =	dma.local [hbm:s5], $0x2700  }
0x14: {  	_ =	swait.ge [sflag:s13], $0x2700  }
0x15: {  	[sflag:s13] =	ssyncset.done $0x0  }
0x16: {  	s20 =	simm.s32 @!p0 $0x3;
	[sflag:s13] =	ssyncadd.s32 $0xFFFFD900  }
0x17: {  	[spmem:s14], [sflag:s6] =	dma.local @!p0 [hbm:s5], $0x200  }
0x18: {  	_ =	swait.ge @!p0 [sflag:s20], $0x200  }
0x19: {  	[sflag:s20] =	ssyncset.done @!p0 $0x0  }
0x1a: {  	[sflag:s20] =	ssyncadd.s32 @!p0 $0xFFFFFE00  }
0x1b: {  	[tilespmem:s15], [sflag:$0x3] =	stream.linear.gather [hbm4b:s1+s3], $0x4000, $0x38;
	[tilespmem:$0x18D00] =	vst v63  }
0x1c: {  	_ =	swait.ge [sflag:s13], $0x4000  }
0x1d: {  	[sflag:s13] =	ssyncset.done $0x0  }
0x1e: {  	[sflag:s13] =	ssyncadd.s32 $0xFFFFC000  }
0x1f: {  	[bflag:$0x0] =	sbarrier.arrive $0xFFFF  }
0x20: {  	[tilespmem:s3], [sflag:$0x3] =	stream.linear.gather [hbm4b:s7+s3], $0x1400, $0x38;
	[tilespmem:$0x18D00] =	vst v63  }
0x21: {  	_ =	swait.ge [sflag:s13], $0x1400  }
0x22: {  	[sflag:s13] =	ssyncset.done $0x0  }
0x23: {  	s30 =	simm.s32 $0x0;
	[sflag:s13] =	ssyncadd.s32 $0xFFFFEC00  }
0x24: {  	[spmem:s2] =	stream.indirect.scatter.add.f32 [tilespmem:s15], [sflag:$0x1], $0x80, s30, s16, $0xb8;
	[tilespmem:$0x18D00] =	vst v63  }
0x25: {  	s31 =	simm.s32 $0x80  }
0x26: {  	[spmem:s2] =	stream.indirect.scatter.add.f32 [tilespmem:s15], [sflag:$0x2], $0x80, s31, s16, $0xb8;
	[tilespmem:$0x18D00] =	vst v63  }
0x27: {  	_ =	swait.ge [sflag:s17], $0x4000  }
0x28: {  	[sflag:s17] =	ssyncset.done $0x0  }
0x29: {  	[sflag:s17] =	ssyncadd.s32 $0xFFFFC000  }
0x2a: {  	_ =	swait.ge [sflag:s18], $0x4000  }
0x2b: {  	s21 =	simm.s32 $0x800;
	s20 =	simm.s32 $0x400;
	[sflag:s18] =	ssyncset.done $0x0  }
.LBB2_2:
0x2c: {  	s22 =	sshra.s32 s20, $0x2  }
0x2d: {  	[sflag:s18] =	ssyncadd.s32 $0xFFFFC000;
	s20 =	smov.u32 s21;
	s23 =	sadd.s32 $0x400, s21  }
0x2e: {  	[spmem:s2] =	stream.indirect.scatter.add.f32 [tilespmem:s15], [sflag:$0x1], $0x80, s22, s16, $0xb8;
	[tilespmem:$0x18D00] =	vst v63  }
0x2f: {  	p1 =	sne.s32 s21, $0x4C00;
	s21 =	sadd.s32 $0x80, s22  }
0x30: {  	[spmem:s2] =	stream.indirect.scatter.add.f32 [tilespmem:s15], [sflag:$0x2], $0x80, s21, s16, $0xb8;
	[tilespmem:$0x18D00] =	vst v63  }
.Ltmp0:
0x31: {  	_ =	swait.ge [sflag:s17], $0x4000;
	(pc) =	sbr.rel @p1 .LBB2_2-.Ltmp0, $4  }
0x32: {  	[sflag:s17] =	ssyncset.done $0x0  }
0x33: {  	[sflag:s17] =	ssyncadd.s32 $0xFFFFC000  }
0x34: {  	_ =	swait.ge [sflag:s18], $0x4000  }
0x35: {  	s21 =	smov.u32 s23;
	[sflag:s18] =	ssyncset.done $0x0  }
0x36: {  	s20 =	sshra.s32 s20, $0x2;
	[sflag:s18] =	ssyncadd.s32 $0xFFFFC000  }
0x37: {  	[spmem:s2] =	stream.indirect.scatter.add.f32 [tilespmem:s15], [sflag:$0x1], $0x80, s20, s16, $0xb8;
	[tilespmem:$0x18D00] =	vst v63  }
0x38: {  	s20 =	sadd.s32 $0x80, s20  }
0x39: {  	[spmem:s2] =	stream.indirect.scatter.add.f32 [tilespmem:s15], [sflag:$0x2], $0x80, s20, s16, $0xb8;
	[tilespmem:$0x18D00] =	vst v63  }
0x3a: {  	_ =	swait.ge [sflag:s17], $0x4000  }
0x3b: {  	[sflag:s17] =	ssyncset.done $0x0  }
0x3c: {  	[sflag:s17] =	ssyncadd.s32 $0xFFFFC000  }
0x3d: {  	_ =	swait.ge [sflag:s18], $0x4000  }
0x3e: {  	[sflag:s18] =	ssyncset.done $0x0  }
0x3f: {  	s29 =	simm.s32 $0x0;
	[sflag:s18] =	ssyncadd.s32 $0xFFFFC000  }
0x40: {  	[tilespmem:s29], [sflag:$0x3] =	stream.linear.gather [hbm4b:s8+s29], $0x1400, $0x38;
	[tilespmem:$0x18D00] =	vst v63  }
0x41: {  	_ =	swait.ge [sflag:s13], $0x1400  }
0x42: {  	[sflag:s13] =	ssyncset.done $0x0  }
0x43: {  	s30 =	simm.s32 $0x0;
	[sflag:s13] =	ssyncadd.s32 $0xFFFFEC00  }
0x44: {  	[spmem:s2] =	stream.indirect.scatter.add.f32 [tilespmem:s15], [sflag:$0x1], $0x80, s30, s16, $0xb8;
	[tilespmem:$0x18D00] =	vst v63  }
0x45: {  	s31 =	simm.s32 $0x80  }
0x46: {  	[spmem:s2] =	stream.indirect.scatter.add.f32 [tilespmem:s15], [sflag:$0x2], $0x80, s31, s16, $0xb8;
	[tilespmem:$0x18D00] =	vst v63  }
0x47: {  	_ =	swait.ge [sflag:s17], $0x4000  }
0x48: {  	[sflag:s17] =	ssyncset.done $0x0  }
0x49: {  	[sflag:s17] =	ssyncadd.s32 $0xFFFFC000  }
0x4a: {  	_ =	swait.ge [sflag:s18], $0x4000  }
0x4b: {  	s21 =	simm.s32 $0x800;
	s20 =	simm.s32 $0x400;
	[sflag:s18] =	ssyncset.done $0x0  }
.LBB2_4:
0x4c: {  	s22 =	sshra.s32 s20, $0x2  }
0x4d: {  	[sflag:s18] =	ssyncadd.s32 $0xFFFFC000;
	s20 =	smov.u32 s21;
	s23 =	sadd.s32 $0x400, s21  }
0x4e: {  	[spmem:s2] =	stream.indirect.scatter.add.f32 [tilespmem:s15], [sflag:$0x1], $0x80, s22, s16, $0xb8;
	[tilespmem:$0x18D00] =	vst v63  }
0x4f: {  	p1 =	sne.s32 s21, $0x4C00;
	s21 =	sadd.s32 $0x80, s22  }
0x50: {  	[spmem:s2] =	stream.indirect.scatter.add.f32 [tilespmem:s15], [sflag:$0x2], $0x80, s21, s16, $0xb8;
	[tilespmem:$0x18D00] =	vst v63  }
.Ltmp1:
0x51: {  	_ =	swait.ge [sflag:s17], $0x4000;
	(pc) =	sbr.rel @p1 .LBB2_4-.Ltmp1, $4  }
0x52: {  	[sflag:s17] =	ssyncset.done $0x0  }
0x53: {  	[sflag:s17] =	ssyncadd.s32 $0xFFFFC000  }
0x54: {  	_ =	swait.ge [sflag:s18], $0x4000  }
0x55: {  	s21 =	smov.u32 s23;
	[sflag:s18] =	ssyncset.done $0x0  }
0x56: {  	s20 =	sshra.s32 s20, $0x2;
	[sflag:s18] =	ssyncadd.s32 $0xFFFFC000  }
0x57: {  	[spmem:s2] =	stream.indirect.scatter.add.f32 [tilespmem:s15], [sflag:$0x1], $0x80, s20, s16, $0xb8;
	[tilespmem:$0x18D00] =	vst v63  }
0x58: {  	s20 =	sadd.s32 $0x80, s20  }
0x59: {  	[spmem:s2] =	stream.indirect.scatter.add.f32 [tilespmem:s15], [sflag:$0x2], $0x80, s20, s16, $0xb8;
	[tilespmem:$0x18D00] =	vst v63  }
0x5a: {  	_ =	swait.ge [sflag:s17], $0x4000  }
0x5b: {  	[sflag:s17] =	ssyncset.done $0x0  }
0x5c: {  	[sflag:s17] =	ssyncadd.s32 $0xFFFFC000  }
0x5d: {  	_ =	swait.ge [sflag:s18], $0x4000  }
0x5e: {  	[sflag:s18] =	ssyncset.done $0x0  }
0x5f: {  	[sflag:s18] =	ssyncadd.s32 $0xFFFFC000  }
0x60: {  	[bflag:$0x0] =	sbarrier.arrive $0xFFFF  }
0x61: {  	[hbm:s9], [sflag:s6] =	dma.local [spmem:s12], $0x2700  }
0x62: {  	s19 =	sadd.s32 $0x1, s19;
	_ =	swait.ge [sflag:s13], $0x2700  }
0x63: {  	p1 =	sne.s32 s19, s11;
	[sflag:s13] =	ssyncset.done $0x0  }
.Ltmp2:
0x64: {  	s20 =	simm.s32 @!p0 $0x3;
	[sflag:s13] =	ssyncadd.s32 $0xFFFFD900;
	(pc) =	sbr.rel @p1 .LBB2_1-.Ltmp2, $4  }
0x65: {  	[hbm:s10], [sflag:s6] =	dma.local @!p0 [spmem:s14], $0x100  }
0x66: {  	_ =	swait.ge @!p0 [sflag:s20], $0x100  }
0x67: {  	[sflag:s20] =	ssyncset.done @!p0 $0x0  }
0x68: {  	[sflag:s20] =	ssyncadd.s32 @!p0 $0xFFFFFF00  }
0x69: {  	_ =	sfence.sel $0x180000  }
0x6a: {  	[bflag:$0x0] =	sbarrier.arrive $0xFFFF  }
0x6b: {  	p0 =	sne.s32 s4, $0x0;
	_ =	strace $0x9000004A  }
0x6c: {  	s0 =	sadd.s32 @!p0 $0x100000, s0;
	[bflag:$0x2] =	sbarrier.arrive $0xFFFF  }
0x6d: {  	[sflag:s0] =	ssyncadd.tile.s32 @!p0 $0x1;
	_ =	shalt  }
.Lfunc_end2:
_tile_overlayer_lowered:
.L_overlay_start_2:
0x6e: {  	(tag) =	ssettag $0x2  }
0x6f: {  	s0 =	rddreg [dreg:$0x0];
	s2 =	stileid.u32  }
0x70: {  	s1 =	rddreg [dreg:$0x1];
	p0 =	sne.s32 s2, $0x0  }
0x71: {  	s3 =	rddreg [dreg:$0x2];
	[bflag:$0x3] =	sbarrier.arrive $0xFFFF;
	s2 =	simm.s32 @!p0 $0x1C03  }
0x72: {  	[timem:s3], [sflag:s2] =	dma.local @!p0 [hbm:s0], s1  }
0x73: {  	s0 =	simm.s32 @!p0 $0x3  }
0x74: {  	_ =	swait.ge @!p0 [sflag:s0], s1  }
0x75: {  	s1 =	ssub.s32 @!p0 $0x0, s1;
	[sflag:s0] =	ssyncset.done @!p0 $0x0  }
0x76: {  	[sflag:s0] =	ssyncadd.s32 @!p0 s1  }
0x77: {  	[bflag:$0x3] =	sbarrier.arrive $0xFFFF  }
0x78: {  	_ =	shalt  }

</sc_bundles>
